<compile_context>
chip_gen: v7x
topology: tpu7x:2x2x1
jax: 0.10.2.dev20260603
libtpu: 0.0.44.dev20260713+nightly
codegen_flags: <defaults>
</compile_context>

<pallas_src>
import functools

import jax
import jax.numpy as jnp
from jax import lax
from jax.experimental import pallas as pl
from jax.experimental.pallas import tpu as pltpu
from jax.experimental.pallas import tpu_sc as plsc

B = 16
S = 512
D = 256
OUT_LEN = 2048
MAX_DUR = 8

NC, NS = 2, 16
NW = NC * NS
POS_W = (B * OUT_LEN) // NW
CH = 128
NCH = POS_W // CH
SCHUNKS = S // 16


def _lr_body(max_len, x_hbm, dur_hbm, out_hbm,
             dur_v, idx_v, buf0, buf1, zbuf, sem0, sem1):
    wid = lax.axis_index("c") * NS + lax.axis_index("s")
    b = wid // 2
    base = (wid % 2) * POS_W

    pltpu.sync_copy(dur_hbm.at[b], dur_v)

    iota = lax.iota(jnp.int32, 16)
    for c in range(NCH):
        for k in range(CH // 16):
            fill = jnp.bitwise_and(iota + (c * CH + k * 16), S - 1) + b * S
            idx_v[c, pl.ds(k * 16, 16)] = fill

    zf = jnp.zeros((16,), jnp.float32)

    def scat_body(i, carry):
        v = dur_v[pl.ds(i * 16, 16)]
        csum = plsc.cumsum(v) + carry
        start = csum - v
        jvec = iota + (i * 16 + b * S)
        for r in range(MAX_DUR):
            locm = start + r - base
            inb = plsc.bitcast(locm, jnp.uint32) < jnp.uint32(POS_W)
            m = (v > r) & inb
            locw = jnp.bitwise_and(locm, POS_W - 1)
            hi = lax.shift_right_logical(locw, CH.bit_length() - 1)
            lo = jnp.bitwise_and(locw, CH - 1)
            plsc.store_scatter(idx_v, [hi, lo], jvec, mask=m)
        return csum[15]

    total = lax.fori_loop(0, SCHUNKS, scat_body, jnp.int32(0))
    nvalid = jnp.clip(jnp.minimum(total, max_len) - base, 0, POS_W)

    @pl.when(nvalid < POS_W)
    def _init_zbuf():
        def zb_body(i, _):
            for k in range(D // 16):
                zbuf[i, pl.ds(k * 16, 16)] = zf
            return 0

        lax.fori_loop(0, CH, zb_body, 0)

    bufs = (buf0, buf1)
    gsems = (sem0, sem1)
    nvcs = [jnp.clip(nvalid - c * CH, 0, CH) for c in range(NCH)]

    def start_gather(c):
        @pl.when(nvcs[c] > 0)
        def _():
            pltpu.async_copy(x_hbm.at[idx_v.at[c]], bufs[c % 2], gsems[c % 2])

    start_gather(0)

    for c in range(NCH):
        cur = c % 2
        if c + 1 < NCH:
            start_gather(c + 1)
        nvc = nvcs[c]
        dst = out_hbm.at[b, pl.ds(base + c * CH, CH), :]

        @pl.when(nvc > 0)
        def _valid(c=c, cur=bufs[cur], nvc=nvc, dst=dst, gs=gsems[cur]):
            pltpu.make_async_copy(x_hbm.at[idx_v.at[c]], cur, gs).wait()

            def zero_body(i, _):
                for k in range(D // 16):
                    cur[i, pl.ds(k * 16, 16)] = zf
                return 0

            lax.fori_loop(nvc, CH, zero_body, 0)
            pltpu.sync_copy(cur, dst)

        @pl.when(nvc == 0)
        def _invalid(dst=dst):
            pltpu.sync_copy(zbuf, dst)


def kernel(x, duration, max_len):
    x_flat = x.reshape(B * S, D)
    dur = duration.astype(jnp.int32)
    mesh = plsc.VectorSubcoreMesh(core_axis_name="c", subcore_axis_name="s")
    k = pl.kernel(
        functools.partial(_lr_body, max_len),
        out_type=jax.ShapeDtypeStruct((B, OUT_LEN, D), jnp.float32),
        mesh=mesh,
        scratch_types=[
            pltpu.VMEM((S,), jnp.int32),
            pltpu.VMEM((NCH, CH), jnp.int32),
            pltpu.VMEM((CH, D), jnp.float32),
            pltpu.VMEM((CH, D), jnp.float32),
            pltpu.VMEM((CH, D), jnp.float32),
            pltpu.SemaphoreType.DMA,
            pltpu.SemaphoreType.DMA,
        ],
        compiler_params=pltpu.CompilerParams(needs_layout_passes=False),
    )
    return k(x_flat, dur)

# --- scband reference (transcript-rebuilt; emitter-appended) ---
"""Pipeline reference for scband-length-regulator-40518721471151 (READ-ONLY COPY).

The authoritative reference and input builder live on the scoring server;
editing this copy changes nothing except your own understanding.
"""

import jax, jax.numpy as jnp
import numpy as np


def setup_inputs(seed: int = 0) -> dict:
    key = jax.random.key(seed)
    k1, k2 = jax.random.split(key)
    x = jax.random.normal(k1, (16, 512, 256), dtype=jnp.float32)
    duration = jax.random.randint(k2, (16, 512), 0, 8, dtype=jnp.int64)
    max_len = 2048
    return {"x": x, "duration": duration, "max_len": max_len}


def reference(x, duration, max_len):
    batch_size = x.shape[0]
    seq_len = x.shape[1]
    out_len = 2048
    repeats = duration.astype(jnp.int32)
    csum = jnp.cumsum(repeats, axis=1)
    length = jnp.minimum(csum[:, -1], max_len)
    pos = jnp.arange(out_len, dtype=jnp.int32)
    idx = jax.vmap(lambda c: jnp.searchsorted(c, pos, side="right"))(csum)
    idx = jnp.clip(idx, 0, seq_len - 1)
    gathered = x[jnp.arange(batch_size)[:, None], idx]
    valid = pos[None, :] < length[:, None]
    padded_output = jnp.where(valid[:, :, None], gathered,
                              jnp.zeros((), dtype=x.dtype))
    return padded_output

if __name__ == "__main__":
    import jax
    _d = setup_inputs()
    print(jax.jit(kernel)(*tuple(_d.values())))

</pallas_src>

<mosaic_0001>
#map = affine_map<(d0, d1) -> (0, 0)>
#map1 = affine_map<(d0, d1) -> (0)>
#map2 = affine_map<(d0, d1) -> (0, 0, 0)>
module attributes {stable_mosaic.version = 14 : i64} {
  func.func @_rewritten_body(%arg0: i32, %arg1: i32, %arg2: memref<8192x256xf32, #tpu.memory_space<hbm>>, %arg3: memref<16x512xi32, #tpu.memory_space<hbm>>, %arg4: memref<1xi32, #tpu.memory_space<hbm>>, %arg5: memref<16x2048x256xf32, #tpu.memory_space<hbm>>, %arg6: memref<512xi32, #tpu.memory_space<vmem>>, %arg7: memref<8x128xi32, #tpu.memory_space<vmem>>, %arg8: memref<128x256xf32, #tpu.memory_space<vmem>>, %arg9: memref<128x256xf32, #tpu.memory_space<vmem>>, %arg10: memref<128x256xf32, #tpu.memory_space<vmem>>, %arg11: memref<!tpu.dma_semaphore, #tpu.memory_space<semaphore_mem>>, %arg12: memref<!tpu.dma_semaphore, #tpu.memory_space<semaphore_mem>>) attributes {dimension_semantics = [#tpu.dimension_semantics<core_parallel>, #tpu.dimension_semantics<subcore_parallel>], iteration_bounds = array<i64: 2, 16>, scalar_prefetch = 0 : i64, scratch_operands = 7 : i64, tpu.core_type = #tpu.core_type<sc_vector_subcore>, window_params = [{transform_indices = #map}, {transform_indices = #map}, {transform_indices = #map1}, {transform_indices = #map2}]} {
    %empty_ref3A = memref.alloca() : memref<16xi32, #tpu.memory_space<vmem>>
    "tpu.region"() ({
      %run_scoped3A = tpu.sem_alloc : memref<!tpu.dma_semaphore, #tpu.memory_space<semaphore_mem>>
      %dma_start3A = arith.constant 0 : i32
      %dma_start3A_1126 = tpu.memref_slice %empty_ref3A[%dma_start3A] : memref<16xi32, #tpu.memory_space<vmem>> -> memref<1xi32, #tpu.memory_space<vmem>>
      %dma_start3A_1127 = arith.constant 0 : i32
      %dma_start3A_1128 = tpu.memref_slice %empty_ref3A[%dma_start3A_1127] : memref<16xi32, #tpu.memory_space<vmem>> -> memref<1xi32, #tpu.memory_space<vmem>>
      tpu.enqueue_dma source(%arg4 : memref<1xi32, #tpu.memory_space<hbm>>) target(%dma_start3A_1128 : memref<1xi32, #tpu.memory_space<vmem>>) target_semaphore(%run_scoped3A : memref<!tpu.dma_semaphore, #tpu.memory_space<semaphore_mem>>)
      %dma_wait3A = arith.constant 0 : i32
      %dma_wait3A_1129 = tpu.memref_slice %empty_ref3A[%dma_wait3A] : memref<16xi32, #tpu.memory_space<vmem>> -> memref<1xi32, #tpu.memory_space<vmem>>
      %dma_wait3A_1130 = arith.constant 0 : i32
      %dma_wait3A_1131 = tpu.memref_slice %empty_ref3A[%dma_wait3A_1130] : memref<16xi32, #tpu.memory_space<vmem>> -> memref<1xi32, #tpu.memory_space<vmem>>
      tpu.wait_dma2 semaphore(%run_scoped3A : memref<!tpu.dma_semaphore, #tpu.memory_space<semaphore_mem>>) src(%arg4 : memref<1xi32, #tpu.memory_space<hbm>>) dst(%dma_wait3A_1131 : memref<1xi32, #tpu.memory_space<vmem>>)
      tpu.yield
    }) : () -> ()
    %get3A = arith.constant 0 : index
    %get3A_0 = tpu.vector_load %empty_ref3A[%get3A] {strides = array<i32>} : memref<16xi32, #tpu.memory_space<vmem>>, vector<16xi32>,
    %slice3A = vector.extract_strided_slice %get3A_0 {offsets = [0], sizes = [1], strides = [1]} : vector<16xi32> to vector<1xi32>
    %squeeze3A = vector.extract %slice3A[0] : i32 from vector<1xi32>
    %mul3A = arith.constant 16 : i32
    %mul3A_1 = arith.muli %arg0, %mul3A : i32
    %add3A = arith.addi %mul3A_1, %arg1 : i32
    %jit3A = arith.constant 2 : i32
    %div3A = arith.divsi %add3A, %jit3A : i32
    %sign3A = arith.constant 0 : i32
    %sign3A_2 = arith.cmpi sgt, %add3A, %sign3A : i32
    %sign3A_3 = arith.extui %sign3A_2 : i1 to i32
    %sign3A_4 = arith.constant 0 : i32
    %sign3A_5 = arith.cmpi slt, %add3A, %sign3A_4 : i32
    %sign3A_6 = arith.extui %sign3A_5 : i1 to i32
    %sign3A_7 = arith.subi %sign3A_3, %sign3A_6 : i32
    %sign3A_8 = arith.constant 0 : i32
    %sign3A_9 = arith.cmpi sgt, %jit3A, %sign3A_8 : i32
    %sign3A_10 = arith.extui %sign3A_9 : i1 to i32
    %sign3A_11 = arith.constant 0 : i32
    %sign3A_12 = arith.cmpi slt, %jit3A, %sign3A_11 : i32
    %sign3A_13 = arith.extui %sign3A_12 : i1 to i32
    %sign3A_14 = arith.subi %sign3A_10, %sign3A_13 : i32
    %ne3A = arith.cmpi ne, %sign3A_7, %sign3A_14 : i32
    %rem3A = arith.remsi %add3A, %jit3A : i32
    %ne3A_15 = arith.constant 0 : i32
    %ne3A_16 = arith.cmpi ne, %rem3A, %ne3A_15 : i32
    %and3A = arith.andi %ne3A, %ne3A_16 : i1
    %sub3A = arith.constant 1 : i32
    %sub3A_17 = arith.subi %div3A, %sub3A : i32
    %select_n3A = arith.select %and3A, %sub3A_17, %div3A : i32
    %jit3A_18 = arith.constant 2 : i32
    %eq3A = arith.constant 0 : i32
    %eq3A_19 = arith.cmpi eq, %jit3A_18, %eq3A : i32
    %jit3A_20 = arith.constant 1 : i32
    %select_n3A_21 = arith.select %eq3A_19, %jit3A_20, %jit3A_18 : i32
    %rem3A_22 = arith.remsi %add3A, %select_n3A_21 : i32
    %ne3A_23 = arith.constant 0 : i32
    %ne3A_24 = arith.cmpi ne, %rem3A_22, %ne3A_23 : i32
    %lt3A = arith.constant 0 : i32
    %lt3A_25 = arith.cmpi slt, %rem3A_22, %lt3A : i32
    %lt3A_26 = arith.constant 0 : i32
    %lt3A_27 = arith.cmpi slt, %select_n3A_21, %lt3A_26 : i32
    %ne3A_28 = arith.xori %lt3A_25, %lt3A_27 : i1
    %and3A_29 = arith.andi %ne3A_28, %ne3A_24 : i1
    %add3A_30 = arith.addi %rem3A_22, %select_n3A_21 : i32
    %select_n3A_31 = arith.select %and3A_29, %add3A_30, %rem3A_22 : i32
    %mul3A_32 = arith.constant 1024 : i32
    %mul3A_33 = arith.muli %select_n3A_31, %mul3A_32 : i32
    "tpu.region"() ({
      %run_scoped3A = tpu.sem_alloc : memref<!tpu.dma_semaphore, #tpu.memory_space<semaphore_mem>>
      %dma_start3A = arith.constant 0 : i32
      %dma_start3A_1126 = tpu.memref_slice %arg3[%select_n3A, %dma_start3A] : memref<16x512xi32, #tpu.memory_space<hbm>> -> memref<1x512xi32, #tpu.memory_space<hbm>>
      %dma_start3A_1127 = tpu.memref_squeeze %dma_start3A_1126 : memref<1x512xi32, #tpu.memory_space<hbm>> -> memref<512xi32, #tpu.memory_space<hbm>>
      %dma_start3A_1128 = arith.constant 0 : i32
      %dma_start3A_1129 = tpu.memref_slice %arg3[%select_n3A, %dma_start3A_1128] : memref<16x512xi32, #tpu.memory_space<hbm>> -> memref<1x512xi32, #tpu.memory_space<hbm>>
      %dma_start3A_1130 = tpu.memref_squeeze %dma_start3A_1129 : memref<1x512xi32, #tpu.memory_space<hbm>> -> memref<512xi32, #tpu.memory_space<hbm>>
      tpu.enqueue_dma source(%dma_start3A_1130 : memref<512xi32, #tpu.memory_space<hbm>>) target(%arg6 : memref<512xi32, #tpu.memory_space<vmem>>) target_semaphore(%run_scoped3A : memref<!tpu.dma_semaphore, #tpu.memory_space<semaphore_mem>>)
      %dma_wait3A = arith.constant 0 : i32
      %dma_wait3A_1131 = tpu.memref_slice %arg3[%select_n3A, %dma_wait3A] : memref<16x512xi32, #tpu.memory_space<hbm>> -> memref<1x512xi32, #tpu.memory_space<hbm>>
      %dma_wait3A_1132 = tpu.memref_squeeze %dma_wait3A_1131 : memref<1x512xi32, #tpu.memory_space<hbm>> -> memref<512xi32, #tpu.memory_space<hbm>>
      %dma_wait3A_1133 = arith.constant 0 : i32
      %dma_wait3A_1134 = tpu.memref_slice %arg3[%select_n3A, %dma_wait3A_1133] : memref<16x512xi32, #tpu.memory_space<hbm>> -> memref<1x512xi32, #tpu.memory_space<hbm>>
      %dma_wait3A_1135 = tpu.memref_squeeze %dma_wait3A_1134 : memref<1x512xi32, #tpu.memory_space<hbm>> -> memref<512xi32, #tpu.memory_space<hbm>>
      tpu.wait_dma2 semaphore(%run_scoped3A : memref<!tpu.dma_semaphore, #tpu.memory_space<semaphore_mem>>) src(%dma_wait3A_1135 : memref<512xi32, #tpu.memory_space<hbm>>) dst(%arg6 : memref<512xi32, #tpu.memory_space<vmem>>)
      tpu.yield
    }) : () -> ()
    %iota3A = tpu.iota {dimensions = array<i32: 0>} : vector<16xi32>
    %add3A_34 = arith.constant 0 : i32
    %add3A_35 = vector.broadcast %add3A_34 : i32 to vector<16xi32>
    %add3A_36 = arith.addi %iota3A, %add3A_35 : vector<16xi32>
    %and3A_37 = arith.constant 511 : i32
    %and3A_38 = vector.broadcast %and3A_37 : i32 to vector<16xi32>
    %and3A_39 = arith.andi %add3A_36, %and3A_38 : vector<16xi32>
    %mul3A_40 = arith.constant 512 : i32
    %mul3A_41 = arith.muli %select_n3A, %mul3A_40 : i32
    %add3A_42 = vector.broadcast %mul3A_41 : i32 to vector<16xi32>
    %add3A_43 = arith.addi %and3A_39, %add3A_42 : vector<16xi32>
    %swap3A = arith.constant 0 : i32
    %swap3A_44 = arith.index_cast %swap3A : i32 to index
    %swap3A_45 = arith.constant 0 : index
    %swap3A_46 = tpu.vector_load %arg7[%swap3A_44, %swap3A_45] {strides = array<i32>} : memref<8x128xi32, #tpu.memory_space<vmem>>, vector<16xi32>,
    tpu.vector_store %arg7[%swap3A_44, %swap3A_45], %add3A_43 {strides = array<i32>} : memref<8x128xi32, #tpu.memory_space<vmem>>, vector<16xi32>,
    %add3A_47 = arith.constant 16 : i32
    %add3A_48 = vector.broadcast %add3A_47 : i32 to vector<16xi32>
    %add3A_49 = arith.addi %iota3A, %add3A_48 : vector<16xi32>
    %and3A_50 = arith.constant 511 : i32
    %and3A_51 = vector.broadcast %and3A_50 : i32 to vector<16xi32>
    %and3A_52 = arith.andi %add3A_49, %and3A_51 : vector<16xi32>
    %mul3A_53 = arith.constant 512 : i32
    %mul3A_54 = arith.muli %select_n3A, %mul3A_53 : i32
    %add3A_55 = vector.broadcast %mul3A_54 : i32 to vector<16xi32>
    %add3A_56 = arith.addi %and3A_52, %add3A_55 : vector<16xi32>
    %swap3A_57 = arith.constant 0 : i32
    %swap3A_58 = arith.index_cast %swap3A_57 : i32 to index
    %swap3A_59 = arith.constant 16 : index
    %swap3A_60 = tpu.vector_load %arg7[%swap3A_58, %swap3A_59] {strides = array<i32>} : memref<8x128xi32, #tpu.memory_space<vmem>>, vector<16xi32>,
    tpu.vector_store %arg7[%swap3A_58, %swap3A_59], %add3A_56 {strides = array<i32>} : memref<8x128xi32, #tpu.memory_space<vmem>>, vector<16xi32>,
    %add3A_61 = arith.constant 32 : i32
    %add3A_62 = vector.broadcast %add3A_61 : i32 to vector<16xi32>
    %add3A_63 = arith.addi %iota3A, %add3A_62 : vector<16xi32>
    %and3A_64 = arith.constant 511 : i32
    %and3A_65 = vector.broadcast %and3A_64 : i32 to vector<16xi32>
    %and3A_66 = arith.andi %add3A_63, %and3A_65 : vector<16xi32>
    %mul3A_67 = arith.constant 512 : i32
    %mul3A_68 = arith.muli %select_n3A, %mul3A_67 : i32
    %add3A_69 = vector.broadcast %mul3A_68 : i32 to vector<16xi32>
    %add3A_70 = arith.addi %and3A_66, %add3A_69 : vector<16xi32>
    %swap3A_71 = arith.constant 0 : i32
    %swap3A_72 = arith.index_cast %swap3A_71 : i32 to index
    %swap3A_73 = arith.constant 32 : index
    %swap3A_74 = tpu.vector_load %arg7[%swap3A_72, %swap3A_73] {strides = array<i32>} : memref<8x128xi32, #tpu.memory_space<vmem>>, vector<16xi32>,
    tpu.vector_store %arg7[%swap3A_72, %swap3A_73], %add3A_70 {strides = array<i32>} : memref<8x128xi32, #tpu.memory_space<vmem>>, vector<16xi32>,
    %add3A_75 = arith.constant 48 : i32
    %add3A_76 = vector.broadcast %add3A_75 : i32 to vector<16xi32>
    %add3A_77 = arith.addi %iota3A, %add3A_76 : vector<16xi32>
    %and3A_78 = arith.constant 511 : i32
    %and3A_79 = vector.broadcast %and3A_78 : i32 to vector<16xi32>
    %and3A_80 = arith.andi %add3A_77, %and3A_79 : vector<16xi32>
    %mul3A_81 = arith.constant 512 : i32
    %mul3A_82 = arith.muli %select_n3A, %mul3A_81 : i32
    %add3A_83 = vector.broadcast %mul3A_82 : i32 to vector<16xi32>
    %add3A_84 = arith.addi %and3A_80, %add3A_83 : vector<16xi32>
    %swap3A_85 = arith.constant 0 : i32
    %swap3A_86 = arith.index_cast %swap3A_85 : i32 to index
    %swap3A_87 = arith.constant 48 : index
    %swap3A_88 = tpu.vector_load %arg7[%swap3A_86, %swap3A_87] {strides = array<i32>} : memref<8x128xi32, #tpu.memory_space<vmem>>, vector<16xi32>,
    tpu.vector_store %arg7[%swap3A_86, %swap3A_87], %add3A_84 {strides = array<i32>} : memref<8x128xi32, #tpu.memory_space<vmem>>, vector<16xi32>,
    %add3A_89 = arith.constant 64 : i32
    %add3A_90 = vector.broadcast %add3A_89 : i32 to vector<16xi32>
    %add3A_91 = arith.addi %iota3A, %add3A_90 : vector<16xi32>
    %and3A_92 = arith.constant 511 : i32
    %and3A_93 = vector.broadcast %and3A_92 : i32 to vector<16xi32>
    %and3A_94 = arith.andi %add3A_91, %and3A_93 : vector<16xi32>
    %mul3A_95 = arith.constant 512 : i32
    %mul3A_96 = arith.muli %select_n3A, %mul3A_95 : i32
    %add3A_97 = vector.broadcast %mul3A_96 : i32 to vector<16xi32>
    %add3A_98 = arith.addi %and3A_94, %add3A_97 : vector<16xi32>
    %swap3A_99 = arith.constant 0 : i32
    %swap3A_100 = arith.index_cast %swap3A_99 : i32 to index
    %swap3A_101 = arith.constant 64 : index
    %swap3A_102 = tpu.vector_load %arg7[%swap3A_100, %swap3A_101] {strides = array<i32>} : memref<8x128xi32, #tpu.memory_space<vmem>>, vector<16xi32>,
    tpu.vector_store %arg7[%swap3A_100, %swap3A_101], %add3A_98 {strides = array<i32>} : memref<8x128xi32, #tpu.memory_space<vmem>>, vector<16xi32>,
    %add3A_103 = arith.constant 80 : i32
    %add3A_104 = vector.broadcast %add3A_103 : i32 to vector<16xi32>
    %add3A_105 = arith.addi %iota3A, %add3A_104 : vector<16xi32>
    %and3A_106 = arith.constant 511 : i32
    %and3A_107 = vector.broadcast %and3A_106 : i32 to vector<16xi32>
    %and3A_108 = arith.andi %add3A_105, %and3A_107 : vector<16xi32>
    %mul3A_109 = arith.constant 512 : i32
    %mul3A_110 = arith.muli %select_n3A, %mul3A_109 : i32
    %add3A_111 = vector.broadcast %mul3A_110 : i32 to vector<16xi32>
    %add3A_112 = arith.addi %and3A_108, %add3A_111 : vector<16xi32>
    %swap3A_113 = arith.constant 0 : i32
    %swap3A_114 = arith.index_cast %swap3A_113 : i32 to index
    %swap3A_115 = arith.constant 80 : index
    %swap3A_116 = tpu.vector_load %arg7[%swap3A_114, %swap3A_115] {strides = array<i32>} : memref<8x128xi32, #tpu.memory_space<vmem>>, vector<16xi32>,
    tpu.vector_store %arg7[%swap3A_114, %swap3A_115], %add3A_112 {strides = array<i32>} : memref<8x128xi32, #tpu.memory_space<vmem>>, vector<16xi32>,
    %add3A_117 = arith.constant 96 : i32
    %add3A_118 = vector.broadcast %add3A_117 : i32 to vector<16xi32>
    %add3A_119 = arith.addi %iota3A, %add3A_118 : vector<16xi32>
    %and3A_120 = arith.constant 511 : i32
    %and3A_121 = vector.broadcast %and3A_120 : i32 to vector<16xi32>
    %and3A_122 = arith.andi %add3A_119, %and3A_121 : vector<16xi32>
    %mul3A_123 = arith.constant 512 : i32
    %mul3A_124 = arith.muli %select_n3A, %mul3A_123 : i32
    %add3A_125 = vector.broadcast %mul3A_124 : i32 to vector<16xi32>
    %add3A_126 = arith.addi %and3A_122, %add3A_125 : vector<16xi32>
    %swap3A_127 = arith.constant 0 : i32
    %swap3A_128 = arith.index_cast %swap3A_127 : i32 to index
    %swap3A_129 = arith.constant 96 : index
    %swap3A_130 = tpu.vector_load %arg7[%swap3A_128, %swap3A_129] {strides = array<i32>} : memref<8x128xi32, #tpu.memory_space<vmem>>, vector<16xi32>,
    tpu.vector_store %arg7[%swap3A_128, %swap3A_129], %add3A_126 {strides = array<i32>} : memref<8x128xi32, #tpu.memory_space<vmem>>, vector<16xi32>,
    %add3A_131 = arith.constant 112 : i32
    %add3A_132 = vector.broadcast %add3A_131 : i32 to vector<16xi32>
    %add3A_133 = arith.addi %iota3A, %add3A_132 : vector<16xi32>
    %and3A_134 = arith.constant 511 : i32
    %and3A_135 = vector.broadcast %and3A_134 : i32 to vector<16xi32>
    %and3A_136 = arith.andi %add3A_133, %and3A_135 : vector<16xi32>
    %mul3A_137 = arith.constant 512 : i32
    %mul3A_138 = arith.muli %select_n3A, %mul3A_137 : i32
    %add3A_139 = vector.broadcast %mul3A_138 : i32 to vector<16xi32>
    %add3A_140 = arith.addi %and3A_136, %add3A_139 : vector<16xi32>
    %swap3A_141 = arith.constant 0 : i32
    %swap3A_142 = arith.index_cast %swap3A_141 : i32 to index
    %swap3A_143 = arith.constant 112 : index
    %swap3A_144 = tpu.vector_load %arg7[%swap3A_142, %swap3A_143] {strides = array<i32>} : memref<8x128xi32, #tpu.memory_space<vmem>>, vector<16xi32>,
    tpu.vector_store %arg7[%swap3A_142, %swap3A_143], %add3A_140 {strides = array<i32>} : memref<8x128xi32, #tpu.memory_space<vmem>>, vector<16xi32>,
    %add3A_145 = arith.constant 128 : i32
    %add3A_146 = vector.broadcast %add3A_145 : i32 to vector<16xi32>
    %add3A_147 = arith.addi %iota3A, %add3A_146 : vector<16xi32>
    %and3A_148 = arith.constant 511 : i32
    %and3A_149 = vector.broadcast %and3A_148 : i32 to vector<16xi32>
    %and3A_150 = arith.andi %add3A_147, %and3A_149 : vector<16xi32>
    %mul3A_151 = arith.constant 512 : i32
    %mul3A_152 = arith.muli %select_n3A, %mul3A_151 : i32
    %add3A_153 = vector.broadcast %mul3A_152 : i32 to vector<16xi32>
    %add3A_154 = arith.addi %and3A_150, %add3A_153 : vector<16xi32>
    %swap3A_155 = arith.constant 1 : i32
    %swap3A_156 = arith.index_cast %swap3A_155 : i32 to index
    %swap3A_157 = arith.constant 0 : index
    %swap3A_158 = tpu.vector_load %arg7[%swap3A_156, %swap3A_157] {strides = array<i32>} : memref<8x128xi32, #tpu.memory_space<vmem>>, vector<16xi32>,
    tpu.vector_store %arg7[%swap3A_156, %swap3A_157], %add3A_154 {strides = array<i32>} : memref<8x128xi32, #tpu.memory_space<vmem>>, vector<16xi32>,
    %add3A_159 = arith.constant 144 : i32
    %add3A_160 = vector.broadcast %add3A_159 : i32 to vector<16xi32>
    %add3A_161 = arith.addi %iota3A, %add3A_160 : vector<16xi32>
    %and3A_162 = arith.constant 511 : i32
    %and3A_163 = vector.broadcast %and3A_162 : i32 to vector<16xi32>
    %and3A_164 = arith.andi %add3A_161, %and3A_163 : vector<16xi32>
    %mul3A_165 = arith.constant 512 : i32
    %mul3A_166 = arith.muli %select_n3A, %mul3A_165 : i32
    %add3A_167 = vector.broadcast %mul3A_166 : i32 to vector<16xi32>
    %add3A_168 = arith.addi %and3A_164, %add3A_167 : vector<16xi32>
    %swap3A_169 = arith.constant 1 : i32
    %swap3A_170 = arith.index_cast %swap3A_169 : i32 to index
    %swap3A_171 = arith.constant 16 : index
    %swap3A_172 = tpu.vector_load %arg7[%swap3A_170, %swap3A_171] {strides = array<i32>} : memref<8x128xi32, #tpu.memory_space<vmem>>, vector<16xi32>,
    tpu.vector_store %arg7[%swap3A_170, %swap3A_171], %add3A_168 {strides = array<i32>} : memref<8x128xi32, #tpu.memory_space<vmem>>, vector<16xi32>,
    %add3A_173 = arith.constant 160 : i32
    %add3A_174 = vector.broadcast %add3A_173 : i32 to vector<16xi32>
    %add3A_175 = arith.addi %iota3A, %add3A_174 : vector<16xi32>
    %and3A_176 = arith.constant 511 : i32
    %and3A_177 = vector.broadcast %and3A_176 : i32 to vector<16xi32>
    %and3A_178 = arith.andi %add3A_175, %and3A_177 : vector<16xi32>
    %mul3A_179 = arith.constant 512 : i32
    %mul3A_180 = arith.muli %select_n3A, %mul3A_179 : i32
    %add3A_181 = vector.broadcast %mul3A_180 : i32 to vector<16xi32>
    %add3A_182 = arith.addi %and3A_178, %add3A_181 : vector<16xi32>
    %swap3A_183 = arith.constant 1 : i32
    %swap3A_184 = arith.index_cast %swap3A_183 : i32 to index
    %swap3A_185 = arith.constant 32 : index
    %swap3A_186 = tpu.vector_load %arg7[%swap3A_184, %swap3A_185] {strides = array<i32>} : memref<8x128xi32, #tpu.memory_space<vmem>>, vector<16xi32>,
    tpu.vector_store %arg7[%swap3A_184, %swap3A_185], %add3A_182 {strides = array<i32>} : memref<8x128xi32, #tpu.memory_space<vmem>>, vector<16xi32>,
    %add3A_187 = arith.constant 176 : i32
    %add3A_188 = vector.broadcast %add3A_187 : i32 to vector<16xi32>
    %add3A_189 = arith.addi %iota3A, %add3A_188 : vector<16xi32>
    %and3A_190 = arith.constant 511 : i32
    %and3A_191 = vector.broadcast %and3A_190 : i32 to vector<16xi32>
    %and3A_192 = arith.andi %add3A_189, %and3A_191 : vector<16xi32>
    %mul3A_193 = arith.constant 512 : i32
    %mul3A_194 = arith.muli %select_n3A, %mul3A_193 : i32
    %add3A_195 = vector.broadcast %mul3A_194 : i32 to vector<16xi32>
    %add3A_196 = arith.addi %and3A_192, %add3A_195 : vector<16xi32>
    %swap3A_197 = arith.constant 1 : i32
    %swap3A_198 = arith.index_cast %swap3A_197 : i32 to index
    %swap3A_199 = arith.constant 48 : index
    %swap3A_200 = tpu.vector_load %arg7[%swap3A_198, %swap3A_199] {strides = array<i32>} : memref<8x128xi32, #tpu.memory_space<vmem>>, vector<16xi32>,
    tpu.vector_store %arg7[%swap3A_198, %swap3A_199], %add3A_196 {strides = array<i32>} : memref<8x128xi32, #tpu.memory_space<vmem>>, vector<16xi32>,
    %add3A_201 = arith.constant 192 : i32
    %add3A_202 = vector.broadcast %add3A_201 : i32 to vector<16xi32>
    %add3A_203 = arith.addi %iota3A, %add3A_202 : vector<16xi32>
    %and3A_204 = arith.constant 511 : i32
    %and3A_205 = vector.broadcast %and3A_204 : i32 to vector<16xi32>
    %and3A_206 = arith.andi %add3A_203, %and3A_205 : vector<16xi32>
    %mul3A_207 = arith.constant 512 : i32
    %mul3A_208 = arith.muli %select_n3A, %mul3A_207 : i32
    %add3A_209 = vector.broadcast %mul3A_208 : i32 to vector<16xi32>
    %add3A_210 = arith.addi %and3A_206, %add3A_209 : vector<16xi32>
    %swap3A_211 = arith.constant 1 : i32
    %swap3A_212 = arith.index_cast %swap3A_211 : i32 to index
    %swap3A_213 = arith.constant 64 : index
    %swap3A_214 = tpu.vector_load %arg7[%swap3A_212, %swap3A_213] {strides = array<i32>} : memref<8x128xi32, #tpu.memory_space<vmem>>, vector<16xi32>,
    tpu.vector_store %arg7[%swap3A_212, %swap3A_213], %add3A_210 {strides = array<i32>} : memref<8x128xi32, #tpu.memory_space<vmem>>, vector<16xi32>,
    %add3A_215 = arith.constant 208 : i32
    %add3A_216 = vector.broadcast %add3A_215 : i32 to vector<16xi32>
    %add3A_217 = arith.addi %iota3A, %add3A_216 : vector<16xi32>
    %and3A_218 = arith.constant 511 : i32
    %and3A_219 = vector.broadcast %and3A_218 : i32 to vector<16xi32>
    %and3A_220 = arith.andi %add3A_217, %and3A_219 : vector<16xi32>
    %mul3A_221 = arith.constant 512 : i32
    %mul3A_222 = arith.muli %select_n3A, %mul3A_221 : i32
    %add3A_223 = vector.broadcast %mul3A_222 : i32 to vector<16xi32>
    %add3A_224 = arith.addi %and3A_220, %add3A_223 : vector<16xi32>
    %swap3A_225 = arith.constant 1 : i32
    %swap3A_226 = arith.index_cast %swap3A_225 : i32 to index
    %swap3A_227 = arith.constant 80 : index
    %swap3A_228 = tpu.vector_load %arg7[%swap3A_226, %swap3A_227] {strides = array<i32>} : memref<8x128xi32, #tpu.memory_space<vmem>>, vector<16xi32>,
    tpu.vector_store %arg7[%swap3A_226, %swap3A_227], %add3A_224 {strides = array<i32>} : memref<8x128xi32, #tpu.memory_space<vmem>>, vector<16xi32>,
    %add3A_229 = arith.constant 224 : i32
    %add3A_230 = vector.broadcast %add3A_229 : i32 to vector<16xi32>
    %add3A_231 = arith.addi %iota3A, %add3A_230 : vector<16xi32>
    %and3A_232 = arith.constant 511 : i32
    %and3A_233 = vector.broadcast %and3A_232 : i32 to vector<16xi32>
    %and3A_234 = arith.andi %add3A_231, %and3A_233 : vector<16xi32>
    %mul3A_235 = arith.constant 512 : i32
    %mul3A_236 = arith.muli %select_n3A, %mul3A_235 : i32
    %add3A_237 = vector.broadcast %mul3A_236 : i32 to vector<16xi32>
    %add3A_238 = arith.addi %and3A_234, %add3A_237 : vector<16xi32>
    %swap3A_239 = arith.constant 1 : i32
    %swap3A_240 = arith.index_cast %swap3A_239 : i32 to index
    %swap3A_241 = arith.constant 96 : index
    %swap3A_242 = tpu.vector_load %arg7[%swap3A_240, %swap3A_241] {strides = array<i32>} : memref<8x128xi32, #tpu.memory_space<vmem>>, vector<16xi32>,
    tpu.vector_store %arg7[%swap3A_240, %swap3A_241], %add3A_238 {strides = array<i32>} : memref<8x128xi32, #tpu.memory_space<vmem>>, vector<16xi32>,
    %add3A_243 = arith.constant 240 : i32
    %add3A_244 = vector.broadcast %add3A_243 : i32 to vector<16xi32>
    %add3A_245 = arith.addi %iota3A, %add3A_244 : vector<16xi32>
    %and3A_246 = arith.constant 511 : i32
    %and3A_247 = vector.broadcast %and3A_246 : i32 to vector<16xi32>
    %and3A_248 = arith.andi %add3A_245, %and3A_247 : vector<16xi32>
    %mul3A_249 = arith.constant 512 : i32
    %mul3A_250 = arith.muli %select_n3A, %mul3A_249 : i32
    %add3A_251 = vector.broadcast %mul3A_250 : i32 to vector<16xi32>
    %add3A_252 = arith.addi %and3A_248, %add3A_251 : vector<16xi32>
    %swap3A_253 = arith.constant 1 : i32
    %swap3A_254 = arith.index_cast %swap3A_253 : i32 to index
    %swap3A_255 = arith.constant 112 : index
    %swap3A_256 = tpu.vector_load %arg7[%swap3A_254, %swap3A_255] {strides = array<i32>} : memref<8x128xi32, #tpu.memory_space<vmem>>, vector<16xi32>,
    tpu.vector_store %arg7[%swap3A_254, %swap3A_255], %add3A_252 {strides = array<i32>} : memref<8x128xi32, #tpu.memory_space<vmem>>, vector<16xi32>,
    %add3A_257 = arith.constant 256 : i32
    %add3A_258 = vector.broadcast %add3A_257 : i32 to vector<16xi32>
    %add3A_259 = arith.addi %iota3A, %add3A_258 : vector<16xi32>
    %and3A_260 = arith.constant 511 : i32
    %and3A_261 = vector.broadcast %and3A_260 : i32 to vector<16xi32>
    %and3A_262 = arith.andi %add3A_259, %and3A_261 : vector<16xi32>
    %mul3A_263 = arith.constant 512 : i32
    %mul3A_264 = arith.muli %select_n3A, %mul3A_263 : i32
    %add3A_265 = vector.broadcast %mul3A_264 : i32 to vector<16xi32>
    %add3A_266 = arith.addi %and3A_262, %add3A_265 : vector<16xi32>
    %swap3A_267 = arith.constant 2 : i32
    %swap3A_268 = arith.index_cast %swap3A_267 : i32 to index
    %swap3A_269 = arith.constant 0 : index
    %swap3A_270 = tpu.vector_load %arg7[%swap3A_268, %swap3A_269] {strides = array<i32>} : memref<8x128xi32, #tpu.memory_space<vmem>>, vector<16xi32>,
    tpu.vector_store %arg7[%swap3A_268, %swap3A_269], %add3A_266 {strides = array<i32>} : memref<8x128xi32, #tpu.memory_space<vmem>>, vector<16xi32>,
    %add3A_271 = arith.constant 272 : i32
    %add3A_272 = vector.broadcast %add3A_271 : i32 to vector<16xi32>
    %add3A_273 = arith.addi %iota3A, %add3A_272 : vector<16xi32>
    %and3A_274 = arith.constant 511 : i32
    %and3A_275 = vector.broadcast %and3A_274 : i32 to vector<16xi32>
    %and3A_276 = arith.andi %add3A_273, %and3A_275 : vector<16xi32>
    %mul3A_277 = arith.constant 512 : i32
    %mul3A_278 = arith.muli %select_n3A, %mul3A_277 : i32
    %add3A_279 = vector.broadcast %mul3A_278 : i32 to vector<16xi32>
    %add3A_280 = arith.addi %and3A_276, %add3A_279 : vector<16xi32>
    %swap3A_281 = arith.constant 2 : i32
    %swap3A_282 = arith.index_cast %swap3A_281 : i32 to index
    %swap3A_283 = arith.constant 16 : index
    %swap3A_284 = tpu.vector_load %arg7[%swap3A_282, %swap3A_283] {strides = array<i32>} : memref<8x128xi32, #tpu.memory_space<vmem>>, vector<16xi32>,
    tpu.vector_store %arg7[%swap3A_282, %swap3A_283], %add3A_280 {strides = array<i32>} : memref<8x128xi32, #tpu.memory_space<vmem>>, vector<16xi32>,
    %add3A_285 = arith.constant 288 : i32
    %add3A_286 = vector.broadcast %add3A_285 : i32 to vector<16xi32>
    %add3A_287 = arith.addi %iota3A, %add3A_286 : vector<16xi32>
    %and3A_288 = arith.constant 511 : i32
    %and3A_289 = vector.broadcast %and3A_288 : i32 to vector<16xi32>
    %and3A_290 = arith.andi %add3A_287, %and3A_289 : vector<16xi32>
    %mul3A_291 = arith.constant 512 : i32
    %mul3A_292 = arith.muli %select_n3A, %mul3A_291 : i32
    %add3A_293 = vector.broadcast %mul3A_292 : i32 to vector<16xi32>
    %add3A_294 = arith.addi %and3A_290, %add3A_293 : vector<16xi32>
    %swap3A_295 = arith.constant 2 : i32
    %swap3A_296 = arith.index_cast %swap3A_295 : i32 to index
    %swap3A_297 = arith.constant 32 : index
    %swap3A_298 = tpu.vector_load %arg7[%swap3A_296, %swap3A_297] {strides = array<i32>} : memref<8x128xi32, #tpu.memory_space<vmem>>, vector<16xi32>,
    tpu.vector_store %arg7[%swap3A_296, %swap3A_297], %add3A_294 {strides = array<i32>} : memref<8x128xi32, #tpu.memory_space<vmem>>, vector<16xi32>,
    %add3A_299 = arith.constant 304 : i32
    %add3A_300 = vector.broadcast %add3A_299 : i32 to vector<16xi32>
    %add3A_301 = arith.addi %iota3A, %add3A_300 : vector<16xi32>
    %and3A_302 = arith.constant 511 : i32
    %and3A_303 = vector.broadcast %and3A_302 : i32 to vector<16xi32>
    %and3A_304 = arith.andi %add3A_301, %and3A_303 : vector<16xi32>
    %mul3A_305 = arith.constant 512 : i32
    %mul3A_306 = arith.muli %select_n3A, %mul3A_305 : i32
    %add3A_307 = vector.broadcast %mul3A_306 : i32 to vector<16xi32>
    %add3A_308 = arith.addi %and3A_304, %add3A_307 : vector<16xi32>
    %swap3A_309 = arith.constant 2 : i32
    %swap3A_310 = arith.index_cast %swap3A_309 : i32 to index
    %swap3A_311 = arith.constant 48 : index
    %swap3A_312 = tpu.vector_load %arg7[%swap3A_310, %swap3A_311] {strides = array<i32>} : memref<8x128xi32, #tpu.memory_space<vmem>>, vector<16xi32>,
    tpu.vector_store %arg7[%swap3A_310, %swap3A_311], %add3A_308 {strides = array<i32>} : memref<8x128xi32, #tpu.memory_space<vmem>>, vector<16xi32>,
    %add3A_313 = arith.constant 320 : i32
    %add3A_314 = vector.broadcast %add3A_313 : i32 to vector<16xi32>
    %add3A_315 = arith.addi %iota3A, %add3A_314 : vector<16xi32>
    %and3A_316 = arith.constant 511 : i32
    %and3A_317 = vector.broadcast %and3A_316 : i32 to vector<16xi32>
    %and3A_318 = arith.andi %add3A_315, %and3A_317 : vector<16xi32>
    %mul3A_319 = arith.constant 512 : i32
    %mul3A_320 = arith.muli %select_n3A, %mul3A_319 : i32
    %add3A_321 = vector.broadcast %mul3A_320 : i32 to vector<16xi32>
    %add3A_322 = arith.addi %and3A_318, %add3A_321 : vector<16xi32>
    %swap3A_323 = arith.constant 2 : i32
    %swap3A_324 = arith.index_cast %swap3A_323 : i32 to index
    %swap3A_325 = arith.constant 64 : index
    %swap3A_326 = tpu.vector_load %arg7[%swap3A_324, %swap3A_325] {strides = array<i32>} : memref<8x128xi32, #tpu.memory_space<vmem>>, vector<16xi32>,
    tpu.vector_store %arg7[%swap3A_324, %swap3A_325], %add3A_322 {strides = array<i32>} : memref<8x128xi32, #tpu.memory_space<vmem>>, vector<16xi32>,
    %add3A_327 = arith.constant 336 : i32
    %add3A_328 = vector.broadcast %add3A_327 : i32 to vector<16xi32>
    %add3A_329 = arith.addi %iota3A, %add3A_328 : vector<16xi32>
    %and3A_330 = arith.constant 511 : i32
    %and3A_331 = vector.broadcast %and3A_330 : i32 to vector<16xi32>
    %and3A_332 = arith.andi %add3A_329, %and3A_331 : vector<16xi32>
    %mul3A_333 = arith.constant 512 : i32
    %mul3A_334 = arith.muli %select_n3A, %mul3A_333 : i32
    %add3A_335 = vector.broadcast %mul3A_334 : i32 to vector<16xi32>
    %add3A_336 = arith.addi %and3A_332, %add3A_335 : vector<16xi32>
    %swap3A_337 = arith.constant 2 : i32
    %swap3A_338 = arith.index_cast %swap3A_337 : i32 to index
    %swap3A_339 = arith.constant 80 : index
    %swap3A_340 = tpu.vector_load %arg7[%swap3A_338, %swap3A_339] {strides = array<i32>} : memref<8x128xi32, #tpu.memory_space<vmem>>, vector<16xi32>,
    tpu.vector_store %arg7[%swap3A_338, %swap3A_339], %add3A_336 {strides = array<i32>} : memref<8x128xi32, #tpu.memory_space<vmem>>, vector<16xi32>,
    %add3A_341 = arith.constant 352 : i32
    %add3A_342 = vector.broadcast %add3A_341 : i32 to vector<16xi32>
    %add3A_343 = arith.addi %iota3A, %add3A_342 : vector<16xi32>
    %and3A_344 = arith.constant 511 : i32
    %and3A_345 = vector.broadcast %and3A_344 : i32 to vector<16xi32>
    %and3A_346 = arith.andi %add3A_343, %and3A_345 : vector<16xi32>
    %mul3A_347 = arith.constant 512 : i32
    %mul3A_348 = arith.muli %select_n3A, %mul3A_347 : i32
    %add3A_349 = vector.broadcast %mul3A_348 : i32 to vector<16xi32>
    %add3A_350 = arith.addi %and3A_346, %add3A_349 : vector<16xi32>
    %swap3A_351 = arith.constant 2 : i32
    %swap3A_352 = arith.index_cast %swap3A_351 : i32 to index
    %swap3A_353 = arith.constant 96 : index
    %swap3A_354 = tpu.vector_load %arg7[%swap3A_352, %swap3A_353] {strides = array<i32>} : memref<8x128xi32, #tpu.memory_space<vmem>>, vector<16xi32>,
    tpu.vector_store %arg7[%swap3A_352, %swap3A_353], %add3A_350 {strides = array<i32>} : memref<8x128xi32, #tpu.memory_space<vmem>>, vector<16xi32>,
    %add3A_355 = arith.constant 368 : i32
    %add3A_356 = vector.broadcast %add3A_355 : i32 to vector<16xi32>
    %add3A_357 = arith.addi %iota3A, %add3A_356 : vector<16xi32>
    %and3A_358 = arith.constant 511 : i32
    %and3A_359 = vector.broadcast %and3A_358 : i32 to vector<16xi32>
    %and3A_360 = arith.andi %add3A_357, %and3A_359 : vector<16xi32>
    %mul3A_361 = arith.constant 512 : i32
    %mul3A_362 = arith.muli %select_n3A, %mul3A_361 : i32
    %add3A_363 = vector.broadcast %mul3A_362 : i32 to vector<16xi32>
    %add3A_364 = arith.addi %and3A_360, %add3A_363 : vector<16xi32>
    %swap3A_365 = arith.constant 2 : i32
    %swap3A_366 = arith.index_cast %swap3A_365 : i32 to index
    %swap3A_367 = arith.constant 112 : index
    %swap3A_368 = tpu.vector_load %arg7[%swap3A_366, %swap3A_367] {strides = array<i32>} : memref<8x128xi32, #tpu.memory_space<vmem>>, vector<16xi32>,
    tpu.vector_store %arg7[%swap3A_366, %swap3A_367], %add3A_364 {strides = array<i32>} : memref<8x128xi32, #tpu.memory_space<vmem>>, vector<16xi32>,
    %add3A_369 = arith.constant 384 : i32
    %add3A_370 = vector.broadcast %add3A_369 : i32 to vector<16xi32>
    %add3A_371 = arith.addi %iota3A, %add3A_370 : vector<16xi32>
    %and3A_372 = arith.constant 511 : i32
    %and3A_373 = vector.broadcast %and3A_372 : i32 to vector<16xi32>
    %and3A_374 = arith.andi %add3A_371, %and3A_373 : vector<16xi32>
    %mul3A_375 = arith.constant 512 : i32
    %mul3A_376 = arith.muli %select_n3A, %mul3A_375 : i32
    %add3A_377 = vector.broadcast %mul3A_376 : i32 to vector<16xi32>
    %add3A_378 = arith.addi %and3A_374, %add3A_377 : vector<16xi32>
    %swap3A_379 = arith.constant 3 : i32
    %swap3A_380 = arith.index_cast %swap3A_379 : i32 to index
    %swap3A_381 = arith.constant 0 : index
    %swap3A_382 = tpu.vector_load %arg7[%swap3A_380, %swap3A_381] {strides = array<i32>} : memref<8x128xi32, #tpu.memory_space<vmem>>, vector<16xi32>,
    tpu.vector_store %arg7[%swap3A_380, %swap3A_381], %add3A_378 {strides = array<i32>} : memref<8x128xi32, #tpu.memory_space<vmem>>, vector<16xi32>,
    %add3A_383 = arith.constant 400 : i32
    %add3A_384 = vector.broadcast %add3A_383 : i32 to vector<16xi32>
    %add3A_385 = arith.addi %iota3A, %add3A_384 : vector<16xi32>
    %and3A_386 = arith.constant 511 : i32
    %and3A_387 = vector.broadcast %and3A_386 : i32 to vector<16xi32>
    %and3A_388 = arith.andi %add3A_385, %and3A_387 : vector<16xi32>
    %mul3A_389 = arith.constant 512 : i32
    %mul3A_390 = arith.muli %select_n3A, %mul3A_389 : i32
    %add3A_391 = vector.broadcast %mul3A_390 : i32 to vector<16xi32>
    %add3A_392 = arith.addi %and3A_388, %add3A_391 : vector<16xi32>
    %swap3A_393 = arith.constant 3 : i32
    %swap3A_394 = arith.index_cast %swap3A_393 : i32 to index
    %swap3A_395 = arith.constant 16 : index
    %swap3A_396 = tpu.vector_load %arg7[%swap3A_394, %swap3A_395] {strides = array<i32>} : memref<8x128xi32, #tpu.memory_space<vmem>>, vector<16xi32>,
    tpu.vector_store %arg7[%swap3A_394, %swap3A_395], %add3A_392 {strides = array<i32>} : memref<8x128xi32, #tpu.memory_space<vmem>>, vector<16xi32>,
    %add3A_397 = arith.constant 416 : i32
    %add3A_398 = vector.broadcast %add3A_397 : i32 to vector<16xi32>
    %add3A_399 = arith.addi %iota3A, %add3A_398 : vector<16xi32>
    %and3A_400 = arith.constant 511 : i32
    %and3A_401 = vector.broadcast %and3A_400 : i32 to vector<16xi32>
    %and3A_402 = arith.andi %add3A_399, %and3A_401 : vector<16xi32>
    %mul3A_403 = arith.constant 512 : i32
    %mul3A_404 = arith.muli %select_n3A, %mul3A_403 : i32
    %add3A_405 = vector.broadcast %mul3A_404 : i32 to vector<16xi32>
    %add3A_406 = arith.addi %and3A_402, %add3A_405 : vector<16xi32>
    %swap3A_407 = arith.constant 3 : i32
    %swap3A_408 = arith.index_cast %swap3A_407 : i32 to index
    %swap3A_409 = arith.constant 32 : index
    %swap3A_410 = tpu.vector_load %arg7[%swap3A_408, %swap3A_409] {strides = array<i32>} : memref<8x128xi32, #tpu.memory_space<vmem>>, vector<16xi32>,
    tpu.vector_store %arg7[%swap3A_408, %swap3A_409], %add3A_406 {strides = array<i32>} : memref<8x128xi32, #tpu.memory_space<vmem>>, vector<16xi32>,
    %add3A_411 = arith.constant 432 : i32
    %add3A_412 = vector.broadcast %add3A_411 : i32 to vector<16xi32>
    %add3A_413 = arith.addi %iota3A, %add3A_412 : vector<16xi32>
    %and3A_414 = arith.constant 511 : i32
    %and3A_415 = vector.broadcast %and3A_414 : i32 to vector<16xi32>
    %and3A_416 = arith.andi %add3A_413, %and3A_415 : vector<16xi32>
    %mul3A_417 = arith.constant 512 : i32
    %mul3A_418 = arith.muli %select_n3A, %mul3A_417 : i32
    %add3A_419 = vector.broadcast %mul3A_418 : i32 to vector<16xi32>
    %add3A_420 = arith.addi %and3A_416, %add3A_419 : vector<16xi32>
    %swap3A_421 = arith.constant 3 : i32
    %swap3A_422 = arith.index_cast %swap3A_421 : i32 to index
    %swap3A_423 = arith.constant 48 : index
    %swap3A_424 = tpu.vector_load %arg7[%swap3A_422, %swap3A_423] {strides = array<i32>} : memref<8x128xi32, #tpu.memory_space<vmem>>, vector<16xi32>,
    tpu.vector_store %arg7[%swap3A_422, %swap3A_423], %add3A_420 {strides = array<i32>} : memref<8x128xi32, #tpu.memory_space<vmem>>, vector<16xi32>,
    %add3A_425 = arith.constant 448 : i32
    %add3A_426 = vector.broadcast %add3A_425 : i32 to vector<16xi32>
    %add3A_427 = arith.addi %iota3A, %add3A_426 : vector<16xi32>
    %and3A_428 = arith.constant 511 : i32
    %and3A_429 = vector.broadcast %and3A_428 : i32 to vector<16xi32>
    %and3A_430 = arith.andi %add3A_427, %and3A_429 : vector<16xi32>
    %mul3A_431 = arith.constant 512 : i32
    %mul3A_432 = arith.muli %select_n3A, %mul3A_431 : i32
    %add3A_433 = vector.broadcast %mul3A_432 : i32 to vector<16xi32>
    %add3A_434 = arith.addi %and3A_430, %add3A_433 : vector<16xi32>
    %swap3A_435 = arith.constant 3 : i32
    %swap3A_436 = arith.index_cast %swap3A_435 : i32 to index
    %swap3A_437 = arith.constant 64 : index
    %swap3A_438 = tpu.vector_load %arg7[%swap3A_436, %swap3A_437] {strides = array<i32>} : memref<8x128xi32, #tpu.memory_space<vmem>>, vector<16xi32>,
    tpu.vector_store %arg7[%swap3A_436, %swap3A_437], %add3A_434 {strides = array<i32>} : memref<8x128xi32, #tpu.memory_space<vmem>>, vector<16xi32>,
    %add3A_439 = arith.constant 464 : i32
    %add3A_440 = vector.broadcast %add3A_439 : i32 to vector<16xi32>
    %add3A_441 = arith.addi %iota3A, %add3A_440 : vector<16xi32>
    %and3A_442 = arith.constant 511 : i32
    %and3A_443 = vector.broadcast %and3A_442 : i32 to vector<16xi32>
    %and3A_444 = arith.andi %add3A_441, %and3A_443 : vector<16xi32>
    %mul3A_445 = arith.constant 512 : i32
    %mul3A_446 = arith.muli %select_n3A, %mul3A_445 : i32
    %add3A_447 = vector.broadcast %mul3A_446 : i32 to vector<16xi32>
    %add3A_448 = arith.addi %and3A_444, %add3A_447 : vector<16xi32>
    %swap3A_449 = arith.constant 3 : i32
    %swap3A_450 = arith.index_cast %swap3A_449 : i32 to index
    %swap3A_451 = arith.constant 80 : index
    %swap3A_452 = tpu.vector_load %arg7[%swap3A_450, %swap3A_451] {strides = array<i32>} : memref<8x128xi32, #tpu.memory_space<vmem>>, vector<16xi32>,
    tpu.vector_store %arg7[%swap3A_450, %swap3A_451], %add3A_448 {strides = array<i32>} : memref<8x128xi32, #tpu.memory_space<vmem>>, vector<16xi32>,
    %add3A_453 = arith.constant 480 : i32
    %add3A_454 = vector.broadcast %add3A_453 : i32 to vector<16xi32>
    %add3A_455 = arith.addi %iota3A, %add3A_454 : vector<16xi32>
    %and3A_456 = arith.constant 511 : i32
    %and3A_457 = vector.broadcast %and3A_456 : i32 to vector<16xi32>
    %and3A_458 = arith.andi %add3A_455, %and3A_457 : vector<16xi32>
    %mul3A_459 = arith.constant 512 : i32
    %mul3A_460 = arith.muli %select_n3A, %mul3A_459 : i32
    %add3A_461 = vector.broadcast %mul3A_460 : i32 to vector<16xi32>
    %add3A_462 = arith.addi %and3A_458, %add3A_461 : vector<16xi32>
    %swap3A_463 = arith.constant 3 : i32
    %swap3A_464 = arith.index_cast %swap3A_463 : i32 to index
    %swap3A_465 = arith.constant 96 : index
    %swap3A_466 = tpu.vector_load %arg7[%swap3A_464, %swap3A_465] {strides = array<i32>} : memref<8x128xi32, #tpu.memory_space<vmem>>, vector<16xi32>,
    tpu.vector_store %arg7[%swap3A_464, %swap3A_465], %add3A_462 {strides = array<i32>} : memref<8x128xi32, #tpu.memory_space<vmem>>, vector<16xi32>,
    %add3A_467 = arith.constant 496 : i32
    %add3A_468 = vector.broadcast %add3A_467 : i32 to vector<16xi32>
    %add3A_469 = arith.addi %iota3A, %add3A_468 : vector<16xi32>
    %and3A_470 = arith.constant 511 : i32
    %and3A_471 = vector.broadcast %and3A_470 : i32 to vector<16xi32>
    %and3A_472 = arith.andi %add3A_469, %and3A_471 : vector<16xi32>
    %mul3A_473 = arith.constant 512 : i32
    %mul3A_474 = arith.muli %select_n3A, %mul3A_473 : i32
    %add3A_475 = vector.broadcast %mul3A_474 : i32 to vector<16xi32>
    %add3A_476 = arith.addi %and3A_472, %add3A_475 : vector<16xi32>
    %swap3A_477 = arith.constant 3 : i32
    %swap3A_478 = arith.index_cast %swap3A_477 : i32 to index
    %swap3A_479 = arith.constant 112 : index
    %swap3A_480 = tpu.vector_load %arg7[%swap3A_478, %swap3A_479] {strides = array<i32>} : memref<8x128xi32, #tpu.memory_space<vmem>>, vector<16xi32>,
    tpu.vector_store %arg7[%swap3A_478, %swap3A_479], %add3A_476 {strides = array<i32>} : memref<8x128xi32, #tpu.memory_space<vmem>>, vector<16xi32>,
    %add3A_481 = arith.constant 512 : i32
    %add3A_482 = vector.broadcast %add3A_481 : i32 to vector<16xi32>
    %add3A_483 = arith.addi %iota3A, %add3A_482 : vector<16xi32>
    %and3A_484 = arith.constant 511 : i32
    %and3A_485 = vector.broadcast %and3A_484 : i32 to vector<16xi32>
    %and3A_486 = arith.andi %add3A_483, %and3A_485 : vector<16xi32>
    %mul3A_487 = arith.constant 512 : i32
    %mul3A_488 = arith.muli %select_n3A, %mul3A_487 : i32
    %add3A_489 = vector.broadcast %mul3A_488 : i32 to vector<16xi32>
    %add3A_490 = arith.addi %and3A_486, %add3A_489 : vector<16xi32>
    %swap3A_491 = arith.constant 4 : i32
    %swap3A_492 = arith.index_cast %swap3A_491 : i32 to index
    %swap3A_493 = arith.constant 0 : index
    %swap3A_494 = tpu.vector_load %arg7[%swap3A_492, %swap3A_493] {strides = array<i32>} : memref<8x128xi32, #tpu.memory_space<vmem>>, vector<16xi32>,
    tpu.vector_store %arg7[%swap3A_492, %swap3A_493], %add3A_490 {strides = array<i32>} : memref<8x128xi32, #tpu.memory_space<vmem>>, vector<16xi32>,
    %add3A_495 = arith.constant 528 : i32
    %add3A_496 = vector.broadcast %add3A_495 : i32 to vector<16xi32>
    %add3A_497 = arith.addi %iota3A, %add3A_496 : vector<16xi32>
    %and3A_498 = arith.constant 511 : i32
    %and3A_499 = vector.broadcast %and3A_498 : i32 to vector<16xi32>
    %and3A_500 = arith.andi %add3A_497, %and3A_499 : vector<16xi32>
    %mul3A_501 = arith.constant 512 : i32
    %mul3A_502 = arith.muli %select_n3A, %mul3A_501 : i32
    %add3A_503 = vector.broadcast %mul3A_502 : i32 to vector<16xi32>
    %add3A_504 = arith.addi %and3A_500, %add3A_503 : vector<16xi32>
    %swap3A_505 = arith.constant 4 : i32
    %swap3A_506 = arith.index_cast %swap3A_505 : i32 to index
    %swap3A_507 = arith.constant 16 : index
    %swap3A_508 = tpu.vector_load %arg7[%swap3A_506, %swap3A_507] {strides = array<i32>} : memref<8x128xi32, #tpu.memory_space<vmem>>, vector<16xi32>,
    tpu.vector_store %arg7[%swap3A_506, %swap3A_507], %add3A_504 {strides = array<i32>} : memref<8x128xi32, #tpu.memory_space<vmem>>, vector<16xi32>,
    %add3A_509 = arith.constant 544 : i32
    %add3A_510 = vector.broadcast %add3A_509 : i32 to vector<16xi32>
    %add3A_511 = arith.addi %iota3A, %add3A_510 : vector<16xi32>
    %and3A_512 = arith.constant 511 : i32
    %and3A_513 = vector.broadcast %and3A_512 : i32 to vector<16xi32>
    %and3A_514 = arith.andi %add3A_511, %and3A_513 : vector<16xi32>
    %mul3A_515 = arith.constant 512 : i32
    %mul3A_516 = arith.muli %select_n3A, %mul3A_515 : i32
    %add3A_517 = vector.broadcast %mul3A_516 : i32 to vector<16xi32>
    %add3A_518 = arith.addi %and3A_514, %add3A_517 : vector<16xi32>
    %swap3A_519 = arith.constant 4 : i32
    %swap3A_520 = arith.index_cast %swap3A_519 : i32 to index
    %swap3A_521 = arith.constant 32 : index
    %swap3A_522 = tpu.vector_load %arg7[%swap3A_520, %swap3A_521] {strides = array<i32>} : memref<8x128xi32, #tpu.memory_space<vmem>>, vector<16xi32>,
    tpu.vector_store %arg7[%swap3A_520, %swap3A_521], %add3A_518 {strides = array<i32>} : memref<8x128xi32, #tpu.memory_space<vmem>>, vector<16xi32>,
    %add3A_523 = arith.constant 560 : i32
    %add3A_524 = vector.broadcast %add3A_523 : i32 to vector<16xi32>
    %add3A_525 = arith.addi %iota3A, %add3A_524 : vector<16xi32>
    %and3A_526 = arith.constant 511 : i32
    %and3A_527 = vector.broadcast %and3A_526 : i32 to vector<16xi32>
    %and3A_528 = arith.andi %add3A_525, %and3A_527 : vector<16xi32>
    %mul3A_529 = arith.constant 512 : i32
    %mul3A_530 = arith.muli %select_n3A, %mul3A_529 : i32
    %add3A_531 = vector.broadcast %mul3A_530 : i32 to vector<16xi32>
    %add3A_532 = arith.addi %and3A_528, %add3A_531 : vector<16xi32>
    %swap3A_533 = arith.constant 4 : i32
    %swap3A_534 = arith.index_cast %swap3A_533 : i32 to index
    %swap3A_535 = arith.constant 48 : index
    %swap3A_536 = tpu.vector_load %arg7[%swap3A_534, %swap3A_535] {strides = array<i32>} : memref<8x128xi32, #tpu.memory_space<vmem>>, vector<16xi32>,
    tpu.vector_store %arg7[%swap3A_534, %swap3A_535], %add3A_532 {strides = array<i32>} : memref<8x128xi32, #tpu.memory_space<vmem>>, vector<16xi32>,
    %add3A_537 = arith.constant 576 : i32
    %add3A_538 = vector.broadcast %add3A_537 : i32 to vector<16xi32>
    %add3A_539 = arith.addi %iota3A, %add3A_538 : vector<16xi32>
    %and3A_540 = arith.constant 511 : i32
    %and3A_541 = vector.broadcast %and3A_540 : i32 to vector<16xi32>
    %and3A_542 = arith.andi %add3A_539, %and3A_541 : vector<16xi32>
    %mul3A_543 = arith.constant 512 : i32
    %mul3A_544 = arith.muli %select_n3A, %mul3A_543 : i32
    %add3A_545 = vector.broadcast %mul3A_544 : i32 to vector<16xi32>
    %add3A_546 = arith.addi %and3A_542, %add3A_545 : vector<16xi32>
    %swap3A_547 = arith.constant 4 : i32
    %swap3A_548 = arith.index_cast %swap3A_547 : i32 to index
    %swap3A_549 = arith.constant 64 : index
    %swap3A_550 = tpu.vector_load %arg7[%swap3A_548, %swap3A_549] {strides = array<i32>} : memref<8x128xi32, #tpu.memory_space<vmem>>, vector<16xi32>,
    tpu.vector_store %arg7[%swap3A_548, %swap3A_549], %add3A_546 {strides = array<i32>} : memref<8x128xi32, #tpu.memory_space<vmem>>, vector<16xi32>,
    %add3A_551 = arith.constant 592 : i32
    %add3A_552 = vector.broadcast %add3A_551 : i32 to vector<16xi32>
    %add3A_553 = arith.addi %iota3A, %add3A_552 : vector<16xi32>
    %and3A_554 = arith.constant 511 : i32
    %and3A_555 = vector.broadcast %and3A_554 : i32 to vector<16xi32>
    %and3A_556 = arith.andi %add3A_553, %and3A_555 : vector<16xi32>
    %mul3A_557 = arith.constant 512 : i32
    %mul3A_558 = arith.muli %select_n3A, %mul3A_557 : i32
    %add3A_559 = vector.broadcast %mul3A_558 : i32 to vector<16xi32>
    %add3A_560 = arith.addi %and3A_556, %add3A_559 : vector<16xi32>
    %swap3A_561 = arith.constant 4 : i32
    %swap3A_562 = arith.index_cast %swap3A_561 : i32 to index
    %swap3A_563 = arith.constant 80 : index
    %swap3A_564 = tpu.vector_load %arg7[%swap3A_562, %swap3A_563] {strides = array<i32>} : memref<8x128xi32, #tpu.memory_space<vmem>>, vector<16xi32>,
    tpu.vector_store %arg7[%swap3A_562, %swap3A_563], %add3A_560 {strides = array<i32>} : memref<8x128xi32, #tpu.memory_space<vmem>>, vector<16xi32>,
    %add3A_565 = arith.constant 608 : i32
    %add3A_566 = vector.broadcast %add3A_565 : i32 to vector<16xi32>
    %add3A_567 = arith.addi %iota3A, %add3A_566 : vector<16xi32>
    %and3A_568 = arith.constant 511 : i32
    %and3A_569 = vector.broadcast %and3A_568 : i32 to vector<16xi32>
    %and3A_570 = arith.andi %add3A_567, %and3A_569 : vector<16xi32>
    %mul3A_571 = arith.constant 512 : i32
    %mul3A_572 = arith.muli %select_n3A, %mul3A_571 : i32
    %add3A_573 = vector.broadcast %mul3A_572 : i32 to vector<16xi32>
    %add3A_574 = arith.addi %and3A_570, %add3A_573 : vector<16xi32>
    %swap3A_575 = arith.constant 4 : i32
    %swap3A_576 = arith.index_cast %swap3A_575 : i32 to index
    %swap3A_577 = arith.constant 96 : index
    %swap3A_578 = tpu.vector_load %arg7[%swap3A_576, %swap3A_577] {strides = array<i32>} : memref<8x128xi32, #tpu.memory_space<vmem>>, vector<16xi32>,
    tpu.vector_store %arg7[%swap3A_576, %swap3A_577], %add3A_574 {strides = array<i32>} : memref<8x128xi32, #tpu.memory_space<vmem>>, vector<16xi32>,
    %add3A_579 = arith.constant 624 : i32
    %add3A_580 = vector.broadcast %add3A_579 : i32 to vector<16xi32>
    %add3A_581 = arith.addi %iota3A, %add3A_580 : vector<16xi32>
    %and3A_582 = arith.constant 511 : i32
    %and3A_583 = vector.broadcast %and3A_582 : i32 to vector<16xi32>
    %and3A_584 = arith.andi %add3A_581, %and3A_583 : vector<16xi32>
    %mul3A_585 = arith.constant 512 : i32
    %mul3A_586 = arith.muli %select_n3A, %mul3A_585 : i32
    %add3A_587 = vector.broadcast %mul3A_586 : i32 to vector<16xi32>
    %add3A_588 = arith.addi %and3A_584, %add3A_587 : vector<16xi32>
    %swap3A_589 = arith.constant 4 : i32
    %swap3A_590 = arith.index_cast %swap3A_589 : i32 to index
    %swap3A_591 = arith.constant 112 : index
    %swap3A_592 = tpu.vector_load %arg7[%swap3A_590, %swap3A_591] {strides = array<i32>} : memref<8x128xi32, #tpu.memory_space<vmem>>, vector<16xi32>,
    tpu.vector_store %arg7[%swap3A_590, %swap3A_591], %add3A_588 {strides = array<i32>} : memref<8x128xi32, #tpu.memory_space<vmem>>, vector<16xi32>,
    %add3A_593 = arith.constant 640 : i32
    %add3A_594 = vector.broadcast %add3A_593 : i32 to vector<16xi32>
    %add3A_595 = arith.addi %iota3A, %add3A_594 : vector<16xi32>
    %and3A_596 = arith.constant 511 : i32
    %and3A_597 = vector.broadcast %and3A_596 : i32 to vector<16xi32>
    %and3A_598 = arith.andi %add3A_595, %and3A_597 : vector<16xi32>
    %mul3A_599 = arith.constant 512 : i32
    %mul3A_600 = arith.muli %select_n3A, %mul3A_599 : i32
    %add3A_601 = vector.broadcast %mul3A_600 : i32 to vector<16xi32>
    %add3A_602 = arith.addi %and3A_598, %add3A_601 : vector<16xi32>
    %swap3A_603 = arith.constant 5 : i32
    %swap3A_604 = arith.index_cast %swap3A_603 : i32 to index
    %swap3A_605 = arith.constant 0 : index
    %swap3A_606 = tpu.vector_load %arg7[%swap3A_604, %swap3A_605] {strides = array<i32>} : memref<8x128xi32, #tpu.memory_space<vmem>>, vector<16xi32>,
    tpu.vector_store %arg7[%swap3A_604, %swap3A_605], %add3A_602 {strides = array<i32>} : memref<8x128xi32, #tpu.memory_space<vmem>>, vector<16xi32>,
    %add3A_607 = arith.constant 656 : i32
    %add3A_608 = vector.broadcast %add3A_607 : i32 to vector<16xi32>
    %add3A_609 = arith.addi %iota3A, %add3A_608 : vector<16xi32>
    %and3A_610 = arith.constant 511 : i32
    %and3A_611 = vector.broadcast %and3A_610 : i32 to vector<16xi32>
    %and3A_612 = arith.andi %add3A_609, %and3A_611 : vector<16xi32>
    %mul3A_613 = arith.constant 512 : i32
    %mul3A_614 = arith.muli %select_n3A, %mul3A_613 : i32
    %add3A_615 = vector.broadcast %mul3A_614 : i32 to vector<16xi32>
    %add3A_616 = arith.addi %and3A_612, %add3A_615 : vector<16xi32>
    %swap3A_617 = arith.constant 5 : i32
    %swap3A_618 = arith.index_cast %swap3A_617 : i32 to index
    %swap3A_619 = arith.constant 16 : index
    %swap3A_620 = tpu.vector_load %arg7[%swap3A_618, %swap3A_619] {strides = array<i32>} : memref<8x128xi32, #tpu.memory_space<vmem>>, vector<16xi32>,
    tpu.vector_store %arg7[%swap3A_618, %swap3A_619], %add3A_616 {strides = array<i32>} : memref<8x128xi32, #tpu.memory_space<vmem>>, vector<16xi32>,
    %add3A_621 = arith.constant 672 : i32
    %add3A_622 = vector.broadcast %add3A_621 : i32 to vector<16xi32>
    %add3A_623 = arith.addi %iota3A, %add3A_622 : vector<16xi32>
    %and3A_624 = arith.constant 511 : i32
    %and3A_625 = vector.broadcast %and3A_624 : i32 to vector<16xi32>
    %and3A_626 = arith.andi %add3A_623, %and3A_625 : vector<16xi32>
    %mul3A_627 = arith.constant 512 : i32
    %mul3A_628 = arith.muli %select_n3A, %mul3A_627 : i32
    %add3A_629 = vector.broadcast %mul3A_628 : i32 to vector<16xi32>
    %add3A_630 = arith.addi %and3A_626, %add3A_629 : vector<16xi32>
    %swap3A_631 = arith.constant 5 : i32
    %swap3A_632 = arith.index_cast %swap3A_631 : i32 to index
    %swap3A_633 = arith.constant 32 : index
    %swap3A_634 = tpu.vector_load %arg7[%swap3A_632, %swap3A_633] {strides = array<i32>} : memref<8x128xi32, #tpu.memory_space<vmem>>, vector<16xi32>,
    tpu.vector_store %arg7[%swap3A_632, %swap3A_633], %add3A_630 {strides = array<i32>} : memref<8x128xi32, #tpu.memory_space<vmem>>, vector<16xi32>,
    %add3A_635 = arith.constant 688 : i32
    %add3A_636 = vector.broadcast %add3A_635 : i32 to vector<16xi32>
    %add3A_637 = arith.addi %iota3A, %add3A_636 : vector<16xi32>
    %and3A_638 = arith.constant 511 : i32
    %and3A_639 = vector.broadcast %and3A_638 : i32 to vector<16xi32>
    %and3A_640 = arith.andi %add3A_637, %and3A_639 : vector<16xi32>
    %mul3A_641 = arith.constant 512 : i32
    %mul3A_642 = arith.muli %select_n3A, %mul3A_641 : i32
    %add3A_643 = vector.broadcast %mul3A_642 : i32 to vector<16xi32>
    %add3A_644 = arith.addi %and3A_640, %add3A_643 : vector<16xi32>
    %swap3A_645 = arith.constant 5 : i32
    %swap3A_646 = arith.index_cast %swap3A_645 : i32 to index
    %swap3A_647 = arith.constant 48 : index
    %swap3A_648 = tpu.vector_load %arg7[%swap3A_646, %swap3A_647] {strides = array<i32>} : memref<8x128xi32, #tpu.memory_space<vmem>>, vector<16xi32>,
    tpu.vector_store %arg7[%swap3A_646, %swap3A_647], %add3A_644 {strides = array<i32>} : memref<8x128xi32, #tpu.memory_space<vmem>>, vector<16xi32>,
    %add3A_649 = arith.constant 704 : i32
    %add3A_650 = vector.broadcast %add3A_649 : i32 to vector<16xi32>
    %add3A_651 = arith.addi %iota3A, %add3A_650 : vector<16xi32>
    %and3A_652 = arith.constant 511 : i32
    %and3A_653 = vector.broadcast %and3A_652 : i32 to vector<16xi32>
    %and3A_654 = arith.andi %add3A_651, %and3A_653 : vector<16xi32>
    %mul3A_655 = arith.constant 512 : i32
    %mul3A_656 = arith.muli %select_n3A, %mul3A_655 : i32
    %add3A_657 = vector.broadcast %mul3A_656 : i32 to vector<16xi32>
    %add3A_658 = arith.addi %and3A_654, %add3A_657 : vector<16xi32>
    %swap3A_659 = arith.constant 5 : i32
    %swap3A_660 = arith.index_cast %swap3A_659 : i32 to index
    %swap3A_661 = arith.constant 64 : index
    %swap3A_662 = tpu.vector_load %arg7[%swap3A_660, %swap3A_661] {strides = array<i32>} : memref<8x128xi32, #tpu.memory_space<vmem>>, vector<16xi32>,
    tpu.vector_store %arg7[%swap3A_660, %swap3A_661], %add3A_658 {strides = array<i32>} : memref<8x128xi32, #tpu.memory_space<vmem>>, vector<16xi32>,
    %add3A_663 = arith.constant 720 : i32
    %add3A_664 = vector.broadcast %add3A_663 : i32 to vector<16xi32>
    %add3A_665 = arith.addi %iota3A, %add3A_664 : vector<16xi32>
    %and3A_666 = arith.constant 511 : i32
    %and3A_667 = vector.broadcast %and3A_666 : i32 to vector<16xi32>
    %and3A_668 = arith.andi %add3A_665, %and3A_667 : vector<16xi32>
    %mul3A_669 = arith.constant 512 : i32
    %mul3A_670 = arith.muli %select_n3A, %mul3A_669 : i32
    %add3A_671 = vector.broadcast %mul3A_670 : i32 to vector<16xi32>
    %add3A_672 = arith.addi %and3A_668, %add3A_671 : vector<16xi32>
    %swap3A_673 = arith.constant 5 : i32
    %swap3A_674 = arith.index_cast %swap3A_673 : i32 to index
    %swap3A_675 = arith.constant 80 : index
    %swap3A_676 = tpu.vector_load %arg7[%swap3A_674, %swap3A_675] {strides = array<i32>} : memref<8x128xi32, #tpu.memory_space<vmem>>, vector<16xi32>,
    tpu.vector_store %arg7[%swap3A_674, %swap3A_675], %add3A_672 {strides = array<i32>} : memref<8x128xi32, #tpu.memory_space<vmem>>, vector<16xi32>,
    %add3A_677 = arith.constant 736 : i32
    %add3A_678 = vector.broadcast %add3A_677 : i32 to vector<16xi32>
    %add3A_679 = arith.addi %iota3A, %add3A_678 : vector<16xi32>
    %and3A_680 = arith.constant 511 : i32
    %and3A_681 = vector.broadcast %and3A_680 : i32 to vector<16xi32>
    %and3A_682 = arith.andi %add3A_679, %and3A_681 : vector<16xi32>
    %mul3A_683 = arith.constant 512 : i32
    %mul3A_684 = arith.muli %select_n3A, %mul3A_683 : i32
    %add3A_685 = vector.broadcast %mul3A_684 : i32 to vector<16xi32>
    %add3A_686 = arith.addi %and3A_682, %add3A_685 : vector<16xi32>
    %swap3A_687 = arith.constant 5 : i32
    %swap3A_688 = arith.index_cast %swap3A_687 : i32 to index
    %swap3A_689 = arith.constant 96 : index
    %swap3A_690 = tpu.vector_load %arg7[%swap3A_688, %swap3A_689] {strides = array<i32>} : memref<8x128xi32, #tpu.memory_space<vmem>>, vector<16xi32>,
    tpu.vector_store %arg7[%swap3A_688, %swap3A_689], %add3A_686 {strides = array<i32>} : memref<8x128xi32, #tpu.memory_space<vmem>>, vector<16xi32>,
    %add3A_691 = arith.constant 752 : i32
    %add3A_692 = vector.broadcast %add3A_691 : i32 to vector<16xi32>
    %add3A_693 = arith.addi %iota3A, %add3A_692 : vector<16xi32>
    %and3A_694 = arith.constant 511 : i32
    %and3A_695 = vector.broadcast %and3A_694 : i32 to vector<16xi32>
    %and3A_696 = arith.andi %add3A_693, %and3A_695 : vector<16xi32>
    %mul3A_697 = arith.constant 512 : i32
    %mul3A_698 = arith.muli %select_n3A, %mul3A_697 : i32
    %add3A_699 = vector.broadcast %mul3A_698 : i32 to vector<16xi32>
    %add3A_700 = arith.addi %and3A_696, %add3A_699 : vector<16xi32>
    %swap3A_701 = arith.constant 5 : i32
    %swap3A_702 = arith.index_cast %swap3A_701 : i32 to index
    %swap3A_703 = arith.constant 112 : index
    %swap3A_704 = tpu.vector_load %arg7[%swap3A_702, %swap3A_703] {strides = array<i32>} : memref<8x128xi32, #tpu.memory_space<vmem>>, vector<16xi32>,
    tpu.vector_store %arg7[%swap3A_702, %swap3A_703], %add3A_700 {strides = array<i32>} : memref<8x128xi32, #tpu.memory_space<vmem>>, vector<16xi32>,
    %add3A_705 = arith.constant 768 : i32
    %add3A_706 = vector.broadcast %add3A_705 : i32 to vector<16xi32>
    %add3A_707 = arith.addi %iota3A, %add3A_706 : vector<16xi32>
    %and3A_708 = arith.constant 511 : i32
    %and3A_709 = vector.broadcast %and3A_708 : i32 to vector<16xi32>
    %and3A_710 = arith.andi %add3A_707, %and3A_709 : vector<16xi32>
    %mul3A_711 = arith.constant 512 : i32
    %mul3A_712 = arith.muli %select_n3A, %mul3A_711 : i32
    %add3A_713 = vector.broadcast %mul3A_712 : i32 to vector<16xi32>
    %add3A_714 = arith.addi %and3A_710, %add3A_713 : vector<16xi32>
    %swap3A_715 = arith.constant 6 : i32
    %swap3A_716 = arith.index_cast %swap3A_715 : i32 to index
    %swap3A_717 = arith.constant 0 : index
    %swap3A_718 = tpu.vector_load %arg7[%swap3A_716, %swap3A_717] {strides = array<i32>} : memref<8x128xi32, #tpu.memory_space<vmem>>, vector<16xi32>,
    tpu.vector_store %arg7[%swap3A_716, %swap3A_717], %add3A_714 {strides = array<i32>} : memref<8x128xi32, #tpu.memory_space<vmem>>, vector<16xi32>,
    %add3A_719 = arith.constant 784 : i32
    %add3A_720 = vector.broadcast %add3A_719 : i32 to vector<16xi32>
    %add3A_721 = arith.addi %iota3A, %add3A_720 : vector<16xi32>
    %and3A_722 = arith.constant 511 : i32
    %and3A_723 = vector.broadcast %and3A_722 : i32 to vector<16xi32>
    %and3A_724 = arith.andi %add3A_721, %and3A_723 : vector<16xi32>
    %mul3A_725 = arith.constant 512 : i32
    %mul3A_726 = arith.muli %select_n3A, %mul3A_725 : i32
    %add3A_727 = vector.broadcast %mul3A_726 : i32 to vector<16xi32>
    %add3A_728 = arith.addi %and3A_724, %add3A_727 : vector<16xi32>
    %swap3A_729 = arith.constant 6 : i32
    %swap3A_730 = arith.index_cast %swap3A_729 : i32 to index
    %swap3A_731 = arith.constant 16 : index
    %swap3A_732 = tpu.vector_load %arg7[%swap3A_730, %swap3A_731] {strides = array<i32>} : memref<8x128xi32, #tpu.memory_space<vmem>>, vector<16xi32>,
    tpu.vector_store %arg7[%swap3A_730, %swap3A_731], %add3A_728 {strides = array<i32>} : memref<8x128xi32, #tpu.memory_space<vmem>>, vector<16xi32>,
    %add3A_733 = arith.constant 800 : i32
    %add3A_734 = vector.broadcast %add3A_733 : i32 to vector<16xi32>
    %add3A_735 = arith.addi %iota3A, %add3A_734 : vector<16xi32>
    %and3A_736 = arith.constant 511 : i32
    %and3A_737 = vector.broadcast %and3A_736 : i32 to vector<16xi32>
    %and3A_738 = arith.andi %add3A_735, %and3A_737 : vector<16xi32>
    %mul3A_739 = arith.constant 512 : i32
    %mul3A_740 = arith.muli %select_n3A, %mul3A_739 : i32
    %add3A_741 = vector.broadcast %mul3A_740 : i32 to vector<16xi32>
    %add3A_742 = arith.addi %and3A_738, %add3A_741 : vector<16xi32>
    %swap3A_743 = arith.constant 6 : i32
    %swap3A_744 = arith.index_cast %swap3A_743 : i32 to index
    %swap3A_745 = arith.constant 32 : index
    %swap3A_746 = tpu.vector_load %arg7[%swap3A_744, %swap3A_745] {strides = array<i32>} : memref<8x128xi32, #tpu.memory_space<vmem>>, vector<16xi32>,
    tpu.vector_store %arg7[%swap3A_744, %swap3A_745], %add3A_742 {strides = array<i32>} : memref<8x128xi32, #tpu.memory_space<vmem>>, vector<16xi32>,
    %add3A_747 = arith.constant 816 : i32
    %add3A_748 = vector.broadcast %add3A_747 : i32 to vector<16xi32>
    %add3A_749 = arith.addi %iota3A, %add3A_748 : vector<16xi32>
    %and3A_750 = arith.constant 511 : i32
    %and3A_751 = vector.broadcast %and3A_750 : i32 to vector<16xi32>
    %and3A_752 = arith.andi %add3A_749, %and3A_751 : vector<16xi32>
    %mul3A_753 = arith.constant 512 : i32
    %mul3A_754 = arith.muli %select_n3A, %mul3A_753 : i32
    %add3A_755 = vector.broadcast %mul3A_754 : i32 to vector<16xi32>
    %add3A_756 = arith.addi %and3A_752, %add3A_755 : vector<16xi32>
    %swap3A_757 = arith.constant 6 : i32
    %swap3A_758 = arith.index_cast %swap3A_757 : i32 to index
    %swap3A_759 = arith.constant 48 : index
    %swap3A_760 = tpu.vector_load %arg7[%swap3A_758, %swap3A_759] {strides = array<i32>} : memref<8x128xi32, #tpu.memory_space<vmem>>, vector<16xi32>,
    tpu.vector_store %arg7[%swap3A_758, %swap3A_759], %add3A_756 {strides = array<i32>} : memref<8x128xi32, #tpu.memory_space<vmem>>, vector<16xi32>,
    %add3A_761 = arith.constant 832 : i32
    %add3A_762 = vector.broadcast %add3A_761 : i32 to vector<16xi32>
    %add3A_763 = arith.addi %iota3A, %add3A_762 : vector<16xi32>
    %and3A_764 = arith.constant 511 : i32
    %and3A_765 = vector.broadcast %and3A_764 : i32 to vector<16xi32>
    %and3A_766 = arith.andi %add3A_763, %and3A_765 : vector<16xi32>
    %mul3A_767 = arith.constant 512 : i32
    %mul3A_768 = arith.muli %select_n3A, %mul3A_767 : i32
    %add3A_769 = vector.broadcast %mul3A_768 : i32 to vector<16xi32>
    %add3A_770 = arith.addi %and3A_766, %add3A_769 : vector<16xi32>
    %swap3A_771 = arith.constant 6 : i32
    %swap3A_772 = arith.index_cast %swap3A_771 : i32 to index
    %swap3A_773 = arith.constant 64 : index
    %swap3A_774 = tpu.vector_load %arg7[%swap3A_772, %swap3A_773] {strides = array<i32>} : memref<8x128xi32, #tpu.memory_space<vmem>>, vector<16xi32>,
    tpu.vector_store %arg7[%swap3A_772, %swap3A_773], %add3A_770 {strides = array<i32>} : memref<8x128xi32, #tpu.memory_space<vmem>>, vector<16xi32>,
    %add3A_775 = arith.constant 848 : i32
    %add3A_776 = vector.broadcast %add3A_775 : i32 to vector<16xi32>
    %add3A_777 = arith.addi %iota3A, %add3A_776 : vector<16xi32>
    %and3A_778 = arith.constant 511 : i32
    %and3A_779 = vector.broadcast %and3A_778 : i32 to vector<16xi32>
    %and3A_780 = arith.andi %add3A_777, %and3A_779 : vector<16xi32>
    %mul3A_781 = arith.constant 512 : i32
    %mul3A_782 = arith.muli %select_n3A, %mul3A_781 : i32
    %add3A_783 = vector.broadcast %mul3A_782 : i32 to vector<16xi32>
    %add3A_784 = arith.addi %and3A_780, %add3A_783 : vector<16xi32>
    %swap3A_785 = arith.constant 6 : i32
    %swap3A_786 = arith.index_cast %swap3A_785 : i32 to index
    %swap3A_787 = arith.constant 80 : index
    %swap3A_788 = tpu.vector_load %arg7[%swap3A_786, %swap3A_787] {strides = array<i32>} : memref<8x128xi32, #tpu.memory_space<vmem>>, vector<16xi32>,
    tpu.vector_store %arg7[%swap3A_786, %swap3A_787], %add3A_784 {strides = array<i32>} : memref<8x128xi32, #tpu.memory_space<vmem>>, vector<16xi32>,
    %add3A_789 = arith.constant 864 : i32
    %add3A_790 = vector.broadcast %add3A_789 : i32 to vector<16xi32>
    %add3A_791 = arith.addi %iota3A, %add3A_790 : vector<16xi32>
    %and3A_792 = arith.constant 511 : i32
    %and3A_793 = vector.broadcast %and3A_792 : i32 to vector<16xi32>
    %and3A_794 = arith.andi %add3A_791, %and3A_793 : vector<16xi32>
    %mul3A_795 = arith.constant 512 : i32
    %mul3A_796 = arith.muli %select_n3A, %mul3A_795 : i32
    %add3A_797 = vector.broadcast %mul3A_796 : i32 to vector<16xi32>
    %add3A_798 = arith.addi %and3A_794, %add3A_797 : vector<16xi32>
    %swap3A_799 = arith.constant 6 : i32
    %swap3A_800 = arith.index_cast %swap3A_799 : i32 to index
    %swap3A_801 = arith.constant 96 : index
    %swap3A_802 = tpu.vector_load %arg7[%swap3A_800, %swap3A_801] {strides = array<i32>} : memref<8x128xi32, #tpu.memory_space<vmem>>, vector<16xi32>,
    tpu.vector_store %arg7[%swap3A_800, %swap3A_801], %add3A_798 {strides = array<i32>} : memref<8x128xi32, #tpu.memory_space<vmem>>, vector<16xi32>,
    %add3A_803 = arith.constant 880 : i32
    %add3A_804 = vector.broadcast %add3A_803 : i32 to vector<16xi32>
    %add3A_805 = arith.addi %iota3A, %add3A_804 : vector<16xi32>
    %and3A_806 = arith.constant 511 : i32
    %and3A_807 = vector.broadcast %and3A_806 : i32 to vector<16xi32>
    %and3A_808 = arith.andi %add3A_805, %and3A_807 : vector<16xi32>
    %mul3A_809 = arith.constant 512 : i32
    %mul3A_810 = arith.muli %select_n3A, %mul3A_809 : i32
    %add3A_811 = vector.broadcast %mul3A_810 : i32 to vector<16xi32>
    %add3A_812 = arith.addi %and3A_808, %add3A_811 : vector<16xi32>
    %swap3A_813 = arith.constant 6 : i32
    %swap3A_814 = arith.index_cast %swap3A_813 : i32 to index
    %swap3A_815 = arith.constant 112 : index
    %swap3A_816 = tpu.vector_load %arg7[%swap3A_814, %swap3A_815] {strides = array<i32>} : memref<8x128xi32, #tpu.memory_space<vmem>>, vector<16xi32>,
    tpu.vector_store %arg7[%swap3A_814, %swap3A_815], %add3A_812 {strides = array<i32>} : memref<8x128xi32, #tpu.memory_space<vmem>>, vector<16xi32>,
    %add3A_817 = arith.constant 896 : i32
    %add3A_818 = vector.broadcast %add3A_817 : i32 to vector<16xi32>
    %add3A_819 = arith.addi %iota3A, %add3A_818 : vector<16xi32>
    %and3A_820 = arith.constant 511 : i32
    %and3A_821 = vector.broadcast %and3A_820 : i32 to vector<16xi32>
    %and3A_822 = arith.andi %add3A_819, %and3A_821 : vector<16xi32>
    %mul3A_823 = arith.constant 512 : i32
    %mul3A_824 = arith.muli %select_n3A, %mul3A_823 : i32
    %add3A_825 = vector.broadcast %mul3A_824 : i32 to vector<16xi32>
    %add3A_826 = arith.addi %and3A_822, %add3A_825 : vector<16xi32>
    %swap3A_827 = arith.constant 7 : i32
    %swap3A_828 = arith.index_cast %swap3A_827 : i32 to index
    %swap3A_829 = arith.constant 0 : index
    %swap3A_830 = tpu.vector_load %arg7[%swap3A_828, %swap3A_829] {strides = array<i32>} : memref<8x128xi32, #tpu.memory_space<vmem>>, vector<16xi32>,
    tpu.vector_store %arg7[%swap3A_828, %swap3A_829], %add3A_826 {strides = array<i32>} : memref<8x128xi32, #tpu.memory_space<vmem>>, vector<16xi32>,
    %add3A_831 = arith.constant 912 : i32
    %add3A_832 = vector.broadcast %add3A_831 : i32 to vector<16xi32>
    %add3A_833 = arith.addi %iota3A, %add3A_832 : vector<16xi32>
    %and3A_834 = arith.constant 511 : i32
    %and3A_835 = vector.broadcast %and3A_834 : i32 to vector<16xi32>
    %and3A_836 = arith.andi %add3A_833, %and3A_835 : vector<16xi32>
    %mul3A_837 = arith.constant 512 : i32
    %mul3A_838 = arith.muli %select_n3A, %mul3A_837 : i32
    %add3A_839 = vector.broadcast %mul3A_838 : i32 to vector<16xi32>
    %add3A_840 = arith.addi %and3A_836, %add3A_839 : vector<16xi32>
    %swap3A_841 = arith.constant 7 : i32
    %swap3A_842 = arith.index_cast %swap3A_841 : i32 to index
    %swap3A_843 = arith.constant 16 : index
    %swap3A_844 = tpu.vector_load %arg7[%swap3A_842, %swap3A_843] {strides = array<i32>} : memref<8x128xi32, #tpu.memory_space<vmem>>, vector<16xi32>,
    tpu.vector_store %arg7[%swap3A_842, %swap3A_843], %add3A_840 {strides = array<i32>} : memref<8x128xi32, #tpu.memory_space<vmem>>, vector<16xi32>,
    %add3A_845 = arith.constant 928 : i32
    %add3A_846 = vector.broadcast %add3A_845 : i32 to vector<16xi32>
    %add3A_847 = arith.addi %iota3A, %add3A_846 : vector<16xi32>
    %and3A_848 = arith.constant 511 : i32
    %and3A_849 = vector.broadcast %and3A_848 : i32 to vector<16xi32>
    %and3A_850 = arith.andi %add3A_847, %and3A_849 : vector<16xi32>
    %mul3A_851 = arith.constant 512 : i32
    %mul3A_852 = arith.muli %select_n3A, %mul3A_851 : i32
    %add3A_853 = vector.broadcast %mul3A_852 : i32 to vector<16xi32>
    %add3A_854 = arith.addi %and3A_850, %add3A_853 : vector<16xi32>
    %swap3A_855 = arith.constant 7 : i32
    %swap3A_856 = arith.index_cast %swap3A_855 : i32 to index
    %swap3A_857 = arith.constant 32 : index
    %swap3A_858 = tpu.vector_load %arg7[%swap3A_856, %swap3A_857] {strides = array<i32>} : memref<8x128xi32, #tpu.memory_space<vmem>>, vector<16xi32>,
    tpu.vector_store %arg7[%swap3A_856, %swap3A_857], %add3A_854 {strides = array<i32>} : memref<8x128xi32, #tpu.memory_space<vmem>>, vector<16xi32>,
    %add3A_859 = arith.constant 944 : i32
    %add3A_860 = vector.broadcast %add3A_859 : i32 to vector<16xi32>
    %add3A_861 = arith.addi %iota3A, %add3A_860 : vector<16xi32>
    %and3A_862 = arith.constant 511 : i32
    %and3A_863 = vector.broadcast %and3A_862 : i32 to vector<16xi32>
    %and3A_864 = arith.andi %add3A_861, %and3A_863 : vector<16xi32>
    %mul3A_865 = arith.constant 512 : i32
    %mul3A_866 = arith.muli %select_n3A, %mul3A_865 : i32
    %add3A_867 = vector.broadcast %mul3A_866 : i32 to vector<16xi32>
    %add3A_868 = arith.addi %and3A_864, %add3A_867 : vector<16xi32>
    %swap3A_869 = arith.constant 7 : i32
    %swap3A_870 = arith.index_cast %swap3A_869 : i32 to index
    %swap3A_871 = arith.constant 48 : index
    %swap3A_872 = tpu.vector_load %arg7[%swap3A_870, %swap3A_871] {strides = array<i32>} : memref<8x128xi32, #tpu.memory_space<vmem>>, vector<16xi32>,
    tpu.vector_store %arg7[%swap3A_870, %swap3A_871], %add3A_868 {strides = array<i32>} : memref<8x128xi32, #tpu.memory_space<vmem>>, vector<16xi32>,
    %add3A_873 = arith.constant 960 : i32
    %add3A_874 = vector.broadcast %add3A_873 : i32 to vector<16xi32>
    %add3A_875 = arith.addi %iota3A, %add3A_874 : vector<16xi32>
    %and3A_876 = arith.constant 511 : i32
    %and3A_877 = vector.broadcast %and3A_876 : i32 to vector<16xi32>
    %and3A_878 = arith.andi %add3A_875, %and3A_877 : vector<16xi32>
    %mul3A_879 = arith.constant 512 : i32
    %mul3A_880 = arith.muli %select_n3A, %mul3A_879 : i32
    %add3A_881 = vector.broadcast %mul3A_880 : i32 to vector<16xi32>
    %add3A_882 = arith.addi %and3A_878, %add3A_881 : vector<16xi32>
    %swap3A_883 = arith.constant 7 : i32
    %swap3A_884 = arith.index_cast %swap3A_883 : i32 to index
    %swap3A_885 = arith.constant 64 : index
    %swap3A_886 = tpu.vector_load %arg7[%swap3A_884, %swap3A_885] {strides = array<i32>} : memref<8x128xi32, #tpu.memory_space<vmem>>, vector<16xi32>,
    tpu.vector_store %arg7[%swap3A_884, %swap3A_885], %add3A_882 {strides = array<i32>} : memref<8x128xi32, #tpu.memory_space<vmem>>, vector<16xi32>,
    %add3A_887 = arith.constant 976 : i32
    %add3A_888 = vector.broadcast %add3A_887 : i32 to vector<16xi32>
    %add3A_889 = arith.addi %iota3A, %add3A_888 : vector<16xi32>
    %and3A_890 = arith.constant 511 : i32
    %and3A_891 = vector.broadcast %and3A_890 : i32 to vector<16xi32>
    %and3A_892 = arith.andi %add3A_889, %and3A_891 : vector<16xi32>
    %mul3A_893 = arith.constant 512 : i32
    %mul3A_894 = arith.muli %select_n3A, %mul3A_893 : i32
    %add3A_895 = vector.broadcast %mul3A_894 : i32 to vector<16xi32>
    %add3A_896 = arith.addi %and3A_892, %add3A_895 : vector<16xi32>
    %swap3A_897 = arith.constant 7 : i32
    %swap3A_898 = arith.index_cast %swap3A_897 : i32 to index
    %swap3A_899 = arith.constant 80 : index
    %swap3A_900 = tpu.vector_load %arg7[%swap3A_898, %swap3A_899] {strides = array<i32>} : memref<8x128xi32, #tpu.memory_space<vmem>>, vector<16xi32>,
    tpu.vector_store %arg7[%swap3A_898, %swap3A_899], %add3A_896 {strides = array<i32>} : memref<8x128xi32, #tpu.memory_space<vmem>>, vector<16xi32>,
    %add3A_901 = arith.constant 992 : i32
    %add3A_902 = vector.broadcast %add3A_901 : i32 to vector<16xi32>
    %add3A_903 = arith.addi %iota3A, %add3A_902 : vector<16xi32>
    %and3A_904 = arith.constant 511 : i32
    %and3A_905 = vector.broadcast %and3A_904 : i32 to vector<16xi32>
    %and3A_906 = arith.andi %add3A_903, %and3A_905 : vector<16xi32>
    %mul3A_907 = arith.constant 512 : i32
    %mul3A_908 = arith.muli %select_n3A, %mul3A_907 : i32
    %add3A_909 = vector.broadcast %mul3A_908 : i32 to vector<16xi32>
    %add3A_910 = arith.addi %and3A_906, %add3A_909 : vector<16xi32>
    %swap3A_911 = arith.constant 7 : i32
    %swap3A_912 = arith.index_cast %swap3A_911 : i32 to index
    %swap3A_913 = arith.constant 96 : index
    %swap3A_914 = tpu.vector_load %arg7[%swap3A_912, %swap3A_913] {strides = array<i32>} : memref<8x128xi32, #tpu.memory_space<vmem>>, vector<16xi32>,
    tpu.vector_store %arg7[%swap3A_912, %swap3A_913], %add3A_910 {strides = array<i32>} : memref<8x128xi32, #tpu.memory_space<vmem>>, vector<16xi32>,
    %add3A_915 = arith.constant 1008 : i32
    %add3A_916 = vector.broadcast %add3A_915 : i32 to vector<16xi32>
    %add3A_917 = arith.addi %iota3A, %add3A_916 : vector<16xi32>
    %and3A_918 = arith.constant 511 : i32
    %and3A_919 = vector.broadcast %and3A_918 : i32 to vector<16xi32>
    %and3A_920 = arith.andi %add3A_917, %and3A_919 : vector<16xi32>
    %mul3A_921 = arith.constant 512 : i32
    %mul3A_922 = arith.muli %select_n3A, %mul3A_921 : i32
    %add3A_923 = vector.broadcast %mul3A_922 : i32 to vector<16xi32>
    %add3A_924 = arith.addi %and3A_920, %add3A_923 : vector<16xi32>
    %swap3A_925 = arith.constant 7 : i32
    %swap3A_926 = arith.index_cast %swap3A_925 : i32 to index
    %swap3A_927 = arith.constant 112 : index
    %swap3A_928 = tpu.vector_load %arg7[%swap3A_926, %swap3A_927] {strides = array<i32>} : memref<8x128xi32, #tpu.memory_space<vmem>>, vector<16xi32>,
    tpu.vector_store %arg7[%swap3A_926, %swap3A_927], %add3A_924 {strides = array<i32>} : memref<8x128xi32, #tpu.memory_space<vmem>>, vector<16xi32>,
    %broadcast_in_dim3A = arith.constant 0.000000e+00 : f32
    %broadcast_in_dim3A_929 = vector.broadcast %broadcast_in_dim3A : f32 to vector<16xf32>
    %scan3A = arith.constant 0 : i32
    %scan3A_930 = arith.constant 0 : i32
    %scan3A_931 = arith.constant 32 : i32
    %scan3A_932 = arith.addi %scan3A_930, %scan3A_931 : i32
    %scan3A_933 = arith.constant 1 : i32
    %scan3A_934 = scf.for %scan3A_1126 = %scan3A_930 to %scan3A_932 step %scan3A_933 iter_args(%scan3A_1127 = %scan3A) -> (i32)  : i32 {
      %mul3A_1128 = arith.constant 16 : i32
      %mul3A_1129 = arith.muli %scan3A_1126, %mul3A_1128 : i32
      %get3A_1130 = arith.index_cast %mul3A_1129 : i32 to index
      %get3A_1131 = tpu.vector_load %arg6[%get3A_1130] {strides = array<i32>} : memref<512xi32, #tpu.memory_space<vmem>>, vector<16xi32>,
      %broadcast_in_dim3A_1132 = arith.constant true
      %broadcast_in_dim3A_1133 = vector.broadcast %broadcast_in_dim3A_1132 : i1 to vector<16xi1>
      %masked_cumsum3A = tpu.scan <sum>, %get3A_1131 masked %broadcast_in_dim3A_1133 : vector<16xi32>, vector<16xi1> -> vector<16xi32>
      %add3A_1134 = vector.broadcast %scan3A_1127 : i32 to vector<16xi32>
      %add3A_1135 = arith.addi %masked_cumsum3A, %add3A_1134 : vector<16xi32>
      %sub3A_1136 = arith.subi %add3A_1135, %get3A_1131 : vector<16xi32>
      %mul3A_1137 = arith.constant 16 : i32
      %mul3A_1138 = arith.muli %scan3A_1126, %mul3A_1137 : i32
      %mul3A_1139 = arith.constant 512 : i32
      %mul3A_1140 = arith.muli %select_n3A, %mul3A_1139 : i32
      %add3A_1141 = arith.addi %mul3A_1138, %mul3A_1140 : i32
      %add3A_1142 = vector.broadcast %add3A_1141 : i32 to vector<16xi32>
      %add3A_1143 = arith.addi %iota3A, %add3A_1142 : vector<16xi32>
      %add3A_1144 = arith.constant 0 : i32
      %add3A_1145 = vector.broadcast %add3A_1144 : i32 to vector<16xi32>
      %add3A_1146 = arith.addi %sub3A_1136, %add3A_1145 : vector<16xi32>
      %sub3A_1147 = vector.broadcast %mul3A_33 : i32 to vector<16xi32>
      %sub3A_1148 = arith.subi %add3A_1146, %sub3A_1147 : vector<16xi32>
      %bitcast3A = vector.bitcast %sub3A_1148 : vector<16xi32> to vector<16xi32>
      %lt3A_1149 = arith.constant 1024 : i32
      %lt3A_1150 = vector.broadcast %lt3A_1149 : i32 to vector<16xi32>
      %lt3A_1151 = arith.cmpi ult, %bitcast3A, %lt3A_1150 : vector<16xi32>
      %gt3A_1152 = arith.constant 0 : i32
      %gt3A_1153 = vector.broadcast %gt3A_1152 : i32 to vector<16xi32>
      %gt3A_1154 = arith.cmpi sgt, %get3A_1131, %gt3A_1153 : vector<16xi32>
      %and3A_1155 = arith.andi %gt3A_1154, %lt3A_1151 : vector<16xi1>
      %and3A_1156 = arith.constant 1023 : i32
      %and3A_1157 = vector.broadcast %and3A_1156 : i32 to vector<16xi32>
      %and3A_1158 = arith.andi %sub3A_1148, %and3A_1157 : vector<16xi32>
      %shift_right_logical3A = arith.constant 7 : i32
      %shift_right_logical3A_1159 = vector.broadcast %shift_right_logical3A : i32 to vector<16xi32>
      %shift_right_logical3A_1160 = arith.shrui %and3A_1158, %shift_right_logical3A_1159 : vector<16xi32>
      %and3A_1161 = arith.constant 127 : i32
      %and3A_1162 = vector.broadcast %and3A_1161 : i32 to vector<16xi32>
      %and3A_1163 = arith.andi %and3A_1158, %and3A_1162 : vector<16xi32>
      tpu.vector_store_idx %arg7[%shift_right_logical3A_1160, %and3A_1163], %add3A_1143 masked %and3A_1155 : memref<8x128xi32, #tpu.memory_space<vmem>>[vector<16xi32>, vector<16xi32>], vector<16xi32>, vector<16xi1>
      %add3A_1164 = arith.constant 1 : i32
      %add3A_1165 = vector.broadcast %add3A_1164 : i32 to vector<16xi32>
      %add3A_1166 = arith.addi %sub3A_1136, %add3A_1165 : vector<16xi32>
      %sub3A_1167 = vector.broadcast %mul3A_33 : i32 to vector<16xi32>
      %sub3A_1168 = arith.subi %add3A_1166, %sub3A_1167 : vector<16xi32>
      %bitcast3A_1169 = vector.bitcast %sub3A_1168 : vector<16xi32> to vector<16xi32>
      %lt3A_1170 = arith.constant 1024 : i32
      %lt3A_1171 = vector.broadcast %lt3A_1170 : i32 to vector<16xi32>
      %lt3A_1172 = arith.cmpi ult, %bitcast3A_1169, %lt3A_1171 : vector<16xi32>
      %gt3A_1173 = arith.constant 1 : i32
      %gt3A_1174 = vector.broadcast %gt3A_1173 : i32 to vector<16xi32>
      %gt3A_1175 = arith.cmpi sgt, %get3A_1131, %gt3A_1174 : vector<16xi32>
      %and3A_1176 = arith.andi %gt3A_1175, %lt3A_1172 : vector<16xi1>
      %and3A_1177 = arith.constant 1023 : i32
      %and3A_1178 = vector.broadcast %and3A_1177 : i32 to vector<16xi32>
      %and3A_1179 = arith.andi %sub3A_1168, %and3A_1178 : vector<16xi32>
      %shift_right_logical3A_1180 = arith.constant 7 : i32
      %shift_right_logical3A_1181 = vector.broadcast %shift_right_logical3A_1180 : i32 to vector<16xi32>
      %shift_right_logical3A_1182 = arith.shrui %and3A_1179, %shift_right_logical3A_1181 : vector<16xi32>
      %and3A_1183 = arith.constant 127 : i32
      %and3A_1184 = vector.broadcast %and3A_1183 : i32 to vector<16xi32>
      %and3A_1185 = arith.andi %and3A_1179, %and3A_1184 : vector<16xi32>
      tpu.vector_store_idx %arg7[%shift_right_logical3A_1182, %and3A_1185], %add3A_1143 masked %and3A_1176 : memref<8x128xi32, #tpu.memory_space<vmem>>[vector<16xi32>, vector<16xi32>], vector<16xi32>, vector<16xi1>
      %add3A_1186 = arith.constant 2 : i32
      %add3A_1187 = vector.broadcast %add3A_1186 : i32 to vector<16xi32>
      %add3A_1188 = arith.addi %sub3A_1136, %add3A_1187 : vector<16xi32>
      %sub3A_1189 = vector.broadcast %mul3A_33 : i32 to vector<16xi32>
      %sub3A_1190 = arith.subi %add3A_1188, %sub3A_1189 : vector<16xi32>
      %bitcast3A_1191 = vector.bitcast %sub3A_1190 : vector<16xi32> to vector<16xi32>
      %lt3A_1192 = arith.constant 1024 : i32
      %lt3A_1193 = vector.broadcast %lt3A_1192 : i32 to vector<16xi32>
      %lt3A_1194 = arith.cmpi ult, %bitcast3A_1191, %lt3A_1193 : vector<16xi32>
      %gt3A_1195 = arith.constant 2 : i32
      %gt3A_1196 = vector.broadcast %gt3A_1195 : i32 to vector<16xi32>
      %gt3A_1197 = arith.cmpi sgt, %get3A_1131, %gt3A_1196 : vector<16xi32>
      %and3A_1198 = arith.andi %gt3A_1197, %lt3A_1194 : vector<16xi1>
      %and3A_1199 = arith.constant 1023 : i32
      %and3A_1200 = vector.broadcast %and3A_1199 : i32 to vector<16xi32>
      %and3A_1201 = arith.andi %sub3A_1190, %and3A_1200 : vector<16xi32>
      %shift_right_logical3A_1202 = arith.constant 7 : i32
      %shift_right_logical3A_1203 = vector.broadcast %shift_right_logical3A_1202 : i32 to vector<16xi32>
      %shift_right_logical3A_1204 = arith.shrui %and3A_1201, %shift_right_logical3A_1203 : vector<16xi32>
      %and3A_1205 = arith.constant 127 : i32
      %and3A_1206 = vector.broadcast %and3A_1205 : i32 to vector<16xi32>
      %and3A_1207 = arith.andi %and3A_1201, %and3A_1206 : vector<16xi32>
      tpu.vector_store_idx %arg7[%shift_right_logical3A_1204, %and3A_1207], %add3A_1143 masked %and3A_1198 : memref<8x128xi32, #tpu.memory_space<vmem>>[vector<16xi32>, vector<16xi32>], vector<16xi32>, vector<16xi1>
      %add3A_1208 = arith.constant 3 : i32
      %add3A_1209 = vector.broadcast %add3A_1208 : i32 to vector<16xi32>
      %add3A_1210 = arith.addi %sub3A_1136, %add3A_1209 : vector<16xi32>
      %sub3A_1211 = vector.broadcast %mul3A_33 : i32 to vector<16xi32>
      %sub3A_1212 = arith.subi %add3A_1210, %sub3A_1211 : vector<16xi32>
      %bitcast3A_1213 = vector.bitcast %sub3A_1212 : vector<16xi32> to vector<16xi32>
      %lt3A_1214 = arith.constant 1024 : i32
      %lt3A_1215 = vector.broadcast %lt3A_1214 : i32 to vector<16xi32>
      %lt3A_1216 = arith.cmpi ult, %bitcast3A_1213, %lt3A_1215 : vector<16xi32>
      %gt3A_1217 = arith.constant 3 : i32
      %gt3A_1218 = vector.broadcast %gt3A_1217 : i32 to vector<16xi32>
      %gt3A_1219 = arith.cmpi sgt, %get3A_1131, %gt3A_1218 : vector<16xi32>
      %and3A_1220 = arith.andi %gt3A_1219, %lt3A_1216 : vector<16xi1>
      %and3A_1221 = arith.constant 1023 : i32
      %and3A_1222 = vector.broadcast %and3A_1221 : i32 to vector<16xi32>
      %and3A_1223 = arith.andi %sub3A_1212, %and3A_1222 : vector<16xi32>
      %shift_right_logical3A_1224 = arith.constant 7 : i32
      %shift_right_logical3A_1225 = vector.broadcast %shift_right_logical3A_1224 : i32 to vector<16xi32>
      %shift_right_logical3A_1226 = arith.shrui %and3A_1223, %shift_right_logical3A_1225 : vector<16xi32>
      %and3A_1227 = arith.constant 127 : i32
      %and3A_1228 = vector.broadcast %and3A_1227 : i32 to vector<16xi32>
      %and3A_1229 = arith.andi %and3A_1223, %and3A_1228 : vector<16xi32>
      tpu.vector_store_idx %arg7[%shift_right_logical3A_1226, %and3A_1229], %add3A_1143 masked %and3A_1220 : memref<8x128xi32, #tpu.memory_space<vmem>>[vector<16xi32>, vector<16xi32>], vector<16xi32>, vector<16xi1>
      %add3A_1230 = arith.constant 4 : i32
      %add3A_1231 = vector.broadcast %add3A_1230 : i32 to vector<16xi32>
      %add3A_1232 = arith.addi %sub3A_1136, %add3A_1231 : vector<16xi32>
      %sub3A_1233 = vector.broadcast %mul3A_33 : i32 to vector<16xi32>
      %sub3A_1234 = arith.subi %add3A_1232, %sub3A_1233 : vector<16xi32>
      %bitcast3A_1235 = vector.bitcast %sub3A_1234 : vector<16xi32> to vector<16xi32>
      %lt3A_1236 = arith.constant 1024 : i32
      %lt3A_1237 = vector.broadcast %lt3A_1236 : i32 to vector<16xi32>
      %lt3A_1238 = arith.cmpi ult, %bitcast3A_1235, %lt3A_1237 : vector<16xi32>
      %gt3A_1239 = arith.constant 4 : i32
      %gt3A_1240 = vector.broadcast %gt3A_1239 : i32 to vector<16xi32>
      %gt3A_1241 = arith.cmpi sgt, %get3A_1131, %gt3A_1240 : vector<16xi32>
      %and3A_1242 = arith.andi %gt3A_1241, %lt3A_1238 : vector<16xi1>
      %and3A_1243 = arith.constant 1023 : i32
      %and3A_1244 = vector.broadcast %and3A_1243 : i32 to vector<16xi32>
      %and3A_1245 = arith.andi %sub3A_1234, %and3A_1244 : vector<16xi32>
      %shift_right_logical3A_1246 = arith.constant 7 : i32
      %shift_right_logical3A_1247 = vector.broadcast %shift_right_logical3A_1246 : i32 to vector<16xi32>
      %shift_right_logical3A_1248 = arith.shrui %and3A_1245, %shift_right_logical3A_1247 : vector<16xi32>
      %and3A_1249 = arith.constant 127 : i32
      %and3A_1250 = vector.broadcast %and3A_1249 : i32 to vector<16xi32>
      %and3A_1251 = arith.andi %and3A_1245, %and3A_1250 : vector<16xi32>
      tpu.vector_store_idx %arg7[%shift_right_logical3A_1248, %and3A_1251], %add3A_1143 masked %and3A_1242 : memref<8x128xi32, #tpu.memory_space<vmem>>[vector<16xi32>, vector<16xi32>], vector<16xi32>, vector<16xi1>
      %add3A_1252 = arith.constant 5 : i32
      %add3A_1253 = vector.broadcast %add3A_1252 : i32 to vector<16xi32>
      %add3A_1254 = arith.addi %sub3A_1136, %add3A_1253 : vector<16xi32>
      %sub3A_1255 = vector.broadcast %mul3A_33 : i32 to vector<16xi32>
      %sub3A_1256 = arith.subi %add3A_1254, %sub3A_1255 : vector<16xi32>
      %bitcast3A_1257 = vector.bitcast %sub3A_1256 : vector<16xi32> to vector<16xi32>
      %lt3A_1258 = arith.constant 1024 : i32
      %lt3A_1259 = vector.broadcast %lt3A_1258 : i32 to vector<16xi32>
      %lt3A_1260 = arith.cmpi ult, %bitcast3A_1257, %lt3A_1259 : vector<16xi32>
      %gt3A_1261 = arith.constant 5 : i32
      %gt3A_1262 = vector.broadcast %gt3A_1261 : i32 to vector<16xi32>
      %gt3A_1263 = arith.cmpi sgt, %get3A_1131, %gt3A_1262 : vector<16xi32>
      %and3A_1264 = arith.andi %gt3A_1263, %lt3A_1260 : vector<16xi1>
      %and3A_1265 = arith.constant 1023 : i32
      %and3A_1266 = vector.broadcast %and3A_1265 : i32 to vector<16xi32>
      %and3A_1267 = arith.andi %sub3A_1256, %and3A_1266 : vector<16xi32>
      %shift_right_logical3A_1268 = arith.constant 7 : i32
      %shift_right_logical3A_1269 = vector.broadcast %shift_right_logical3A_1268 : i32 to vector<16xi32>
      %shift_right_logical3A_1270 = arith.shrui %and3A_1267, %shift_right_logical3A_1269 : vector<16xi32>
      %and3A_1271 = arith.constant 127 : i32
      %and3A_1272 = vector.broadcast %and3A_1271 : i32 to vector<16xi32>
      %and3A_1273 = arith.andi %and3A_1267, %and3A_1272 : vector<16xi32>
      tpu.vector_store_idx %arg7[%shift_right_logical3A_1270, %and3A_1273], %add3A_1143 masked %and3A_1264 : memref<8x128xi32, #tpu.memory_space<vmem>>[vector<16xi32>, vector<16xi32>], vector<16xi32>, vector<16xi1>
      %add3A_1274 = arith.constant 6 : i32
      %add3A_1275 = vector.broadcast %add3A_1274 : i32 to vector<16xi32>
      %add3A_1276 = arith.addi %sub3A_1136, %add3A_1275 : vector<16xi32>
      %sub3A_1277 = vector.broadcast %mul3A_33 : i32 to vector<16xi32>
      %sub3A_1278 = arith.subi %add3A_1276, %sub3A_1277 : vector<16xi32>
      %bitcast3A_1279 = vector.bitcast %sub3A_1278 : vector<16xi32> to vector<16xi32>
      %lt3A_1280 = arith.constant 1024 : i32
      %lt3A_1281 = vector.broadcast %lt3A_1280 : i32 to vector<16xi32>
      %lt3A_1282 = arith.cmpi ult, %bitcast3A_1279, %lt3A_1281 : vector<16xi32>
      %gt3A_1283 = arith.constant 6 : i32
      %gt3A_1284 = vector.broadcast %gt3A_1283 : i32 to vector<16xi32>
      %gt3A_1285 = arith.cmpi sgt, %get3A_1131, %gt3A_1284 : vector<16xi32>
      %and3A_1286 = arith.andi %gt3A_1285, %lt3A_1282 : vector<16xi1>
      %and3A_1287 = arith.constant 1023 : i32
      %and3A_1288 = vector.broadcast %and3A_1287 : i32 to vector<16xi32>
      %and3A_1289 = arith.andi %sub3A_1278, %and3A_1288 : vector<16xi32>
      %shift_right_logical3A_1290 = arith.constant 7 : i32
      %shift_right_logical3A_1291 = vector.broadcast %shift_right_logical3A_1290 : i32 to vector<16xi32>
      %shift_right_logical3A_1292 = arith.shrui %and3A_1289, %shift_right_logical3A_1291 : vector<16xi32>
      %and3A_1293 = arith.constant 127 : i32
      %and3A_1294 = vector.broadcast %and3A_1293 : i32 to vector<16xi32>
      %and3A_1295 = arith.andi %and3A_1289, %and3A_1294 : vector<16xi32>
      tpu.vector_store_idx %arg7[%shift_right_logical3A_1292, %and3A_1295], %add3A_1143 masked %and3A_1286 : memref<8x128xi32, #tpu.memory_space<vmem>>[vector<16xi32>, vector<16xi32>], vector<16xi32>, vector<16xi1>
      %add3A_1296 = arith.constant 7 : i32
      %add3A_1297 = vector.broadcast %add3A_1296 : i32 to vector<16xi32>
      %add3A_1298 = arith.addi %sub3A_1136, %add3A_1297 : vector<16xi32>
      %sub3A_1299 = vector.broadcast %mul3A_33 : i32 to vector<16xi32>
      %sub3A_1300 = arith.subi %add3A_1298, %sub3A_1299 : vector<16xi32>
      %bitcast3A_1301 = vector.bitcast %sub3A_1300 : vector<16xi32> to vector<16xi32>
      %lt3A_1302 = arith.constant 1024 : i32
      %lt3A_1303 = vector.broadcast %lt3A_1302 : i32 to vector<16xi32>
      %lt3A_1304 = arith.cmpi ult, %bitcast3A_1301, %lt3A_1303 : vector<16xi32>
      %gt3A_1305 = arith.constant 7 : i32
      %gt3A_1306 = vector.broadcast %gt3A_1305 : i32 to vector<16xi32>
      %gt3A_1307 = arith.cmpi sgt, %get3A_1131, %gt3A_1306 : vector<16xi32>
      %and3A_1308 = arith.andi %gt3A_1307, %lt3A_1304 : vector<16xi1>
      %and3A_1309 = arith.constant 1023 : i32
      %and3A_1310 = vector.broadcast %and3A_1309 : i32 to vector<16xi32>
      %and3A_1311 = arith.andi %sub3A_1300, %and3A_1310 : vector<16xi32>
      %shift_right_logical3A_1312 = arith.constant 7 : i32
      %shift_right_logical3A_1313 = vector.broadcast %shift_right_logical3A_1312 : i32 to vector<16xi32>
      %shift_right_logical3A_1314 = arith.shrui %and3A_1311, %shift_right_logical3A_1313 : vector<16xi32>
      %and3A_1315 = arith.constant 127 : i32
      %and3A_1316 = vector.broadcast %and3A_1315 : i32 to vector<16xi32>
      %and3A_1317 = arith.andi %and3A_1311, %and3A_1316 : vector<16xi32>
      tpu.vector_store_idx %arg7[%shift_right_logical3A_1314, %and3A_1317], %add3A_1143 masked %and3A_1308 : memref<8x128xi32, #tpu.memory_space<vmem>>[vector<16xi32>, vector<16xi32>], vector<16xi32>, vector<16xi1>
      %slice3A_1318 = vector.extract_strided_slice %add3A_1135 {offsets = [15], sizes = [1], strides = [1]} : vector<16xi32> to vector<1xi32>
      %squeeze3A_1319 = vector.extract %slice3A_1318[0] : i32 from vector<1xi32>
      scf.yield %squeeze3A_1319 : i32
    }
    %scan3A_935 = arith.constant 32 : i32
    %min3A = arith.minsi %scan3A_934, %squeeze3A : i32
    %sub3A_936 = arith.subi %min3A, %mul3A_33 : i32
    %jit3A_937 = arith.constant 0 : i32
    %jit3A_938 = arith.constant 1024 : i32
    %max3A = arith.maxsi %jit3A_937, %sub3A_936 : i32
    %min3A_939 = arith.minsi %jit3A_938, %max3A : i32
    %lt3A_940 = arith.constant 1024 : i32
    %lt3A_941 = arith.cmpi slt, %min3A_939, %lt3A_940 : i32
    %convert_element_type3A = arith.extui %lt3A_941 : i1 to i32
    %cond3A = arith.constant 0 : i32
    %cond3A_942 = arith.cmpi ne, %convert_element_type3A, %cond3A : i32
    scf.if %cond3A_942 {
      %scan3A_1126 = arith.constant 0 : i32
      %scan3A_1127 = arith.constant 0 : i32
      %scan3A_1128 = arith.constant 128 : i32
      %scan3A_1129 = arith.addi %scan3A_1127, %scan3A_1128 : i32
      %scan3A_1130 = arith.constant 1 : i32
      %scan3A_1131 = scf.for %scan3A_1133 = %scan3A_1127 to %scan3A_1129 step %scan3A_1130 iter_args(%scan3A_1134 = %scan3A_1126) -> (i32)  : i32 {
        %swap3A_1135 = arith.index_cast %scan3A_1133 : i32 to index
        %swap3A_1136 = arith.constant 0 : index
        %swap3A_1137 = tpu.vector_load %arg10[%swap3A_1135, %swap3A_1136] {strides = array<i32>} : memref<128x256xf32, #tpu.memory_space<vmem>>, vector<16xf32>,
        tpu.vector_store %arg10[%swap3A_1135, %swap3A_1136], %broadcast_in_dim3A_929 {strides = array<i32>} : memref<128x256xf32, #tpu.memory_space<vmem>>, vector<16xf32>,
        %swap3A_1138 = arith.index_cast %scan3A_1133 : i32 to index
        %swap3A_1139 = arith.constant 16 : index
        %swap3A_1140 = tpu.vector_load %arg10[%swap3A_1138, %swap3A_1139] {strides = array<i32>} : memref<128x256xf32, #tpu.memory_space<vmem>>, vector<16xf32>,
        tpu.vector_store %arg10[%swap3A_1138, %swap3A_1139], %broadcast_in_dim3A_929 {strides = array<i32>} : memref<128x256xf32, #tpu.memory_space<vmem>>, vector<16xf32>,
        %swap3A_1141 = arith.index_cast %scan3A_1133 : i32 to index
        %swap3A_1142 = arith.constant 32 : index
        %swap3A_1143 = tpu.vector_load %arg10[%swap3A_1141, %swap3A_1142] {strides = array<i32>} : memref<128x256xf32, #tpu.memory_space<vmem>>, vector<16xf32>,
        tpu.vector_store %arg10[%swap3A_1141, %swap3A_1142], %broadcast_in_dim3A_929 {strides = array<i32>} : memref<128x256xf32, #tpu.memory_space<vmem>>, vector<16xf32>,
        %swap3A_1144 = arith.index_cast %scan3A_1133 : i32 to index
        %swap3A_1145 = arith.constant 48 : index
        %swap3A_1146 = tpu.vector_load %arg10[%swap3A_1144, %swap3A_1145] {strides = array<i32>} : memref<128x256xf32, #tpu.memory_space<vmem>>, vector<16xf32>,
        tpu.vector_store %arg10[%swap3A_1144, %swap3A_1145], %broadcast_in_dim3A_929 {strides = array<i32>} : memref<128x256xf32, #tpu.memory_space<vmem>>, vector<16xf32>,
        %swap3A_1147 = arith.index_cast %scan3A_1133 : i32 to index
        %swap3A_1148 = arith.constant 64 : index
        %swap3A_1149 = tpu.vector_load %arg10[%swap3A_1147, %swap3A_1148] {strides = array<i32>} : memref<128x256xf32, #tpu.memory_space<vmem>>, vector<16xf32>,
        tpu.vector_store %arg10[%swap3A_1147, %swap3A_1148], %broadcast_in_dim3A_929 {strides = array<i32>} : memref<128x256xf32, #tpu.memory_space<vmem>>, vector<16xf32>,
        %swap3A_1150 = arith.index_cast %scan3A_1133 : i32 to index
        %swap3A_1151 = arith.constant 80 : index
        %swap3A_1152 = tpu.vector_load %arg10[%swap3A_1150, %swap3A_1151] {strides = array<i32>} : memref<128x256xf32, #tpu.memory_space<vmem>>, vector<16xf32>,
        tpu.vector_store %arg10[%swap3A_1150, %swap3A_1151], %broadcast_in_dim3A_929 {strides = array<i32>} : memref<128x256xf32, #tpu.memory_space<vmem>>, vector<16xf32>,
        %swap3A_1153 = arith.index_cast %scan3A_1133 : i32 to index
        %swap3A_1154 = arith.constant 96 : index
        %swap3A_1155 = tpu.vector_load %arg10[%swap3A_1153, %swap3A_1154] {strides = array<i32>} : memref<128x256xf32, #tpu.memory_space<vmem>>, vector<16xf32>,
        tpu.vector_store %arg10[%swap3A_1153, %swap3A_1154], %broadcast_in_dim3A_929 {strides = array<i32>} : memref<128x256xf32, #tpu.memory_space<vmem>>, vector<16xf32>,
        %swap3A_1156 = arith.index_cast %scan3A_1133 : i32 to index
        %swap3A_1157 = arith.constant 112 : index
        %swap3A_1158 = tpu.vector_load %arg10[%swap3A_1156, %swap3A_1157] {strides = array<i32>} : memref<128x256xf32, #tpu.memory_space<vmem>>, vector<16xf32>,
        tpu.vector_store %arg10[%swap3A_1156, %swap3A_1157], %broadcast_in_dim3A_929 {strides = array<i32>} : memref<128x256xf32, #tpu.memory_space<vmem>>, vector<16xf32>,
        %swap3A_1159 = arith.index_cast %scan3A_1133 : i32 to index
        %swap3A_1160 = arith.constant 128 : index
        %swap3A_1161 = tpu.vector_load %arg10[%swap3A_1159, %swap3A_1160] {strides = array<i32>} : memref<128x256xf32, #tpu.memory_space<vmem>>, vector<16xf32>,
        tpu.vector_store %arg10[%swap3A_1159, %swap3A_1160], %broadcast_in_dim3A_929 {strides = array<i32>} : memref<128x256xf32, #tpu.memory_space<vmem>>, vector<16xf32>,
        %swap3A_1162 = arith.index_cast %scan3A_1133 : i32 to index
        %swap3A_1163 = arith.constant 144 : index
        %swap3A_1164 = tpu.vector_load %arg10[%swap3A_1162, %swap3A_1163] {strides = array<i32>} : memref<128x256xf32, #tpu.memory_space<vmem>>, vector<16xf32>,
        tpu.vector_store %arg10[%swap3A_1162, %swap3A_1163], %broadcast_in_dim3A_929 {strides = array<i32>} : memref<128x256xf32, #tpu.memory_space<vmem>>, vector<16xf32>,
        %swap3A_1165 = arith.index_cast %scan3A_1133 : i32 to index
        %swap3A_1166 = arith.constant 160 : index
        %swap3A_1167 = tpu.vector_load %arg10[%swap3A_1165, %swap3A_1166] {strides = array<i32>} : memref<128x256xf32, #tpu.memory_space<vmem>>, vector<16xf32>,
        tpu.vector_store %arg10[%swap3A_1165, %swap3A_1166], %broadcast_in_dim3A_929 {strides = array<i32>} : memref<128x256xf32, #tpu.memory_space<vmem>>, vector<16xf32>,
        %swap3A_1168 = arith.index_cast %scan3A_1133 : i32 to index
        %swap3A_1169 = arith.constant 176 : index
        %swap3A_1170 = tpu.vector_load %arg10[%swap3A_1168, %swap3A_1169] {strides = array<i32>} : memref<128x256xf32, #tpu.memory_space<vmem>>, vector<16xf32>,
        tpu.vector_store %arg10[%swap3A_1168, %swap3A_1169], %broadcast_in_dim3A_929 {strides = array<i32>} : memref<128x256xf32, #tpu.memory_space<vmem>>, vector<16xf32>,
        %swap3A_1171 = arith.index_cast %scan3A_1133 : i32 to index
        %swap3A_1172 = arith.constant 192 : index
        %swap3A_1173 = tpu.vector_load %arg10[%swap3A_1171, %swap3A_1172] {strides = array<i32>} : memref<128x256xf32, #tpu.memory_space<vmem>>, vector<16xf32>,
        tpu.vector_store %arg10[%swap3A_1171, %swap3A_1172], %broadcast_in_dim3A_929 {strides = array<i32>} : memref<128x256xf32, #tpu.memory_space<vmem>>, vector<16xf32>,
        %swap3A_1174 = arith.index_cast %scan3A_1133 : i32 to index
        %swap3A_1175 = arith.constant 208 : index
        %swap3A_1176 = tpu.vector_load %arg10[%swap3A_1174, %swap3A_1175] {strides = array<i32>} : memref<128x256xf32, #tpu.memory_space<vmem>>, vector<16xf32>,
        tpu.vector_store %arg10[%swap3A_1174, %swap3A_1175], %broadcast_in_dim3A_929 {strides = array<i32>} : memref<128x256xf32, #tpu.memory_space<vmem>>, vector<16xf32>,
        %swap3A_1177 = arith.index_cast %scan3A_1133 : i32 to index
        %swap3A_1178 = arith.constant 224 : index
        %swap3A_1179 = tpu.vector_load %arg10[%swap3A_1177, %swap3A_1178] {strides = array<i32>} : memref<128x256xf32, #tpu.memory_space<vmem>>, vector<16xf32>,
        tpu.vector_store %arg10[%swap3A_1177, %swap3A_1178], %broadcast_in_dim3A_929 {strides = array<i32>} : memref<128x256xf32, #tpu.memory_space<vmem>>, vector<16xf32>,
        %swap3A_1180 = arith.index_cast %scan3A_1133 : i32 to index
        %swap3A_1181 = arith.constant 240 : index
        %swap3A_1182 = tpu.vector_load %arg10[%swap3A_1180, %swap3A_1181] {strides = array<i32>} : memref<128x256xf32, #tpu.memory_space<vmem>>, vector<16xf32>,
        tpu.vector_store %arg10[%swap3A_1180, %swap3A_1181], %broadcast_in_dim3A_929 {strides = array<i32>} : memref<128x256xf32, #tpu.memory_space<vmem>>, vector<16xf32>,
        %scan3A_1183 = arith.constant 0 : i32
        scf.yield %scan3A_1183 : i32
      }
      %scan3A_1132 = arith.constant 128 : i32
    } else {
    }
    %sub3A_943 = arith.constant 0 : i32
    %sub3A_944 = arith.subi %min3A_939, %sub3A_943 : i32
    %jit3A_945 = arith.constant 0 : i32
    %jit3A_946 = arith.constant 128 : i32
    %max3A_947 = arith.maxsi %jit3A_945, %sub3A_944 : i32
    %min3A_948 = arith.minsi %jit3A_946, %max3A_947 : i32
    %sub3A_949 = arith.constant 128 : i32
    %sub3A_950 = arith.subi %min3A_939, %sub3A_949 : i32
    %jit3A_951 = arith.constant 0 : i32
    %jit3A_952 = arith.constant 128 : i32
    %max3A_953 = arith.maxsi %jit3A_951, %sub3A_950 : i32
    %min3A_954 = arith.minsi %jit3A_952, %max3A_953 : i32
    %sub3A_955 = arith.constant 256 : i32
    %sub3A_956 = arith.subi %min3A_939, %sub3A_955 : i32
    %jit3A_957 = arith.constant 0 : i32
    %jit3A_958 = arith.constant 128 : i32
    %max3A_959 = arith.maxsi %jit3A_957, %sub3A_956 : i32
    %min3A_960 = arith.minsi %jit3A_958, %max3A_959 : i32
    %sub3A_961 = arith.constant 384 : i32
    %sub3A_962 = arith.subi %min3A_939, %sub3A_961 : i32
    %jit3A_963 = arith.constant 0 : i32
    %jit3A_964 = arith.constant 128 : i32
    %max3A_965 = arith.maxsi %jit3A_963, %sub3A_962 : i32
    %min3A_966 = arith.minsi %jit3A_964, %max3A_965 : i32
    %sub3A_967 = arith.constant 512 : i32
    %sub3A_968 = arith.subi %min3A_939, %sub3A_967 : i32
    %jit3A_969 = arith.constant 0 : i32
    %jit3A_970 = arith.constant 128 : i32
    %max3A_971 = arith.maxsi %jit3A_969, %sub3A_968 : i32
    %min3A_972 = arith.minsi %jit3A_970, %max3A_971 : i32
    %sub3A_973 = arith.constant 640 : i32
    %sub3A_974 = arith.subi %min3A_939, %sub3A_973 : i32
    %jit3A_975 = arith.constant 0 : i32
    %jit3A_976 = arith.constant 128 : i32
    %max3A_977 = arith.maxsi %jit3A_975, %sub3A_974 : i32
    %min3A_978 = arith.minsi %jit3A_976, %max3A_977 : i32
    %sub3A_979 = arith.constant 768 : i32
    %sub3A_980 = arith.subi %min3A_939, %sub3A_979 : i32
    %jit3A_981 = arith.constant 0 : i32
    %jit3A_982 = arith.constant 128 : i32
    %max3A_983 = arith.maxsi %jit3A_981, %sub3A_980 : i32
    %min3A_984 = arith.minsi %jit3A_982, %max3A_983 : i32
    %sub3A_985 = arith.constant 896 : i32
    %sub3A_986 = arith.subi %min3A_939, %sub3A_985 : i32
    %jit3A_987 = arith.constant 0 : i32
    %jit3A_988 = arith.constant 128 : i32
    %max3A_989 = arith.maxsi %jit3A_987, %sub3A_986 : i32
    %min3A_990 = arith.minsi %jit3A_988, %max3A_989 : i32
    %gt3A = arith.constant 0 : i32
    %gt3A_991 = arith.cmpi sgt, %min3A_948, %gt3A : i32
    %convert_element_type3A_992 = arith.extui %gt3A_991 : i1 to i32
    %cond3A_993 = arith.constant 0 : i32
    %cond3A_994 = arith.cmpi ne, %convert_element_type3A_992, %cond3A_993 : i32
    scf.if %cond3A_994 {
      %dma_start3A = arith.constant 0 : i32
      %dma_start3A_1126 = arith.constant 0 : i32
      %dma_start3A_1127 = tpu.memref_slice %arg7[%dma_start3A, %dma_start3A_1126] : memref<8x128xi32, #tpu.memory_space<vmem>> -> memref<1x128xi32, #tpu.memory_space<vmem>>
      %dma_start3A_1128 = tpu.memref_squeeze %dma_start3A_1127 : memref<1x128xi32, #tpu.memory_space<vmem>> -> memref<128xi32, #tpu.memory_space<vmem>>
      %dma_start3A_1129 = arith.constant 0 : i32
      %dma_start3A_1130 = arith.constant 0 : i32
      %dma_start3A_1131 = tpu.memref_slice %arg2[%dma_start3A_1129, %dma_start3A_1130] : memref<8192x256xf32, #tpu.memory_space<hbm>> -> memref<8192x256xf32, #tpu.memory_space<hbm>>
      tpu.enqueue_indirect_dma source(%dma_start3A_1131 : memref<8192x256xf32, #tpu.memory_space<hbm>>) target(%arg8 : memref<128x256xf32, #tpu.memory_space<vmem>>) offsets(%dma_start3A_1128 : memref<128xi32, #tpu.memory_space<vmem>>) semaphore(%arg11 : memref<!tpu.dma_semaphore, #tpu.memory_space<semaphore_mem>>)
    } else {
    }
    %gt3A_995 = arith.constant 0 : i32
    %gt3A_996 = arith.cmpi sgt, %min3A_954, %gt3A_995 : i32
    %convert_element_type3A_997 = arith.extui %gt3A_996 : i1 to i32
    %cond3A_998 = arith.constant 0 : i32
    %cond3A_999 = arith.cmpi ne, %convert_element_type3A_997, %cond3A_998 : i32
    scf.if %cond3A_999 {
      %dma_start3A = arith.constant 1 : i32
      %dma_start3A_1126 = arith.constant 0 : i32
      %dma_start3A_1127 = tpu.memref_slice %arg7[%dma_start3A, %dma_start3A_1126] : memref<8x128xi32, #tpu.memory_space<vmem>> -> memref<1x128xi32, #tpu.memory_space<vmem>>
      %dma_start3A_1128 = tpu.memref_squeeze %dma_start3A_1127 : memref<1x128xi32, #tpu.memory_space<vmem>> -> memref<128xi32, #tpu.memory_space<vmem>>
      %dma_start3A_1129 = arith.constant 0 : i32
      %dma_start3A_1130 = arith.constant 0 : i32
      %dma_start3A_1131 = tpu.memref_slice %arg2[%dma_start3A_1129, %dma_start3A_1130] : memref<8192x256xf32, #tpu.memory_space<hbm>> -> memref<8192x256xf32, #tpu.memory_space<hbm>>
      tpu.enqueue_indirect_dma source(%dma_start3A_1131 : memref<8192x256xf32, #tpu.memory_space<hbm>>) target(%arg9 : memref<128x256xf32, #tpu.memory_space<vmem>>) offsets(%dma_start3A_1128 : memref<128xi32, #tpu.memory_space<vmem>>) semaphore(%arg12 : memref<!tpu.dma_semaphore, #tpu.memory_space<semaphore_mem>>)
    } else {
    }
    %add3A_1000 = arith.constant 0 : i32
    %add3A_1001 = arith.addi %mul3A_33, %add3A_1000 : i32
    %gt3A_1002 = arith.constant 0 : i32
    %gt3A_1003 = arith.cmpi sgt, %min3A_948, %gt3A_1002 : i32
    %convert_element_type3A_1004 = arith.extui %gt3A_1003 : i1 to i32
    %cond3A_1005 = arith.constant 0 : i32
    %cond3A_1006 = arith.cmpi ne, %convert_element_type3A_1004, %cond3A_1005 : i32
    scf.if %cond3A_1006 {
      %dma_wait3A = arith.constant 0 : i32
      %dma_wait3A_1126 = arith.constant 0 : i32
      %dma_wait3A_1127 = tpu.memref_slice %arg7[%dma_wait3A, %dma_wait3A_1126] : memref<8x128xi32, #tpu.memory_space<vmem>> -> memref<1x128xi32, #tpu.memory_space<vmem>>
      %dma_wait3A_1128 = tpu.memref_squeeze %dma_wait3A_1127 : memref<1x128xi32, #tpu.memory_space<vmem>> -> memref<128xi32, #tpu.memory_space<vmem>>
      %dma_wait3A_1129 = arith.constant 0 : i32
      %dma_wait3A_1130 = arith.constant 0 : i32
      %dma_wait3A_1131 = tpu.memref_slice %arg2[%dma_wait3A_1129, %dma_wait3A_1130] : memref<8192x256xf32, #tpu.memory_space<hbm>> -> memref<8192x256xf32, #tpu.memory_space<hbm>>
      tpu.wait_indirect_dma semaphore(%arg11 : memref<!tpu.dma_semaphore, #tpu.memory_space<semaphore_mem>>) src(%dma_wait3A_1131 : memref<8192x256xf32, #tpu.memory_space<hbm>>) dst(%arg8 : memref<128x256xf32, #tpu.memory_space<vmem>>)
      %while3A = arith.constant 128 : i32
      %while3A_1132 = arith.constant 0 : i32
      %while3A_1133 = arith.subi %while3A, %min3A_948 : i32
      %while3A_1134 = arith.addi %min3A_948, %while3A_1133 : i32
      %while3A_1135 = arith.constant 1 : i32
      %while3A_1136 = arith.divsi %while3A_1133, %while3A_1135 : i32
      %while3A_1137 = arith.muli %while3A_1136, %while3A_1135 : i32
      %while3A_1138 = arith.addi %min3A_948, %while3A_1137 : i32
      %while3A_1139 = arith.constant 1 : i32
      %while3A_1140 = scf.for %while3A_1143 = %min3A_948 to %while3A_1138 step %while3A_1139 iter_args(%while3A_1144 = %while3A_1132) -> (i32)  : i32 {
        %swap3A_1145 = arith.index_cast %while3A_1143 : i32 to index
        %swap3A_1146 = arith.constant 0 : index
        %swap3A_1147 = tpu.vector_load %arg8[%swap3A_1145, %swap3A_1146] {strides = array<i32>} : memref<128x256xf32, #tpu.memory_space<vmem>>, vector<16xf32>,
        tpu.vector_store %arg8[%swap3A_1145, %swap3A_1146], %broadcast_in_dim3A_929 {strides = array<i32>} : memref<128x256xf32, #tpu.memory_space<vmem>>, vector<16xf32>,
        %swap3A_1148 = arith.index_cast %while3A_1143 : i32 to index
        %swap3A_1149 = arith.constant 16 : index
        %swap3A_1150 = tpu.vector_load %arg8[%swap3A_1148, %swap3A_1149] {strides = array<i32>} : memref<128x256xf32, #tpu.memory_space<vmem>>, vector<16xf32>,
        tpu.vector_store %arg8[%swap3A_1148, %swap3A_1149], %broadcast_in_dim3A_929 {strides = array<i32>} : memref<128x256xf32, #tpu.memory_space<vmem>>, vector<16xf32>,
        %swap3A_1151 = arith.index_cast %while3A_1143 : i32 to index
        %swap3A_1152 = arith.constant 32 : index
        %swap3A_1153 = tpu.vector_load %arg8[%swap3A_1151, %swap3A_1152] {strides = array<i32>} : memref<128x256xf32, #tpu.memory_space<vmem>>, vector<16xf32>,
        tpu.vector_store %arg8[%swap3A_1151, %swap3A_1152], %broadcast_in_dim3A_929 {strides = array<i32>} : memref<128x256xf32, #tpu.memory_space<vmem>>, vector<16xf32>,
        %swap3A_1154 = arith.index_cast %while3A_1143 : i32 to index
        %swap3A_1155 = arith.constant 48 : index
        %swap3A_1156 = tpu.vector_load %arg8[%swap3A_1154, %swap3A_1155] {strides = array<i32>} : memref<128x256xf32, #tpu.memory_space<vmem>>, vector<16xf32>,
        tpu.vector_store %arg8[%swap3A_1154, %swap3A_1155], %broadcast_in_dim3A_929 {strides = array<i32>} : memref<128x256xf32, #tpu.memory_space<vmem>>, vector<16xf32>,
        %swap3A_1157 = arith.index_cast %while3A_1143 : i32 to index
        %swap3A_1158 = arith.constant 64 : index
        %swap3A_1159 = tpu.vector_load %arg8[%swap3A_1157, %swap3A_1158] {strides = array<i32>} : memref<128x256xf32, #tpu.memory_space<vmem>>, vector<16xf32>,
        tpu.vector_store %arg8[%swap3A_1157, %swap3A_1158], %broadcast_in_dim3A_929 {strides = array<i32>} : memref<128x256xf32, #tpu.memory_space<vmem>>, vector<16xf32>,
        %swap3A_1160 = arith.index_cast %while3A_1143 : i32 to index
        %swap3A_1161 = arith.constant 80 : index
        %swap3A_1162 = tpu.vector_load %arg8[%swap3A_1160, %swap3A_1161] {strides = array<i32>} : memref<128x256xf32, #tpu.memory_space<vmem>>, vector<16xf32>,
        tpu.vector_store %arg8[%swap3A_1160, %swap3A_1161], %broadcast_in_dim3A_929 {strides = array<i32>} : memref<128x256xf32, #tpu.memory_space<vmem>>, vector<16xf32>,
        %swap3A_1163 = arith.index_cast %while3A_1143 : i32 to index
        %swap3A_1164 = arith.constant 96 : index
        %swap3A_1165 = tpu.vector_load %arg8[%swap3A_1163, %swap3A_1164] {strides = array<i32>} : memref<128x256xf32, #tpu.memory_space<vmem>>, vector<16xf32>,
        tpu.vector_store %arg8[%swap3A_1163, %swap3A_1164], %broadcast_in_dim3A_929 {strides = array<i32>} : memref<128x256xf32, #tpu.memory_space<vmem>>, vector<16xf32>,
        %swap3A_1166 = arith.index_cast %while3A_1143 : i32 to index
        %swap3A_1167 = arith.constant 112 : index
        %swap3A_1168 = tpu.vector_load %arg8[%swap3A_1166, %swap3A_1167] {strides = array<i32>} : memref<128x256xf32, #tpu.memory_space<vmem>>, vector<16xf32>,
        tpu.vector_store %arg8[%swap3A_1166, %swap3A_1167], %broadcast_in_dim3A_929 {strides = array<i32>} : memref<128x256xf32, #tpu.memory_space<vmem>>, vector<16xf32>,
        %swap3A_1169 = arith.index_cast %while3A_1143 : i32 to index
        %swap3A_1170 = arith.constant 128 : index
        %swap3A_1171 = tpu.vector_load %arg8[%swap3A_1169, %swap3A_1170] {strides = array<i32>} : memref<128x256xf32, #tpu.memory_space<vmem>>, vector<16xf32>,
        tpu.vector_store %arg8[%swap3A_1169, %swap3A_1170], %broadcast_in_dim3A_929 {strides = array<i32>} : memref<128x256xf32, #tpu.memory_space<vmem>>, vector<16xf32>,
        %swap3A_1172 = arith.index_cast %while3A_1143 : i32 to index
        %swap3A_1173 = arith.constant 144 : index
        %swap3A_1174 = tpu.vector_load %arg8[%swap3A_1172, %swap3A_1173] {strides = array<i32>} : memref<128x256xf32, #tpu.memory_space<vmem>>, vector<16xf32>,
        tpu.vector_store %arg8[%swap3A_1172, %swap3A_1173], %broadcast_in_dim3A_929 {strides = array<i32>} : memref<128x256xf32, #tpu.memory_space<vmem>>, vector<16xf32>,
        %swap3A_1175 = arith.index_cast %while3A_1143 : i32 to index
        %swap3A_1176 = arith.constant 160 : index
        %swap3A_1177 = tpu.vector_load %arg8[%swap3A_1175, %swap3A_1176] {strides = array<i32>} : memref<128x256xf32, #tpu.memory_space<vmem>>, vector<16xf32>,
        tpu.vector_store %arg8[%swap3A_1175, %swap3A_1176], %broadcast_in_dim3A_929 {strides = array<i32>} : memref<128x256xf32, #tpu.memory_space<vmem>>, vector<16xf32>,
        %swap3A_1178 = arith.index_cast %while3A_1143 : i32 to index
        %swap3A_1179 = arith.constant 176 : index
        %swap3A_1180 = tpu.vector_load %arg8[%swap3A_1178, %swap3A_1179] {strides = array<i32>} : memref<128x256xf32, #tpu.memory_space<vmem>>, vector<16xf32>,
        tpu.vector_store %arg8[%swap3A_1178, %swap3A_1179], %broadcast_in_dim3A_929 {strides = array<i32>} : memref<128x256xf32, #tpu.memory_space<vmem>>, vector<16xf32>,
        %swap3A_1181 = arith.index_cast %while3A_1143 : i32 to index
        %swap3A_1182 = arith.constant 192 : index
        %swap3A_1183 = tpu.vector_load %arg8[%swap3A_1181, %swap3A_1182] {strides = array<i32>} : memref<128x256xf32, #tpu.memory_space<vmem>>, vector<16xf32>,
        tpu.vector_store %arg8[%swap3A_1181, %swap3A_1182], %broadcast_in_dim3A_929 {strides = array<i32>} : memref<128x256xf32, #tpu.memory_space<vmem>>, vector<16xf32>,
        %swap3A_1184 = arith.index_cast %while3A_1143 : i32 to index
        %swap3A_1185 = arith.constant 208 : index
        %swap3A_1186 = tpu.vector_load %arg8[%swap3A_1184, %swap3A_1185] {strides = array<i32>} : memref<128x256xf32, #tpu.memory_space<vmem>>, vector<16xf32>,
        tpu.vector_store %arg8[%swap3A_1184, %swap3A_1185], %broadcast_in_dim3A_929 {strides = array<i32>} : memref<128x256xf32, #tpu.memory_space<vmem>>, vector<16xf32>,
        %swap3A_1187 = arith.index_cast %while3A_1143 : i32 to index
        %swap3A_1188 = arith.constant 224 : index
        %swap3A_1189 = tpu.vector_load %arg8[%swap3A_1187, %swap3A_1188] {strides = array<i32>} : memref<128x256xf32, #tpu.memory_space<vmem>>, vector<16xf32>,
        tpu.vector_store %arg8[%swap3A_1187, %swap3A_1188], %broadcast_in_dim3A_929 {strides = array<i32>} : memref<128x256xf32, #tpu.memory_space<vmem>>, vector<16xf32>,
        %swap3A_1190 = arith.index_cast %while3A_1143 : i32 to index
        %swap3A_1191 = arith.constant 240 : index
        %swap3A_1192 = tpu.vector_load %arg8[%swap3A_1190, %swap3A_1191] {strides = array<i32>} : memref<128x256xf32, #tpu.memory_space<vmem>>, vector<16xf32>,
        tpu.vector_store %arg8[%swap3A_1190, %swap3A_1191], %broadcast_in_dim3A_929 {strides = array<i32>} : memref<128x256xf32, #tpu.memory_space<vmem>>, vector<16xf32>,
        %while3A_1193 = arith.constant 0 : i32
        scf.yield %while3A_1193 : i32
      }
      %while3A_1141 = arith.constant 1 : i32
      %while3A_1142 = scf.for %while3A_1143 = %while3A_1138 to %while3A_1134 step %while3A_1141 iter_args(%while3A_1144 = %while3A_1140) -> (i32)  : i32 {
        %swap3A_1145 = arith.index_cast %while3A_1143 : i32 to index
        %swap3A_1146 = arith.constant 0 : index
        %swap3A_1147 = tpu.vector_load %arg8[%swap3A_1145, %swap3A_1146] {strides = array<i32>} : memref<128x256xf32, #tpu.memory_space<vmem>>, vector<16xf32>,
        tpu.vector_store %arg8[%swap3A_1145, %swap3A_1146], %broadcast_in_dim3A_929 {strides = array<i32>} : memref<128x256xf32, #tpu.memory_space<vmem>>, vector<16xf32>,
        %swap3A_1148 = arith.index_cast %while3A_1143 : i32 to index
        %swap3A_1149 = arith.constant 16 : index
        %swap3A_1150 = tpu.vector_load %arg8[%swap3A_1148, %swap3A_1149] {strides = array<i32>} : memref<128x256xf32, #tpu.memory_space<vmem>>, vector<16xf32>,
        tpu.vector_store %arg8[%swap3A_1148, %swap3A_1149], %broadcast_in_dim3A_929 {strides = array<i32>} : memref<128x256xf32, #tpu.memory_space<vmem>>, vector<16xf32>,
        %swap3A_1151 = arith.index_cast %while3A_1143 : i32 to index
        %swap3A_1152 = arith.constant 32 : index
        %swap3A_1153 = tpu.vector_load %arg8[%swap3A_1151, %swap3A_1152] {strides = array<i32>} : memref<128x256xf32, #tpu.memory_space<vmem>>, vector<16xf32>,
        tpu.vector_store %arg8[%swap3A_1151, %swap3A_1152], %broadcast_in_dim3A_929 {strides = array<i32>} : memref<128x256xf32, #tpu.memory_space<vmem>>, vector<16xf32>,
        %swap3A_1154 = arith.index_cast %while3A_1143 : i32 to index
        %swap3A_1155 = arith.constant 48 : index
        %swap3A_1156 = tpu.vector_load %arg8[%swap3A_1154, %swap3A_1155] {strides = array<i32>} : memref<128x256xf32, #tpu.memory_space<vmem>>, vector<16xf32>,
        tpu.vector_store %arg8[%swap3A_1154, %swap3A_1155], %broadcast_in_dim3A_929 {strides = array<i32>} : memref<128x256xf32, #tpu.memory_space<vmem>>, vector<16xf32>,
        %swap3A_1157 = arith.index_cast %while3A_1143 : i32 to index
        %swap3A_1158 = arith.constant 64 : index
        %swap3A_1159 = tpu.vector_load %arg8[%swap3A_1157, %swap3A_1158] {strides = array<i32>} : memref<128x256xf32, #tpu.memory_space<vmem>>, vector<16xf32>,
        tpu.vector_store %arg8[%swap3A_1157, %swap3A_1158], %broadcast_in_dim3A_929 {strides = array<i32>} : memref<128x256xf32, #tpu.memory_space<vmem>>, vector<16xf32>,
        %swap3A_1160 = arith.index_cast %while3A_1143 : i32 to index
        %swap3A_1161 = arith.constant 80 : index
        %swap3A_1162 = tpu.vector_load %arg8[%swap3A_1160, %swap3A_1161] {strides = array<i32>} : memref<128x256xf32, #tpu.memory_space<vmem>>, vector<16xf32>,
        tpu.vector_store %arg8[%swap3A_1160, %swap3A_1161], %broadcast_in_dim3A_929 {strides = array<i32>} : memref<128x256xf32, #tpu.memory_space<vmem>>, vector<16xf32>,
        %swap3A_1163 = arith.index_cast %while3A_1143 : i32 to index
        %swap3A_1164 = arith.constant 96 : index
        %swap3A_1165 = tpu.vector_load %arg8[%swap3A_1163, %swap3A_1164] {strides = array<i32>} : memref<128x256xf32, #tpu.memory_space<vmem>>, vector<16xf32>,
        tpu.vector_store %arg8[%swap3A_1163, %swap3A_1164], %broadcast_in_dim3A_929 {strides = array<i32>} : memref<128x256xf32, #tpu.memory_space<vmem>>, vector<16xf32>,
        %swap3A_1166 = arith.index_cast %while3A_1143 : i32 to index
        %swap3A_1167 = arith.constant 112 : index
        %swap3A_1168 = tpu.vector_load %arg8[%swap3A_1166, %swap3A_1167] {strides = array<i32>} : memref<128x256xf32, #tpu.memory_space<vmem>>, vector<16xf32>,
        tpu.vector_store %arg8[%swap3A_1166, %swap3A_1167], %broadcast_in_dim3A_929 {strides = array<i32>} : memref<128x256xf32, #tpu.memory_space<vmem>>, vector<16xf32>,
        %swap3A_1169 = arith.index_cast %while3A_1143 : i32 to index
        %swap3A_1170 = arith.constant 128 : index
        %swap3A_1171 = tpu.vector_load %arg8[%swap3A_1169, %swap3A_1170] {strides = array<i32>} : memref<128x256xf32, #tpu.memory_space<vmem>>, vector<16xf32>,
        tpu.vector_store %arg8[%swap3A_1169, %swap3A_1170], %broadcast_in_dim3A_929 {strides = array<i32>} : memref<128x256xf32, #tpu.memory_space<vmem>>, vector<16xf32>,
        %swap3A_1172 = arith.index_cast %while3A_1143 : i32 to index
        %swap3A_1173 = arith.constant 144 : index
        %swap3A_1174 = tpu.vector_load %arg8[%swap3A_1172, %swap3A_1173] {strides = array<i32>} : memref<128x256xf32, #tpu.memory_space<vmem>>, vector<16xf32>,
        tpu.vector_store %arg8[%swap3A_1172, %swap3A_1173], %broadcast_in_dim3A_929 {strides = array<i32>} : memref<128x256xf32, #tpu.memory_space<vmem>>, vector<16xf32>,
        %swap3A_1175 = arith.index_cast %while3A_1143 : i32 to index
        %swap3A_1176 = arith.constant 160 : index
        %swap3A_1177 = tpu.vector_load %arg8[%swap3A_1175, %swap3A_1176] {strides = array<i32>} : memref<128x256xf32, #tpu.memory_space<vmem>>, vector<16xf32>,
        tpu.vector_store %arg8[%swap3A_1175, %swap3A_1176], %broadcast_in_dim3A_929 {strides = array<i32>} : memref<128x256xf32, #tpu.memory_space<vmem>>, vector<16xf32>,
        %swap3A_1178 = arith.index_cast %while3A_1143 : i32 to index
        %swap3A_1179 = arith.constant 176 : index
        %swap3A_1180 = tpu.vector_load %arg8[%swap3A_1178, %swap3A_1179] {strides = array<i32>} : memref<128x256xf32, #tpu.memory_space<vmem>>, vector<16xf32>,
        tpu.vector_store %arg8[%swap3A_1178, %swap3A_1179], %broadcast_in_dim3A_929 {strides = array<i32>} : memref<128x256xf32, #tpu.memory_space<vmem>>, vector<16xf32>,
        %swap3A_1181 = arith.index_cast %while3A_1143 : i32 to index
        %swap3A_1182 = arith.constant 192 : index
        %swap3A_1183 = tpu.vector_load %arg8[%swap3A_1181, %swap3A_1182] {strides = array<i32>} : memref<128x256xf32, #tpu.memory_space<vmem>>, vector<16xf32>,
        tpu.vector_store %arg8[%swap3A_1181, %swap3A_1182], %broadcast_in_dim3A_929 {strides = array<i32>} : memref<128x256xf32, #tpu.memory_space<vmem>>, vector<16xf32>,
        %swap3A_1184 = arith.index_cast %while3A_1143 : i32 to index
        %swap3A_1185 = arith.constant 208 : index
        %swap3A_1186 = tpu.vector_load %arg8[%swap3A_1184, %swap3A_1185] {strides = array<i32>} : memref<128x256xf32, #tpu.memory_space<vmem>>, vector<16xf32>,
        tpu.vector_store %arg8[%swap3A_1184, %swap3A_1185], %broadcast_in_dim3A_929 {strides = array<i32>} : memref<128x256xf32, #tpu.memory_space<vmem>>, vector<16xf32>,
        %swap3A_1187 = arith.index_cast %while3A_1143 : i32 to index
        %swap3A_1188 = arith.constant 224 : index
        %swap3A_1189 = tpu.vector_load %arg8[%swap3A_1187, %swap3A_1188] {strides = array<i32>} : memref<128x256xf32, #tpu.memory_space<vmem>>, vector<16xf32>,
        tpu.vector_store %arg8[%swap3A_1187, %swap3A_1188], %broadcast_in_dim3A_929 {strides = array<i32>} : memref<128x256xf32, #tpu.memory_space<vmem>>, vector<16xf32>,
        %swap3A_1190 = arith.index_cast %while3A_1143 : i32 to index
        %swap3A_1191 = arith.constant 240 : index
        %swap3A_1192 = tpu.vector_load %arg8[%swap3A_1190, %swap3A_1191] {strides = array<i32>} : memref<128x256xf32, #tpu.memory_space<vmem>>, vector<16xf32>,
        tpu.vector_store %arg8[%swap3A_1190, %swap3A_1191], %broadcast_in_dim3A_929 {strides = array<i32>} : memref<128x256xf32, #tpu.memory_space<vmem>>, vector<16xf32>,
        %while3A_1193 = arith.constant 0 : i32
        scf.yield %while3A_1193 : i32
      }
      "tpu.region"() ({
        %run_scoped3A = tpu.sem_alloc : memref<!tpu.dma_semaphore, #tpu.memory_space<semaphore_mem>>
        %dma_start3A = arith.constant 0 : i32
        %dma_start3A_1143 = tpu.memref_slice %arg5[%select_n3A, %add3A_1001, %dma_start3A] : memref<16x2048x256xf32, #tpu.memory_space<hbm>> -> memref<1x128x256xf32, #tpu.memory_space<hbm>>
        %dma_start3A_1144 = tpu.memref_squeeze %dma_start3A_1143 : memref<1x128x256xf32, #tpu.memory_space<hbm>> -> memref<128x256xf32, #tpu.memory_space<hbm>>
        %dma_start3A_1145 = arith.constant 0 : i32
        %dma_start3A_1146 = tpu.memref_slice %arg5[%select_n3A, %add3A_1001, %dma_start3A_1145] : memref<16x2048x256xf32, #tpu.memory_space<hbm>> -> memref<1x128x256xf32, #tpu.memory_space<hbm>>
        %dma_start3A_1147 = tpu.memref_squeeze %dma_start3A_1146 : memref<1x128x256xf32, #tpu.memory_space<hbm>> -> memref<128x256xf32, #tpu.memory_space<hbm>>
        tpu.enqueue_dma source(%arg8 : memref<128x256xf32, #tpu.memory_space<vmem>>) target(%dma_start3A_1147 : memref<128x256xf32, #tpu.memory_space<hbm>>) target_semaphore(%run_scoped3A : memref<!tpu.dma_semaphore, #tpu.memory_space<semaphore_mem>>)
        %dma_wait3A_1148 = arith.constant 0 : i32
        %dma_wait3A_1149 = tpu.memref_slice %arg5[%select_n3A, %add3A_1001, %dma_wait3A_1148] : memref<16x2048x256xf32, #tpu.memory_space<hbm>> -> memref<1x128x256xf32, #tpu.memory_space<hbm>>
        %dma_wait3A_1150 = tpu.memref_squeeze %dma_wait3A_1149 : memref<1x128x256xf32, #tpu.memory_space<hbm>> -> memref<128x256xf32, #tpu.memory_space<hbm>>
        %dma_wait3A_1151 = arith.constant 0 : i32
        %dma_wait3A_1152 = tpu.memref_slice %arg5[%select_n3A, %add3A_1001, %dma_wait3A_1151] : memref<16x2048x256xf32, #tpu.memory_space<hbm>> -> memref<1x128x256xf32, #tpu.memory_space<hbm>>
        %dma_wait3A_1153 = tpu.memref_squeeze %dma_wait3A_1152 : memref<1x128x256xf32, #tpu.memory_space<hbm>> -> memref<128x256xf32, #tpu.memory_space<hbm>>
        tpu.wait_dma2 semaphore(%run_scoped3A : memref<!tpu.dma_semaphore, #tpu.memory_space<semaphore_mem>>) src(%arg8 : memref<128x256xf32, #tpu.memory_space<vmem>>) dst(%dma_wait3A_1153 : memref<128x256xf32, #tpu.memory_space<hbm>>)
        tpu.yield
      }) : () -> ()
    } else {
    }
    %eq3A_1007 = arith.constant 0 : i32
    %eq3A_1008 = arith.cmpi eq, %min3A_948, %eq3A_1007 : i32
    %convert_element_type3A_1009 = arith.extui %eq3A_1008 : i1 to i32
    %cond3A_1010 = arith.constant 0 : i32
    %cond3A_1011 = arith.cmpi ne, %convert_element_type3A_1009, %cond3A_1010 : i32
    scf.if %cond3A_1011 {
      "tpu.region"() ({
        %run_scoped3A = tpu.sem_alloc : memref<!tpu.dma_semaphore, #tpu.memory_space<semaphore_mem>>
        %dma_start3A = arith.constant 0 : i32
        %dma_start3A_1126 = tpu.memref_slice %arg5[%select_n3A, %add3A_1001, %dma_start3A] : memref<16x2048x256xf32, #tpu.memory_space<hbm>> -> memref<1x128x256xf32, #tpu.memory_space<hbm>>
        %dma_start3A_1127 = tpu.memref_squeeze %dma_start3A_1126 : memref<1x128x256xf32, #tpu.memory_space<hbm>> -> memref<128x256xf32, #tpu.memory_space<hbm>>
        %dma_start3A_1128 = arith.constant 0 : i32
        %dma_start3A_1129 = tpu.memref_slice %arg5[%select_n3A, %add3A_1001, %dma_start3A_1128] : memref<16x2048x256xf32, #tpu.memory_space<hbm>> -> memref<1x128x256xf32, #tpu.memory_space<hbm>>
        %dma_start3A_1130 = tpu.memref_squeeze %dma_start3A_1129 : memref<1x128x256xf32, #tpu.memory_space<hbm>> -> memref<128x256xf32, #tpu.memory_space<hbm>>
        tpu.enqueue_dma source(%arg10 : memref<128x256xf32, #tpu.memory_space<vmem>>) target(%dma_start3A_1130 : memref<128x256xf32, #tpu.memory_space<hbm>>) target_semaphore(%run_scoped3A : memref<!tpu.dma_semaphore, #tpu.memory_space<semaphore_mem>>)
        %dma_wait3A = arith.constant 0 : i32
        %dma_wait3A_1131 = tpu.memref_slice %arg5[%select_n3A, %add3A_1001, %dma_wait3A] : memref<16x2048x256xf32, #tpu.memory_space<hbm>> -> memref<1x128x256xf32, #tpu.memory_space<hbm>>
        %dma_wait3A_1132 = tpu.memref_squeeze %dma_wait3A_1131 : memref<1x128x256xf32, #tpu.memory_space<hbm>> -> memref<128x256xf32, #tpu.memory_space<hbm>>
        %dma_wait3A_1133 = arith.constant 0 : i32
        %dma_wait3A_1134 = tpu.memref_slice %arg5[%select_n3A, %add3A_1001, %dma_wait3A_1133] : memref<16x2048x256xf32, #tpu.memory_space<hbm>> -> memref<1x128x256xf32, #tpu.memory_space<hbm>>
        %dma_wait3A_1135 = tpu.memref_squeeze %dma_wait3A_1134 : memref<1x128x256xf32, #tpu.memory_space<hbm>> -> memref<128x256xf32, #tpu.memory_space<hbm>>
        tpu.wait_dma2 semaphore(%run_scoped3A : memref<!tpu.dma_semaphore, #tpu.memory_space<semaphore_mem>>) src(%arg10 : memref<128x256xf32, #tpu.memory_space<vmem>>) dst(%dma_wait3A_1135 : memref<128x256xf32, #tpu.memory_space<hbm>>)
        tpu.yield
      }) : () -> ()
    } else {
    }
    %gt3A_1012 = arith.constant 0 : i32
    %gt3A_1013 = arith.cmpi sgt, %min3A_960, %gt3A_1012 : i32
    %convert_element_type3A_1014 = arith.extui %gt3A_1013 : i1 to i32
    %cond3A_1015 = arith.constant 0 : i32
    %cond3A_1016 = arith.cmpi ne, %convert_element_type3A_1014, %cond3A_1015 : i32
    scf.if %cond3A_1016 {
      %dma_start3A = arith.constant 2 : i32
      %dma_start3A_1126 = arith.constant 0 : i32
      %dma_start3A_1127 = tpu.memref_slice %arg7[%dma_start3A, %dma_start3A_1126] : memref<8x128xi32, #tpu.memory_space<vmem>> -> memref<1x128xi32, #tpu.memory_space<vmem>>
      %dma_start3A_1128 = tpu.memref_squeeze %dma_start3A_1127 : memref<1x128xi32, #tpu.memory_space<vmem>> -> memref<128xi32, #tpu.memory_space<vmem>>
      %dma_start3A_1129 = arith.constant 0 : i32
      %dma_start3A_1130 = arith.constant 0 : i32
      %dma_start3A_1131 = tpu.memref_slice %arg2[%dma_start3A_1129, %dma_start3A_1130] : memref<8192x256xf32, #tpu.memory_space<hbm>> -> memref<8192x256xf32, #tpu.memory_space<hbm>>
      tpu.enqueue_indirect_dma source(%dma_start3A_1131 : memref<8192x256xf32, #tpu.memory_space<hbm>>) target(%arg8 : memref<128x256xf32, #tpu.memory_space<vmem>>) offsets(%dma_start3A_1128 : memref<128xi32, #tpu.memory_space<vmem>>) semaphore(%arg11 : memref<!tpu.dma_semaphore, #tpu.memory_space<semaphore_mem>>)
    } else {
    }
    %add3A_1017 = arith.constant 128 : i32
    %add3A_1018 = arith.addi %mul3A_33, %add3A_1017 : i32
    %gt3A_1019 = arith.constant 0 : i32
    %gt3A_1020 = arith.cmpi sgt, %min3A_954, %gt3A_1019 : i32
    %convert_element_type3A_1021 = arith.extui %gt3A_1020 : i1 to i32
    %cond3A_1022 = arith.constant 0 : i32
    %cond3A_1023 = arith.cmpi ne, %convert_element_type3A_1021, %cond3A_1022 : i32
    scf.if %cond3A_1023 {
      %dma_wait3A = arith.constant 1 : i32
      %dma_wait3A_1126 = arith.constant 0 : i32
      %dma_wait3A_1127 = tpu.memref_slice %arg7[%dma_wait3A, %dma_wait3A_1126] : memref<8x128xi32, #tpu.memory_space<vmem>> -> memref<1x128xi32, #tpu.memory_space<vmem>>
      %dma_wait3A_1128 = tpu.memref_squeeze %dma_wait3A_1127 : memref<1x128xi32, #tpu.memory_space<vmem>> -> memref<128xi32, #tpu.memory_space<vmem>>
      %dma_wait3A_1129 = arith.constant 0 : i32
      %dma_wait3A_1130 = arith.constant 0 : i32
      %dma_wait3A_1131 = tpu.memref_slice %arg2[%dma_wait3A_1129, %dma_wait3A_1130] : memref<8192x256xf32, #tpu.memory_space<hbm>> -> memref<8192x256xf32, #tpu.memory_space<hbm>>
      tpu.wait_indirect_dma semaphore(%arg12 : memref<!tpu.dma_semaphore, #tpu.memory_space<semaphore_mem>>) src(%dma_wait3A_1131 : memref<8192x256xf32, #tpu.memory_space<hbm>>) dst(%arg9 : memref<128x256xf32, #tpu.memory_space<vmem>>)
      %while3A = arith.constant 128 : i32
      %while3A_1132 = arith.constant 0 : i32
      %while3A_1133 = arith.subi %while3A, %min3A_954 : i32
      %while3A_1134 = arith.addi %min3A_954, %while3A_1133 : i32
      %while3A_1135 = arith.constant 1 : i32
      %while3A_1136 = arith.divsi %while3A_1133, %while3A_1135 : i32
      %while3A_1137 = arith.muli %while3A_1136, %while3A_1135 : i32
      %while3A_1138 = arith.addi %min3A_954, %while3A_1137 : i32
      %while3A_1139 = arith.constant 1 : i32
      %while3A_1140 = scf.for %while3A_1143 = %min3A_954 to %while3A_1138 step %while3A_1139 iter_args(%while3A_1144 = %while3A_1132) -> (i32)  : i32 {
        %swap3A_1145 = arith.index_cast %while3A_1143 : i32 to index
        %swap3A_1146 = arith.constant 0 : index
        %swap3A_1147 = tpu.vector_load %arg9[%swap3A_1145, %swap3A_1146] {strides = array<i32>} : memref<128x256xf32, #tpu.memory_space<vmem>>, vector<16xf32>,
        tpu.vector_store %arg9[%swap3A_1145, %swap3A_1146], %broadcast_in_dim3A_929 {strides = array<i32>} : memref<128x256xf32, #tpu.memory_space<vmem>>, vector<16xf32>,
        %swap3A_1148 = arith.index_cast %while3A_1143 : i32 to index
        %swap3A_1149 = arith.constant 16 : index
        %swap3A_1150 = tpu.vector_load %arg9[%swap3A_1148, %swap3A_1149] {strides = array<i32>} : memref<128x256xf32, #tpu.memory_space<vmem>>, vector<16xf32>,
        tpu.vector_store %arg9[%swap3A_1148, %swap3A_1149], %broadcast_in_dim3A_929 {strides = array<i32>} : memref<128x256xf32, #tpu.memory_space<vmem>>, vector<16xf32>,
        %swap3A_1151 = arith.index_cast %while3A_1143 : i32 to index
        %swap3A_1152 = arith.constant 32 : index
        %swap3A_1153 = tpu.vector_load %arg9[%swap3A_1151, %swap3A_1152] {strides = array<i32>} : memref<128x256xf32, #tpu.memory_space<vmem>>, vector<16xf32>,
        tpu.vector_store %arg9[%swap3A_1151, %swap3A_1152], %broadcast_in_dim3A_929 {strides = array<i32>} : memref<128x256xf32, #tpu.memory_space<vmem>>, vector<16xf32>,
        %swap3A_1154 = arith.index_cast %while3A_1143 : i32 to index
        %swap3A_1155 = arith.constant 48 : index
        %swap3A_1156 = tpu.vector_load %arg9[%swap3A_1154, %swap3A_1155] {strides = array<i32>} : memref<128x256xf32, #tpu.memory_space<vmem>>, vector<16xf32>,
        tpu.vector_store %arg9[%swap3A_1154, %swap3A_1155], %broadcast_in_dim3A_929 {strides = array<i32>} : memref<128x256xf32, #tpu.memory_space<vmem>>, vector<16xf32>,
        %swap3A_1157 = arith.index_cast %while3A_1143 : i32 to index
        %swap3A_1158 = arith.constant 64 : index
        %swap3A_1159 = tpu.vector_load %arg9[%swap3A_1157, %swap3A_1158] {strides = array<i32>} : memref<128x256xf32, #tpu.memory_space<vmem>>, vector<16xf32>,
        tpu.vector_store %arg9[%swap3A_1157, %swap3A_1158], %broadcast_in_dim3A_929 {strides = array<i32>} : memref<128x256xf32, #tpu.memory_space<vmem>>, vector<16xf32>,
        %swap3A_1160 = arith.index_cast %while3A_1143 : i32 to index
        %swap3A_1161 = arith.constant 80 : index
        %swap3A_1162 = tpu.vector_load %arg9[%swap3A_1160, %swap3A_1161] {strides = array<i32>} : memref<128x256xf32, #tpu.memory_space<vmem>>, vector<16xf32>,
        tpu.vector_store %arg9[%swap3A_1160, %swap3A_1161], %broadcast_in_dim3A_929 {strides = array<i32>} : memref<128x256xf32, #tpu.memory_space<vmem>>, vector<16xf32>,
        %swap3A_1163 = arith.index_cast %while3A_1143 : i32 to index
        %swap3A_1164 = arith.constant 96 : index
        %swap3A_1165 = tpu.vector_load %arg9[%swap3A_1163, %swap3A_1164] {strides = array<i32>} : memref<128x256xf32, #tpu.memory_space<vmem>>, vector<16xf32>,
        tpu.vector_store %arg9[%swap3A_1163, %swap3A_1164], %broadcast_in_dim3A_929 {strides = array<i32>} : memref<128x256xf32, #tpu.memory_space<vmem>>, vector<16xf32>,
        %swap3A_1166 = arith.index_cast %while3A_1143 : i32 to index
        %swap3A_1167 = arith.constant 112 : index
        %swap3A_1168 = tpu.vector_load %arg9[%swap3A_1166, %swap3A_1167] {strides = array<i32>} : memref<128x256xf32, #tpu.memory_space<vmem>>, vector<16xf32>,
        tpu.vector_store %arg9[%swap3A_1166, %swap3A_1167], %broadcast_in_dim3A_929 {strides = array<i32>} : memref<128x256xf32, #tpu.memory_space<vmem>>, vector<16xf32>,
        %swap3A_1169 = arith.index_cast %while3A_1143 : i32 to index
        %swap3A_1170 = arith.constant 128 : index
        %swap3A_1171 = tpu.vector_load %arg9[%swap3A_1169, %swap3A_1170] {strides = array<i32>} : memref<128x256xf32, #tpu.memory_space<vmem>>, vector<16xf32>,
        tpu.vector_store %arg9[%swap3A_1169, %swap3A_1170], %broadcast_in_dim3A_929 {strides = array<i32>} : memref<128x256xf32, #tpu.memory_space<vmem>>, vector<16xf32>,
        %swap3A_1172 = arith.index_cast %while3A_1143 : i32 to index
        %swap3A_1173 = arith.constant 144 : index
        %swap3A_1174 = tpu.vector_load %arg9[%swap3A_1172, %swap3A_1173] {strides = array<i32>} : memref<128x256xf32, #tpu.memory_space<vmem>>, vector<16xf32>,
        tpu.vector_store %arg9[%swap3A_1172, %swap3A_1173], %broadcast_in_dim3A_929 {strides = array<i32>} : memref<128x256xf32, #tpu.memory_space<vmem>>, vector<16xf32>,
        %swap3A_1175 = arith.index_cast %while3A_1143 : i32 to index
        %swap3A_1176 = arith.constant 160 : index
        %swap3A_1177 = tpu.vector_load %arg9[%swap3A_1175, %swap3A_1176] {strides = array<i32>} : memref<128x256xf32, #tpu.memory_space<vmem>>, vector<16xf32>,
        tpu.vector_store %arg9[%swap3A_1175, %swap3A_1176], %broadcast_in_dim3A_929 {strides = array<i32>} : memref<128x256xf32, #tpu.memory_space<vmem>>, vector<16xf32>,
        %swap3A_1178 = arith.index_cast %while3A_1143 : i32 to index
        %swap3A_1179 = arith.constant 176 : index
        %swap3A_1180 = tpu.vector_load %arg9[%swap3A_1178, %swap3A_1179] {strides = array<i32>} : memref<128x256xf32, #tpu.memory_space<vmem>>, vector<16xf32>,
        tpu.vector_store %arg9[%swap3A_1178, %swap3A_1179], %broadcast_in_dim3A_929 {strides = array<i32>} : memref<128x256xf32, #tpu.memory_space<vmem>>, vector<16xf32>,
        %swap3A_1181 = arith.index_cast %while3A_1143 : i32 to index
        %swap3A_1182 = arith.constant 192 : index
        %swap3A_1183 = tpu.vector_load %arg9[%swap3A_1181, %swap3A_1182] {strides = array<i32>} : memref<128x256xf32, #tpu.memory_space<vmem>>, vector<16xf32>,
        tpu.vector_store %arg9[%swap3A_1181, %swap3A_1182], %broadcast_in_dim3A_929 {strides = array<i32>} : memref<128x256xf32, #tpu.memory_space<vmem>>, vector<16xf32>,
        %swap3A_1184 = arith.index_cast %while3A_1143 : i32 to index
        %swap3A_1185 = arith.constant 208 : index
        %swap3A_1186 = tpu.vector_load %arg9[%swap3A_1184, %swap3A_1185] {strides = array<i32>} : memref<128x256xf32, #tpu.memory_space<vmem>>, vector<16xf32>,
        tpu.vector_store %arg9[%swap3A_1184, %swap3A_1185], %broadcast_in_dim3A_929 {strides = array<i32>} : memref<128x256xf32, #tpu.memory_space<vmem>>, vector<16xf32>,
        %swap3A_1187 = arith.index_cast %while3A_1143 : i32 to index
        %swap3A_1188 = arith.constant 224 : index
        %swap3A_1189 = tpu.vector_load %arg9[%swap3A_1187, %swap3A_1188] {strides = array<i32>} : memref<128x256xf32, #tpu.memory_space<vmem>>, vector<16xf32>,
        tpu.vector_store %arg9[%swap3A_1187, %swap3A_1188], %broadcast_in_dim3A_929 {strides = array<i32>} : memref<128x256xf32, #tpu.memory_space<vmem>>, vector<16xf32>,
        %swap3A_1190 = arith.index_cast %while3A_1143 : i32 to index
        %swap3A_1191 = arith.constant 240 : index
        %swap3A_1192 = tpu.vector_load %arg9[%swap3A_1190, %swap3A_1191] {strides = array<i32>} : memref<128x256xf32, #tpu.memory_space<vmem>>, vector<16xf32>,
        tpu.vector_store %arg9[%swap3A_1190, %swap3A_1191], %broadcast_in_dim3A_929 {strides = array<i32>} : memref<128x256xf32, #tpu.memory_space<vmem>>, vector<16xf32>,
        %while3A_1193 = arith.constant 0 : i32
        scf.yield %while3A_1193 : i32
      }
      %while3A_1141 = arith.constant 1 : i32
      %while3A_1142 = scf.for %while3A_1143 = %while3A_1138 to %while3A_1134 step %while3A_1141 iter_args(%while3A_1144 = %while3A_1140) -> (i32)  : i32 {
        %swap3A_1145 = arith.index_cast %while3A_1143 : i32 to index
        %swap3A_1146 = arith.constant 0 : index
        %swap3A_1147 = tpu.vector_load %arg9[%swap3A_1145, %swap3A_1146] {strides = array<i32>} : memref<128x256xf32, #tpu.memory_space<vmem>>, vector<16xf32>,
        tpu.vector_store %arg9[%swap3A_1145, %swap3A_1146], %broadcast_in_dim3A_929 {strides = array<i32>} : memref<128x256xf32, #tpu.memory_space<vmem>>, vector<16xf32>,
        %swap3A_1148 = arith.index_cast %while3A_1143 : i32 to index
        %swap3A_1149 = arith.constant 16 : index
        %swap3A_1150 = tpu.vector_load %arg9[%swap3A_1148, %swap3A_1149] {strides = array<i32>} : memref<128x256xf32, #tpu.memory_space<vmem>>, vector<16xf32>,
        tpu.vector_store %arg9[%swap3A_1148, %swap3A_1149], %broadcast_in_dim3A_929 {strides = array<i32>} : memref<128x256xf32, #tpu.memory_space<vmem>>, vector<16xf32>,
        %swap3A_1151 = arith.index_cast %while3A_1143 : i32 to index
        %swap3A_1152 = arith.constant 32 : index
        %swap3A_1153 = tpu.vector_load %arg9[%swap3A_1151, %swap3A_1152] {strides = array<i32>} : memref<128x256xf32, #tpu.memory_space<vmem>>, vector<16xf32>,
        tpu.vector_store %arg9[%swap3A_1151, %swap3A_1152], %broadcast_in_dim3A_929 {strides = array<i32>} : memref<128x256xf32, #tpu.memory_space<vmem>>, vector<16xf32>,
        %swap3A_1154 = arith.index_cast %while3A_1143 : i32 to index
        %swap3A_1155 = arith.constant 48 : index
        %swap3A_1156 = tpu.vector_load %arg9[%swap3A_1154, %swap3A_1155] {strides = array<i32>} : memref<128x256xf32, #tpu.memory_space<vmem>>, vector<16xf32>,
        tpu.vector_store %arg9[%swap3A_1154, %swap3A_1155], %broadcast_in_dim3A_929 {strides = array<i32>} : memref<128x256xf32, #tpu.memory_space<vmem>>, vector<16xf32>,
        %swap3A_1157 = arith.index_cast %while3A_1143 : i32 to index
        %swap3A_1158 = arith.constant 64 : index
        %swap3A_1159 = tpu.vector_load %arg9[%swap3A_1157, %swap3A_1158] {strides = array<i32>} : memref<128x256xf32, #tpu.memory_space<vmem>>, vector<16xf32>,
        tpu.vector_store %arg9[%swap3A_1157, %swap3A_1158], %broadcast_in_dim3A_929 {strides = array<i32>} : memref<128x256xf32, #tpu.memory_space<vmem>>, vector<16xf32>,
        %swap3A_1160 = arith.index_cast %while3A_1143 : i32 to index
        %swap3A_1161 = arith.constant 80 : index
        %swap3A_1162 = tpu.vector_load %arg9[%swap3A_1160, %swap3A_1161] {strides = array<i32>} : memref<128x256xf32, #tpu.memory_space<vmem>>, vector<16xf32>,
        tpu.vector_store %arg9[%swap3A_1160, %swap3A_1161], %broadcast_in_dim3A_929 {strides = array<i32>} : memref<128x256xf32, #tpu.memory_space<vmem>>, vector<16xf32>,
        %swap3A_1163 = arith.index_cast %while3A_1143 : i32 to index
        %swap3A_1164 = arith.constant 96 : index
        %swap3A_1165 = tpu.vector_load %arg9[%swap3A_1163, %swap3A_1164] {strides = array<i32>} : memref<128x256xf32, #tpu.memory_space<vmem>>, vector<16xf32>,
        tpu.vector_store %arg9[%swap3A_1163, %swap3A_1164], %broadcast_in_dim3A_929 {strides = array<i32>} : memref<128x256xf32, #tpu.memory_space<vmem>>, vector<16xf32>,
        %swap3A_1166 = arith.index_cast %while3A_1143 : i32 to index
        %swap3A_1167 = arith.constant 112 : index
        %swap3A_1168 = tpu.vector_load %arg9[%swap3A_1166, %swap3A_1167] {strides = array<i32>} : memref<128x256xf32, #tpu.memory_space<vmem>>, vector<16xf32>,
        tpu.vector_store %arg9[%swap3A_1166, %swap3A_1167], %broadcast_in_dim3A_929 {strides = array<i32>} : memref<128x256xf32, #tpu.memory_space<vmem>>, vector<16xf32>,
        %swap3A_1169 = arith.index_cast %while3A_1143 : i32 to index
        %swap3A_1170 = arith.constant 128 : index
        %swap3A_1171 = tpu.vector_load %arg9[%swap3A_1169, %swap3A_1170] {strides = array<i32>} : memref<128x256xf32, #tpu.memory_space<vmem>>, vector<16xf32>,
        tpu.vector_store %arg9[%swap3A_1169, %swap3A_1170], %broadcast_in_dim3A_929 {strides = array<i32>} : memref<128x256xf32, #tpu.memory_space<vmem>>, vector<16xf32>,
        %swap3A_1172 = arith.index_cast %while3A_1143 : i32 to index
        %swap3A_1173 = arith.constant 144 : index
        %swap3A_1174 = tpu.vector_load %arg9[%swap3A_1172, %swap3A_1173] {strides = array<i32>} : memref<128x256xf32, #tpu.memory_space<vmem>>, vector<16xf32>,
        tpu.vector_store %arg9[%swap3A_1172, %swap3A_1173], %broadcast_in_dim3A_929 {strides = array<i32>} : memref<128x256xf32, #tpu.memory_space<vmem>>, vector<16xf32>,
        %swap3A_1175 = arith.index_cast %while3A_1143 : i32 to index
        %swap3A_1176 = arith.constant 160 : index
        %swap3A_1177 = tpu.vector_load %arg9[%swap3A_1175, %swap3A_1176] {strides = array<i32>} : memref<128x256xf32, #tpu.memory_space<vmem>>, vector<16xf32>,
        tpu.vector_store %arg9[%swap3A_1175, %swap3A_1176], %broadcast_in_dim3A_929 {strides = array<i32>} : memref<128x256xf32, #tpu.memory_space<vmem>>, vector<16xf32>,
        %swap3A_1178 = arith.index_cast %while3A_1143 : i32 to index
        %swap3A_1179 = arith.constant 176 : index
        %swap3A_1180 = tpu.vector_load %arg9[%swap3A_1178, %swap3A_1179] {strides = array<i32>} : memref<128x256xf32, #tpu.memory_space<vmem>>, vector<16xf32>,
        tpu.vector_store %arg9[%swap3A_1178, %swap3A_1179], %broadcast_in_dim3A_929 {strides = array<i32>} : memref<128x256xf32, #tpu.memory_space<vmem>>, vector<16xf32>,
        %swap3A_1181 = arith.index_cast %while3A_1143 : i32 to index
        %swap3A_1182 = arith.constant 192 : index
        %swap3A_1183 = tpu.vector_load %arg9[%swap3A_1181, %swap3A_1182] {strides = array<i32>} : memref<128x256xf32, #tpu.memory_space<vmem>>, vector<16xf32>,
        tpu.vector_store %arg9[%swap3A_1181, %swap3A_1182], %broadcast_in_dim3A_929 {strides = array<i32>} : memref<128x256xf32, #tpu.memory_space<vmem>>, vector<16xf32>,
        %swap3A_1184 = arith.index_cast %while3A_1143 : i32 to index
        %swap3A_1185 = arith.constant 208 : index
        %swap3A_1186 = tpu.vector_load %arg9[%swap3A_1184, %swap3A_1185] {strides = array<i32>} : memref<128x256xf32, #tpu.memory_space<vmem>>, vector<16xf32>,
        tpu.vector_store %arg9[%swap3A_1184, %swap3A_1185], %broadcast_in_dim3A_929 {strides = array<i32>} : memref<128x256xf32, #tpu.memory_space<vmem>>, vector<16xf32>,
        %swap3A_1187 = arith.index_cast %while3A_1143 : i32 to index
        %swap3A_1188 = arith.constant 224 : index
        %swap3A_1189 = tpu.vector_load %arg9[%swap3A_1187, %swap3A_1188] {strides = array<i32>} : memref<128x256xf32, #tpu.memory_space<vmem>>, vector<16xf32>,
        tpu.vector_store %arg9[%swap3A_1187, %swap3A_1188], %broadcast_in_dim3A_929 {strides = array<i32>} : memref<128x256xf32, #tpu.memory_space<vmem>>, vector<16xf32>,
        %swap3A_1190 = arith.index_cast %while3A_1143 : i32 to index
        %swap3A_1191 = arith.constant 240 : index
        %swap3A_1192 = tpu.vector_load %arg9[%swap3A_1190, %swap3A_1191] {strides = array<i32>} : memref<128x256xf32, #tpu.memory_space<vmem>>, vector<16xf32>,
        tpu.vector_store %arg9[%swap3A_1190, %swap3A_1191], %broadcast_in_dim3A_929 {strides = array<i32>} : memref<128x256xf32, #tpu.memory_space<vmem>>, vector<16xf32>,
        %while3A_1193 = arith.constant 0 : i32
        scf.yield %while3A_1193 : i32
      }
      "tpu.region"() ({
        %run_scoped3A = tpu.sem_alloc : memref<!tpu.dma_semaphore, #tpu.memory_space<semaphore_mem>>
        %dma_start3A = arith.constant 0 : i32
        %dma_start3A_1143 = tpu.memref_slice %arg5[%select_n3A, %add3A_1018, %dma_start3A] : memref<16x2048x256xf32, #tpu.memory_space<hbm>> -> memref<1x128x256xf32, #tpu.memory_space<hbm>>
        %dma_start3A_1144 = tpu.memref_squeeze %dma_start3A_1143 : memref<1x128x256xf32, #tpu.memory_space<hbm>> -> memref<128x256xf32, #tpu.memory_space<hbm>>
        %dma_start3A_1145 = arith.constant 0 : i32
        %dma_start3A_1146 = tpu.memref_slice %arg5[%select_n3A, %add3A_1018, %dma_start3A_1145] : memref<16x2048x256xf32, #tpu.memory_space<hbm>> -> memref<1x128x256xf32, #tpu.memory_space<hbm>>
        %dma_start3A_1147 = tpu.memref_squeeze %dma_start3A_1146 : memref<1x128x256xf32, #tpu.memory_space<hbm>> -> memref<128x256xf32, #tpu.memory_space<hbm>>
        tpu.enqueue_dma source(%arg9 : memref<128x256xf32, #tpu.memory_space<vmem>>) target(%dma_start3A_1147 : memref<128x256xf32, #tpu.memory_space<hbm>>) target_semaphore(%run_scoped3A : memref<!tpu.dma_semaphore, #tpu.memory_space<semaphore_mem>>)
        %dma_wait3A_1148 = arith.constant 0 : i32
        %dma_wait3A_1149 = tpu.memref_slice %arg5[%select_n3A, %add3A_1018, %dma_wait3A_1148] : memref<16x2048x256xf32, #tpu.memory_space<hbm>> -> memref<1x128x256xf32, #tpu.memory_space<hbm>>
        %dma_wait3A_1150 = tpu.memref_squeeze %dma_wait3A_1149 : memref<1x128x256xf32, #tpu.memory_space<hbm>> -> memref<128x256xf32, #tpu.memory_space<hbm>>
        %dma_wait3A_1151 = arith.constant 0 : i32
        %dma_wait3A_1152 = tpu.memref_slice %arg5[%select_n3A, %add3A_1018, %dma_wait3A_1151] : memref<16x2048x256xf32, #tpu.memory_space<hbm>> -> memref<1x128x256xf32, #tpu.memory_space<hbm>>
        %dma_wait3A_1153 = tpu.memref_squeeze %dma_wait3A_1152 : memref<1x128x256xf32, #tpu.memory_space<hbm>> -> memref<128x256xf32, #tpu.memory_space<hbm>>
        tpu.wait_dma2 semaphore(%run_scoped3A : memref<!tpu.dma_semaphore, #tpu.memory_space<semaphore_mem>>) src(%arg9 : memref<128x256xf32, #tpu.memory_space<vmem>>) dst(%dma_wait3A_1153 : memref<128x256xf32, #tpu.memory_space<hbm>>)
        tpu.yield
      }) : () -> ()
    } else {
    }
    %eq3A_1024 = arith.constant 0 : i32
    %eq3A_1025 = arith.cmpi eq, %min3A_954, %eq3A_1024 : i32
    %convert_element_type3A_1026 = arith.extui %eq3A_1025 : i1 to i32
    %cond3A_1027 = arith.constant 0 : i32
    %cond3A_1028 = arith.cmpi ne, %convert_element_type3A_1026, %cond3A_1027 : i32
    scf.if %cond3A_1028 {
      "tpu.region"() ({
        %run_scoped3A = tpu.sem_alloc : memref<!tpu.dma_semaphore, #tpu.memory_space<semaphore_mem>>
        %dma_start3A = arith.constant 0 : i32
        %dma_start3A_1126 = tpu.memref_slice %arg5[%select_n3A, %add3A_1018, %dma_start3A] : memref<16x2048x256xf32, #tpu.memory_space<hbm>> -> memref<1x128x256xf32, #tpu.memory_space<hbm>>
        %dma_start3A_1127 = tpu.memref_squeeze %dma_start3A_1126 : memref<1x128x256xf32, #tpu.memory_space<hbm>> -> memref<128x256xf32, #tpu.memory_space<hbm>>
        %dma_start3A_1128 = arith.constant 0 : i32
        %dma_start3A_1129 = tpu.memref_slice %arg5[%select_n3A, %add3A_1018, %dma_start3A_1128] : memref<16x2048x256xf32, #tpu.memory_space<hbm>> -> memref<1x128x256xf32, #tpu.memory_space<hbm>>
        %dma_start3A_1130 = tpu.memref_squeeze %dma_start3A_1129 : memref<1x128x256xf32, #tpu.memory_space<hbm>> -> memref<128x256xf32, #tpu.memory_space<hbm>>
        tpu.enqueue_dma source(%arg10 : memref<128x256xf32, #tpu.memory_space<vmem>>) target(%dma_start3A_1130 : memref<128x256xf32, #tpu.memory_space<hbm>>) target_semaphore(%run_scoped3A : memref<!tpu.dma_semaphore, #tpu.memory_space<semaphore_mem>>)
        %dma_wait3A = arith.constant 0 : i32
        %dma_wait3A_1131 = tpu.memref_slice %arg5[%select_n3A, %add3A_1018, %dma_wait3A] : memref<16x2048x256xf32, #tpu.memory_space<hbm>> -> memref<1x128x256xf32, #tpu.memory_space<hbm>>
        %dma_wait3A_1132 = tpu.memref_squeeze %dma_wait3A_1131 : memref<1x128x256xf32, #tpu.memory_space<hbm>> -> memref<128x256xf32, #tpu.memory_space<hbm>>
        %dma_wait3A_1133 = arith.constant 0 : i32
        %dma_wait3A_1134 = tpu.memref_slice %arg5[%select_n3A, %add3A_1018, %dma_wait3A_1133] : memref<16x2048x256xf32, #tpu.memory_space<hbm>> -> memref<1x128x256xf32, #tpu.memory_space<hbm>>
        %dma_wait3A_1135 = tpu.memref_squeeze %dma_wait3A_1134 : memref<1x128x256xf32, #tpu.memory_space<hbm>> -> memref<128x256xf32, #tpu.memory_space<hbm>>
        tpu.wait_dma2 semaphore(%run_scoped3A : memref<!tpu.dma_semaphore, #tpu.memory_space<semaphore_mem>>) src(%arg10 : memref<128x256xf32, #tpu.memory_space<vmem>>) dst(%dma_wait3A_1135 : memref<128x256xf32, #tpu.memory_space<hbm>>)
        tpu.yield
      }) : () -> ()
    } else {
    }
    %gt3A_1029 = arith.constant 0 : i32
    %gt3A_1030 = arith.cmpi sgt, %min3A_966, %gt3A_1029 : i32
    %convert_element_type3A_1031 = arith.extui %gt3A_1030 : i1 to i32
    %cond3A_1032 = arith.constant 0 : i32
    %cond3A_1033 = arith.cmpi ne, %convert_element_type3A_1031, %cond3A_1032 : i32
    scf.if %cond3A_1033 {
      %dma_start3A = arith.constant 3 : i32
      %dma_start3A_1126 = arith.constant 0 : i32
      %dma_start3A_1127 = tpu.memref_slice %arg7[%dma_start3A, %dma_start3A_1126] : memref<8x128xi32, #tpu.memory_space<vmem>> -> memref<1x128xi32, #tpu.memory_space<vmem>>
      %dma_start3A_1128 = tpu.memref_squeeze %dma_start3A_1127 : memref<1x128xi32, #tpu.memory_space<vmem>> -> memref<128xi32, #tpu.memory_space<vmem>>
      %dma_start3A_1129 = arith.constant 0 : i32
      %dma_start3A_1130 = arith.constant 0 : i32
      %dma_start3A_1131 = tpu.memref_slice %arg2[%dma_start3A_1129, %dma_start3A_1130] : memref<8192x256xf32, #tpu.memory_space<hbm>> -> memref<8192x256xf32, #tpu.memory_space<hbm>>
      tpu.enqueue_indirect_dma source(%dma_start3A_1131 : memref<8192x256xf32, #tpu.memory_space<hbm>>) target(%arg9 : memref<128x256xf32, #tpu.memory_space<vmem>>) offsets(%dma_start3A_1128 : memref<128xi32, #tpu.memory_space<vmem>>) semaphore(%arg12 : memref<!tpu.dma_semaphore, #tpu.memory_space<semaphore_mem>>)
    } else {
    }
    %add3A_1034 = arith.constant 256 : i32
    %add3A_1035 = arith.addi %mul3A_33, %add3A_1034 : i32
    %gt3A_1036 = arith.constant 0 : i32
    %gt3A_1037 = arith.cmpi sgt, %min3A_960, %gt3A_1036 : i32
    %convert_element_type3A_1038 = arith.extui %gt3A_1037 : i1 to i32
    %cond3A_1039 = arith.constant 0 : i32
    %cond3A_1040 = arith.cmpi ne, %convert_element_type3A_1038, %cond3A_1039 : i32
    scf.if %cond3A_1040 {
      %dma_wait3A = arith.constant 2 : i32
      %dma_wait3A_1126 = arith.constant 0 : i32
      %dma_wait3A_1127 = tpu.memref_slice %arg7[%dma_wait3A, %dma_wait3A_1126] : memref<8x128xi32, #tpu.memory_space<vmem>> -> memref<1x128xi32, #tpu.memory_space<vmem>>
      %dma_wait3A_1128 = tpu.memref_squeeze %dma_wait3A_1127 : memref<1x128xi32, #tpu.memory_space<vmem>> -> memref<128xi32, #tpu.memory_space<vmem>>
      %dma_wait3A_1129 = arith.constant 0 : i32
      %dma_wait3A_1130 = arith.constant 0 : i32
      %dma_wait3A_1131 = tpu.memref_slice %arg2[%dma_wait3A_1129, %dma_wait3A_1130] : memref<8192x256xf32, #tpu.memory_space<hbm>> -> memref<8192x256xf32, #tpu.memory_space<hbm>>
      tpu.wait_indirect_dma semaphore(%arg11 : memref<!tpu.dma_semaphore, #tpu.memory_space<semaphore_mem>>) src(%dma_wait3A_1131 : memref<8192x256xf32, #tpu.memory_space<hbm>>) dst(%arg8 : memref<128x256xf32, #tpu.memory_space<vmem>>)
      %while3A = arith.constant 128 : i32
      %while3A_1132 = arith.constant 0 : i32
      %while3A_1133 = arith.subi %while3A, %min3A_960 : i32
      %while3A_1134 = arith.addi %min3A_960, %while3A_1133 : i32
      %while3A_1135 = arith.constant 1 : i32
      %while3A_1136 = arith.divsi %while3A_1133, %while3A_1135 : i32
      %while3A_1137 = arith.muli %while3A_1136, %while3A_1135 : i32
      %while3A_1138 = arith.addi %min3A_960, %while3A_1137 : i32
      %while3A_1139 = arith.constant 1 : i32
      %while3A_1140 = scf.for %while3A_1143 = %min3A_960 to %while3A_1138 step %while3A_1139 iter_args(%while3A_1144 = %while3A_1132) -> (i32)  : i32 {
        %swap3A_1145 = arith.index_cast %while3A_1143 : i32 to index
        %swap3A_1146 = arith.constant 0 : index
        %swap3A_1147 = tpu.vector_load %arg8[%swap3A_1145, %swap3A_1146] {strides = array<i32>} : memref<128x256xf32, #tpu.memory_space<vmem>>, vector<16xf32>,
        tpu.vector_store %arg8[%swap3A_1145, %swap3A_1146], %broadcast_in_dim3A_929 {strides = array<i32>} : memref<128x256xf32, #tpu.memory_space<vmem>>, vector<16xf32>,
        %swap3A_1148 = arith.index_cast %while3A_1143 : i32 to index
        %swap3A_1149 = arith.constant 16 : index
        %swap3A_1150 = tpu.vector_load %arg8[%swap3A_1148, %swap3A_1149] {strides = array<i32>} : memref<128x256xf32, #tpu.memory_space<vmem>>, vector<16xf32>,
        tpu.vector_store %arg8[%swap3A_1148, %swap3A_1149], %broadcast_in_dim3A_929 {strides = array<i32>} : memref<128x256xf32, #tpu.memory_space<vmem>>, vector<16xf32>,
        %swap3A_1151 = arith.index_cast %while3A_1143 : i32 to index
        %swap3A_1152 = arith.constant 32 : index
        %swap3A_1153 = tpu.vector_load %arg8[%swap3A_1151, %swap3A_1152] {strides = array<i32>} : memref<128x256xf32, #tpu.memory_space<vmem>>, vector<16xf32>,
        tpu.vector_store %arg8[%swap3A_1151, %swap3A_1152], %broadcast_in_dim3A_929 {strides = array<i32>} : memref<128x256xf32, #tpu.memory_space<vmem>>, vector<16xf32>,
        %swap3A_1154 = arith.index_cast %while3A_1143 : i32 to index
        %swap3A_1155 = arith.constant 48 : index
        %swap3A_1156 = tpu.vector_load %arg8[%swap3A_1154, %swap3A_1155] {strides = array<i32>} : memref<128x256xf32, #tpu.memory_space<vmem>>, vector<16xf32>,
        tpu.vector_store %arg8[%swap3A_1154, %swap3A_1155], %broadcast_in_dim3A_929 {strides = array<i32>} : memref<128x256xf32, #tpu.memory_space<vmem>>, vector<16xf32>,
        %swap3A_1157 = arith.index_cast %while3A_1143 : i32 to index
        %swap3A_1158 = arith.constant 64 : index
        %swap3A_1159 = tpu.vector_load %arg8[%swap3A_1157, %swap3A_1158] {strides = array<i32>} : memref<128x256xf32, #tpu.memory_space<vmem>>, vector<16xf32>,
        tpu.vector_store %arg8[%swap3A_1157, %swap3A_1158], %broadcast_in_dim3A_929 {strides = array<i32>} : memref<128x256xf32, #tpu.memory_space<vmem>>, vector<16xf32>,
        %swap3A_1160 = arith.index_cast %while3A_1143 : i32 to index
        %swap3A_1161 = arith.constant 80 : index
        %swap3A_1162 = tpu.vector_load %arg8[%swap3A_1160, %swap3A_1161] {strides = array<i32>} : memref<128x256xf32, #tpu.memory_space<vmem>>, vector<16xf32>,
        tpu.vector_store %arg8[%swap3A_1160, %swap3A_1161], %broadcast_in_dim3A_929 {strides = array<i32>} : memref<128x256xf32, #tpu.memory_space<vmem>>, vector<16xf32>,
        %swap3A_1163 = arith.index_cast %while3A_1143 : i32 to index
        %swap3A_1164 = arith.constant 96 : index
        %swap3A_1165 = tpu.vector_load %arg8[%swap3A_1163, %swap3A_1164] {strides = array<i32>} : memref<128x256xf32, #tpu.memory_space<vmem>>, vector<16xf32>,
        tpu.vector_store %arg8[%swap3A_1163, %swap3A_1164], %broadcast_in_dim3A_929 {strides = array<i32>} : memref<128x256xf32, #tpu.memory_space<vmem>>, vector<16xf32>,
        %swap3A_1166 = arith.index_cast %while3A_1143 : i32 to index
        %swap3A_1167 = arith.constant 112 : index
        %swap3A_1168 = tpu.vector_load %arg8[%swap3A_1166, %swap3A_1167] {strides = array<i32>} : memref<128x256xf32, #tpu.memory_space<vmem>>, vector<16xf32>,
        tpu.vector_store %arg8[%swap3A_1166, %swap3A_1167], %broadcast_in_dim3A_929 {strides = array<i32>} : memref<128x256xf32, #tpu.memory_space<vmem>>, vector<16xf32>,
        %swap3A_1169 = arith.index_cast %while3A_1143 : i32 to index
        %swap3A_1170 = arith.constant 128 : index
        %swap3A_1171 = tpu.vector_load %arg8[%swap3A_1169, %swap3A_1170] {strides = array<i32>} : memref<128x256xf32, #tpu.memory_space<vmem>>, vector<16xf32>,
        tpu.vector_store %arg8[%swap3A_1169, %swap3A_1170], %broadcast_in_dim3A_929 {strides = array<i32>} : memref<128x256xf32, #tpu.memory_space<vmem>>, vector<16xf32>,
        %swap3A_1172 = arith.index_cast %while3A_1143 : i32 to index
        %swap3A_1173 = arith.constant 144 : index
        %swap3A_1174 = tpu.vector_load %arg8[%swap3A_1172, %swap3A_1173] {strides = array<i32>} : memref<128x256xf32, #tpu.memory_space<vmem>>, vector<16xf32>,
        tpu.vector_store %arg8[%swap3A_1172, %swap3A_1173], %broadcast_in_dim3A_929 {strides = array<i32>} : memref<128x256xf32, #tpu.memory_space<vmem>>, vector<16xf32>,
        %swap3A_1175 = arith.index_cast %while3A_1143 : i32 to index
        %swap3A_1176 = arith.constant 160 : index
        %swap3A_1177 = tpu.vector_load %arg8[%swap3A_1175, %swap3A_1176] {strides = array<i32>} : memref<128x256xf32, #tpu.memory_space<vmem>>, vector<16xf32>,
        tpu.vector_store %arg8[%swap3A_1175, %swap3A_1176], %broadcast_in_dim3A_929 {strides = array<i32>} : memref<128x256xf32, #tpu.memory_space<vmem>>, vector<16xf32>,
        %swap3A_1178 = arith.index_cast %while3A_1143 : i32 to index
        %swap3A_1179 = arith.constant 176 : index
        %swap3A_1180 = tpu.vector_load %arg8[%swap3A_1178, %swap3A_1179] {strides = array<i32>} : memref<128x256xf32, #tpu.memory_space<vmem>>, vector<16xf32>,
        tpu.vector_store %arg8[%swap3A_1178, %swap3A_1179], %broadcast_in_dim3A_929 {strides = array<i32>} : memref<128x256xf32, #tpu.memory_space<vmem>>, vector<16xf32>,
        %swap3A_1181 = arith.index_cast %while3A_1143 : i32 to index
        %swap3A_1182 = arith.constant 192 : index
        %swap3A_1183 = tpu.vector_load %arg8[%swap3A_1181, %swap3A_1182] {strides = array<i32>} : memref<128x256xf32, #tpu.memory_space<vmem>>, vector<16xf32>,
        tpu.vector_store %arg8[%swap3A_1181, %swap3A_1182], %broadcast_in_dim3A_929 {strides = array<i32>} : memref<128x256xf32, #tpu.memory_space<vmem>>, vector<16xf32>,
        %swap3A_1184 = arith.index_cast %while3A_1143 : i32 to index
        %swap3A_1185 = arith.constant 208 : index
        %swap3A_1186 = tpu.vector_load %arg8[%swap3A_1184, %swap3A_1185] {strides = array<i32>} : memref<128x256xf32, #tpu.memory_space<vmem>>, vector<16xf32>,
        tpu.vector_store %arg8[%swap3A_1184, %swap3A_1185], %broadcast_in_dim3A_929 {strides = array<i32>} : memref<128x256xf32, #tpu.memory_space<vmem>>, vector<16xf32>,
        %swap3A_1187 = arith.index_cast %while3A_1143 : i32 to index
        %swap3A_1188 = arith.constant 224 : index
        %swap3A_1189 = tpu.vector_load %arg8[%swap3A_1187, %swap3A_1188] {strides = array<i32>} : memref<128x256xf32, #tpu.memory_space<vmem>>, vector<16xf32>,
        tpu.vector_store %arg8[%swap3A_1187, %swap3A_1188], %broadcast_in_dim3A_929 {strides = array<i32>} : memref<128x256xf32, #tpu.memory_space<vmem>>, vector<16xf32>,
        %swap3A_1190 = arith.index_cast %while3A_1143 : i32 to index
        %swap3A_1191 = arith.constant 240 : index
        %swap3A_1192 = tpu.vector_load %arg8[%swap3A_1190, %swap3A_1191] {strides = array<i32>} : memref<128x256xf32, #tpu.memory_space<vmem>>, vector<16xf32>,
        tpu.vector_store %arg8[%swap3A_1190, %swap3A_1191], %broadcast_in_dim3A_929 {strides = array<i32>} : memref<128x256xf32, #tpu.memory_space<vmem>>, vector<16xf32>,
        %while3A_1193 = arith.constant 0 : i32
        scf.yield %while3A_1193 : i32
      }
      %while3A_1141 = arith.constant 1 : i32
      %while3A_1142 = scf.for %while3A_1143 = %while3A_1138 to %while3A_1134 step %while3A_1141 iter_args(%while3A_1144 = %while3A_1140) -> (i32)  : i32 {
        %swap3A_1145 = arith.index_cast %while3A_1143 : i32 to index
        %swap3A_1146 = arith.constant 0 : index
        %swap3A_1147 = tpu.vector_load %arg8[%swap3A_1145, %swap3A_1146] {strides = array<i32>} : memref<128x256xf32, #tpu.memory_space<vmem>>, vector<16xf32>,
        tpu.vector_store %arg8[%swap3A_1145, %swap3A_1146], %broadcast_in_dim3A_929 {strides = array<i32>} : memref<128x256xf32, #tpu.memory_space<vmem>>, vector<16xf32>,
        %swap3A_1148 = arith.index_cast %while3A_1143 : i32 to index
        %swap3A_1149 = arith.constant 16 : index
        %swap3A_1150 = tpu.vector_load %arg8[%swap3A_1148, %swap3A_1149] {strides = array<i32>} : memref<128x256xf32, #tpu.memory_space<vmem>>, vector<16xf32>,
        tpu.vector_store %arg8[%swap3A_1148, %swap3A_1149], %broadcast_in_dim3A_929 {strides = array<i32>} : memref<128x256xf32, #tpu.memory_space<vmem>>, vector<16xf32>,
        %swap3A_1151 = arith.index_cast %while3A_1143 : i32 to index
        %swap3A_1152 = arith.constant 32 : index
        %swap3A_1153 = tpu.vector_load %arg8[%swap3A_1151, %swap3A_1152] {strides = array<i32>} : memref<128x256xf32, #tpu.memory_space<vmem>>, vector<16xf32>,
        tpu.vector_store %arg8[%swap3A_1151, %swap3A_1152], %broadcast_in_dim3A_929 {strides = array<i32>} : memref<128x256xf32, #tpu.memory_space<vmem>>, vector<16xf32>,
        %swap3A_1154 = arith.index_cast %while3A_1143 : i32 to index
        %swap3A_1155 = arith.constant 48 : index
        %swap3A_1156 = tpu.vector_load %arg8[%swap3A_1154, %swap3A_1155] {strides = array<i32>} : memref<128x256xf32, #tpu.memory_space<vmem>>, vector<16xf32>,
        tpu.vector_store %arg8[%swap3A_1154, %swap3A_1155], %broadcast_in_dim3A_929 {strides = array<i32>} : memref<128x256xf32, #tpu.memory_space<vmem>>, vector<16xf32>,
        %swap3A_1157 = arith.index_cast %while3A_1143 : i32 to index
        %swap3A_1158 = arith.constant 64 : index
        %swap3A_1159 = tpu.vector_load %arg8[%swap3A_1157, %swap3A_1158] {strides = array<i32>} : memref<128x256xf32, #tpu.memory_space<vmem>>, vector<16xf32>,
        tpu.vector_store %arg8[%swap3A_1157, %swap3A_1158], %broadcast_in_dim3A_929 {strides = array<i32>} : memref<128x256xf32, #tpu.memory_space<vmem>>, vector<16xf32>,
        %swap3A_1160 = arith.index_cast %while3A_1143 : i32 to index
        %swap3A_1161 = arith.constant 80 : index
        %swap3A_1162 = tpu.vector_load %arg8[%swap3A_1160, %swap3A_1161] {strides = array<i32>} : memref<128x256xf32, #tpu.memory_space<vmem>>, vector<16xf32>,
        tpu.vector_store %arg8[%swap3A_1160, %swap3A_1161], %broadcast_in_dim3A_929 {strides = array<i32>} : memref<128x256xf32, #tpu.memory_space<vmem>>, vector<16xf32>,
        %swap3A_1163 = arith.index_cast %while3A_1143 : i32 to index
        %swap3A_1164 = arith.constant 96 : index
        %swap3A_1165 = tpu.vector_load %arg8[%swap3A_1163, %swap3A_1164] {strides = array<i32>} : memref<128x256xf32, #tpu.memory_space<vmem>>, vector<16xf32>,
        tpu.vector_store %arg8[%swap3A_1163, %swap3A_1164], %broadcast_in_dim3A_929 {strides = array<i32>} : memref<128x256xf32, #tpu.memory_space<vmem>>, vector<16xf32>,
        %swap3A_1166 = arith.index_cast %while3A_1143 : i32 to index
        %swap3A_1167 = arith.constant 112 : index
        %swap3A_1168 = tpu.vector_load %arg8[%swap3A_1166, %swap3A_1167] {strides = array<i32>} : memref<128x256xf32, #tpu.memory_space<vmem>>, vector<16xf32>,
        tpu.vector_store %arg8[%swap3A_1166, %swap3A_1167], %broadcast_in_dim3A_929 {strides = array<i32>} : memref<128x256xf32, #tpu.memory_space<vmem>>, vector<16xf32>,
        %swap3A_1169 = arith.index_cast %while3A_1143 : i32 to index
        %swap3A_1170 = arith.constant 128 : index
        %swap3A_1171 = tpu.vector_load %arg8[%swap3A_1169, %swap3A_1170] {strides = array<i32>} : memref<128x256xf32, #tpu.memory_space<vmem>>, vector<16xf32>,
        tpu.vector_store %arg8[%swap3A_1169, %swap3A_1170], %broadcast_in_dim3A_929 {strides = array<i32>} : memref<128x256xf32, #tpu.memory_space<vmem>>, vector<16xf32>,
        %swap3A_1172 = arith.index_cast %while3A_1143 : i32 to index
        %swap3A_1173 = arith.constant 144 : index
        %swap3A_1174 = tpu.vector_load %arg8[%swap3A_1172, %swap3A_1173] {strides = array<i32>} : memref<128x256xf32, #tpu.memory_space<vmem>>, vector<16xf32>,
        tpu.vector_store %arg8[%swap3A_1172, %swap3A_1173], %broadcast_in_dim3A_929 {strides = array<i32>} : memref<128x256xf32, #tpu.memory_space<vmem>>, vector<16xf32>,
        %swap3A_1175 = arith.index_cast %while3A_1143 : i32 to index
        %swap3A_1176 = arith.constant 160 : index
        %swap3A_1177 = tpu.vector_load %arg8[%swap3A_1175, %swap3A_1176] {strides = array<i32>} : memref<128x256xf32, #tpu.memory_space<vmem>>, vector<16xf32>,
        tpu.vector_store %arg8[%swap3A_1175, %swap3A_1176], %broadcast_in_dim3A_929 {strides = array<i32>} : memref<128x256xf32, #tpu.memory_space<vmem>>, vector<16xf32>,
        %swap3A_1178 = arith.index_cast %while3A_1143 : i32 to index
        %swap3A_1179 = arith.constant 176 : index
        %swap3A_1180 = tpu.vector_load %arg8[%swap3A_1178, %swap3A_1179] {strides = array<i32>} : memref<128x256xf32, #tpu.memory_space<vmem>>, vector<16xf32>,
        tpu.vector_store %arg8[%swap3A_1178, %swap3A_1179], %broadcast_in_dim3A_929 {strides = array<i32>} : memref<128x256xf32, #tpu.memory_space<vmem>>, vector<16xf32>,
        %swap3A_1181 = arith.index_cast %while3A_1143 : i32 to index
        %swap3A_1182 = arith.constant 192 : index
        %swap3A_1183 = tpu.vector_load %arg8[%swap3A_1181, %swap3A_1182] {strides = array<i32>} : memref<128x256xf32, #tpu.memory_space<vmem>>, vector<16xf32>,
        tpu.vector_store %arg8[%swap3A_1181, %swap3A_1182], %broadcast_in_dim3A_929 {strides = array<i32>} : memref<128x256xf32, #tpu.memory_space<vmem>>, vector<16xf32>,
        %swap3A_1184 = arith.index_cast %while3A_1143 : i32 to index
        %swap3A_1185 = arith.constant 208 : index
        %swap3A_1186 = tpu.vector_load %arg8[%swap3A_1184, %swap3A_1185] {strides = array<i32>} : memref<128x256xf32, #tpu.memory_space<vmem>>, vector<16xf32>,
        tpu.vector_store %arg8[%swap3A_1184, %swap3A_1185], %broadcast_in_dim3A_929 {strides = array<i32>} : memref<128x256xf32, #tpu.memory_space<vmem>>, vector<16xf32>,
        %swap3A_1187 = arith.index_cast %while3A_1143 : i32 to index
        %swap3A_1188 = arith.constant 224 : index
        %swap3A_1189 = tpu.vector_load %arg8[%swap3A_1187, %swap3A_1188] {strides = array<i32>} : memref<128x256xf32, #tpu.memory_space<vmem>>, vector<16xf32>,
        tpu.vector_store %arg8[%swap3A_1187, %swap3A_1188], %broadcast_in_dim3A_929 {strides = array<i32>} : memref<128x256xf32, #tpu.memory_space<vmem>>, vector<16xf32>,
        %swap3A_1190 = arith.index_cast %while3A_1143 : i32 to index
        %swap3A_1191 = arith.constant 240 : index
        %swap3A_1192 = tpu.vector_load %arg8[%swap3A_1190, %swap3A_1191] {strides = array<i32>} : memref<128x256xf32, #tpu.memory_space<vmem>>, vector<16xf32>,
        tpu.vector_store %arg8[%swap3A_1190, %swap3A_1191], %broadcast_in_dim3A_929 {strides = array<i32>} : memref<128x256xf32, #tpu.memory_space<vmem>>, vector<16xf32>,
        %while3A_1193 = arith.constant 0 : i32
        scf.yield %while3A_1193 : i32
      }
      "tpu.region"() ({
        %run_scoped3A = tpu.sem_alloc : memref<!tpu.dma_semaphore, #tpu.memory_space<semaphore_mem>>
        %dma_start3A = arith.constant 0 : i32
        %dma_start3A_1143 = tpu.memref_slice %arg5[%select_n3A, %add3A_1035, %dma_start3A] : memref<16x2048x256xf32, #tpu.memory_space<hbm>> -> memref<1x128x256xf32, #tpu.memory_space<hbm>>
        %dma_start3A_1144 = tpu.memref_squeeze %dma_start3A_1143 : memref<1x128x256xf32, #tpu.memory_space<hbm>> -> memref<128x256xf32, #tpu.memory_space<hbm>>
        %dma_start3A_1145 = arith.constant 0 : i32
        %dma_start3A_1146 = tpu.memref_slice %arg5[%select_n3A, %add3A_1035, %dma_start3A_1145] : memref<16x2048x256xf32, #tpu.memory_space<hbm>> -> memref<1x128x256xf32, #tpu.memory_space<hbm>>
        %dma_start3A_1147 = tpu.memref_squeeze %dma_start3A_1146 : memref<1x128x256xf32, #tpu.memory_space<hbm>> -> memref<128x256xf32, #tpu.memory_space<hbm>>
        tpu.enqueue_dma source(%arg8 : memref<128x256xf32, #tpu.memory_space<vmem>>) target(%dma_start3A_1147 : memref<128x256xf32, #tpu.memory_space<hbm>>) target_semaphore(%run_scoped3A : memref<!tpu.dma_semaphore, #tpu.memory_space<semaphore_mem>>)
        %dma_wait3A_1148 = arith.constant 0 : i32
        %dma_wait3A_1149 = tpu.memref_slice %arg5[%select_n3A, %add3A_1035, %dma_wait3A_1148] : memref<16x2048x256xf32, #tpu.memory_space<hbm>> -> memref<1x128x256xf32, #tpu.memory_space<hbm>>
        %dma_wait3A_1150 = tpu.memref_squeeze %dma_wait3A_1149 : memref<1x128x256xf32, #tpu.memory_space<hbm>> -> memref<128x256xf32, #tpu.memory_space<hbm>>
        %dma_wait3A_1151 = arith.constant 0 : i32
        %dma_wait3A_1152 = tpu.memref_slice %arg5[%select_n3A, %add3A_1035, %dma_wait3A_1151] : memref<16x2048x256xf32, #tpu.memory_space<hbm>> -> memref<1x128x256xf32, #tpu.memory_space<hbm>>
        %dma_wait3A_1153 = tpu.memref_squeeze %dma_wait3A_1152 : memref<1x128x256xf32, #tpu.memory_space<hbm>> -> memref<128x256xf32, #tpu.memory_space<hbm>>
        tpu.wait_dma2 semaphore(%run_scoped3A : memref<!tpu.dma_semaphore, #tpu.memory_space<semaphore_mem>>) src(%arg8 : memref<128x256xf32, #tpu.memory_space<vmem>>) dst(%dma_wait3A_1153 : memref<128x256xf32, #tpu.memory_space<hbm>>)
        tpu.yield
      }) : () -> ()
    } else {
    }
    %eq3A_1041 = arith.constant 0 : i32
    %eq3A_1042 = arith.cmpi eq, %min3A_960, %eq3A_1041 : i32
    %convert_element_type3A_1043 = arith.extui %eq3A_1042 : i1 to i32
    %cond3A_1044 = arith.constant 0 : i32
    %cond3A_1045 = arith.cmpi ne, %convert_element_type3A_1043, %cond3A_1044 : i32
    scf.if %cond3A_1045 {
      "tpu.region"() ({
        %run_scoped3A = tpu.sem_alloc : memref<!tpu.dma_semaphore, #tpu.memory_space<semaphore_mem>>
        %dma_start3A = arith.constant 0 : i32
        %dma_start3A_1126 = tpu.memref_slice %arg5[%select_n3A, %add3A_1035, %dma_start3A] : memref<16x2048x256xf32, #tpu.memory_space<hbm>> -> memref<1x128x256xf32, #tpu.memory_space<hbm>>
        %dma_start3A_1127 = tpu.memref_squeeze %dma_start3A_1126 : memref<1x128x256xf32, #tpu.memory_space<hbm>> -> memref<128x256xf32, #tpu.memory_space<hbm>>
        %dma_start3A_1128 = arith.constant 0 : i32
        %dma_start3A_1129 = tpu.memref_slice %arg5[%select_n3A, %add3A_1035, %dma_start3A_1128] : memref<16x2048x256xf32, #tpu.memory_space<hbm>> -> memref<1x128x256xf32, #tpu.memory_space<hbm>>
        %dma_start3A_1130 = tpu.memref_squeeze %dma_start3A_1129 : memref<1x128x256xf32, #tpu.memory_space<hbm>> -> memref<128x256xf32, #tpu.memory_space<hbm>>
        tpu.enqueue_dma source(%arg10 : memref<128x256xf32, #tpu.memory_space<vmem>>) target(%dma_start3A_1130 : memref<128x256xf32, #tpu.memory_space<hbm>>) target_semaphore(%run_scoped3A : memref<!tpu.dma_semaphore, #tpu.memory_space<semaphore_mem>>)
        %dma_wait3A = arith.constant 0 : i32
        %dma_wait3A_1131 = tpu.memref_slice %arg5[%select_n3A, %add3A_1035, %dma_wait3A] : memref<16x2048x256xf32, #tpu.memory_space<hbm>> -> memref<1x128x256xf32, #tpu.memory_space<hbm>>
        %dma_wait3A_1132 = tpu.memref_squeeze %dma_wait3A_1131 : memref<1x128x256xf32, #tpu.memory_space<hbm>> -> memref<128x256xf32, #tpu.memory_space<hbm>>
        %dma_wait3A_1133 = arith.constant 0 : i32
        %dma_wait3A_1134 = tpu.memref_slice %arg5[%select_n3A, %add3A_1035, %dma_wait3A_1133] : memref<16x2048x256xf32, #tpu.memory_space<hbm>> -> memref<1x128x256xf32, #tpu.memory_space<hbm>>
        %dma_wait3A_1135 = tpu.memref_squeeze %dma_wait3A_1134 : memref<1x128x256xf32, #tpu.memory_space<hbm>> -> memref<128x256xf32, #tpu.memory_space<hbm>>
        tpu.wait_dma2 semaphore(%run_scoped3A : memref<!tpu.dma_semaphore, #tpu.memory_space<semaphore_mem>>) src(%arg10 : memref<128x256xf32, #tpu.memory_space<vmem>>) dst(%dma_wait3A_1135 : memref<128x256xf32, #tpu.memory_space<hbm>>)
        tpu.yield
      }) : () -> ()
    } else {
    }
    %gt3A_1046 = arith.constant 0 : i32
    %gt3A_1047 = arith.cmpi sgt, %min3A_972, %gt3A_1046 : i32
    %convert_element_type3A_1048 = arith.extui %gt3A_1047 : i1 to i32
    %cond3A_1049 = arith.constant 0 : i32
    %cond3A_1050 = arith.cmpi ne, %convert_element_type3A_1048, %cond3A_1049 : i32
    scf.if %cond3A_1050 {
      %dma_start3A = arith.constant 4 : i32
      %dma_start3A_1126 = arith.constant 0 : i32
      %dma_start3A_1127 = tpu.memref_slice %arg7[%dma_start3A, %dma_start3A_1126] : memref<8x128xi32, #tpu.memory_space<vmem>> -> memref<1x128xi32, #tpu.memory_space<vmem>>
      %dma_start3A_1128 = tpu.memref_squeeze %dma_start3A_1127 : memref<1x128xi32, #tpu.memory_space<vmem>> -> memref<128xi32, #tpu.memory_space<vmem>>
      %dma_start3A_1129 = arith.constant 0 : i32
      %dma_start3A_1130 = arith.constant 0 : i32
      %dma_start3A_1131 = tpu.memref_slice %arg2[%dma_start3A_1129, %dma_start3A_1130] : memref<8192x256xf32, #tpu.memory_space<hbm>> -> memref<8192x256xf32, #tpu.memory_space<hbm>>
      tpu.enqueue_indirect_dma source(%dma_start3A_1131 : memref<8192x256xf32, #tpu.memory_space<hbm>>) target(%arg8 : memref<128x256xf32, #tpu.memory_space<vmem>>) offsets(%dma_start3A_1128 : memref<128xi32, #tpu.memory_space<vmem>>) semaphore(%arg11 : memref<!tpu.dma_semaphore, #tpu.memory_space<semaphore_mem>>)
    } else {
    }
    %add3A_1051 = arith.constant 384 : i32
    %add3A_1052 = arith.addi %mul3A_33, %add3A_1051 : i32
    %gt3A_1053 = arith.constant 0 : i32
    %gt3A_1054 = arith.cmpi sgt, %min3A_966, %gt3A_1053 : i32
    %convert_element_type3A_1055 = arith.extui %gt3A_1054 : i1 to i32
    %cond3A_1056 = arith.constant 0 : i32
    %cond3A_1057 = arith.cmpi ne, %convert_element_type3A_1055, %cond3A_1056 : i32
    scf.if %cond3A_1057 {
      %dma_wait3A = arith.constant 3 : i32
      %dma_wait3A_1126 = arith.constant 0 : i32
      %dma_wait3A_1127 = tpu.memref_slice %arg7[%dma_wait3A, %dma_wait3A_1126] : memref<8x128xi32, #tpu.memory_space<vmem>> -> memref<1x128xi32, #tpu.memory_space<vmem>>
      %dma_wait3A_1128 = tpu.memref_squeeze %dma_wait3A_1127 : memref<1x128xi32, #tpu.memory_space<vmem>> -> memref<128xi32, #tpu.memory_space<vmem>>
      %dma_wait3A_1129 = arith.constant 0 : i32
      %dma_wait3A_1130 = arith.constant 0 : i32
      %dma_wait3A_1131 = tpu.memref_slice %arg2[%dma_wait3A_1129, %dma_wait3A_1130] : memref<8192x256xf32, #tpu.memory_space<hbm>> -> memref<8192x256xf32, #tpu.memory_space<hbm>>
      tpu.wait_indirect_dma semaphore(%arg12 : memref<!tpu.dma_semaphore, #tpu.memory_space<semaphore_mem>>) src(%dma_wait3A_1131 : memref<8192x256xf32, #tpu.memory_space<hbm>>) dst(%arg9 : memref<128x256xf32, #tpu.memory_space<vmem>>)
      %while3A = arith.constant 128 : i32
      %while3A_1132 = arith.constant 0 : i32
      %while3A_1133 = arith.subi %while3A, %min3A_966 : i32
      %while3A_1134 = arith.addi %min3A_966, %while3A_1133 : i32
      %while3A_1135 = arith.constant 1 : i32
      %while3A_1136 = arith.divsi %while3A_1133, %while3A_1135 : i32
      %while3A_1137 = arith.muli %while3A_1136, %while3A_1135 : i32
      %while3A_1138 = arith.addi %min3A_966, %while3A_1137 : i32
      %while3A_1139 = arith.constant 1 : i32
      %while3A_1140 = scf.for %while3A_1143 = %min3A_966 to %while3A_1138 step %while3A_1139 iter_args(%while3A_1144 = %while3A_1132) -> (i32)  : i32 {
        %swap3A_1145 = arith.index_cast %while3A_1143 : i32 to index
        %swap3A_1146 = arith.constant 0 : index
        %swap3A_1147 = tpu.vector_load %arg9[%swap3A_1145, %swap3A_1146] {strides = array<i32>} : memref<128x256xf32, #tpu.memory_space<vmem>>, vector<16xf32>,
        tpu.vector_store %arg9[%swap3A_1145, %swap3A_1146], %broadcast_in_dim3A_929 {strides = array<i32>} : memref<128x256xf32, #tpu.memory_space<vmem>>, vector<16xf32>,
        %swap3A_1148 = arith.index_cast %while3A_1143 : i32 to index
        %swap3A_1149 = arith.constant 16 : index
        %swap3A_1150 = tpu.vector_load %arg9[%swap3A_1148, %swap3A_1149] {strides = array<i32>} : memref<128x256xf32, #tpu.memory_space<vmem>>, vector<16xf32>,
        tpu.vector_store %arg9[%swap3A_1148, %swap3A_1149], %broadcast_in_dim3A_929 {strides = array<i32>} : memref<128x256xf32, #tpu.memory_space<vmem>>, vector<16xf32>,
        %swap3A_1151 = arith.index_cast %while3A_1143 : i32 to index
        %swap3A_1152 = arith.constant 32 : index
        %swap3A_1153 = tpu.vector_load %arg9[%swap3A_1151, %swap3A_1152] {strides = array<i32>} : memref<128x256xf32, #tpu.memory_space<vmem>>, vector<16xf32>,
        tpu.vector_store %arg9[%swap3A_1151, %swap3A_1152], %broadcast_in_dim3A_929 {strides = array<i32>} : memref<128x256xf32, #tpu.memory_space<vmem>>, vector<16xf32>,
        %swap3A_1154 = arith.index_cast %while3A_1143 : i32 to index
        %swap3A_1155 = arith.constant 48 : index
        %swap3A_1156 = tpu.vector_load %arg9[%swap3A_1154, %swap3A_1155] {strides = array<i32>} : memref<128x256xf32, #tpu.memory_space<vmem>>, vector<16xf32>,
        tpu.vector_store %arg9[%swap3A_1154, %swap3A_1155], %broadcast_in_dim3A_929 {strides = array<i32>} : memref<128x256xf32, #tpu.memory_space<vmem>>, vector<16xf32>,
        %swap3A_1157 = arith.index_cast %while3A_1143 : i32 to index
        %swap3A_1158 = arith.constant 64 : index
        %swap3A_1159 = tpu.vector_load %arg9[%swap3A_1157, %swap3A_1158] {strides = array<i32>} : memref<128x256xf32, #tpu.memory_space<vmem>>, vector<16xf32>,
        tpu.vector_store %arg9[%swap3A_1157, %swap3A_1158], %broadcast_in_dim3A_929 {strides = array<i32>} : memref<128x256xf32, #tpu.memory_space<vmem>>, vector<16xf32>,
        %swap3A_1160 = arith.index_cast %while3A_1143 : i32 to index
        %swap3A_1161 = arith.constant 80 : index
        %swap3A_1162 = tpu.vector_load %arg9[%swap3A_1160, %swap3A_1161] {strides = array<i32>} : memref<128x256xf32, #tpu.memory_space<vmem>>, vector<16xf32>,
        tpu.vector_store %arg9[%swap3A_1160, %swap3A_1161], %broadcast_in_dim3A_929 {strides = array<i32>} : memref<128x256xf32, #tpu.memory_space<vmem>>, vector<16xf32>,
        %swap3A_1163 = arith.index_cast %while3A_1143 : i32 to index
        %swap3A_1164 = arith.constant 96 : index
        %swap3A_1165 = tpu.vector_load %arg9[%swap3A_1163, %swap3A_1164] {strides = array<i32>} : memref<128x256xf32, #tpu.memory_space<vmem>>, vector<16xf32>,
        tpu.vector_store %arg9[%swap3A_1163, %swap3A_1164], %broadcast_in_dim3A_929 {strides = array<i32>} : memref<128x256xf32, #tpu.memory_space<vmem>>, vector<16xf32>,
        %swap3A_1166 = arith.index_cast %while3A_1143 : i32 to index
        %swap3A_1167 = arith.constant 112 : index
        %swap3A_1168 = tpu.vector_load %arg9[%swap3A_1166, %swap3A_1167] {strides = array<i32>} : memref<128x256xf32, #tpu.memory_space<vmem>>, vector<16xf32>,
        tpu.vector_store %arg9[%swap3A_1166, %swap3A_1167], %broadcast_in_dim3A_929 {strides = array<i32>} : memref<128x256xf32, #tpu.memory_space<vmem>>, vector<16xf32>,
        %swap3A_1169 = arith.index_cast %while3A_1143 : i32 to index
        %swap3A_1170 = arith.constant 128 : index
        %swap3A_1171 = tpu.vector_load %arg9[%swap3A_1169, %swap3A_1170] {strides = array<i32>} : memref<128x256xf32, #tpu.memory_space<vmem>>, vector<16xf32>,
        tpu.vector_store %arg9[%swap3A_1169, %swap3A_1170], %broadcast_in_dim3A_929 {strides = array<i32>} : memref<128x256xf32, #tpu.memory_space<vmem>>, vector<16xf32>,
        %swap3A_1172 = arith.index_cast %while3A_1143 : i32 to index
        %swap3A_1173 = arith.constant 144 : index
        %swap3A_1174 = tpu.vector_load %arg9[%swap3A_1172, %swap3A_1173] {strides = array<i32>} : memref<128x256xf32, #tpu.memory_space<vmem>>, vector<16xf32>,
        tpu.vector_store %arg9[%swap3A_1172, %swap3A_1173], %broadcast_in_dim3A_929 {strides = array<i32>} : memref<128x256xf32, #tpu.memory_space<vmem>>, vector<16xf32>,
        %swap3A_1175 = arith.index_cast %while3A_1143 : i32 to index
        %swap3A_1176 = arith.constant 160 : index
        %swap3A_1177 = tpu.vector_load %arg9[%swap3A_1175, %swap3A_1176] {strides = array<i32>} : memref<128x256xf32, #tpu.memory_space<vmem>>, vector<16xf32>,
        tpu.vector_store %arg9[%swap3A_1175, %swap3A_1176], %broadcast_in_dim3A_929 {strides = array<i32>} : memref<128x256xf32, #tpu.memory_space<vmem>>, vector<16xf32>,
        %swap3A_1178 = arith.index_cast %while3A_1143 : i32 to index
        %swap3A_1179 = arith.constant 176 : index
        %swap3A_1180 = tpu.vector_load %arg9[%swap3A_1178, %swap3A_1179] {strides = array<i32>} : memref<128x256xf32, #tpu.memory_space<vmem>>, vector<16xf32>,
        tpu.vector_store %arg9[%swap3A_1178, %swap3A_1179], %broadcast_in_dim3A_929 {strides = array<i32>} : memref<128x256xf32, #tpu.memory_space<vmem>>, vector<16xf32>,
        %swap3A_1181 = arith.index_cast %while3A_1143 : i32 to index
        %swap3A_1182 = arith.constant 192 : index
        %swap3A_1183 = tpu.vector_load %arg9[%swap3A_1181, %swap3A_1182] {strides = array<i32>} : memref<128x256xf32, #tpu.memory_space<vmem>>, vector<16xf32>,
        tpu.vector_store %arg9[%swap3A_1181, %swap3A_1182], %broadcast_in_dim3A_929 {strides = array<i32>} : memref<128x256xf32, #tpu.memory_space<vmem>>, vector<16xf32>,
        %swap3A_1184 = arith.index_cast %while3A_1143 : i32 to index
        %swap3A_1185 = arith.constant 208 : index
        %swap3A_1186 = tpu.vector_load %arg9[%swap3A_1184, %swap3A_1185] {strides = array<i32>} : memref<128x256xf32, #tpu.memory_space<vmem>>, vector<16xf32>,
        tpu.vector_store %arg9[%swap3A_1184, %swap3A_1185], %broadcast_in_dim3A_929 {strides = array<i32>} : memref<128x256xf32, #tpu.memory_space<vmem>>, vector<16xf32>,
        %swap3A_1187 = arith.index_cast %while3A_1143 : i32 to index
        %swap3A_1188 = arith.constant 224 : index
        %swap3A_1189 = tpu.vector_load %arg9[%swap3A_1187, %swap3A_1188] {strides = array<i32>} : memref<128x256xf32, #tpu.memory_space<vmem>>, vector<16xf32>,
        tpu.vector_store %arg9[%swap3A_1187, %swap3A_1188], %broadcast_in_dim3A_929 {strides = array<i32>} : memref<128x256xf32, #tpu.memory_space<vmem>>, vector<16xf32>,
        %swap3A_1190 = arith.index_cast %while3A_1143 : i32 to index
        %swap3A_1191 = arith.constant 240 : index
        %swap3A_1192 = tpu.vector_load %arg9[%swap3A_1190, %swap3A_1191] {strides = array<i32>} : memref<128x256xf32, #tpu.memory_space<vmem>>, vector<16xf32>,
        tpu.vector_store %arg9[%swap3A_1190, %swap3A_1191], %broadcast_in_dim3A_929 {strides = array<i32>} : memref<128x256xf32, #tpu.memory_space<vmem>>, vector<16xf32>,
        %while3A_1193 = arith.constant 0 : i32
        scf.yield %while3A_1193 : i32
      }
      %while3A_1141 = arith.constant 1 : i32
      %while3A_1142 = scf.for %while3A_1143 = %while3A_1138 to %while3A_1134 step %while3A_1141 iter_args(%while3A_1144 = %while3A_1140) -> (i32)  : i32 {
        %swap3A_1145 = arith.index_cast %while3A_1143 : i32 to index
        %swap3A_1146 = arith.constant 0 : index
        %swap3A_1147 = tpu.vector_load %arg9[%swap3A_1145, %swap3A_1146] {strides = array<i32>} : memref<128x256xf32, #tpu.memory_space<vmem>>, vector<16xf32>,
        tpu.vector_store %arg9[%swap3A_1145, %swap3A_1146], %broadcast_in_dim3A_929 {strides = array<i32>} : memref<128x256xf32, #tpu.memory_space<vmem>>, vector<16xf32>,
        %swap3A_1148 = arith.index_cast %while3A_1143 : i32 to index
        %swap3A_1149 = arith.constant 16 : index
        %swap3A_1150 = tpu.vector_load %arg9[%swap3A_1148, %swap3A_1149] {strides = array<i32>} : memref<128x256xf32, #tpu.memory_space<vmem>>, vector<16xf32>,
        tpu.vector_store %arg9[%swap3A_1148, %swap3A_1149], %broadcast_in_dim3A_929 {strides = array<i32>} : memref<128x256xf32, #tpu.memory_space<vmem>>, vector<16xf32>,
        %swap3A_1151 = arith.index_cast %while3A_1143 : i32 to index
        %swap3A_1152 = arith.constant 32 : index
        %swap3A_1153 = tpu.vector_load %arg9[%swap3A_1151, %swap3A_1152] {strides = array<i32>} : memref<128x256xf32, #tpu.memory_space<vmem>>, vector<16xf32>,
        tpu.vector_store %arg9[%swap3A_1151, %swap3A_1152], %broadcast_in_dim3A_929 {strides = array<i32>} : memref<128x256xf32, #tpu.memory_space<vmem>>, vector<16xf32>,
        %swap3A_1154 = arith.index_cast %while3A_1143 : i32 to index
        %swap3A_1155 = arith.constant 48 : index
        %swap3A_1156 = tpu.vector_load %arg9[%swap3A_1154, %swap3A_1155] {strides = array<i32>} : memref<128x256xf32, #tpu.memory_space<vmem>>, vector<16xf32>,
        tpu.vector_store %arg9[%swap3A_1154, %swap3A_1155], %broadcast_in_dim3A_929 {strides = array<i32>} : memref<128x256xf32, #tpu.memory_space<vmem>>, vector<16xf32>,
        %swap3A_1157 = arith.index_cast %while3A_1143 : i32 to index
        %swap3A_1158 = arith.constant 64 : index
        %swap3A_1159 = tpu.vector_load %arg9[%swap3A_1157, %swap3A_1158] {strides = array<i32>} : memref<128x256xf32, #tpu.memory_space<vmem>>, vector<16xf32>,
        tpu.vector_store %arg9[%swap3A_1157, %swap3A_1158], %broadcast_in_dim3A_929 {strides = array<i32>} : memref<128x256xf32, #tpu.memory_space<vmem>>, vector<16xf32>,
        %swap3A_1160 = arith.index_cast %while3A_1143 : i32 to index
        %swap3A_1161 = arith.constant 80 : index
        %swap3A_1162 = tpu.vector_load %arg9[%swap3A_1160, %swap3A_1161] {strides = array<i32>} : memref<128x256xf32, #tpu.memory_space<vmem>>, vector<16xf32>,
        tpu.vector_store %arg9[%swap3A_1160, %swap3A_1161], %broadcast_in_dim3A_929 {strides = array<i32>} : memref<128x256xf32, #tpu.memory_space<vmem>>, vector<16xf32>,
        %swap3A_1163 = arith.index_cast %while3A_1143 : i32 to index
        %swap3A_1164 = arith.constant 96 : index
        %swap3A_1165 = tpu.vector_load %arg9[%swap3A_1163, %swap3A_1164] {strides = array<i32>} : memref<128x256xf32, #tpu.memory_space<vmem>>, vector<16xf32>,
        tpu.vector_store %arg9[%swap3A_1163, %swap3A_1164], %broadcast_in_dim3A_929 {strides = array<i32>} : memref<128x256xf32, #tpu.memory_space<vmem>>, vector<16xf32>,
        %swap3A_1166 = arith.index_cast %while3A_1143 : i32 to index
        %swap3A_1167 = arith.constant 112 : index
        %swap3A_1168 = tpu.vector_load %arg9[%swap3A_1166, %swap3A_1167] {strides = array<i32>} : memref<128x256xf32, #tpu.memory_space<vmem>>, vector<16xf32>,
        tpu.vector_store %arg9[%swap3A_1166, %swap3A_1167], %broadcast_in_dim3A_929 {strides = array<i32>} : memref<128x256xf32, #tpu.memory_space<vmem>>, vector<16xf32>,
        %swap3A_1169 = arith.index_cast %while3A_1143 : i32 to index
        %swap3A_1170 = arith.constant 128 : index
        %swap3A_1171 = tpu.vector_load %arg9[%swap3A_1169, %swap3A_1170] {strides = array<i32>} : memref<128x256xf32, #tpu.memory_space<vmem>>, vector<16xf32>,
        tpu.vector_store %arg9[%swap3A_1169, %swap3A_1170], %broadcast_in_dim3A_929 {strides = array<i32>} : memref<128x256xf32, #tpu.memory_space<vmem>>, vector<16xf32>,
        %swap3A_1172 = arith.index_cast %while3A_1143 : i32 to index
        %swap3A_1173 = arith.constant 144 : index
        %swap3A_1174 = tpu.vector_load %arg9[%swap3A_1172, %swap3A_1173] {strides = array<i32>} : memref<128x256xf32, #tpu.memory_space<vmem>>, vector<16xf32>,
        tpu.vector_store %arg9[%swap3A_1172, %swap3A_1173], %broadcast_in_dim3A_929 {strides = array<i32>} : memref<128x256xf32, #tpu.memory_space<vmem>>, vector<16xf32>,
        %swap3A_1175 = arith.index_cast %while3A_1143 : i32 to index
        %swap3A_1176 = arith.constant 160 : index
        %swap3A_1177 = tpu.vector_load %arg9[%swap3A_1175, %swap3A_1176] {strides = array<i32>} : memref<128x256xf32, #tpu.memory_space<vmem>>, vector<16xf32>,
        tpu.vector_store %arg9[%swap3A_1175, %swap3A_1176], %broadcast_in_dim3A_929 {strides = array<i32>} : memref<128x256xf32, #tpu.memory_space<vmem>>, vector<16xf32>,
        %swap3A_1178 = arith.index_cast %while3A_1143 : i32 to index
        %swap3A_1179 = arith.constant 176 : index
        %swap3A_1180 = tpu.vector_load %arg9[%swap3A_1178, %swap3A_1179] {strides = array<i32>} : memref<128x256xf32, #tpu.memory_space<vmem>>, vector<16xf32>,
        tpu.vector_store %arg9[%swap3A_1178, %swap3A_1179], %broadcast_in_dim3A_929 {strides = array<i32>} : memref<128x256xf32, #tpu.memory_space<vmem>>, vector<16xf32>,
        %swap3A_1181 = arith.index_cast %while3A_1143 : i32 to index
        %swap3A_1182 = arith.constant 192 : index
        %swap3A_1183 = tpu.vector_load %arg9[%swap3A_1181, %swap3A_1182] {strides = array<i32>} : memref<128x256xf32, #tpu.memory_space<vmem>>, vector<16xf32>,
        tpu.vector_store %arg9[%swap3A_1181, %swap3A_1182], %broadcast_in_dim3A_929 {strides = array<i32>} : memref<128x256xf32, #tpu.memory_space<vmem>>, vector<16xf32>,
        %swap3A_1184 = arith.index_cast %while3A_1143 : i32 to index
        %swap3A_1185 = arith.constant 208 : index
        %swap3A_1186 = tpu.vector_load %arg9[%swap3A_1184, %swap3A_1185] {strides = array<i32>} : memref<128x256xf32, #tpu.memory_space<vmem>>, vector<16xf32>,
        tpu.vector_store %arg9[%swap3A_1184, %swap3A_1185], %broadcast_in_dim3A_929 {strides = array<i32>} : memref<128x256xf32, #tpu.memory_space<vmem>>, vector<16xf32>,
        %swap3A_1187 = arith.index_cast %while3A_1143 : i32 to index
        %swap3A_1188 = arith.constant 224 : index
        %swap3A_1189 = tpu.vector_load %arg9[%swap3A_1187, %swap3A_1188] {strides = array<i32>} : memref<128x256xf32, #tpu.memory_space<vmem>>, vector<16xf32>,
        tpu.vector_store %arg9[%swap3A_1187, %swap3A_1188], %broadcast_in_dim3A_929 {strides = array<i32>} : memref<128x256xf32, #tpu.memory_space<vmem>>, vector<16xf32>,
        %swap3A_1190 = arith.index_cast %while3A_1143 : i32 to index
        %swap3A_1191 = arith.constant 240 : index
        %swap3A_1192 = tpu.vector_load %arg9[%swap3A_1190, %swap3A_1191] {strides = array<i32>} : memref<128x256xf32, #tpu.memory_space<vmem>>, vector<16xf32>,
        tpu.vector_store %arg9[%swap3A_1190, %swap3A_1191], %broadcast_in_dim3A_929 {strides = array<i32>} : memref<128x256xf32, #tpu.memory_space<vmem>>, vector<16xf32>,
        %while3A_1193 = arith.constant 0 : i32
        scf.yield %while3A_1193 : i32
      }
      "tpu.region"() ({
        %run_scoped3A = tpu.sem_alloc : memref<!tpu.dma_semaphore, #tpu.memory_space<semaphore_mem>>
        %dma_start3A = arith.constant 0 : i32
        %dma_start3A_1143 = tpu.memref_slice %arg5[%select_n3A, %add3A_1052, %dma_start3A] : memref<16x2048x256xf32, #tpu.memory_space<hbm>> -> memref<1x128x256xf32, #tpu.memory_space<hbm>>
        %dma_start3A_1144 = tpu.memref_squeeze %dma_start3A_1143 : memref<1x128x256xf32, #tpu.memory_space<hbm>> -> memref<128x256xf32, #tpu.memory_space<hbm>>
        %dma_start3A_1145 = arith.constant 0 : i32
        %dma_start3A_1146 = tpu.memref_slice %arg5[%select_n3A, %add3A_1052, %dma_start3A_1145] : memref<16x2048x256xf32, #tpu.memory_space<hbm>> -> memref<1x128x256xf32, #tpu.memory_space<hbm>>
        %dma_start3A_1147 = tpu.memref_squeeze %dma_start3A_1146 : memref<1x128x256xf32, #tpu.memory_space<hbm>> -> memref<128x256xf32, #tpu.memory_space<hbm>>
        tpu.enqueue_dma source(%arg9 : memref<128x256xf32, #tpu.memory_space<vmem>>) target(%dma_start3A_1147 : memref<128x256xf32, #tpu.memory_space<hbm>>) target_semaphore(%run_scoped3A : memref<!tpu.dma_semaphore, #tpu.memory_space<semaphore_mem>>)
        %dma_wait3A_1148 = arith.constant 0 : i32
        %dma_wait3A_1149 = tpu.memref_slice %arg5[%select_n3A, %add3A_1052, %dma_wait3A_1148] : memref<16x2048x256xf32, #tpu.memory_space<hbm>> -> memref<1x128x256xf32, #tpu.memory_space<hbm>>
        %dma_wait3A_1150 = tpu.memref_squeeze %dma_wait3A_1149 : memref<1x128x256xf32, #tpu.memory_space<hbm>> -> memref<128x256xf32, #tpu.memory_space<hbm>>
        %dma_wait3A_1151 = arith.constant 0 : i32
        %dma_wait3A_1152 = tpu.memref_slice %arg5[%select_n3A, %add3A_1052, %dma_wait3A_1151] : memref<16x2048x256xf32, #tpu.memory_space<hbm>> -> memref<1x128x256xf32, #tpu.memory_space<hbm>>
        %dma_wait3A_1153 = tpu.memref_squeeze %dma_wait3A_1152 : memref<1x128x256xf32, #tpu.memory_space<hbm>> -> memref<128x256xf32, #tpu.memory_space<hbm>>
        tpu.wait_dma2 semaphore(%run_scoped3A : memref<!tpu.dma_semaphore, #tpu.memory_space<semaphore_mem>>) src(%arg9 : memref<128x256xf32, #tpu.memory_space<vmem>>) dst(%dma_wait3A_1153 : memref<128x256xf32, #tpu.memory_space<hbm>>)
        tpu.yield
      }) : () -> ()
    } else {
    }
    %eq3A_1058 = arith.constant 0 : i32
    %eq3A_1059 = arith.cmpi eq, %min3A_966, %eq3A_1058 : i32
    %convert_element_type3A_1060 = arith.extui %eq3A_1059 : i1 to i32
    %cond3A_1061 = arith.constant 0 : i32
    %cond3A_1062 = arith.cmpi ne, %convert_element_type3A_1060, %cond3A_1061 : i32
    scf.if %cond3A_1062 {
      "tpu.region"() ({
        %run_scoped3A = tpu.sem_alloc : memref<!tpu.dma_semaphore, #tpu.memory_space<semaphore_mem>>
        %dma_start3A = arith.constant 0 : i32
        %dma_start3A_1126 = tpu.memref_slice %arg5[%select_n3A, %add3A_1052, %dma_start3A] : memref<16x2048x256xf32, #tpu.memory_space<hbm>> -> memref<1x128x256xf32, #tpu.memory_space<hbm>>
        %dma_start3A_1127 = tpu.memref_squeeze %dma_start3A_1126 : memref<1x128x256xf32, #tpu.memory_space<hbm>> -> memref<128x256xf32, #tpu.memory_space<hbm>>
        %dma_start3A_1128 = arith.constant 0 : i32
        %dma_start3A_1129 = tpu.memref_slice %arg5[%select_n3A, %add3A_1052, %dma_start3A_1128] : memref<16x2048x256xf32, #tpu.memory_space<hbm>> -> memref<1x128x256xf32, #tpu.memory_space<hbm>>
        %dma_start3A_1130 = tpu.memref_squeeze %dma_start3A_1129 : memref<1x128x256xf32, #tpu.memory_space<hbm>> -> memref<128x256xf32, #tpu.memory_space<hbm>>
        tpu.enqueue_dma source(%arg10 : memref<128x256xf32, #tpu.memory_space<vmem>>) target(%dma_start3A_1130 : memref<128x256xf32, #tpu.memory_space<hbm>>) target_semaphore(%run_scoped3A : memref<!tpu.dma_semaphore, #tpu.memory_space<semaphore_mem>>)
        %dma_wait3A = arith.constant 0 : i32
        %dma_wait3A_1131 = tpu.memref_slice %arg5[%select_n3A, %add3A_1052, %dma_wait3A] : memref<16x2048x256xf32, #tpu.memory_space<hbm>> -> memref<1x128x256xf32, #tpu.memory_space<hbm>>
        %dma_wait3A_1132 = tpu.memref_squeeze %dma_wait3A_1131 : memref<1x128x256xf32, #tpu.memory_space<hbm>> -> memref<128x256xf32, #tpu.memory_space<hbm>>
        %dma_wait3A_1133 = arith.constant 0 : i32
        %dma_wait3A_1134 = tpu.memref_slice %arg5[%select_n3A, %add3A_1052, %dma_wait3A_1133] : memref<16x2048x256xf32, #tpu.memory_space<hbm>> -> memref<1x128x256xf32, #tpu.memory_space<hbm>>
        %dma_wait3A_1135 = tpu.memref_squeeze %dma_wait3A_1134 : memref<1x128x256xf32, #tpu.memory_space<hbm>> -> memref<128x256xf32, #tpu.memory_space<hbm>>
        tpu.wait_dma2 semaphore(%run_scoped3A : memref<!tpu.dma_semaphore, #tpu.memory_space<semaphore_mem>>) src(%arg10 : memref<128x256xf32, #tpu.memory_space<vmem>>) dst(%dma_wait3A_1135 : memref<128x256xf32, #tpu.memory_space<hbm>>)
        tpu.yield
      }) : () -> ()
    } else {
    }
    %gt3A_1063 = arith.constant 0 : i32
    %gt3A_1064 = arith.cmpi sgt, %min3A_978, %gt3A_1063 : i32
    %convert_element_type3A_1065 = arith.extui %gt3A_1064 : i1 to i32
    %cond3A_1066 = arith.constant 0 : i32
    %cond3A_1067 = arith.cmpi ne, %convert_element_type3A_1065, %cond3A_1066 : i32
    scf.if %cond3A_1067 {
      %dma_start3A = arith.constant 5 : i32
      %dma_start3A_1126 = arith.constant 0 : i32
      %dma_start3A_1127 = tpu.memref_slice %arg7[%dma_start3A, %dma_start3A_1126] : memref<8x128xi32, #tpu.memory_space<vmem>> -> memref<1x128xi32, #tpu.memory_space<vmem>>
      %dma_start3A_1128 = tpu.memref_squeeze %dma_start3A_1127 : memref<1x128xi32, #tpu.memory_space<vmem>> -> memref<128xi32, #tpu.memory_space<vmem>>
      %dma_start3A_1129 = arith.constant 0 : i32
      %dma_start3A_1130 = arith.constant 0 : i32
      %dma_start3A_1131 = tpu.memref_slice %arg2[%dma_start3A_1129, %dma_start3A_1130] : memref<8192x256xf32, #tpu.memory_space<hbm>> -> memref<8192x256xf32, #tpu.memory_space<hbm>>
      tpu.enqueue_indirect_dma source(%dma_start3A_1131 : memref<8192x256xf32, #tpu.memory_space<hbm>>) target(%arg9 : memref<128x256xf32, #tpu.memory_space<vmem>>) offsets(%dma_start3A_1128 : memref<128xi32, #tpu.memory_space<vmem>>) semaphore(%arg12 : memref<!tpu.dma_semaphore, #tpu.memory_space<semaphore_mem>>)
    } else {
    }
    %add3A_1068 = arith.constant 512 : i32
    %add3A_1069 = arith.addi %mul3A_33, %add3A_1068 : i32
    %gt3A_1070 = arith.constant 0 : i32
    %gt3A_1071 = arith.cmpi sgt, %min3A_972, %gt3A_1070 : i32
    %convert_element_type3A_1072 = arith.extui %gt3A_1071 : i1 to i32
    %cond3A_1073 = arith.constant 0 : i32
    %cond3A_1074 = arith.cmpi ne, %convert_element_type3A_1072, %cond3A_1073 : i32
    scf.if %cond3A_1074 {
      %dma_wait3A = arith.constant 4 : i32
      %dma_wait3A_1126 = arith.constant 0 : i32
      %dma_wait3A_1127 = tpu.memref_slice %arg7[%dma_wait3A, %dma_wait3A_1126] : memref<8x128xi32, #tpu.memory_space<vmem>> -> memref<1x128xi32, #tpu.memory_space<vmem>>
      %dma_wait3A_1128 = tpu.memref_squeeze %dma_wait3A_1127 : memref<1x128xi32, #tpu.memory_space<vmem>> -> memref<128xi32, #tpu.memory_space<vmem>>
      %dma_wait3A_1129 = arith.constant 0 : i32
      %dma_wait3A_1130 = arith.constant 0 : i32
      %dma_wait3A_1131 = tpu.memref_slice %arg2[%dma_wait3A_1129, %dma_wait3A_1130] : memref<8192x256xf32, #tpu.memory_space<hbm>> -> memref<8192x256xf32, #tpu.memory_space<hbm>>
      tpu.wait_indirect_dma semaphore(%arg11 : memref<!tpu.dma_semaphore, #tpu.memory_space<semaphore_mem>>) src(%dma_wait3A_1131 : memref<8192x256xf32, #tpu.memory_space<hbm>>) dst(%arg8 : memref<128x256xf32, #tpu.memory_space<vmem>>)
      %while3A = arith.constant 128 : i32
      %while3A_1132 = arith.constant 0 : i32
      %while3A_1133 = arith.subi %while3A, %min3A_972 : i32
      %while3A_1134 = arith.addi %min3A_972, %while3A_1133 : i32
      %while3A_1135 = arith.constant 1 : i32
      %while3A_1136 = arith.divsi %while3A_1133, %while3A_1135 : i32
      %while3A_1137 = arith.muli %while3A_1136, %while3A_1135 : i32
      %while3A_1138 = arith.addi %min3A_972, %while3A_1137 : i32
      %while3A_1139 = arith.constant 1 : i32
      %while3A_1140 = scf.for %while3A_1143 = %min3A_972 to %while3A_1138 step %while3A_1139 iter_args(%while3A_1144 = %while3A_1132) -> (i32)  : i32 {
        %swap3A_1145 = arith.index_cast %while3A_1143 : i32 to index
        %swap3A_1146 = arith.constant 0 : index
        %swap3A_1147 = tpu.vector_load %arg8[%swap3A_1145, %swap3A_1146] {strides = array<i32>} : memref<128x256xf32, #tpu.memory_space<vmem>>, vector<16xf32>,
        tpu.vector_store %arg8[%swap3A_1145, %swap3A_1146], %broadcast_in_dim3A_929 {strides = array<i32>} : memref<128x256xf32, #tpu.memory_space<vmem>>, vector<16xf32>,
        %swap3A_1148 = arith.index_cast %while3A_1143 : i32 to index
        %swap3A_1149 = arith.constant 16 : index
        %swap3A_1150 = tpu.vector_load %arg8[%swap3A_1148, %swap3A_1149] {strides = array<i32>} : memref<128x256xf32, #tpu.memory_space<vmem>>, vector<16xf32>,
        tpu.vector_store %arg8[%swap3A_1148, %swap3A_1149], %broadcast_in_dim3A_929 {strides = array<i32>} : memref<128x256xf32, #tpu.memory_space<vmem>>, vector<16xf32>,
        %swap3A_1151 = arith.index_cast %while3A_1143 : i32 to index
        %swap3A_1152 = arith.constant 32 : index
        %swap3A_1153 = tpu.vector_load %arg8[%swap3A_1151, %swap3A_1152] {strides = array<i32>} : memref<128x256xf32, #tpu.memory_space<vmem>>, vector<16xf32>,
        tpu.vector_store %arg8[%swap3A_1151, %swap3A_1152], %broadcast_in_dim3A_929 {strides = array<i32>} : memref<128x256xf32, #tpu.memory_space<vmem>>, vector<16xf32>,
        %swap3A_1154 = arith.index_cast %while3A_1143 : i32 to index
        %swap3A_1155 = arith.constant 48 : index
        %swap3A_1156 = tpu.vector_load %arg8[%swap3A_1154, %swap3A_1155] {strides = array<i32>} : memref<128x256xf32, #tpu.memory_space<vmem>>, vector<16xf32>,
        tpu.vector_store %arg8[%swap3A_1154, %swap3A_1155], %broadcast_in_dim3A_929 {strides = array<i32>} : memref<128x256xf32, #tpu.memory_space<vmem>>, vector<16xf32>,
        %swap3A_1157 = arith.index_cast %while3A_1143 : i32 to index
        %swap3A_1158 = arith.constant 64 : index
        %swap3A_1159 = tpu.vector_load %arg8[%swap3A_1157, %swap3A_1158] {strides = array<i32>} : memref<128x256xf32, #tpu.memory_space<vmem>>, vector<16xf32>,
        tpu.vector_store %arg8[%swap3A_1157, %swap3A_1158], %broadcast_in_dim3A_929 {strides = array<i32>} : memref<128x256xf32, #tpu.memory_space<vmem>>, vector<16xf32>,
        %swap3A_1160 = arith.index_cast %while3A_1143 : i32 to index
        %swap3A_1161 = arith.constant 80 : index
        %swap3A_1162 = tpu.vector_load %arg8[%swap3A_1160, %swap3A_1161] {strides = array<i32>} : memref<128x256xf32, #tpu.memory_space<vmem>>, vector<16xf32>,
        tpu.vector_store %arg8[%swap3A_1160, %swap3A_1161], %broadcast_in_dim3A_929 {strides = array<i32>} : memref<128x256xf32, #tpu.memory_space<vmem>>, vector<16xf32>,
        %swap3A_1163 = arith.index_cast %while3A_1143 : i32 to index
        %swap3A_1164 = arith.constant 96 : index
        %swap3A_1165 = tpu.vector_load %arg8[%swap3A_1163, %swap3A_1164] {strides = array<i32>} : memref<128x256xf32, #tpu.memory_space<vmem>>, vector<16xf32>,
        tpu.vector_store %arg8[%swap3A_1163, %swap3A_1164], %broadcast_in_dim3A_929 {strides = array<i32>} : memref<128x256xf32, #tpu.memory_space<vmem>>, vector<16xf32>,
        %swap3A_1166 = arith.index_cast %while3A_1143 : i32 to index
        %swap3A_1167 = arith.constant 112 : index
        %swap3A_1168 = tpu.vector_load %arg8[%swap3A_1166, %swap3A_1167] {strides = array<i32>} : memref<128x256xf32, #tpu.memory_space<vmem>>, vector<16xf32>,
        tpu.vector_store %arg8[%swap3A_1166, %swap3A_1167], %broadcast_in_dim3A_929 {strides = array<i32>} : memref<128x256xf32, #tpu.memory_space<vmem>>, vector<16xf32>,
        %swap3A_1169 = arith.index_cast %while3A_1143 : i32 to index
        %swap3A_1170 = arith.constant 128 : index
        %swap3A_1171 = tpu.vector_load %arg8[%swap3A_1169, %swap3A_1170] {strides = array<i32>} : memref<128x256xf32, #tpu.memory_space<vmem>>, vector<16xf32>,
        tpu.vector_store %arg8[%swap3A_1169, %swap3A_1170], %broadcast_in_dim3A_929 {strides = array<i32>} : memref<128x256xf32, #tpu.memory_space<vmem>>, vector<16xf32>,
        %swap3A_1172 = arith.index_cast %while3A_1143 : i32 to index
        %swap3A_1173 = arith.constant 144 : index
        %swap3A_1174 = tpu.vector_load %arg8[%swap3A_1172, %swap3A_1173] {strides = array<i32>} : memref<128x256xf32, #tpu.memory_space<vmem>>, vector<16xf32>,
        tpu.vector_store %arg8[%swap3A_1172, %swap3A_1173], %broadcast_in_dim3A_929 {strides = array<i32>} : memref<128x256xf32, #tpu.memory_space<vmem>>, vector<16xf32>,
        %swap3A_1175 = arith.index_cast %while3A_1143 : i32 to index
        %swap3A_1176 = arith.constant 160 : index
        %swap3A_1177 = tpu.vector_load %arg8[%swap3A_1175, %swap3A_1176] {strides = array<i32>} : memref<128x256xf32, #tpu.memory_space<vmem>>, vector<16xf32>,
        tpu.vector_store %arg8[%swap3A_1175, %swap3A_1176], %broadcast_in_dim3A_929 {strides = array<i32>} : memref<128x256xf32, #tpu.memory_space<vmem>>, vector<16xf32>,
        %swap3A_1178 = arith.index_cast %while3A_1143 : i32 to index
        %swap3A_1179 = arith.constant 176 : index
        %swap3A_1180 = tpu.vector_load %arg8[%swap3A_1178, %swap3A_1179] {strides = array<i32>} : memref<128x256xf32, #tpu.memory_space<vmem>>, vector<16xf32>,
        tpu.vector_store %arg8[%swap3A_1178, %swap3A_1179], %broadcast_in_dim3A_929 {strides = array<i32>} : memref<128x256xf32, #tpu.memory_space<vmem>>, vector<16xf32>,
        %swap3A_1181 = arith.index_cast %while3A_1143 : i32 to index
        %swap3A_1182 = arith.constant 192 : index
        %swap3A_1183 = tpu.vector_load %arg8[%swap3A_1181, %swap3A_1182] {strides = array<i32>} : memref<128x256xf32, #tpu.memory_space<vmem>>, vector<16xf32>,
        tpu.vector_store %arg8[%swap3A_1181, %swap3A_1182], %broadcast_in_dim3A_929 {strides = array<i32>} : memref<128x256xf32, #tpu.memory_space<vmem>>, vector<16xf32>,
        %swap3A_1184 = arith.index_cast %while3A_1143 : i32 to index
        %swap3A_1185 = arith.constant 208 : index
        %swap3A_1186 = tpu.vector_load %arg8[%swap3A_1184, %swap3A_1185] {strides = array<i32>} : memref<128x256xf32, #tpu.memory_space<vmem>>, vector<16xf32>,
        tpu.vector_store %arg8[%swap3A_1184, %swap3A_1185], %broadcast_in_dim3A_929 {strides = array<i32>} : memref<128x256xf32, #tpu.memory_space<vmem>>, vector<16xf32>,
        %swap3A_1187 = arith.index_cast %while3A_1143 : i32 to index
        %swap3A_1188 = arith.constant 224 : index
        %swap3A_1189 = tpu.vector_load %arg8[%swap3A_1187, %swap3A_1188] {strides = array<i32>} : memref<128x256xf32, #tpu.memory_space<vmem>>, vector<16xf32>,
        tpu.vector_store %arg8[%swap3A_1187, %swap3A_1188], %broadcast_in_dim3A_929 {strides = array<i32>} : memref<128x256xf32, #tpu.memory_space<vmem>>, vector<16xf32>,
        %swap3A_1190 = arith.index_cast %while3A_1143 : i32 to index
        %swap3A_1191 = arith.constant 240 : index
        %swap3A_1192 = tpu.vector_load %arg8[%swap3A_1190, %swap3A_1191] {strides = array<i32>} : memref<128x256xf32, #tpu.memory_space<vmem>>, vector<16xf32>,
        tpu.vector_store %arg8[%swap3A_1190, %swap3A_1191], %broadcast_in_dim3A_929 {strides = array<i32>} : memref<128x256xf32, #tpu.memory_space<vmem>>, vector<16xf32>,
        %while3A_1193 = arith.constant 0 : i32
        scf.yield %while3A_1193 : i32
      }
      %while3A_1141 = arith.constant 1 : i32
      %while3A_1142 = scf.for %while3A_1143 = %while3A_1138 to %while3A_1134 step %while3A_1141 iter_args(%while3A_1144 = %while3A_1140) -> (i32)  : i32 {
        %swap3A_1145 = arith.index_cast %while3A_1143 : i32 to index
        %swap3A_1146 = arith.constant 0 : index
        %swap3A_1147 = tpu.vector_load %arg8[%swap3A_1145, %swap3A_1146] {strides = array<i32>} : memref<128x256xf32, #tpu.memory_space<vmem>>, vector<16xf32>,
        tpu.vector_store %arg8[%swap3A_1145, %swap3A_1146], %broadcast_in_dim3A_929 {strides = array<i32>} : memref<128x256xf32, #tpu.memory_space<vmem>>, vector<16xf32>,
        %swap3A_1148 = arith.index_cast %while3A_1143 : i32 to index
        %swap3A_1149 = arith.constant 16 : index
        %swap3A_1150 = tpu.vector_load %arg8[%swap3A_1148, %swap3A_1149] {strides = array<i32>} : memref<128x256xf32, #tpu.memory_space<vmem>>, vector<16xf32>,
        tpu.vector_store %arg8[%swap3A_1148, %swap3A_1149], %broadcast_in_dim3A_929 {strides = array<i32>} : memref<128x256xf32, #tpu.memory_space<vmem>>, vector<16xf32>,
        %swap3A_1151 = arith.index_cast %while3A_1143 : i32 to index
        %swap3A_1152 = arith.constant 32 : index
        %swap3A_1153 = tpu.vector_load %arg8[%swap3A_1151, %swap3A_1152] {strides = array<i32>} : memref<128x256xf32, #tpu.memory_space<vmem>>, vector<16xf32>,
        tpu.vector_store %arg8[%swap3A_1151, %swap3A_1152], %broadcast_in_dim3A_929 {strides = array<i32>} : memref<128x256xf32, #tpu.memory_space<vmem>>, vector<16xf32>,
        %swap3A_1154 = arith.index_cast %while3A_1143 : i32 to index
        %swap3A_1155 = arith.constant 48 : index
        %swap3A_1156 = tpu.vector_load %arg8[%swap3A_1154, %swap3A_1155] {strides = array<i32>} : memref<128x256xf32, #tpu.memory_space<vmem>>, vector<16xf32>,
        tpu.vector_store %arg8[%swap3A_1154, %swap3A_1155], %broadcast_in_dim3A_929 {strides = array<i32>} : memref<128x256xf32, #tpu.memory_space<vmem>>, vector<16xf32>,
        %swap3A_1157 = arith.index_cast %while3A_1143 : i32 to index
        %swap3A_1158 = arith.constant 64 : index
        %swap3A_1159 = tpu.vector_load %arg8[%swap3A_1157, %swap3A_1158] {strides = array<i32>} : memref<128x256xf32, #tpu.memory_space<vmem>>, vector<16xf32>,
        tpu.vector_store %arg8[%swap3A_1157, %swap3A_1158], %broadcast_in_dim3A_929 {strides = array<i32>} : memref<128x256xf32, #tpu.memory_space<vmem>>, vector<16xf32>,
        %swap3A_1160 = arith.index_cast %while3A_1143 : i32 to index
        %swap3A_1161 = arith.constant 80 : index
        %swap3A_1162 = tpu.vector_load %arg8[%swap3A_1160, %swap3A_1161] {strides = array<i32>} : memref<128x256xf32, #tpu.memory_space<vmem>>, vector<16xf32>,
        tpu.vector_store %arg8[%swap3A_1160, %swap3A_1161], %broadcast_in_dim3A_929 {strides = array<i32>} : memref<128x256xf32, #tpu.memory_space<vmem>>, vector<16xf32>,
        %swap3A_1163 = arith.index_cast %while3A_1143 : i32 to index
        %swap3A_1164 = arith.constant 96 : index
        %swap3A_1165 = tpu.vector_load %arg8[%swap3A_1163, %swap3A_1164] {strides = array<i32>} : memref<128x256xf32, #tpu.memory_space<vmem>>, vector<16xf32>,
        tpu.vector_store %arg8[%swap3A_1163, %swap3A_1164], %broadcast_in_dim3A_929 {strides = array<i32>} : memref<128x256xf32, #tpu.memory_space<vmem>>, vector<16xf32>,
        %swap3A_1166 = arith.index_cast %while3A_1143 : i32 to index
        %swap3A_1167 = arith.constant 112 : index
        %swap3A_1168 = tpu.vector_load %arg8[%swap3A_1166, %swap3A_1167] {strides = array<i32>} : memref<128x256xf32, #tpu.memory_space<vmem>>, vector<16xf32>,
        tpu.vector_store %arg8[%swap3A_1166, %swap3A_1167], %broadcast_in_dim3A_929 {strides = array<i32>} : memref<128x256xf32, #tpu.memory_space<vmem>>, vector<16xf32>,
        %swap3A_1169 = arith.index_cast %while3A_1143 : i32 to index
        %swap3A_1170 = arith.constant 128 : index
        %swap3A_1171 = tpu.vector_load %arg8[%swap3A_1169, %swap3A_1170] {strides = array<i32>} : memref<128x256xf32, #tpu.memory_space<vmem>>, vector<16xf32>,
        tpu.vector_store %arg8[%swap3A_1169, %swap3A_1170], %broadcast_in_dim3A_929 {strides = array<i32>} : memref<128x256xf32, #tpu.memory_space<vmem>>, vector<16xf32>,
        %swap3A_1172 = arith.index_cast %while3A_1143 : i32 to index
        %swap3A_1173 = arith.constant 144 : index
        %swap3A_1174 = tpu.vector_load %arg8[%swap3A_1172, %swap3A_1173] {strides = array<i32>} : memref<128x256xf32, #tpu.memory_space<vmem>>, vector<16xf32>,
        tpu.vector_store %arg8[%swap3A_1172, %swap3A_1173], %broadcast_in_dim3A_929 {strides = array<i32>} : memref<128x256xf32, #tpu.memory_space<vmem>>, vector<16xf32>,
        %swap3A_1175 = arith.index_cast %while3A_1143 : i32 to index
        %swap3A_1176 = arith.constant 160 : index
        %swap3A_1177 = tpu.vector_load %arg8[%swap3A_1175, %swap3A_1176] {strides = array<i32>} : memref<128x256xf32, #tpu.memory_space<vmem>>, vector<16xf32>,
        tpu.vector_store %arg8[%swap3A_1175, %swap3A_1176], %broadcast_in_dim3A_929 {strides = array<i32>} : memref<128x256xf32, #tpu.memory_space<vmem>>, vector<16xf32>,
        %swap3A_1178 = arith.index_cast %while3A_1143 : i32 to index
        %swap3A_1179 = arith.constant 176 : index
        %swap3A_1180 = tpu.vector_load %arg8[%swap3A_1178, %swap3A_1179] {strides = array<i32>} : memref<128x256xf32, #tpu.memory_space<vmem>>, vector<16xf32>,
        tpu.vector_store %arg8[%swap3A_1178, %swap3A_1179], %broadcast_in_dim3A_929 {strides = array<i32>} : memref<128x256xf32, #tpu.memory_space<vmem>>, vector<16xf32>,
        %swap3A_1181 = arith.index_cast %while3A_1143 : i32 to index
        %swap3A_1182 = arith.constant 192 : index
        %swap3A_1183 = tpu.vector_load %arg8[%swap3A_1181, %swap3A_1182] {strides = array<i32>} : memref<128x256xf32, #tpu.memory_space<vmem>>, vector<16xf32>,
        tpu.vector_store %arg8[%swap3A_1181, %swap3A_1182], %broadcast_in_dim3A_929 {strides = array<i32>} : memref<128x256xf32, #tpu.memory_space<vmem>>, vector<16xf32>,
        %swap3A_1184 = arith.index_cast %while3A_1143 : i32 to index
        %swap3A_1185 = arith.constant 208 : index
        %swap3A_1186 = tpu.vector_load %arg8[%swap3A_1184, %swap3A_1185] {strides = array<i32>} : memref<128x256xf32, #tpu.memory_space<vmem>>, vector<16xf32>,
        tpu.vector_store %arg8[%swap3A_1184, %swap3A_1185], %broadcast_in_dim3A_929 {strides = array<i32>} : memref<128x256xf32, #tpu.memory_space<vmem>>, vector<16xf32>,
        %swap3A_1187 = arith.index_cast %while3A_1143 : i32 to index
        %swap3A_1188 = arith.constant 224 : index
        %swap3A_1189 = tpu.vector_load %arg8[%swap3A_1187, %swap3A_1188] {strides = array<i32>} : memref<128x256xf32, #tpu.memory_space<vmem>>, vector<16xf32>,
        tpu.vector_store %arg8[%swap3A_1187, %swap3A_1188], %broadcast_in_dim3A_929 {strides = array<i32>} : memref<128x256xf32, #tpu.memory_space<vmem>>, vector<16xf32>,
        %swap3A_1190 = arith.index_cast %while3A_1143 : i32 to index
        %swap3A_1191 = arith.constant 240 : index
        %swap3A_1192 = tpu.vector_load %arg8[%swap3A_1190, %swap3A_1191] {strides = array<i32>} : memref<128x256xf32, #tpu.memory_space<vmem>>, vector<16xf32>,
        tpu.vector_store %arg8[%swap3A_1190, %swap3A_1191], %broadcast_in_dim3A_929 {strides = array<i32>} : memref<128x256xf32, #tpu.memory_space<vmem>>, vector<16xf32>,
        %while3A_1193 = arith.constant 0 : i32
        scf.yield %while3A_1193 : i32
      }
      "tpu.region"() ({
        %run_scoped3A = tpu.sem_alloc : memref<!tpu.dma_semaphore, #tpu.memory_space<semaphore_mem>>
        %dma_start3A = arith.constant 0 : i32
        %dma_start3A_1143 = tpu.memref_slice %arg5[%select_n3A, %add3A_1069, %dma_start3A] : memref<16x2048x256xf32, #tpu.memory_space<hbm>> -> memref<1x128x256xf32, #tpu.memory_space<hbm>>
        %dma_start3A_1144 = tpu.memref_squeeze %dma_start3A_1143 : memref<1x128x256xf32, #tpu.memory_space<hbm>> -> memref<128x256xf32, #tpu.memory_space<hbm>>
        %dma_start3A_1145 = arith.constant 0 : i32
        %dma_start3A_1146 = tpu.memref_slice %arg5[%select_n3A, %add3A_1069, %dma_start3A_1145] : memref<16x2048x256xf32, #tpu.memory_space<hbm>> -> memref<1x128x256xf32, #tpu.memory_space<hbm>>
        %dma_start3A_1147 = tpu.memref_squeeze %dma_start3A_1146 : memref<1x128x256xf32, #tpu.memory_space<hbm>> -> memref<128x256xf32, #tpu.memory_space<hbm>>
        tpu.enqueue_dma source(%arg8 : memref<128x256xf32, #tpu.memory_space<vmem>>) target(%dma_start3A_1147 : memref<128x256xf32, #tpu.memory_space<hbm>>) target_semaphore(%run_scoped3A : memref<!tpu.dma_semaphore, #tpu.memory_space<semaphore_mem>>)
        %dma_wait3A_1148 = arith.constant 0 : i32
        %dma_wait3A_1149 = tpu.memref_slice %arg5[%select_n3A, %add3A_1069, %dma_wait3A_1148] : memref<16x2048x256xf32, #tpu.memory_space<hbm>> -> memref<1x128x256xf32, #tpu.memory_space<hbm>>
        %dma_wait3A_1150 = tpu.memref_squeeze %dma_wait3A_1149 : memref<1x128x256xf32, #tpu.memory_space<hbm>> -> memref<128x256xf32, #tpu.memory_space<hbm>>
        %dma_wait3A_1151 = arith.constant 0 : i32
        %dma_wait3A_1152 = tpu.memref_slice %arg5[%select_n3A, %add3A_1069, %dma_wait3A_1151] : memref<16x2048x256xf32, #tpu.memory_space<hbm>> -> memref<1x128x256xf32, #tpu.memory_space<hbm>>
        %dma_wait3A_1153 = tpu.memref_squeeze %dma_wait3A_1152 : memref<1x128x256xf32, #tpu.memory_space<hbm>> -> memref<128x256xf32, #tpu.memory_space<hbm>>
        tpu.wait_dma2 semaphore(%run_scoped3A : memref<!tpu.dma_semaphore, #tpu.memory_space<semaphore_mem>>) src(%arg8 : memref<128x256xf32, #tpu.memory_space<vmem>>) dst(%dma_wait3A_1153 : memref<128x256xf32, #tpu.memory_space<hbm>>)
        tpu.yield
      }) : () -> ()
    } else {
    }
    %eq3A_1075 = arith.constant 0 : i32
    %eq3A_1076 = arith.cmpi eq, %min3A_972, %eq3A_1075 : i32
    %convert_element_type3A_1077 = arith.extui %eq3A_1076 : i1 to i32
    %cond3A_1078 = arith.constant 0 : i32
    %cond3A_1079 = arith.cmpi ne, %convert_element_type3A_1077, %cond3A_1078 : i32
    scf.if %cond3A_1079 {
      "tpu.region"() ({
        %run_scoped3A = tpu.sem_alloc : memref<!tpu.dma_semaphore, #tpu.memory_space<semaphore_mem>>
        %dma_start3A = arith.constant 0 : i32
        %dma_start3A_1126 = tpu.memref_slice %arg5[%select_n3A, %add3A_1069, %dma_start3A] : memref<16x2048x256xf32, #tpu.memory_space<hbm>> -> memref<1x128x256xf32, #tpu.memory_space<hbm>>
        %dma_start3A_1127 = tpu.memref_squeeze %dma_start3A_1126 : memref<1x128x256xf32, #tpu.memory_space<hbm>> -> memref<128x256xf32, #tpu.memory_space<hbm>>
        %dma_start3A_1128 = arith.constant 0 : i32
        %dma_start3A_1129 = tpu.memref_slice %arg5[%select_n3A, %add3A_1069, %dma_start3A_1128] : memref<16x2048x256xf32, #tpu.memory_space<hbm>> -> memref<1x128x256xf32, #tpu.memory_space<hbm>>
        %dma_start3A_1130 = tpu.memref_squeeze %dma_start3A_1129 : memref<1x128x256xf32, #tpu.memory_space<hbm>> -> memref<128x256xf32, #tpu.memory_space<hbm>>
        tpu.enqueue_dma source(%arg10 : memref<128x256xf32, #tpu.memory_space<vmem>>) target(%dma_start3A_1130 : memref<128x256xf32, #tpu.memory_space<hbm>>) target_semaphore(%run_scoped3A : memref<!tpu.dma_semaphore, #tpu.memory_space<semaphore_mem>>)
        %dma_wait3A = arith.constant 0 : i32
        %dma_wait3A_1131 = tpu.memref_slice %arg5[%select_n3A, %add3A_1069, %dma_wait3A] : memref<16x2048x256xf32, #tpu.memory_space<hbm>> -> memref<1x128x256xf32, #tpu.memory_space<hbm>>
        %dma_wait3A_1132 = tpu.memref_squeeze %dma_wait3A_1131 : memref<1x128x256xf32, #tpu.memory_space<hbm>> -> memref<128x256xf32, #tpu.memory_space<hbm>>
        %dma_wait3A_1133 = arith.constant 0 : i32
        %dma_wait3A_1134 = tpu.memref_slice %arg5[%select_n3A, %add3A_1069, %dma_wait3A_1133] : memref<16x2048x256xf32, #tpu.memory_space<hbm>> -> memref<1x128x256xf32, #tpu.memory_space<hbm>>
        %dma_wait3A_1135 = tpu.memref_squeeze %dma_wait3A_1134 : memref<1x128x256xf32, #tpu.memory_space<hbm>> -> memref<128x256xf32, #tpu.memory_space<hbm>>
        tpu.wait_dma2 semaphore(%run_scoped3A : memref<!tpu.dma_semaphore, #tpu.memory_space<semaphore_mem>>) src(%arg10 : memref<128x256xf32, #tpu.memory_space<vmem>>) dst(%dma_wait3A_1135 : memref<128x256xf32, #tpu.memory_space<hbm>>)
        tpu.yield
      }) : () -> ()
    } else {
    }
    %gt3A_1080 = arith.constant 0 : i32
    %gt3A_1081 = arith.cmpi sgt, %min3A_984, %gt3A_1080 : i32
    %convert_element_type3A_1082 = arith.extui %gt3A_1081 : i1 to i32
    %cond3A_1083 = arith.constant 0 : i32
    %cond3A_1084 = arith.cmpi ne, %convert_element_type3A_1082, %cond3A_1083 : i32
    scf.if %cond3A_1084 {
      %dma_start3A = arith.constant 6 : i32
      %dma_start3A_1126 = arith.constant 0 : i32
      %dma_start3A_1127 = tpu.memref_slice %arg7[%dma_start3A, %dma_start3A_1126] : memref<8x128xi32, #tpu.memory_space<vmem>> -> memref<1x128xi32, #tpu.memory_space<vmem>>
      %dma_start3A_1128 = tpu.memref_squeeze %dma_start3A_1127 : memref<1x128xi32, #tpu.memory_space<vmem>> -> memref<128xi32, #tpu.memory_space<vmem>>
      %dma_start3A_1129 = arith.constant 0 : i32
      %dma_start3A_1130 = arith.constant 0 : i32
      %dma_start3A_1131 = tpu.memref_slice %arg2[%dma_start3A_1129, %dma_start3A_1130] : memref<8192x256xf32, #tpu.memory_space<hbm>> -> memref<8192x256xf32, #tpu.memory_space<hbm>>
      tpu.enqueue_indirect_dma source(%dma_start3A_1131 : memref<8192x256xf32, #tpu.memory_space<hbm>>) target(%arg8 : memref<128x256xf32, #tpu.memory_space<vmem>>) offsets(%dma_start3A_1128 : memref<128xi32, #tpu.memory_space<vmem>>) semaphore(%arg11 : memref<!tpu.dma_semaphore, #tpu.memory_space<semaphore_mem>>)
    } else {
    }
    %add3A_1085 = arith.constant 640 : i32
    %add3A_1086 = arith.addi %mul3A_33, %add3A_1085 : i32
    %gt3A_1087 = arith.constant 0 : i32
    %gt3A_1088 = arith.cmpi sgt, %min3A_978, %gt3A_1087 : i32
    %convert_element_type3A_1089 = arith.extui %gt3A_1088 : i1 to i32
    %cond3A_1090 = arith.constant 0 : i32
    %cond3A_1091 = arith.cmpi ne, %convert_element_type3A_1089, %cond3A_1090 : i32
    scf.if %cond3A_1091 {
      %dma_wait3A = arith.constant 5 : i32
      %dma_wait3A_1126 = arith.constant 0 : i32
      %dma_wait3A_1127 = tpu.memref_slice %arg7[%dma_wait3A, %dma_wait3A_1126] : memref<8x128xi32, #tpu.memory_space<vmem>> -> memref<1x128xi32, #tpu.memory_space<vmem>>
      %dma_wait3A_1128 = tpu.memref_squeeze %dma_wait3A_1127 : memref<1x128xi32, #tpu.memory_space<vmem>> -> memref<128xi32, #tpu.memory_space<vmem>>
      %dma_wait3A_1129 = arith.constant 0 : i32
      %dma_wait3A_1130 = arith.constant 0 : i32
      %dma_wait3A_1131 = tpu.memref_slice %arg2[%dma_wait3A_1129, %dma_wait3A_1130] : memref<8192x256xf32, #tpu.memory_space<hbm>> -> memref<8192x256xf32, #tpu.memory_space<hbm>>
      tpu.wait_indirect_dma semaphore(%arg12 : memref<!tpu.dma_semaphore, #tpu.memory_space<semaphore_mem>>) src(%dma_wait3A_1131 : memref<8192x256xf32, #tpu.memory_space<hbm>>) dst(%arg9 : memref<128x256xf32, #tpu.memory_space<vmem>>)
      %while3A = arith.constant 128 : i32
      %while3A_1132 = arith.constant 0 : i32
      %while3A_1133 = arith.subi %while3A, %min3A_978 : i32
      %while3A_1134 = arith.addi %min3A_978, %while3A_1133 : i32
      %while3A_1135 = arith.constant 1 : i32
      %while3A_1136 = arith.divsi %while3A_1133, %while3A_1135 : i32
      %while3A_1137 = arith.muli %while3A_1136, %while3A_1135 : i32
      %while3A_1138 = arith.addi %min3A_978, %while3A_1137 : i32
      %while3A_1139 = arith.constant 1 : i32
      %while3A_1140 = scf.for %while3A_1143 = %min3A_978 to %while3A_1138 step %while3A_1139 iter_args(%while3A_1144 = %while3A_1132) -> (i32)  : i32 {
        %swap3A_1145 = arith.index_cast %while3A_1143 : i32 to index
        %swap3A_1146 = arith.constant 0 : index
        %swap3A_1147 = tpu.vector_load %arg9[%swap3A_1145, %swap3A_1146] {strides = array<i32>} : memref<128x256xf32, #tpu.memory_space<vmem>>, vector<16xf32>,
        tpu.vector_store %arg9[%swap3A_1145, %swap3A_1146], %broadcast_in_dim3A_929 {strides = array<i32>} : memref<128x256xf32, #tpu.memory_space<vmem>>, vector<16xf32>,
        %swap3A_1148 = arith.index_cast %while3A_1143 : i32 to index
        %swap3A_1149 = arith.constant 16 : index
        %swap3A_1150 = tpu.vector_load %arg9[%swap3A_1148, %swap3A_1149] {strides = array<i32>} : memref<128x256xf32, #tpu.memory_space<vmem>>, vector<16xf32>,
        tpu.vector_store %arg9[%swap3A_1148, %swap3A_1149], %broadcast_in_dim3A_929 {strides = array<i32>} : memref<128x256xf32, #tpu.memory_space<vmem>>, vector<16xf32>,
        %swap3A_1151 = arith.index_cast %while3A_1143 : i32 to index
        %swap3A_1152 = arith.constant 32 : index
        %swap3A_1153 = tpu.vector_load %arg9[%swap3A_1151, %swap3A_1152] {strides = array<i32>} : memref<128x256xf32, #tpu.memory_space<vmem>>, vector<16xf32>,
        tpu.vector_store %arg9[%swap3A_1151, %swap3A_1152], %broadcast_in_dim3A_929 {strides = array<i32>} : memref<128x256xf32, #tpu.memory_space<vmem>>, vector<16xf32>,
        %swap3A_1154 = arith.index_cast %while3A_1143 : i32 to index
        %swap3A_1155 = arith.constant 48 : index
        %swap3A_1156 = tpu.vector_load %arg9[%swap3A_1154, %swap3A_1155] {strides = array<i32>} : memref<128x256xf32, #tpu.memory_space<vmem>>, vector<16xf32>,
        tpu.vector_store %arg9[%swap3A_1154, %swap3A_1155], %broadcast_in_dim3A_929 {strides = array<i32>} : memref<128x256xf32, #tpu.memory_space<vmem>>, vector<16xf32>,
        %swap3A_1157 = arith.index_cast %while3A_1143 : i32 to index
        %swap3A_1158 = arith.constant 64 : index
        %swap3A_1159 = tpu.vector_load %arg9[%swap3A_1157, %swap3A_1158] {strides = array<i32>} : memref<128x256xf32, #tpu.memory_space<vmem>>, vector<16xf32>,
        tpu.vector_store %arg9[%swap3A_1157, %swap3A_1158], %broadcast_in_dim3A_929 {strides = array<i32>} : memref<128x256xf32, #tpu.memory_space<vmem>>, vector<16xf32>,
        %swap3A_1160 = arith.index_cast %while3A_1143 : i32 to index
        %swap3A_1161 = arith.constant 80 : index
        %swap3A_1162 = tpu.vector_load %arg9[%swap3A_1160, %swap3A_1161] {strides = array<i32>} : memref<128x256xf32, #tpu.memory_space<vmem>>, vector<16xf32>,
        tpu.vector_store %arg9[%swap3A_1160, %swap3A_1161], %broadcast_in_dim3A_929 {strides = array<i32>} : memref<128x256xf32, #tpu.memory_space<vmem>>, vector<16xf32>,
        %swap3A_1163 = arith.index_cast %while3A_1143 : i32 to index
        %swap3A_1164 = arith.constant 96 : index
        %swap3A_1165 = tpu.vector_load %arg9[%swap3A_1163, %swap3A_1164] {strides = array<i32>} : memref<128x256xf32, #tpu.memory_space<vmem>>, vector<16xf32>,
        tpu.vector_store %arg9[%swap3A_1163, %swap3A_1164], %broadcast_in_dim3A_929 {strides = array<i32>} : memref<128x256xf32, #tpu.memory_space<vmem>>, vector<16xf32>,
        %swap3A_1166 = arith.index_cast %while3A_1143 : i32 to index
        %swap3A_1167 = arith.constant 112 : index
        %swap3A_1168 = tpu.vector_load %arg9[%swap3A_1166, %swap3A_1167] {strides = array<i32>} : memref<128x256xf32, #tpu.memory_space<vmem>>, vector<16xf32>,
        tpu.vector_store %arg9[%swap3A_1166, %swap3A_1167], %broadcast_in_dim3A_929 {strides = array<i32>} : memref<128x256xf32, #tpu.memory_space<vmem>>, vector<16xf32>,
        %swap3A_1169 = arith.index_cast %while3A_1143 : i32 to index
        %swap3A_1170 = arith.constant 128 : index
        %swap3A_1171 = tpu.vector_load %arg9[%swap3A_1169, %swap3A_1170] {strides = array<i32>} : memref<128x256xf32, #tpu.memory_space<vmem>>, vector<16xf32>,
        tpu.vector_store %arg9[%swap3A_1169, %swap3A_1170], %broadcast_in_dim3A_929 {strides = array<i32>} : memref<128x256xf32, #tpu.memory_space<vmem>>, vector<16xf32>,
        %swap3A_1172 = arith.index_cast %while3A_1143 : i32 to index
        %swap3A_1173 = arith.constant 144 : index
        %swap3A_1174 = tpu.vector_load %arg9[%swap3A_1172, %swap3A_1173] {strides = array<i32>} : memref<128x256xf32, #tpu.memory_space<vmem>>, vector<16xf32>,
        tpu.vector_store %arg9[%swap3A_1172, %swap3A_1173], %broadcast_in_dim3A_929 {strides = array<i32>} : memref<128x256xf32, #tpu.memory_space<vmem>>, vector<16xf32>,
        %swap3A_1175 = arith.index_cast %while3A_1143 : i32 to index
        %swap3A_1176 = arith.constant 160 : index
        %swap3A_1177 = tpu.vector_load %arg9[%swap3A_1175, %swap3A_1176] {strides = array<i32>} : memref<128x256xf32, #tpu.memory_space<vmem>>, vector<16xf32>,
        tpu.vector_store %arg9[%swap3A_1175, %swap3A_1176], %broadcast_in_dim3A_929 {strides = array<i32>} : memref<128x256xf32, #tpu.memory_space<vmem>>, vector<16xf32>,
        %swap3A_1178 = arith.index_cast %while3A_1143 : i32 to index
        %swap3A_1179 = arith.constant 176 : index
        %swap3A_1180 = tpu.vector_load %arg9[%swap3A_1178, %swap3A_1179] {strides = array<i32>} : memref<128x256xf32, #tpu.memory_space<vmem>>, vector<16xf32>,
        tpu.vector_store %arg9[%swap3A_1178, %swap3A_1179], %broadcast_in_dim3A_929 {strides = array<i32>} : memref<128x256xf32, #tpu.memory_space<vmem>>, vector<16xf32>,
        %swap3A_1181 = arith.index_cast %while3A_1143 : i32 to index
        %swap3A_1182 = arith.constant 192 : index
        %swap3A_1183 = tpu.vector_load %arg9[%swap3A_1181, %swap3A_1182] {strides = array<i32>} : memref<128x256xf32, #tpu.memory_space<vmem>>, vector<16xf32>,
        tpu.vector_store %arg9[%swap3A_1181, %swap3A_1182], %broadcast_in_dim3A_929 {strides = array<i32>} : memref<128x256xf32, #tpu.memory_space<vmem>>, vector<16xf32>,
        %swap3A_1184 = arith.index_cast %while3A_1143 : i32 to index
        %swap3A_1185 = arith.constant 208 : index
        %swap3A_1186 = tpu.vector_load %arg9[%swap3A_1184, %swap3A_1185] {strides = array<i32>} : memref<128x256xf32, #tpu.memory_space<vmem>>, vector<16xf32>,
        tpu.vector_store %arg9[%swap3A_1184, %swap3A_1185], %broadcast_in_dim3A_929 {strides = array<i32>} : memref<128x256xf32, #tpu.memory_space<vmem>>, vector<16xf32>,
        %swap3A_1187 = arith.index_cast %while3A_1143 : i32 to index
        %swap3A_1188 = arith.constant 224 : index
        %swap3A_1189 = tpu.vector_load %arg9[%swap3A_1187, %swap3A_1188] {strides = array<i32>} : memref<128x256xf32, #tpu.memory_space<vmem>>, vector<16xf32>,
        tpu.vector_store %arg9[%swap3A_1187, %swap3A_1188], %broadcast_in_dim3A_929 {strides = array<i32>} : memref<128x256xf32, #tpu.memory_space<vmem>>, vector<16xf32>,
        %swap3A_1190 = arith.index_cast %while3A_1143 : i32 to index
        %swap3A_1191 = arith.constant 240 : index
        %swap3A_1192 = tpu.vector_load %arg9[%swap3A_1190, %swap3A_1191] {strides = array<i32>} : memref<128x256xf32, #tpu.memory_space<vmem>>, vector<16xf32>,
        tpu.vector_store %arg9[%swap3A_1190, %swap3A_1191], %broadcast_in_dim3A_929 {strides = array<i32>} : memref<128x256xf32, #tpu.memory_space<vmem>>, vector<16xf32>,
        %while3A_1193 = arith.constant 0 : i32
        scf.yield %while3A_1193 : i32
      }
      %while3A_1141 = arith.constant 1 : i32
      %while3A_1142 = scf.for %while3A_1143 = %while3A_1138 to %while3A_1134 step %while3A_1141 iter_args(%while3A_1144 = %while3A_1140) -> (i32)  : i32 {
        %swap3A_1145 = arith.index_cast %while3A_1143 : i32 to index
        %swap3A_1146 = arith.constant 0 : index
        %swap3A_1147 = tpu.vector_load %arg9[%swap3A_1145, %swap3A_1146] {strides = array<i32>} : memref<128x256xf32, #tpu.memory_space<vmem>>, vector<16xf32>,
        tpu.vector_store %arg9[%swap3A_1145, %swap3A_1146], %broadcast_in_dim3A_929 {strides = array<i32>} : memref<128x256xf32, #tpu.memory_space<vmem>>, vector<16xf32>,
        %swap3A_1148 = arith.index_cast %while3A_1143 : i32 to index
        %swap3A_1149 = arith.constant 16 : index
        %swap3A_1150 = tpu.vector_load %arg9[%swap3A_1148, %swap3A_1149] {strides = array<i32>} : memref<128x256xf32, #tpu.memory_space<vmem>>, vector<16xf32>,
        tpu.vector_store %arg9[%swap3A_1148, %swap3A_1149], %broadcast_in_dim3A_929 {strides = array<i32>} : memref<128x256xf32, #tpu.memory_space<vmem>>, vector<16xf32>,
        %swap3A_1151 = arith.index_cast %while3A_1143 : i32 to index
        %swap3A_1152 = arith.constant 32 : index
        %swap3A_1153 = tpu.vector_load %arg9[%swap3A_1151, %swap3A_1152] {strides = array<i32>} : memref<128x256xf32, #tpu.memory_space<vmem>>, vector<16xf32>,
        tpu.vector_store %arg9[%swap3A_1151, %swap3A_1152], %broadcast_in_dim3A_929 {strides = array<i32>} : memref<128x256xf32, #tpu.memory_space<vmem>>, vector<16xf32>,
        %swap3A_1154 = arith.index_cast %while3A_1143 : i32 to index
        %swap3A_1155 = arith.constant 48 : index
        %swap3A_1156 = tpu.vector_load %arg9[%swap3A_1154, %swap3A_1155] {strides = array<i32>} : memref<128x256xf32, #tpu.memory_space<vmem>>, vector<16xf32>,
        tpu.vector_store %arg9[%swap3A_1154, %swap3A_1155], %broadcast_in_dim3A_929 {strides = array<i32>} : memref<128x256xf32, #tpu.memory_space<vmem>>, vector<16xf32>,
        %swap3A_1157 = arith.index_cast %while3A_1143 : i32 to index
        %swap3A_1158 = arith.constant 64 : index
        %swap3A_1159 = tpu.vector_load %arg9[%swap3A_1157, %swap3A_1158] {strides = array<i32>} : memref<128x256xf32, #tpu.memory_space<vmem>>, vector<16xf32>,
        tpu.vector_store %arg9[%swap3A_1157, %swap3A_1158], %broadcast_in_dim3A_929 {strides = array<i32>} : memref<128x256xf32, #tpu.memory_space<vmem>>, vector<16xf32>,
        %swap3A_1160 = arith.index_cast %while3A_1143 : i32 to index
        %swap3A_1161 = arith.constant 80 : index
        %swap3A_1162 = tpu.vector_load %arg9[%swap3A_1160, %swap3A_1161] {strides = array<i32>} : memref<128x256xf32, #tpu.memory_space<vmem>>, vector<16xf32>,
        tpu.vector_store %arg9[%swap3A_1160, %swap3A_1161], %broadcast_in_dim3A_929 {strides = array<i32>} : memref<128x256xf32, #tpu.memory_space<vmem>>, vector<16xf32>,
        %swap3A_1163 = arith.index_cast %while3A_1143 : i32 to index
        %swap3A_1164 = arith.constant 96 : index
        %swap3A_1165 = tpu.vector_load %arg9[%swap3A_1163, %swap3A_1164] {strides = array<i32>} : memref<128x256xf32, #tpu.memory_space<vmem>>, vector<16xf32>,
        tpu.vector_store %arg9[%swap3A_1163, %swap3A_1164], %broadcast_in_dim3A_929 {strides = array<i32>} : memref<128x256xf32, #tpu.memory_space<vmem>>, vector<16xf32>,
        %swap3A_1166 = arith.index_cast %while3A_1143 : i32 to index
        %swap3A_1167 = arith.constant 112 : index
        %swap3A_1168 = tpu.vector_load %arg9[%swap3A_1166, %swap3A_1167] {strides = array<i32>} : memref<128x256xf32, #tpu.memory_space<vmem>>, vector<16xf32>,
        tpu.vector_store %arg9[%swap3A_1166, %swap3A_1167], %broadcast_in_dim3A_929 {strides = array<i32>} : memref<128x256xf32, #tpu.memory_space<vmem>>, vector<16xf32>,
        %swap3A_1169 = arith.index_cast %while3A_1143 : i32 to index
        %swap3A_1170 = arith.constant 128 : index
        %swap3A_1171 = tpu.vector_load %arg9[%swap3A_1169, %swap3A_1170] {strides = array<i32>} : memref<128x256xf32, #tpu.memory_space<vmem>>, vector<16xf32>,
        tpu.vector_store %arg9[%swap3A_1169, %swap3A_1170], %broadcast_in_dim3A_929 {strides = array<i32>} : memref<128x256xf32, #tpu.memory_space<vmem>>, vector<16xf32>,
        %swap3A_1172 = arith.index_cast %while3A_1143 : i32 to index
        %swap3A_1173 = arith.constant 144 : index
        %swap3A_1174 = tpu.vector_load %arg9[%swap3A_1172, %swap3A_1173] {strides = array<i32>} : memref<128x256xf32, #tpu.memory_space<vmem>>, vector<16xf32>,
        tpu.vector_store %arg9[%swap3A_1172, %swap3A_1173], %broadcast_in_dim3A_929 {strides = array<i32>} : memref<128x256xf32, #tpu.memory_space<vmem>>, vector<16xf32>,
        %swap3A_1175 = arith.index_cast %while3A_1143 : i32 to index
        %swap3A_1176 = arith.constant 160 : index
        %swap3A_1177 = tpu.vector_load %arg9[%swap3A_1175, %swap3A_1176] {strides = array<i32>} : memref<128x256xf32, #tpu.memory_space<vmem>>, vector<16xf32>,
        tpu.vector_store %arg9[%swap3A_1175, %swap3A_1176], %broadcast_in_dim3A_929 {strides = array<i32>} : memref<128x256xf32, #tpu.memory_space<vmem>>, vector<16xf32>,
        %swap3A_1178 = arith.index_cast %while3A_1143 : i32 to index
        %swap3A_1179 = arith.constant 176 : index
        %swap3A_1180 = tpu.vector_load %arg9[%swap3A_1178, %swap3A_1179] {strides = array<i32>} : memref<128x256xf32, #tpu.memory_space<vmem>>, vector<16xf32>,
        tpu.vector_store %arg9[%swap3A_1178, %swap3A_1179], %broadcast_in_dim3A_929 {strides = array<i32>} : memref<128x256xf32, #tpu.memory_space<vmem>>, vector<16xf32>,
        %swap3A_1181 = arith.index_cast %while3A_1143 : i32 to index
        %swap3A_1182 = arith.constant 192 : index
        %swap3A_1183 = tpu.vector_load %arg9[%swap3A_1181, %swap3A_1182] {strides = array<i32>} : memref<128x256xf32, #tpu.memory_space<vmem>>, vector<16xf32>,
        tpu.vector_store %arg9[%swap3A_1181, %swap3A_1182], %broadcast_in_dim3A_929 {strides = array<i32>} : memref<128x256xf32, #tpu.memory_space<vmem>>, vector<16xf32>,
        %swap3A_1184 = arith.index_cast %while3A_1143 : i32 to index
        %swap3A_1185 = arith.constant 208 : index
        %swap3A_1186 = tpu.vector_load %arg9[%swap3A_1184, %swap3A_1185] {strides = array<i32>} : memref<128x256xf32, #tpu.memory_space<vmem>>, vector<16xf32>,
        tpu.vector_store %arg9[%swap3A_1184, %swap3A_1185], %broadcast_in_dim3A_929 {strides = array<i32>} : memref<128x256xf32, #tpu.memory_space<vmem>>, vector<16xf32>,
        %swap3A_1187 = arith.index_cast %while3A_1143 : i32 to index
        %swap3A_1188 = arith.constant 224 : index
        %swap3A_1189 = tpu.vector_load %arg9[%swap3A_1187, %swap3A_1188] {strides = array<i32>} : memref<128x256xf32, #tpu.memory_space<vmem>>, vector<16xf32>,
        tpu.vector_store %arg9[%swap3A_1187, %swap3A_1188], %broadcast_in_dim3A_929 {strides = array<i32>} : memref<128x256xf32, #tpu.memory_space<vmem>>, vector<16xf32>,
        %swap3A_1190 = arith.index_cast %while3A_1143 : i32 to index
        %swap3A_1191 = arith.constant 240 : index
        %swap3A_1192 = tpu.vector_load %arg9[%swap3A_1190, %swap3A_1191] {strides = array<i32>} : memref<128x256xf32, #tpu.memory_space<vmem>>, vector<16xf32>,
        tpu.vector_store %arg9[%swap3A_1190, %swap3A_1191], %broadcast_in_dim3A_929 {strides = array<i32>} : memref<128x256xf32, #tpu.memory_space<vmem>>, vector<16xf32>,
        %while3A_1193 = arith.constant 0 : i32
        scf.yield %while3A_1193 : i32
      }
      "tpu.region"() ({
        %run_scoped3A = tpu.sem_alloc : memref<!tpu.dma_semaphore, #tpu.memory_space<semaphore_mem>>
        %dma_start3A = arith.constant 0 : i32
        %dma_start3A_1143 = tpu.memref_slice %arg5[%select_n3A, %add3A_1086, %dma_start3A] : memref<16x2048x256xf32, #tpu.memory_space<hbm>> -> memref<1x128x256xf32, #tpu.memory_space<hbm>>
        %dma_start3A_1144 = tpu.memref_squeeze %dma_start3A_1143 : memref<1x128x256xf32, #tpu.memory_space<hbm>> -> memref<128x256xf32, #tpu.memory_space<hbm>>
        %dma_start3A_1145 = arith.constant 0 : i32
        %dma_start3A_1146 = tpu.memref_slice %arg5[%select_n3A, %add3A_1086, %dma_start3A_1145] : memref<16x2048x256xf32, #tpu.memory_space<hbm>> -> memref<1x128x256xf32, #tpu.memory_space<hbm>>
        %dma_start3A_1147 = tpu.memref_squeeze %dma_start3A_1146 : memref<1x128x256xf32, #tpu.memory_space<hbm>> -> memref<128x256xf32, #tpu.memory_space<hbm>>
        tpu.enqueue_dma source(%arg9 : memref<128x256xf32, #tpu.memory_space<vmem>>) target(%dma_start3A_1147 : memref<128x256xf32, #tpu.memory_space<hbm>>) target_semaphore(%run_scoped3A : memref<!tpu.dma_semaphore, #tpu.memory_space<semaphore_mem>>)
        %dma_wait3A_1148 = arith.constant 0 : i32
        %dma_wait3A_1149 = tpu.memref_slice %arg5[%select_n3A, %add3A_1086, %dma_wait3A_1148] : memref<16x2048x256xf32, #tpu.memory_space<hbm>> -> memref<1x128x256xf32, #tpu.memory_space<hbm>>
        %dma_wait3A_1150 = tpu.memref_squeeze %dma_wait3A_1149 : memref<1x128x256xf32, #tpu.memory_space<hbm>> -> memref<128x256xf32, #tpu.memory_space<hbm>>
        %dma_wait3A_1151 = arith.constant 0 : i32
        %dma_wait3A_1152 = tpu.memref_slice %arg5[%select_n3A, %add3A_1086, %dma_wait3A_1151] : memref<16x2048x256xf32, #tpu.memory_space<hbm>> -> memref<1x128x256xf32, #tpu.memory_space<hbm>>
        %dma_wait3A_1153 = tpu.memref_squeeze %dma_wait3A_1152 : memref<1x128x256xf32, #tpu.memory_space<hbm>> -> memref<128x256xf32, #tpu.memory_space<hbm>>
        tpu.wait_dma2 semaphore(%run_scoped3A : memref<!tpu.dma_semaphore, #tpu.memory_space<semaphore_mem>>) src(%arg9 : memref<128x256xf32, #tpu.memory_space<vmem>>) dst(%dma_wait3A_1153 : memref<128x256xf32, #tpu.memory_space<hbm>>)
        tpu.yield
      }) : () -> ()
    } else {
    }
    %eq3A_1092 = arith.constant 0 : i32
    %eq3A_1093 = arith.cmpi eq, %min3A_978, %eq3A_1092 : i32
    %convert_element_type3A_1094 = arith.extui %eq3A_1093 : i1 to i32
    %cond3A_1095 = arith.constant 0 : i32
    %cond3A_1096 = arith.cmpi ne, %convert_element_type3A_1094, %cond3A_1095 : i32
    scf.if %cond3A_1096 {
      "tpu.region"() ({
        %run_scoped3A = tpu.sem_alloc : memref<!tpu.dma_semaphore, #tpu.memory_space<semaphore_mem>>
        %dma_start3A = arith.constant 0 : i32
        %dma_start3A_1126 = tpu.memref_slice %arg5[%select_n3A, %add3A_1086, %dma_start3A] : memref<16x2048x256xf32, #tpu.memory_space<hbm>> -> memref<1x128x256xf32, #tpu.memory_space<hbm>>
        %dma_start3A_1127 = tpu.memref_squeeze %dma_start3A_1126 : memref<1x128x256xf32, #tpu.memory_space<hbm>> -> memref<128x256xf32, #tpu.memory_space<hbm>>
        %dma_start3A_1128 = arith.constant 0 : i32
        %dma_start3A_1129 = tpu.memref_slice %arg5[%select_n3A, %add3A_1086, %dma_start3A_1128] : memref<16x2048x256xf32, #tpu.memory_space<hbm>> -> memref<1x128x256xf32, #tpu.memory_space<hbm>>
        %dma_start3A_1130 = tpu.memref_squeeze %dma_start3A_1129 : memref<1x128x256xf32, #tpu.memory_space<hbm>> -> memref<128x256xf32, #tpu.memory_space<hbm>>
        tpu.enqueue_dma source(%arg10 : memref<128x256xf32, #tpu.memory_space<vmem>>) target(%dma_start3A_1130 : memref<128x256xf32, #tpu.memory_space<hbm>>) target_semaphore(%run_scoped3A : memref<!tpu.dma_semaphore, #tpu.memory_space<semaphore_mem>>)
        %dma_wait3A = arith.constant 0 : i32
        %dma_wait3A_1131 = tpu.memref_slice %arg5[%select_n3A, %add3A_1086, %dma_wait3A] : memref<16x2048x256xf32, #tpu.memory_space<hbm>> -> memref<1x128x256xf32, #tpu.memory_space<hbm>>
        %dma_wait3A_1132 = tpu.memref_squeeze %dma_wait3A_1131 : memref<1x128x256xf32, #tpu.memory_space<hbm>> -> memref<128x256xf32, #tpu.memory_space<hbm>>
        %dma_wait3A_1133 = arith.constant 0 : i32
        %dma_wait3A_1134 = tpu.memref_slice %arg5[%select_n3A, %add3A_1086, %dma_wait3A_1133] : memref<16x2048x256xf32, #tpu.memory_space<hbm>> -> memref<1x128x256xf32, #tpu.memory_space<hbm>>
        %dma_wait3A_1135 = tpu.memref_squeeze %dma_wait3A_1134 : memref<1x128x256xf32, #tpu.memory_space<hbm>> -> memref<128x256xf32, #tpu.memory_space<hbm>>
        tpu.wait_dma2 semaphore(%run_scoped3A : memref<!tpu.dma_semaphore, #tpu.memory_space<semaphore_mem>>) src(%arg10 : memref<128x256xf32, #tpu.memory_space<vmem>>) dst(%dma_wait3A_1135 : memref<128x256xf32, #tpu.memory_space<hbm>>)
        tpu.yield
      }) : () -> ()
    } else {
    }
    %gt3A_1097 = arith.constant 0 : i32
    %gt3A_1098 = arith.cmpi sgt, %min3A_990, %gt3A_1097 : i32
    %convert_element_type3A_1099 = arith.extui %gt3A_1098 : i1 to i32
    %cond3A_1100 = arith.constant 0 : i32
    %cond3A_1101 = arith.cmpi ne, %convert_element_type3A_1099, %cond3A_1100 : i32
    scf.if %cond3A_1101 {
      %dma_start3A = arith.constant 7 : i32
      %dma_start3A_1126 = arith.constant 0 : i32
      %dma_start3A_1127 = tpu.memref_slice %arg7[%dma_start3A, %dma_start3A_1126] : memref<8x128xi32, #tpu.memory_space<vmem>> -> memref<1x128xi32, #tpu.memory_space<vmem>>
      %dma_start3A_1128 = tpu.memref_squeeze %dma_start3A_1127 : memref<1x128xi32, #tpu.memory_space<vmem>> -> memref<128xi32, #tpu.memory_space<vmem>>
      %dma_start3A_1129 = arith.constant 0 : i32
      %dma_start3A_1130 = arith.constant 0 : i32
      %dma_start3A_1131 = tpu.memref_slice %arg2[%dma_start3A_1129, %dma_start3A_1130] : memref<8192x256xf32, #tpu.memory_space<hbm>> -> memref<8192x256xf32, #tpu.memory_space<hbm>>
      tpu.enqueue_indirect_dma source(%dma_start3A_1131 : memref<8192x256xf32, #tpu.memory_space<hbm>>) target(%arg9 : memref<128x256xf32, #tpu.memory_space<vmem>>) offsets(%dma_start3A_1128 : memref<128xi32, #tpu.memory_space<vmem>>) semaphore(%arg12 : memref<!tpu.dma_semaphore, #tpu.memory_space<semaphore_mem>>)
    } else {
    }
    %add3A_1102 = arith.constant 768 : i32
    %add3A_1103 = arith.addi %mul3A_33, %add3A_1102 : i32
    %gt3A_1104 = arith.constant 0 : i32
    %gt3A_1105 = arith.cmpi sgt, %min3A_984, %gt3A_1104 : i32
    %convert_element_type3A_1106 = arith.extui %gt3A_1105 : i1 to i32
    %cond3A_1107 = arith.constant 0 : i32
    %cond3A_1108 = arith.cmpi ne, %convert_element_type3A_1106, %cond3A_1107 : i32
    scf.if %cond3A_1108 {
      %dma_wait3A = arith.constant 6 : i32
      %dma_wait3A_1126 = arith.constant 0 : i32
      %dma_wait3A_1127 = tpu.memref_slice %arg7[%dma_wait3A, %dma_wait3A_1126] : memref<8x128xi32, #tpu.memory_space<vmem>> -> memref<1x128xi32, #tpu.memory_space<vmem>>
      %dma_wait3A_1128 = tpu.memref_squeeze %dma_wait3A_1127 : memref<1x128xi32, #tpu.memory_space<vmem>> -> memref<128xi32, #tpu.memory_space<vmem>>
      %dma_wait3A_1129 = arith.constant 0 : i32
      %dma_wait3A_1130 = arith.constant 0 : i32
      %dma_wait3A_1131 = tpu.memref_slice %arg2[%dma_wait3A_1129, %dma_wait3A_1130] : memref<8192x256xf32, #tpu.memory_space<hbm>> -> memref<8192x256xf32, #tpu.memory_space<hbm>>
      tpu.wait_indirect_dma semaphore(%arg11 : memref<!tpu.dma_semaphore, #tpu.memory_space<semaphore_mem>>) src(%dma_wait3A_1131 : memref<8192x256xf32, #tpu.memory_space<hbm>>) dst(%arg8 : memref<128x256xf32, #tpu.memory_space<vmem>>)
      %while3A = arith.constant 128 : i32
      %while3A_1132 = arith.constant 0 : i32
      %while3A_1133 = arith.subi %while3A, %min3A_984 : i32
      %while3A_1134 = arith.addi %min3A_984, %while3A_1133 : i32
      %while3A_1135 = arith.constant 1 : i32
      %while3A_1136 = arith.divsi %while3A_1133, %while3A_1135 : i32
      %while3A_1137 = arith.muli %while3A_1136, %while3A_1135 : i32
      %while3A_1138 = arith.addi %min3A_984, %while3A_1137 : i32
      %while3A_1139 = arith.constant 1 : i32
      %while3A_1140 = scf.for %while3A_1143 = %min3A_984 to %while3A_1138 step %while3A_1139 iter_args(%while3A_1144 = %while3A_1132) -> (i32)  : i32 {
        %swap3A_1145 = arith.index_cast %while3A_1143 : i32 to index
        %swap3A_1146 = arith.constant 0 : index
        %swap3A_1147 = tpu.vector_load %arg8[%swap3A_1145, %swap3A_1146] {strides = array<i32>} : memref<128x256xf32, #tpu.memory_space<vmem>>, vector<16xf32>,
        tpu.vector_store %arg8[%swap3A_1145, %swap3A_1146], %broadcast_in_dim3A_929 {strides = array<i32>} : memref<128x256xf32, #tpu.memory_space<vmem>>, vector<16xf32>,
        %swap3A_1148 = arith.index_cast %while3A_1143 : i32 to index
        %swap3A_1149 = arith.constant 16 : index
        %swap3A_1150 = tpu.vector_load %arg8[%swap3A_1148, %swap3A_1149] {strides = array<i32>} : memref<128x256xf32, #tpu.memory_space<vmem>>, vector<16xf32>,
        tpu.vector_store %arg8[%swap3A_1148, %swap3A_1149], %broadcast_in_dim3A_929 {strides = array<i32>} : memref<128x256xf32, #tpu.memory_space<vmem>>, vector<16xf32>,
        %swap3A_1151 = arith.index_cast %while3A_1143 : i32 to index
        %swap3A_1152 = arith.constant 32 : index
        %swap3A_1153 = tpu.vector_load %arg8[%swap3A_1151, %swap3A_1152] {strides = array<i32>} : memref<128x256xf32, #tpu.memory_space<vmem>>, vector<16xf32>,
        tpu.vector_store %arg8[%swap3A_1151, %swap3A_1152], %broadcast_in_dim3A_929 {strides = array<i32>} : memref<128x256xf32, #tpu.memory_space<vmem>>, vector<16xf32>,
        %swap3A_1154 = arith.index_cast %while3A_1143 : i32 to index
        %swap3A_1155 = arith.constant 48 : index
        %swap3A_1156 = tpu.vector_load %arg8[%swap3A_1154, %swap3A_1155] {strides = array<i32>} : memref<128x256xf32, #tpu.memory_space<vmem>>, vector<16xf32>,
        tpu.vector_store %arg8[%swap3A_1154, %swap3A_1155], %broadcast_in_dim3A_929 {strides = array<i32>} : memref<128x256xf32, #tpu.memory_space<vmem>>, vector<16xf32>,
        %swap3A_1157 = arith.index_cast %while3A_1143 : i32 to index
        %swap3A_1158 = arith.constant 64 : index
        %swap3A_1159 = tpu.vector_load %arg8[%swap3A_1157, %swap3A_1158] {strides = array<i32>} : memref<128x256xf32, #tpu.memory_space<vmem>>, vector<16xf32>,
        tpu.vector_store %arg8[%swap3A_1157, %swap3A_1158], %broadcast_in_dim3A_929 {strides = array<i32>} : memref<128x256xf32, #tpu.memory_space<vmem>>, vector<16xf32>,
        %swap3A_1160 = arith.index_cast %while3A_1143 : i32 to index
        %swap3A_1161 = arith.constant 80 : index
        %swap3A_1162 = tpu.vector_load %arg8[%swap3A_1160, %swap3A_1161] {strides = array<i32>} : memref<128x256xf32, #tpu.memory_space<vmem>>, vector<16xf32>,
        tpu.vector_store %arg8[%swap3A_1160, %swap3A_1161], %broadcast_in_dim3A_929 {strides = array<i32>} : memref<128x256xf32, #tpu.memory_space<vmem>>, vector<16xf32>,
        %swap3A_1163 = arith.index_cast %while3A_1143 : i32 to index
        %swap3A_1164 = arith.constant 96 : index
        %swap3A_1165 = tpu.vector_load %arg8[%swap3A_1163, %swap3A_1164] {strides = array<i32>} : memref<128x256xf32, #tpu.memory_space<vmem>>, vector<16xf32>,
        tpu.vector_store %arg8[%swap3A_1163, %swap3A_1164], %broadcast_in_dim3A_929 {strides = array<i32>} : memref<128x256xf32, #tpu.memory_space<vmem>>, vector<16xf32>,
        %swap3A_1166 = arith.index_cast %while3A_1143 : i32 to index
        %swap3A_1167 = arith.constant 112 : index
        %swap3A_1168 = tpu.vector_load %arg8[%swap3A_1166, %swap3A_1167] {strides = array<i32>} : memref<128x256xf32, #tpu.memory_space<vmem>>, vector<16xf32>,
        tpu.vector_store %arg8[%swap3A_1166, %swap3A_1167], %broadcast_in_dim3A_929 {strides = array<i32>} : memref<128x256xf32, #tpu.memory_space<vmem>>, vector<16xf32>,
        %swap3A_1169 = arith.index_cast %while3A_1143 : i32 to index
        %swap3A_1170 = arith.constant 128 : index
        %swap3A_1171 = tpu.vector_load %arg8[%swap3A_1169, %swap3A_1170] {strides = array<i32>} : memref<128x256xf32, #tpu.memory_space<vmem>>, vector<16xf32>,
        tpu.vector_store %arg8[%swap3A_1169, %swap3A_1170], %broadcast_in_dim3A_929 {strides = array<i32>} : memref<128x256xf32, #tpu.memory_space<vmem>>, vector<16xf32>,
        %swap3A_1172 = arith.index_cast %while3A_1143 : i32 to index
        %swap3A_1173 = arith.constant 144 : index
        %swap3A_1174 = tpu.vector_load %arg8[%swap3A_1172, %swap3A_1173] {strides = array<i32>} : memref<128x256xf32, #tpu.memory_space<vmem>>, vector<16xf32>,
        tpu.vector_store %arg8[%swap3A_1172, %swap3A_1173], %broadcast_in_dim3A_929 {strides = array<i32>} : memref<128x256xf32, #tpu.memory_space<vmem>>, vector<16xf32>,
        %swap3A_1175 = arith.index_cast %while3A_1143 : i32 to index
        %swap3A_1176 = arith.constant 160 : index
        %swap3A_1177 = tpu.vector_load %arg8[%swap3A_1175, %swap3A_1176] {strides = array<i32>} : memref<128x256xf32, #tpu.memory_space<vmem>>, vector<16xf32>,
        tpu.vector_store %arg8[%swap3A_1175, %swap3A_1176], %broadcast_in_dim3A_929 {strides = array<i32>} : memref<128x256xf32, #tpu.memory_space<vmem>>, vector<16xf32>,
        %swap3A_1178 = arith.index_cast %while3A_1143 : i32 to index
        %swap3A_1179 = arith.constant 176 : index
        %swap3A_1180 = tpu.vector_load %arg8[%swap3A_1178, %swap3A_1179] {strides = array<i32>} : memref<128x256xf32, #tpu.memory_space<vmem>>, vector<16xf32>,
        tpu.vector_store %arg8[%swap3A_1178, %swap3A_1179], %broadcast_in_dim3A_929 {strides = array<i32>} : memref<128x256xf32, #tpu.memory_space<vmem>>, vector<16xf32>,
        %swap3A_1181 = arith.index_cast %while3A_1143 : i32 to index
        %swap3A_1182 = arith.constant 192 : index
        %swap3A_1183 = tpu.vector_load %arg8[%swap3A_1181, %swap3A_1182] {strides = array<i32>} : memref<128x256xf32, #tpu.memory_space<vmem>>, vector<16xf32>,
        tpu.vector_store %arg8[%swap3A_1181, %swap3A_1182], %broadcast_in_dim3A_929 {strides = array<i32>} : memref<128x256xf32, #tpu.memory_space<vmem>>, vector<16xf32>,
        %swap3A_1184 = arith.index_cast %while3A_1143 : i32 to index
        %swap3A_1185 = arith.constant 208 : index
        %swap3A_1186 = tpu.vector_load %arg8[%swap3A_1184, %swap3A_1185] {strides = array<i32>} : memref<128x256xf32, #tpu.memory_space<vmem>>, vector<16xf32>,
        tpu.vector_store %arg8[%swap3A_1184, %swap3A_1185], %broadcast_in_dim3A_929 {strides = array<i32>} : memref<128x256xf32, #tpu.memory_space<vmem>>, vector<16xf32>,
        %swap3A_1187 = arith.index_cast %while3A_1143 : i32 to index
        %swap3A_1188 = arith.constant 224 : index
        %swap3A_1189 = tpu.vector_load %arg8[%swap3A_1187, %swap3A_1188] {strides = array<i32>} : memref<128x256xf32, #tpu.memory_space<vmem>>, vector<16xf32>,
        tpu.vector_store %arg8[%swap3A_1187, %swap3A_1188], %broadcast_in_dim3A_929 {strides = array<i32>} : memref<128x256xf32, #tpu.memory_space<vmem>>, vector<16xf32>,
        %swap3A_1190 = arith.index_cast %while3A_1143 : i32 to index
        %swap3A_1191 = arith.constant 240 : index
        %swap3A_1192 = tpu.vector_load %arg8[%swap3A_1190, %swap3A_1191] {strides = array<i32>} : memref<128x256xf32, #tpu.memory_space<vmem>>, vector<16xf32>,
        tpu.vector_store %arg8[%swap3A_1190, %swap3A_1191], %broadcast_in_dim3A_929 {strides = array<i32>} : memref<128x256xf32, #tpu.memory_space<vmem>>, vector<16xf32>,
        %while3A_1193 = arith.constant 0 : i32
        scf.yield %while3A_1193 : i32
      }
      %while3A_1141 = arith.constant 1 : i32
      %while3A_1142 = scf.for %while3A_1143 = %while3A_1138 to %while3A_1134 step %while3A_1141 iter_args(%while3A_1144 = %while3A_1140) -> (i32)  : i32 {
        %swap3A_1145 = arith.index_cast %while3A_1143 : i32 to index
        %swap3A_1146 = arith.constant 0 : index
        %swap3A_1147 = tpu.vector_load %arg8[%swap3A_1145, %swap3A_1146] {strides = array<i32>} : memref<128x256xf32, #tpu.memory_space<vmem>>, vector<16xf32>,
        tpu.vector_store %arg8[%swap3A_1145, %swap3A_1146], %broadcast_in_dim3A_929 {strides = array<i32>} : memref<128x256xf32, #tpu.memory_space<vmem>>, vector<16xf32>,
        %swap3A_1148 = arith.index_cast %while3A_1143 : i32 to index
        %swap3A_1149 = arith.constant 16 : index
        %swap3A_1150 = tpu.vector_load %arg8[%swap3A_1148, %swap3A_1149] {strides = array<i32>} : memref<128x256xf32, #tpu.memory_space<vmem>>, vector<16xf32>,
        tpu.vector_store %arg8[%swap3A_1148, %swap3A_1149], %broadcast_in_dim3A_929 {strides = array<i32>} : memref<128x256xf32, #tpu.memory_space<vmem>>, vector<16xf32>,
        %swap3A_1151 = arith.index_cast %while3A_1143 : i32 to index
        %swap3A_1152 = arith.constant 32 : index
        %swap3A_1153 = tpu.vector_load %arg8[%swap3A_1151, %swap3A_1152] {strides = array<i32>} : memref<128x256xf32, #tpu.memory_space<vmem>>, vector<16xf32>,
        tpu.vector_store %arg8[%swap3A_1151, %swap3A_1152], %broadcast_in_dim3A_929 {strides = array<i32>} : memref<128x256xf32, #tpu.memory_space<vmem>>, vector<16xf32>,
        %swap3A_1154 = arith.index_cast %while3A_1143 : i32 to index
        %swap3A_1155 = arith.constant 48 : index
        %swap3A_1156 = tpu.vector_load %arg8[%swap3A_1154, %swap3A_1155] {strides = array<i32>} : memref<128x256xf32, #tpu.memory_space<vmem>>, vector<16xf32>,
        tpu.vector_store %arg8[%swap3A_1154, %swap3A_1155], %broadcast_in_dim3A_929 {strides = array<i32>} : memref<128x256xf32, #tpu.memory_space<vmem>>, vector<16xf32>,
        %swap3A_1157 = arith.index_cast %while3A_1143 : i32 to index
        %swap3A_1158 = arith.constant 64 : index
        %swap3A_1159 = tpu.vector_load %arg8[%swap3A_1157, %swap3A_1158] {strides = array<i32>} : memref<128x256xf32, #tpu.memory_space<vmem>>, vector<16xf32>,
        tpu.vector_store %arg8[%swap3A_1157, %swap3A_1158], %broadcast_in_dim3A_929 {strides = array<i32>} : memref<128x256xf32, #tpu.memory_space<vmem>>, vector<16xf32>,
        %swap3A_1160 = arith.index_cast %while3A_1143 : i32 to index
        %swap3A_1161 = arith.constant 80 : index
        %swap3A_1162 = tpu.vector_load %arg8[%swap3A_1160, %swap3A_1161] {strides = array<i32>} : memref<128x256xf32, #tpu.memory_space<vmem>>, vector<16xf32>,
        tpu.vector_store %arg8[%swap3A_1160, %swap3A_1161], %broadcast_in_dim3A_929 {strides = array<i32>} : memref<128x256xf32, #tpu.memory_space<vmem>>, vector<16xf32>,
        %swap3A_1163 = arith.index_cast %while3A_1143 : i32 to index
        %swap3A_1164 = arith.constant 96 : index
        %swap3A_1165 = tpu.vector_load %arg8[%swap3A_1163, %swap3A_1164] {strides = array<i32>} : memref<128x256xf32, #tpu.memory_space<vmem>>, vector<16xf32>,
        tpu.vector_store %arg8[%swap3A_1163, %swap3A_1164], %broadcast_in_dim3A_929 {strides = array<i32>} : memref<128x256xf32, #tpu.memory_space<vmem>>, vector<16xf32>,
        %swap3A_1166 = arith.index_cast %while3A_1143 : i32 to index
        %swap3A_1167 = arith.constant 112 : index
        %swap3A_1168 = tpu.vector_load %arg8[%swap3A_1166, %swap3A_1167] {strides = array<i32>} : memref<128x256xf32, #tpu.memory_space<vmem>>, vector<16xf32>,
        tpu.vector_store %arg8[%swap3A_1166, %swap3A_1167], %broadcast_in_dim3A_929 {strides = array<i32>} : memref<128x256xf32, #tpu.memory_space<vmem>>, vector<16xf32>,
        %swap3A_1169 = arith.index_cast %while3A_1143 : i32 to index
        %swap3A_1170 = arith.constant 128 : index
        %swap3A_1171 = tpu.vector_load %arg8[%swap3A_1169, %swap3A_1170] {strides = array<i32>} : memref<128x256xf32, #tpu.memory_space<vmem>>, vector<16xf32>,
        tpu.vector_store %arg8[%swap3A_1169, %swap3A_1170], %broadcast_in_dim3A_929 {strides = array<i32>} : memref<128x256xf32, #tpu.memory_space<vmem>>, vector<16xf32>,
        %swap3A_1172 = arith.index_cast %while3A_1143 : i32 to index
        %swap3A_1173 = arith.constant 144 : index
        %swap3A_1174 = tpu.vector_load %arg8[%swap3A_1172, %swap3A_1173] {strides = array<i32>} : memref<128x256xf32, #tpu.memory_space<vmem>>, vector<16xf32>,
        tpu.vector_store %arg8[%swap3A_1172, %swap3A_1173], %broadcast_in_dim3A_929 {strides = array<i32>} : memref<128x256xf32, #tpu.memory_space<vmem>>, vector<16xf32>,
        %swap3A_1175 = arith.index_cast %while3A_1143 : i32 to index
        %swap3A_1176 = arith.constant 160 : index
        %swap3A_1177 = tpu.vector_load %arg8[%swap3A_1175, %swap3A_1176] {strides = array<i32>} : memref<128x256xf32, #tpu.memory_space<vmem>>, vector<16xf32>,
        tpu.vector_store %arg8[%swap3A_1175, %swap3A_1176], %broadcast_in_dim3A_929 {strides = array<i32>} : memref<128x256xf32, #tpu.memory_space<vmem>>, vector<16xf32>,
        %swap3A_1178 = arith.index_cast %while3A_1143 : i32 to index
        %swap3A_1179 = arith.constant 176 : index
        %swap3A_1180 = tpu.vector_load %arg8[%swap3A_1178, %swap3A_1179] {strides = array<i32>} : memref<128x256xf32, #tpu.memory_space<vmem>>, vector<16xf32>,
        tpu.vector_store %arg8[%swap3A_1178, %swap3A_1179], %broadcast_in_dim3A_929 {strides = array<i32>} : memref<128x256xf32, #tpu.memory_space<vmem>>, vector<16xf32>,
        %swap3A_1181 = arith.index_cast %while3A_1143 : i32 to index
        %swap3A_1182 = arith.constant 192 : index
        %swap3A_1183 = tpu.vector_load %arg8[%swap3A_1181, %swap3A_1182] {strides = array<i32>} : memref<128x256xf32, #tpu.memory_space<vmem>>, vector<16xf32>,
        tpu.vector_store %arg8[%swap3A_1181, %swap3A_1182], %broadcast_in_dim3A_929 {strides = array<i32>} : memref<128x256xf32, #tpu.memory_space<vmem>>, vector<16xf32>,
        %swap3A_1184 = arith.index_cast %while3A_1143 : i32 to index
        %swap3A_1185 = arith.constant 208 : index
        %swap3A_1186 = tpu.vector_load %arg8[%swap3A_1184, %swap3A_1185] {strides = array<i32>} : memref<128x256xf32, #tpu.memory_space<vmem>>, vector<16xf32>,
        tpu.vector_store %arg8[%swap3A_1184, %swap3A_1185], %broadcast_in_dim3A_929 {strides = array<i32>} : memref<128x256xf32, #tpu.memory_space<vmem>>, vector<16xf32>,
        %swap3A_1187 = arith.index_cast %while3A_1143 : i32 to index
        %swap3A_1188 = arith.constant 224 : index
        %swap3A_1189 = tpu.vector_load %arg8[%swap3A_1187, %swap3A_1188] {strides = array<i32>} : memref<128x256xf32, #tpu.memory_space<vmem>>, vector<16xf32>,
        tpu.vector_store %arg8[%swap3A_1187, %swap3A_1188], %broadcast_in_dim3A_929 {strides = array<i32>} : memref<128x256xf32, #tpu.memory_space<vmem>>, vector<16xf32>,
        %swap3A_1190 = arith.index_cast %while3A_1143 : i32 to index
        %swap3A_1191 = arith.constant 240 : index
        %swap3A_1192 = tpu.vector_load %arg8[%swap3A_1190, %swap3A_1191] {strides = array<i32>} : memref<128x256xf32, #tpu.memory_space<vmem>>, vector<16xf32>,
        tpu.vector_store %arg8[%swap3A_1190, %swap3A_1191], %broadcast_in_dim3A_929 {strides = array<i32>} : memref<128x256xf32, #tpu.memory_space<vmem>>, vector<16xf32>,
        %while3A_1193 = arith.constant 0 : i32
        scf.yield %while3A_1193 : i32
      }
      "tpu.region"() ({
        %run_scoped3A = tpu.sem_alloc : memref<!tpu.dma_semaphore, #tpu.memory_space<semaphore_mem>>
        %dma_start3A = arith.constant 0 : i32
        %dma_start3A_1143 = tpu.memref_slice %arg5[%select_n3A, %add3A_1103, %dma_start3A] : memref<16x2048x256xf32, #tpu.memory_space<hbm>> -> memref<1x128x256xf32, #tpu.memory_space<hbm>>
        %dma_start3A_1144 = tpu.memref_squeeze %dma_start3A_1143 : memref<1x128x256xf32, #tpu.memory_space<hbm>> -> memref<128x256xf32, #tpu.memory_space<hbm>>
        %dma_start3A_1145 = arith.constant 0 : i32
        %dma_start3A_1146 = tpu.memref_slice %arg5[%select_n3A, %add3A_1103, %dma_start3A_1145] : memref<16x2048x256xf32, #tpu.memory_space<hbm>> -> memref<1x128x256xf32, #tpu.memory_space<hbm>>
        %dma_start3A_1147 = tpu.memref_squeeze %dma_start3A_1146 : memref<1x128x256xf32, #tpu.memory_space<hbm>> -> memref<128x256xf32, #tpu.memory_space<hbm>>
        tpu.enqueue_dma source(%arg8 : memref<128x256xf32, #tpu.memory_space<vmem>>) target(%dma_start3A_1147 : memref<128x256xf32, #tpu.memory_space<hbm>>) target_semaphore(%run_scoped3A : memref<!tpu.dma_semaphore, #tpu.memory_space<semaphore_mem>>)
        %dma_wait3A_1148 = arith.constant 0 : i32
        %dma_wait3A_1149 = tpu.memref_slice %arg5[%select_n3A, %add3A_1103, %dma_wait3A_1148] : memref<16x2048x256xf32, #tpu.memory_space<hbm>> -> memref<1x128x256xf32, #tpu.memory_space<hbm>>
        %dma_wait3A_1150 = tpu.memref_squeeze %dma_wait3A_1149 : memref<1x128x256xf32, #tpu.memory_space<hbm>> -> memref<128x256xf32, #tpu.memory_space<hbm>>
        %dma_wait3A_1151 = arith.constant 0 : i32
        %dma_wait3A_1152 = tpu.memref_slice %arg5[%select_n3A, %add3A_1103, %dma_wait3A_1151] : memref<16x2048x256xf32, #tpu.memory_space<hbm>> -> memref<1x128x256xf32, #tpu.memory_space<hbm>>
        %dma_wait3A_1153 = tpu.memref_squeeze %dma_wait3A_1152 : memref<1x128x256xf32, #tpu.memory_space<hbm>> -> memref<128x256xf32, #tpu.memory_space<hbm>>
        tpu.wait_dma2 semaphore(%run_scoped3A : memref<!tpu.dma_semaphore, #tpu.memory_space<semaphore_mem>>) src(%arg8 : memref<128x256xf32, #tpu.memory_space<vmem>>) dst(%dma_wait3A_1153 : memref<128x256xf32, #tpu.memory_space<hbm>>)
        tpu.yield
      }) : () -> ()
    } else {
    }
    %eq3A_1109 = arith.constant 0 : i32
    %eq3A_1110 = arith.cmpi eq, %min3A_984, %eq3A_1109 : i32
    %convert_element_type3A_1111 = arith.extui %eq3A_1110 : i1 to i32
    %cond3A_1112 = arith.constant 0 : i32
    %cond3A_1113 = arith.cmpi ne, %convert_element_type3A_1111, %cond3A_1112 : i32
    scf.if %cond3A_1113 {
      "tpu.region"() ({
        %run_scoped3A = tpu.sem_alloc : memref<!tpu.dma_semaphore, #tpu.memory_space<semaphore_mem>>
        %dma_start3A = arith.constant 0 : i32
        %dma_start3A_1126 = tpu.memref_slice %arg5[%select_n3A, %add3A_1103, %dma_start3A] : memref<16x2048x256xf32, #tpu.memory_space<hbm>> -> memref<1x128x256xf32, #tpu.memory_space<hbm>>
        %dma_start3A_1127 = tpu.memref_squeeze %dma_start3A_1126 : memref<1x128x256xf32, #tpu.memory_space<hbm>> -> memref<128x256xf32, #tpu.memory_space<hbm>>
        %dma_start3A_1128 = arith.constant 0 : i32
        %dma_start3A_1129 = tpu.memref_slice %arg5[%select_n3A, %add3A_1103, %dma_start3A_1128] : memref<16x2048x256xf32, #tpu.memory_space<hbm>> -> memref<1x128x256xf32, #tpu.memory_space<hbm>>
        %dma_start3A_1130 = tpu.memref_squeeze %dma_start3A_1129 : memref<1x128x256xf32, #tpu.memory_space<hbm>> -> memref<128x256xf32, #tpu.memory_space<hbm>>
        tpu.enqueue_dma source(%arg10 : memref<128x256xf32, #tpu.memory_space<vmem>>) target(%dma_start3A_1130 : memref<128x256xf32, #tpu.memory_space<hbm>>) target_semaphore(%run_scoped3A : memref<!tpu.dma_semaphore, #tpu.memory_space<semaphore_mem>>)
        %dma_wait3A = arith.constant 0 : i32
        %dma_wait3A_1131 = tpu.memref_slice %arg5[%select_n3A, %add3A_1103, %dma_wait3A] : memref<16x2048x256xf32, #tpu.memory_space<hbm>> -> memref<1x128x256xf32, #tpu.memory_space<hbm>>
        %dma_wait3A_1132 = tpu.memref_squeeze %dma_wait3A_1131 : memref<1x128x256xf32, #tpu.memory_space<hbm>> -> memref<128x256xf32, #tpu.memory_space<hbm>>
        %dma_wait3A_1133 = arith.constant 0 : i32
        %dma_wait3A_1134 = tpu.memref_slice %arg5[%select_n3A, %add3A_1103, %dma_wait3A_1133] : memref<16x2048x256xf32, #tpu.memory_space<hbm>> -> memref<1x128x256xf32, #tpu.memory_space<hbm>>
        %dma_wait3A_1135 = tpu.memref_squeeze %dma_wait3A_1134 : memref<1x128x256xf32, #tpu.memory_space<hbm>> -> memref<128x256xf32, #tpu.memory_space<hbm>>
        tpu.wait_dma2 semaphore(%run_scoped3A : memref<!tpu.dma_semaphore, #tpu.memory_space<semaphore_mem>>) src(%arg10 : memref<128x256xf32, #tpu.memory_space<vmem>>) dst(%dma_wait3A_1135 : memref<128x256xf32, #tpu.memory_space<hbm>>)
        tpu.yield
      }) : () -> ()
    } else {
    }
    %add3A_1114 = arith.constant 896 : i32
    %add3A_1115 = arith.addi %mul3A_33, %add3A_1114 : i32
    %gt3A_1116 = arith.constant 0 : i32
    %gt3A_1117 = arith.cmpi sgt, %min3A_990, %gt3A_1116 : i32
    %convert_element_type3A_1118 = arith.extui %gt3A_1117 : i1 to i32
    %cond3A_1119 = arith.constant 0 : i32
    %cond3A_1120 = arith.cmpi ne, %convert_element_type3A_1118, %cond3A_1119 : i32
    scf.if %cond3A_1120 {
      %dma_wait3A = arith.constant 7 : i32
      %dma_wait3A_1126 = arith.constant 0 : i32
      %dma_wait3A_1127 = tpu.memref_slice %arg7[%dma_wait3A, %dma_wait3A_1126] : memref<8x128xi32, #tpu.memory_space<vmem>> -> memref<1x128xi32, #tpu.memory_space<vmem>>
      %dma_wait3A_1128 = tpu.memref_squeeze %dma_wait3A_1127 : memref<1x128xi32, #tpu.memory_space<vmem>> -> memref<128xi32, #tpu.memory_space<vmem>>
      %dma_wait3A_1129 = arith.constant 0 : i32
      %dma_wait3A_1130 = arith.constant 0 : i32
      %dma_wait3A_1131 = tpu.memref_slice %arg2[%dma_wait3A_1129, %dma_wait3A_1130] : memref<8192x256xf32, #tpu.memory_space<hbm>> -> memref<8192x256xf32, #tpu.memory_space<hbm>>
      tpu.wait_indirect_dma semaphore(%arg12 : memref<!tpu.dma_semaphore, #tpu.memory_space<semaphore_mem>>) src(%dma_wait3A_1131 : memref<8192x256xf32, #tpu.memory_space<hbm>>) dst(%arg9 : memref<128x256xf32, #tpu.memory_space<vmem>>)
      %while3A = arith.constant 128 : i32
      %while3A_1132 = arith.constant 0 : i32
      %while3A_1133 = arith.subi %while3A, %min3A_990 : i32
      %while3A_1134 = arith.addi %min3A_990, %while3A_1133 : i32
      %while3A_1135 = arith.constant 1 : i32
      %while3A_1136 = arith.divsi %while3A_1133, %while3A_1135 : i32
      %while3A_1137 = arith.muli %while3A_1136, %while3A_1135 : i32
      %while3A_1138 = arith.addi %min3A_990, %while3A_1137 : i32
      %while3A_1139 = arith.constant 1 : i32
      %while3A_1140 = scf.for %while3A_1143 = %min3A_990 to %while3A_1138 step %while3A_1139 iter_args(%while3A_1144 = %while3A_1132) -> (i32)  : i32 {
        %swap3A_1145 = arith.index_cast %while3A_1143 : i32 to index
        %swap3A_1146 = arith.constant 0 : index
        %swap3A_1147 = tpu.vector_load %arg9[%swap3A_1145, %swap3A_1146] {strides = array<i32>} : memref<128x256xf32, #tpu.memory_space<vmem>>, vector<16xf32>,
        tpu.vector_store %arg9[%swap3A_1145, %swap3A_1146], %broadcast_in_dim3A_929 {strides = array<i32>} : memref<128x256xf32, #tpu.memory_space<vmem>>, vector<16xf32>,
        %swap3A_1148 = arith.index_cast %while3A_1143 : i32 to index
        %swap3A_1149 = arith.constant 16 : index
        %swap3A_1150 = tpu.vector_load %arg9[%swap3A_1148, %swap3A_1149] {strides = array<i32>} : memref<128x256xf32, #tpu.memory_space<vmem>>, vector<16xf32>,
        tpu.vector_store %arg9[%swap3A_1148, %swap3A_1149], %broadcast_in_dim3A_929 {strides = array<i32>} : memref<128x256xf32, #tpu.memory_space<vmem>>, vector<16xf32>,
        %swap3A_1151 = arith.index_cast %while3A_1143 : i32 to index
        %swap3A_1152 = arith.constant 32 : index
        %swap3A_1153 = tpu.vector_load %arg9[%swap3A_1151, %swap3A_1152] {strides = array<i32>} : memref<128x256xf32, #tpu.memory_space<vmem>>, vector<16xf32>,
        tpu.vector_store %arg9[%swap3A_1151, %swap3A_1152], %broadcast_in_dim3A_929 {strides = array<i32>} : memref<128x256xf32, #tpu.memory_space<vmem>>, vector<16xf32>,
        %swap3A_1154 = arith.index_cast %while3A_1143 : i32 to index
        %swap3A_1155 = arith.constant 48 : index
        %swap3A_1156 = tpu.vector_load %arg9[%swap3A_1154, %swap3A_1155] {strides = array<i32>} : memref<128x256xf32, #tpu.memory_space<vmem>>, vector<16xf32>,
        tpu.vector_store %arg9[%swap3A_1154, %swap3A_1155], %broadcast_in_dim3A_929 {strides = array<i32>} : memref<128x256xf32, #tpu.memory_space<vmem>>, vector<16xf32>,
        %swap3A_1157 = arith.index_cast %while3A_1143 : i32 to index
        %swap3A_1158 = arith.constant 64 : index
        %swap3A_1159 = tpu.vector_load %arg9[%swap3A_1157, %swap3A_1158] {strides = array<i32>} : memref<128x256xf32, #tpu.memory_space<vmem>>, vector<16xf32>,
        tpu.vector_store %arg9[%swap3A_1157, %swap3A_1158], %broadcast_in_dim3A_929 {strides = array<i32>} : memref<128x256xf32, #tpu.memory_space<vmem>>, vector<16xf32>,
        %swap3A_1160 = arith.index_cast %while3A_1143 : i32 to index
        %swap3A_1161 = arith.constant 80 : index
        %swap3A_1162 = tpu.vector_load %arg9[%swap3A_1160, %swap3A_1161] {strides = array<i32>} : memref<128x256xf32, #tpu.memory_space<vmem>>, vector<16xf32>,
        tpu.vector_store %arg9[%swap3A_1160, %swap3A_1161], %broadcast_in_dim3A_929 {strides = array<i32>} : memref<128x256xf32, #tpu.memory_space<vmem>>, vector<16xf32>,
        %swap3A_1163 = arith.index_cast %while3A_1143 : i32 to index
        %swap3A_1164 = arith.constant 96 : index
        %swap3A_1165 = tpu.vector_load %arg9[%swap3A_1163, %swap3A_1164] {strides = array<i32>} : memref<128x256xf32, #tpu.memory_space<vmem>>, vector<16xf32>,
        tpu.vector_store %arg9[%swap3A_1163, %swap3A_1164], %broadcast_in_dim3A_929 {strides = array<i32>} : memref<128x256xf32, #tpu.memory_space<vmem>>, vector<16xf32>,
        %swap3A_1166 = arith.index_cast %while3A_1143 : i32 to index
        %swap3A_1167 = arith.constant 112 : index
        %swap3A_1168 = tpu.vector_load %arg9[%swap3A_1166, %swap3A_1167] {strides = array<i32>} : memref<128x256xf32, #tpu.memory_space<vmem>>, vector<16xf32>,
        tpu.vector_store %arg9[%swap3A_1166, %swap3A_1167], %broadcast_in_dim3A_929 {strides = array<i32>} : memref<128x256xf32, #tpu.memory_space<vmem>>, vector<16xf32>,
        %swap3A_1169 = arith.index_cast %while3A_1143 : i32 to index
        %swap3A_1170 = arith.constant 128 : index
        %swap3A_1171 = tpu.vector_load %arg9[%swap3A_1169, %swap3A_1170] {strides = array<i32>} : memref<128x256xf32, #tpu.memory_space<vmem>>, vector<16xf32>,
        tpu.vector_store %arg9[%swap3A_1169, %swap3A_1170], %broadcast_in_dim3A_929 {strides = array<i32>} : memref<128x256xf32, #tpu.memory_space<vmem>>, vector<16xf32>,
        %swap3A_1172 = arith.index_cast %while3A_1143 : i32 to index
        %swap3A_1173 = arith.constant 144 : index
        %swap3A_1174 = tpu.vector_load %arg9[%swap3A_1172, %swap3A_1173] {strides = array<i32>} : memref<128x256xf32, #tpu.memory_space<vmem>>, vector<16xf32>,
        tpu.vector_store %arg9[%swap3A_1172, %swap3A_1173], %broadcast_in_dim3A_929 {strides = array<i32>} : memref<128x256xf32, #tpu.memory_space<vmem>>, vector<16xf32>,
        %swap3A_1175 = arith.index_cast %while3A_1143 : i32 to index
        %swap3A_1176 = arith.constant 160 : index
        %swap3A_1177 = tpu.vector_load %arg9[%swap3A_1175, %swap3A_1176] {strides = array<i32>} : memref<128x256xf32, #tpu.memory_space<vmem>>, vector<16xf32>,
        tpu.vector_store %arg9[%swap3A_1175, %swap3A_1176], %broadcast_in_dim3A_929 {strides = array<i32>} : memref<128x256xf32, #tpu.memory_space<vmem>>, vector<16xf32>,
        %swap3A_1178 = arith.index_cast %while3A_1143 : i32 to index
        %swap3A_1179 = arith.constant 176 : index
        %swap3A_1180 = tpu.vector_load %arg9[%swap3A_1178, %swap3A_1179] {strides = array<i32>} : memref<128x256xf32, #tpu.memory_space<vmem>>, vector<16xf32>,
        tpu.vector_store %arg9[%swap3A_1178, %swap3A_1179], %broadcast_in_dim3A_929 {strides = array<i32>} : memref<128x256xf32, #tpu.memory_space<vmem>>, vector<16xf32>,
        %swap3A_1181 = arith.index_cast %while3A_1143 : i32 to index
        %swap3A_1182 = arith.constant 192 : index
        %swap3A_1183 = tpu.vector_load %arg9[%swap3A_1181, %swap3A_1182] {strides = array<i32>} : memref<128x256xf32, #tpu.memory_space<vmem>>, vector<16xf32>,
        tpu.vector_store %arg9[%swap3A_1181, %swap3A_1182], %broadcast_in_dim3A_929 {strides = array<i32>} : memref<128x256xf32, #tpu.memory_space<vmem>>, vector<16xf32>,
        %swap3A_1184 = arith.index_cast %while3A_1143 : i32 to index
        %swap3A_1185 = arith.constant 208 : index
        %swap3A_1186 = tpu.vector_load %arg9[%swap3A_1184, %swap3A_1185] {strides = array<i32>} : memref<128x256xf32, #tpu.memory_space<vmem>>, vector<16xf32>,
        tpu.vector_store %arg9[%swap3A_1184, %swap3A_1185], %broadcast_in_dim3A_929 {strides = array<i32>} : memref<128x256xf32, #tpu.memory_space<vmem>>, vector<16xf32>,
        %swap3A_1187 = arith.index_cast %while3A_1143 : i32 to index
        %swap3A_1188 = arith.constant 224 : index
        %swap3A_1189 = tpu.vector_load %arg9[%swap3A_1187, %swap3A_1188] {strides = array<i32>} : memref<128x256xf32, #tpu.memory_space<vmem>>, vector<16xf32>,
        tpu.vector_store %arg9[%swap3A_1187, %swap3A_1188], %broadcast_in_dim3A_929 {strides = array<i32>} : memref<128x256xf32, #tpu.memory_space<vmem>>, vector<16xf32>,
        %swap3A_1190 = arith.index_cast %while3A_1143 : i32 to index
        %swap3A_1191 = arith.constant 240 : index
        %swap3A_1192 = tpu.vector_load %arg9[%swap3A_1190, %swap3A_1191] {strides = array<i32>} : memref<128x256xf32, #tpu.memory_space<vmem>>, vector<16xf32>,
        tpu.vector_store %arg9[%swap3A_1190, %swap3A_1191], %broadcast_in_dim3A_929 {strides = array<i32>} : memref<128x256xf32, #tpu.memory_space<vmem>>, vector<16xf32>,
        %while3A_1193 = arith.constant 0 : i32
        scf.yield %while3A_1193 : i32
      }
      %while3A_1141 = arith.constant 1 : i32
      %while3A_1142 = scf.for %while3A_1143 = %while3A_1138 to %while3A_1134 step %while3A_1141 iter_args(%while3A_1144 = %while3A_1140) -> (i32)  : i32 {
        %swap3A_1145 = arith.index_cast %while3A_1143 : i32 to index
        %swap3A_1146 = arith.constant 0 : index
        %swap3A_1147 = tpu.vector_load %arg9[%swap3A_1145, %swap3A_1146] {strides = array<i32>} : memref<128x256xf32, #tpu.memory_space<vmem>>, vector<16xf32>,
        tpu.vector_store %arg9[%swap3A_1145, %swap3A_1146], %broadcast_in_dim3A_929 {strides = array<i32>} : memref<128x256xf32, #tpu.memory_space<vmem>>, vector<16xf32>,
        %swap3A_1148 = arith.index_cast %while3A_1143 : i32 to index
        %swap3A_1149 = arith.constant 16 : index
        %swap3A_1150 = tpu.vector_load %arg9[%swap3A_1148, %swap3A_1149] {strides = array<i32>} : memref<128x256xf32, #tpu.memory_space<vmem>>, vector<16xf32>,
        tpu.vector_store %arg9[%swap3A_1148, %swap3A_1149], %broadcast_in_dim3A_929 {strides = array<i32>} : memref<128x256xf32, #tpu.memory_space<vmem>>, vector<16xf32>,
        %swap3A_1151 = arith.index_cast %while3A_1143 : i32 to index
        %swap3A_1152 = arith.constant 32 : index
        %swap3A_1153 = tpu.vector_load %arg9[%swap3A_1151, %swap3A_1152] {strides = array<i32>} : memref<128x256xf32, #tpu.memory_space<vmem>>, vector<16xf32>,
        tpu.vector_store %arg9[%swap3A_1151, %swap3A_1152], %broadcast_in_dim3A_929 {strides = array<i32>} : memref<128x256xf32, #tpu.memory_space<vmem>>, vector<16xf32>,
        %swap3A_1154 = arith.index_cast %while3A_1143 : i32 to index
        %swap3A_1155 = arith.constant 48 : index
        %swap3A_1156 = tpu.vector_load %arg9[%swap3A_1154, %swap3A_1155] {strides = array<i32>} : memref<128x256xf32, #tpu.memory_space<vmem>>, vector<16xf32>,
        tpu.vector_store %arg9[%swap3A_1154, %swap3A_1155], %broadcast_in_dim3A_929 {strides = array<i32>} : memref<128x256xf32, #tpu.memory_space<vmem>>, vector<16xf32>,
        %swap3A_1157 = arith.index_cast %while3A_1143 : i32 to index
        %swap3A_1158 = arith.constant 64 : index
        %swap3A_1159 = tpu.vector_load %arg9[%swap3A_1157, %swap3A_1158] {strides = array<i32>} : memref<128x256xf32, #tpu.memory_space<vmem>>, vector<16xf32>,
        tpu.vector_store %arg9[%swap3A_1157, %swap3A_1158], %broadcast_in_dim3A_929 {strides = array<i32>} : memref<128x256xf32, #tpu.memory_space<vmem>>, vector<16xf32>,
        %swap3A_1160 = arith.index_cast %while3A_1143 : i32 to index
        %swap3A_1161 = arith.constant 80 : index
        %swap3A_1162 = tpu.vector_load %arg9[%swap3A_1160, %swap3A_1161] {strides = array<i32>} : memref<128x256xf32, #tpu.memory_space<vmem>>, vector<16xf32>,
        tpu.vector_store %arg9[%swap3A_1160, %swap3A_1161], %broadcast_in_dim3A_929 {strides = array<i32>} : memref<128x256xf32, #tpu.memory_space<vmem>>, vector<16xf32>,
        %swap3A_1163 = arith.index_cast %while3A_1143 : i32 to index
        %swap3A_1164 = arith.constant 96 : index
        %swap3A_1165 = tpu.vector_load %arg9[%swap3A_1163, %swap3A_1164] {strides = array<i32>} : memref<128x256xf32, #tpu.memory_space<vmem>>, vector<16xf32>,
        tpu.vector_store %arg9[%swap3A_1163, %swap3A_1164], %broadcast_in_dim3A_929 {strides = array<i32>} : memref<128x256xf32, #tpu.memory_space<vmem>>, vector<16xf32>,
        %swap3A_1166 = arith.index_cast %while3A_1143 : i32 to index
        %swap3A_1167 = arith.constant 112 : index
        %swap3A_1168 = tpu.vector_load %arg9[%swap3A_1166, %swap3A_1167] {strides = array<i32>} : memref<128x256xf32, #tpu.memory_space<vmem>>, vector<16xf32>,
        tpu.vector_store %arg9[%swap3A_1166, %swap3A_1167], %broadcast_in_dim3A_929 {strides = array<i32>} : memref<128x256xf32, #tpu.memory_space<vmem>>, vector<16xf32>,
        %swap3A_1169 = arith.index_cast %while3A_1143 : i32 to index
        %swap3A_1170 = arith.constant 128 : index
        %swap3A_1171 = tpu.vector_load %arg9[%swap3A_1169, %swap3A_1170] {strides = array<i32>} : memref<128x256xf32, #tpu.memory_space<vmem>>, vector<16xf32>,
        tpu.vector_store %arg9[%swap3A_1169, %swap3A_1170], %broadcast_in_dim3A_929 {strides = array<i32>} : memref<128x256xf32, #tpu.memory_space<vmem>>, vector<16xf32>,
        %swap3A_1172 = arith.index_cast %while3A_1143 : i32 to index
        %swap3A_1173 = arith.constant 144 : index
        %swap3A_1174 = tpu.vector_load %arg9[%swap3A_1172, %swap3A_1173] {strides = array<i32>} : memref<128x256xf32, #tpu.memory_space<vmem>>, vector<16xf32>,
        tpu.vector_store %arg9[%swap3A_1172, %swap3A_1173], %broadcast_in_dim3A_929 {strides = array<i32>} : memref<128x256xf32, #tpu.memory_space<vmem>>, vector<16xf32>,
        %swap3A_1175 = arith.index_cast %while3A_1143 : i32 to index
        %swap3A_1176 = arith.constant 160 : index
        %swap3A_1177 = tpu.vector_load %arg9[%swap3A_1175, %swap3A_1176] {strides = array<i32>} : memref<128x256xf32, #tpu.memory_space<vmem>>, vector<16xf32>,
        tpu.vector_store %arg9[%swap3A_1175, %swap3A_1176], %broadcast_in_dim3A_929 {strides = array<i32>} : memref<128x256xf32, #tpu.memory_space<vmem>>, vector<16xf32>,
        %swap3A_1178 = arith.index_cast %while3A_1143 : i32 to index
        %swap3A_1179 = arith.constant 176 : index
        %swap3A_1180 = tpu.vector_load %arg9[%swap3A_1178, %swap3A_1179] {strides = array<i32>} : memref<128x256xf32, #tpu.memory_space<vmem>>, vector<16xf32>,
        tpu.vector_store %arg9[%swap3A_1178, %swap3A_1179], %broadcast_in_dim3A_929 {strides = array<i32>} : memref<128x256xf32, #tpu.memory_space<vmem>>, vector<16xf32>,
        %swap3A_1181 = arith.index_cast %while3A_1143 : i32 to index
        %swap3A_1182 = arith.constant 192 : index
        %swap3A_1183 = tpu.vector_load %arg9[%swap3A_1181, %swap3A_1182] {strides = array<i32>} : memref<128x256xf32, #tpu.memory_space<vmem>>, vector<16xf32>,
        tpu.vector_store %arg9[%swap3A_1181, %swap3A_1182], %broadcast_in_dim3A_929 {strides = array<i32>} : memref<128x256xf32, #tpu.memory_space<vmem>>, vector<16xf32>,
        %swap3A_1184 = arith.index_cast %while3A_1143 : i32 to index
        %swap3A_1185 = arith.constant 208 : index
        %swap3A_1186 = tpu.vector_load %arg9[%swap3A_1184, %swap3A_1185] {strides = array<i32>} : memref<128x256xf32, #tpu.memory_space<vmem>>, vector<16xf32>,
        tpu.vector_store %arg9[%swap3A_1184, %swap3A_1185], %broadcast_in_dim3A_929 {strides = array<i32>} : memref<128x256xf32, #tpu.memory_space<vmem>>, vector<16xf32>,
        %swap3A_1187 = arith.index_cast %while3A_1143 : i32 to index
        %swap3A_1188 = arith.constant 224 : index
        %swap3A_1189 = tpu.vector_load %arg9[%swap3A_1187, %swap3A_1188] {strides = array<i32>} : memref<128x256xf32, #tpu.memory_space<vmem>>, vector<16xf32>,
        tpu.vector_store %arg9[%swap3A_1187, %swap3A_1188], %broadcast_in_dim3A_929 {strides = array<i32>} : memref<128x256xf32, #tpu.memory_space<vmem>>, vector<16xf32>,
        %swap3A_1190 = arith.index_cast %while3A_1143 : i32 to index
        %swap3A_1191 = arith.constant 240 : index
        %swap3A_1192 = tpu.vector_load %arg9[%swap3A_1190, %swap3A_1191] {strides = array<i32>} : memref<128x256xf32, #tpu.memory_space<vmem>>, vector<16xf32>,
        tpu.vector_store %arg9[%swap3A_1190, %swap3A_1191], %broadcast_in_dim3A_929 {strides = array<i32>} : memref<128x256xf32, #tpu.memory_space<vmem>>, vector<16xf32>,
        %while3A_1193 = arith.constant 0 : i32
        scf.yield %while3A_1193 : i32
      }
      "tpu.region"() ({
        %run_scoped3A = tpu.sem_alloc : memref<!tpu.dma_semaphore, #tpu.memory_space<semaphore_mem>>
        %dma_start3A = arith.constant 0 : i32
        %dma_start3A_1143 = tpu.memref_slice %arg5[%select_n3A, %add3A_1115, %dma_start3A] : memref<16x2048x256xf32, #tpu.memory_space<hbm>> -> memref<1x128x256xf32, #tpu.memory_space<hbm>>
        %dma_start3A_1144 = tpu.memref_squeeze %dma_start3A_1143 : memref<1x128x256xf32, #tpu.memory_space<hbm>> -> memref<128x256xf32, #tpu.memory_space<hbm>>
        %dma_start3A_1145 = arith.constant 0 : i32
        %dma_start3A_1146 = tpu.memref_slice %arg5[%select_n3A, %add3A_1115, %dma_start3A_1145] : memref<16x2048x256xf32, #tpu.memory_space<hbm>> -> memref<1x128x256xf32, #tpu.memory_space<hbm>>
        %dma_start3A_1147 = tpu.memref_squeeze %dma_start3A_1146 : memref<1x128x256xf32, #tpu.memory_space<hbm>> -> memref<128x256xf32, #tpu.memory_space<hbm>>
        tpu.enqueue_dma source(%arg9 : memref<128x256xf32, #tpu.memory_space<vmem>>) target(%dma_start3A_1147 : memref<128x256xf32, #tpu.memory_space<hbm>>) target_semaphore(%run_scoped3A : memref<!tpu.dma_semaphore, #tpu.memory_space<semaphore_mem>>)
        %dma_wait3A_1148 = arith.constant 0 : i32
        %dma_wait3A_1149 = tpu.memref_slice %arg5[%select_n3A, %add3A_1115, %dma_wait3A_1148] : memref<16x2048x256xf32, #tpu.memory_space<hbm>> -> memref<1x128x256xf32, #tpu.memory_space<hbm>>
        %dma_wait3A_1150 = tpu.memref_squeeze %dma_wait3A_1149 : memref<1x128x256xf32, #tpu.memory_space<hbm>> -> memref<128x256xf32, #tpu.memory_space<hbm>>
        %dma_wait3A_1151 = arith.constant 0 : i32
        %dma_wait3A_1152 = tpu.memref_slice %arg5[%select_n3A, %add3A_1115, %dma_wait3A_1151] : memref<16x2048x256xf32, #tpu.memory_space<hbm>> -> memref<1x128x256xf32, #tpu.memory_space<hbm>>
        %dma_wait3A_1153 = tpu.memref_squeeze %dma_wait3A_1152 : memref<1x128x256xf32, #tpu.memory_space<hbm>> -> memref<128x256xf32, #tpu.memory_space<hbm>>
        tpu.wait_dma2 semaphore(%run_scoped3A : memref<!tpu.dma_semaphore, #tpu.memory_space<semaphore_mem>>) src(%arg9 : memref<128x256xf32, #tpu.memory_space<vmem>>) dst(%dma_wait3A_1153 : memref<128x256xf32, #tpu.memory_space<hbm>>)
        tpu.yield
      }) : () -> ()
    } else {
    }
    %eq3A_1121 = arith.constant 0 : i32
    %eq3A_1122 = arith.cmpi eq, %min3A_990, %eq3A_1121 : i32
    %convert_element_type3A_1123 = arith.extui %eq3A_1122 : i1 to i32
    %cond3A_1124 = arith.constant 0 : i32
    %cond3A_1125 = arith.cmpi ne, %convert_element_type3A_1123, %cond3A_1124 : i32
    scf.if %cond3A_1125 {
      "tpu.region"() ({
        %run_scoped3A = tpu.sem_alloc : memref<!tpu.dma_semaphore, #tpu.memory_space<semaphore_mem>>
        %dma_start3A = arith.constant 0 : i32
        %dma_start3A_1126 = tpu.memref_slice %arg5[%select_n3A, %add3A_1115, %dma_start3A] : memref<16x2048x256xf32, #tpu.memory_space<hbm>> -> memref<1x128x256xf32, #tpu.memory_space<hbm>>
        %dma_start3A_1127 = tpu.memref_squeeze %dma_start3A_1126 : memref<1x128x256xf32, #tpu.memory_space<hbm>> -> memref<128x256xf32, #tpu.memory_space<hbm>>
        %dma_start3A_1128 = arith.constant 0 : i32
        %dma_start3A_1129 = tpu.memref_slice %arg5[%select_n3A, %add3A_1115, %dma_start3A_1128] : memref<16x2048x256xf32, #tpu.memory_space<hbm>> -> memref<1x128x256xf32, #tpu.memory_space<hbm>>
        %dma_start3A_1130 = tpu.memref_squeeze %dma_start3A_1129 : memref<1x128x256xf32, #tpu.memory_space<hbm>> -> memref<128x256xf32, #tpu.memory_space<hbm>>
        tpu.enqueue_dma source(%arg10 : memref<128x256xf32, #tpu.memory_space<vmem>>) target(%dma_start3A_1130 : memref<128x256xf32, #tpu.memory_space<hbm>>) target_semaphore(%run_scoped3A : memref<!tpu.dma_semaphore, #tpu.memory_space<semaphore_mem>>)
        %dma_wait3A = arith.constant 0 : i32
        %dma_wait3A_1131 = tpu.memref_slice %arg5[%select_n3A, %add3A_1115, %dma_wait3A] : memref<16x2048x256xf32, #tpu.memory_space<hbm>> -> memref<1x128x256xf32, #tpu.memory_space<hbm>>
        %dma_wait3A_1132 = tpu.memref_squeeze %dma_wait3A_1131 : memref<1x128x256xf32, #tpu.memory_space<hbm>> -> memref<128x256xf32, #tpu.memory_space<hbm>>
        %dma_wait3A_1133 = arith.constant 0 : i32
        %dma_wait3A_1134 = tpu.memref_slice %arg5[%select_n3A, %add3A_1115, %dma_wait3A_1133] : memref<16x2048x256xf32, #tpu.memory_space<hbm>> -> memref<1x128x256xf32, #tpu.memory_space<hbm>>
        %dma_wait3A_1135 = tpu.memref_squeeze %dma_wait3A_1134 : memref<1x128x256xf32, #tpu.memory_space<hbm>> -> memref<128x256xf32, #tpu.memory_space<hbm>>
        tpu.wait_dma2 semaphore(%run_scoped3A : memref<!tpu.dma_semaphore, #tpu.memory_space<semaphore_mem>>) src(%arg10 : memref<128x256xf32, #tpu.memory_space<vmem>>) dst(%dma_wait3A_1135 : memref<128x256xf32, #tpu.memory_space<hbm>>)
        tpu.yield
      }) : () -> ()
    } else {
    }
    return
  }
}

</mosaic_0001>

<sc_bundles>
// kernel: kernel.3.cloned.1.call-start
scs
__scs_entry_jumppad:
0x0: {  	(pc) =	sbr.rel $0x88, $3  }
0x1: {  	(tag) =	ssettag $0x0;
	lr =	simm.s32 $0x1  }
0x2: {  	[smem:$0x3F9E] =	sst lr;
	_ =	strace $0xD0000000  }
0x3: {  	_ = 	snop  }
0x4: {  	_ = 	snop  }
0x5: {  	_ = 	snop  }
0x6: {  	_ = 	snop  }
0x7: {  	_ = 	snop  }
__scs_overlays_trampoline_lowered:
0x8: {  	[smem:$0x3FAD] =	sst s0  }
0x9: {  	[smem:$0x3FAE] =	sst s1  }
0xa: {  	[smem:$0x3FAF] =	sst s2  }
0xb: {  	[smem:$0x3FB0] =	sst s3  }
0xc: {  	[smem:$0x3FB1] =	sst s4  }
0xd: {  	[smem:$0x3FB2] =	sst s5  }
0xe: {  	[smem:$0x3FB3] =	sst s6  }
0xf: {  	[smem:$0x3FB4] =	sst s7  }
0x10: {  	[smem:$0x3FB5] =	sst s8  }
0x11: {  	[smem:$0x3FB6] =	sst s9;
	s0 =	simm.s32 @!p0 $0x0  }
0x12: {  	s1 =	sld [smem:$0x3F9C];
	s0 =	simm.s32 @p0 $0x1  }
0x13: {  	[smem:$0x3FB7] =	sst s0;
	s0 =	simm.s32 @!p1 $0x0  }
0x14: {  	s2 =	sld [smem:$0x3F9B];
	s0 =	simm.s32 @p1 $0x1  }
0x15: {  	[smem:$0x3FB8] =	sst s0;
	s0 =	simm.s32 @!p2 $0x0  }
0x16: {  	s3 =	sld [smem:$0x3FDB];
	s0 =	simm.s32 @p2 $0x1  }
0x17: {  	s4 =	simm.s32 $0x1BF5;
	[smem:$0x3FBA] =	sst s0  }
0x18: {  	s0 =	sld [smem:$0x3F9D];
	_ =	swait.ge [sflag:s4], $0x0  }
0x19: {  	s7 =	sld [smem:$0x3F9E]  }
0x1a: {  	s8 =	sadd.s32 $0xFFFFE003, lr  }
0x1b: {  	s9 =	sadd.s32 $0xFFFFFEF7, lr;
	s5 =	simm.s32 $0xFFFFFFFF;
	p2 =	slt.u32 s8, $0xFFFFF086  }
0x1c: {  	p1 =	slt.u32 s9, $0xF7A;
	s5 =	simm.s32 @!p2 $0x0  }
0x1d: {  	s5 =	simm.s32 @p1 $0x1;
	p0 =	seq.s32 s7, s2  }
0x1e: {  	s7 =	smul.u32 @!p0 $0xF7A, s2;
	p2 =	seq.s32 @!p0 s5, $0x0  }
0x1f: {  	s9 =	smul.u32 $0xF7A, s1;
	s8 =	simm.s32 @!p0 $0x1BF5;
	p2 =	por !p2, p0  }
0x20: {  	[sflag:s8] =	ssyncset.s32 @!p0 $0xFFFFF086;
	s6 =	sadd.s32 @!p0 s3, s7;
	s7 =	simm.s32 @!p0 $0x108  }
0x21: {  	s3 =	sadd.s32 s3, s9;
	s6 =	sadd.s32 @!p0 $0x88, s6;
	s7 =	simm.s32 @p2 $0x1082  }
0x22: {  	[simem:s7], [sflag:s8] =	dma.local @!p0 [hbm:s6], $0xF7A  }
0x23: {  	s9 =	sor.u32 $0xD0000000, s2;
	s6 =	simm.s32 $0x108;
	_ =	swait.ge @!p0 [sflag:s8], $0x0  }
0x24: {  	s3 =	sadd.s32 $0x88, s3;
	s6 =	simm.s32 @!p1 $0x1082;
	[sflag:s4] =	ssyncset.s32 $0xFFFFF086  }
0x25: {  	[simem:s6], [sflag:s4] =	dma.local [hbm:s3], $0xF7A  }
0x26: {  	[smem:$0x3F9E] =	sst s1;
	(tag) =	ssettag s2;
	_ =	strace s9  }
0x27: {  	s1 =	sld [smem:$0x3FAE]  }
0x28: {  	s2 =	sld [smem:$0x3FAF]  }
0x29: {  	s4 =	sld [smem:$0x3FB1]  }
0x2a: {  	p0 =	seq.s32 s5, $0x0;
	s5 =	sld [smem:$0x3FB2]  }
0x2b: {  	s6 =	sld [smem:$0x3FB3]  }
0x2c: {  	s7 =	sld [smem:$0x3FB4]  }
0x2d: {  	s3 =	simm.s32 $0x108;
	s8 =	sld [smem:$0x3FB5]  }
0x2e: {  	s3 =	simm.s32 @!p0 $0x1082;
	s9 =	sld [smem:$0x3FB6]  }
0x2f: {  	lr =	sadd.s32 s0, s3;
	s0 =	sld [smem:$0x3FAD]  }
0x30: {  	s3 =	sld [smem:$0x3FB0]  }
0x31: {  	[smem:$0x3FB9] =	sst s10  }
0x32: {  	s10 =	sld [smem:$0x3FB7];
	_ =	sdelay $0x3  }
0x33: {  	p0 =	seq.s32 s10, $0x1;
	s10 =	sld [smem:$0x3FB9];
	_ =	sdelay $0x3  }
0x34: {  	[smem:$0x3FB9] =	sst s10  }
0x35: {  	s10 =	sld [smem:$0x3FB8];
	_ =	sdelay $0x3  }
0x36: {  	p1 =	seq.s32 s10, $0x1;
	s10 =	sld [smem:$0x3FB9];
	_ =	sdelay $0x3  }
0x37: {  	[smem:$0x3FB9] =	sst s10  }
0x38: {  	s10 =	sld [smem:$0x3FBA]  }
0x39: {  	_ = 	snop;
	(pc) =	sbr.ind lr, $3  }
0x3a: {  	_ = 	snop  }
0x3b: {  	_ = 	snop  }
0x3c: {  	p2 =	seq.s32 s10, $0x1;
	s10 =	sld [smem:$0x3FB9]  }
0x3d: {  	_ =	shalt  }
0x3e: {  	_ =	shalt  }
0x3f: {  	_ =	shalt  }
0x40: {  	_ =	shalt  }
0x41: {  	_ =	shalt  }
0x42: {  	_ =	shalt  }
0x43: {  	_ =	shalt  }
0x44: {  	_ =	shalt  }
0x45: {  	_ =	shalt  }
0x46: {  	_ =	shalt  }
0x47: {  	_ =	shalt  }
0x48: {  	_ =	shalt  }
0x49: {  	_ =	shalt  }
0x4a: {  	_ =	shalt  }
0x4b: {  	_ =	shalt  }
0x4c: {  	_ =	shalt  }
0x4d: {  	_ =	shalt  }
0x4e: {  	_ =	shalt  }
0x4f: {  	_ =	shalt  }
0x50: {  	_ =	shalt  }
0x51: {  	_ =	shalt  }
0x52: {  	_ =	shalt  }
0x53: {  	_ =	shalt  }
0x54: {  	_ =	shalt  }
0x55: {  	_ =	shalt  }
0x56: {  	_ =	shalt  }
0x57: {  	_ =	shalt  }
0x58: {  	_ =	shalt  }
0x59: {  	_ =	shalt  }
0x5a: {  	_ =	shalt  }
0x5b: {  	_ =	shalt  }
0x5c: {  	_ =	shalt  }
0x5d: {  	_ =	shalt  }
0x5e: {  	_ =	shalt  }
0x5f: {  	_ =	shalt  }
0x60: {  	_ =	shalt  }
0x61: {  	_ =	shalt  }
0x62: {  	_ =	shalt  }
0x63: {  	_ =	shalt  }
0x64: {  	_ =	shalt  }
0x65: {  	_ =	shalt  }
0x66: {  	_ =	shalt  }
0x67: {  	_ =	shalt  }
0x68: {  	_ =	shalt  }
0x69: {  	_ =	shalt  }
0x6a: {  	_ =	shalt  }
0x6b: {  	_ =	shalt  }
0x6c: {  	_ =	shalt  }
0x6d: {  	_ =	shalt  }
0x6e: {  	_ =	shalt  }
0x6f: {  	_ =	shalt  }
0x70: {  	_ =	shalt  }
0x71: {  	_ =	shalt  }
0x72: {  	_ =	shalt  }
0x73: {  	_ =	shalt  }
0x74: {  	_ =	shalt  }
0x75: {  	_ =	shalt  }
0x76: {  	_ =	shalt  }
0x77: {  	_ =	shalt  }
0x78: {  	_ =	shalt  }
0x79: {  	_ =	shalt  }
0x7a: {  	_ =	shalt  }
0x7b: {  	_ =	shalt  }
0x7c: {  	_ =	shalt  }
0x7d: {  	_ =	shalt  }
0x7e: {  	_ =	shalt  }
0x7f: {  	_ =	shalt  }
0x80: {  	_ =	shalt  }
0x81: {  	_ =	shalt  }
0x82: {  	_ =	shalt  }
0x83: {  	_ =	shalt  }
0x84: {  	_ =	shalt  }
0x85: {  	_ =	shalt  }
0x86: {  	_ =	shalt  }
0x87: {  	_ =	shalt  }
.Lfunc_end0:
.L_simem_size_0:
called_computation_lowered:
.L_overlay_start_0:
0x88: {  	s2 =	sld [smem:$0x3FD9]  }
0x89: {  	s3 =	sld [smem:$0x3FFE];
	_ =	sdelay $0x1  }
0x8a: {  	s1 =	srdreg.scid  }
0x8b: {  	s0 =	sand.u32 $0x1, s1  }
0x8c: {  	s18 =	sshll.u32 s0, $0xA;
	s2 =	sadd.s32 s3, s2  }
0x8d: {  	s2 =	sadd.s32 s2, s18  }
0x8e: {  	[smem:$0x3FC5] =	sst s2  }
0x8f: {  	_ = 	snop  }
0x90: {  	s2 =	sld [smem:$0x3FC9]  }
0x91: {  	s19 =	sld [smem:$0x3FC8]  }
0x92: {  	s4 =	sld [smem:$0x3FC7]  }
0x93: {  	s5 =	sld [smem:$0x3FD0];
	(tm) =	ssettm $0x1  }
0x94: {  	s6 =	sld [smem:$0x3FFB];
	_ =	sdelay $0x3  }
0x95: {  	_ =	strace s6  }
0x96: {  	s6 =	sld [smem:$0x3FFC];
	_ =	sdelay $0x3  }
0x97: {  	_ =	strace s6  }
0x98: {  	s6 =	sld [smem:$0x3FFD];
	_ =	sdelay $0x3  }
0x99: {  	_ =	strace s6  }
0x9a: {  	_ =	strace $0x8FFFFFFF  }
0x9b: {  	s20 =	sld [smem:$0x3FDB];
	_ =	sdelay $0x1  }
0x9c: {  	s7 =	simm.s32 $_scs_section_size  }
0x9d: {  	s8 =	simm.s32 $_size__tile_overlayer_lowered;
	s9 =	simm.s32 $_tile_overlayer_lowered  }
0x9e: {  	s23 =	simm.s32 $0x1BFF;
	s22 =	sshll.u32 s9, $0x1;
	s6 =	sadd.s32 s7, s20  }
0x9f: {  	s10 =	simm.s32 $0x0;
	s21 =	sshll.u32 s8, $0x1;
	s8 =	sadd.s32 s22, s6  }
0xa0: {  	[timem:s10], [sflag:s23] =	dma.local [hbm:s8], s21  }
0xa1: {  	_ =	swait.ge [sflag:s23], s21  }
0xa2: {  	s7 =	ssub.s32 $0x0, s21;
	[sflag:s23] =	ssyncset.done $0x0  }
0xa3: {  	[sflag:s23] =	ssyncadd.s32 s7;
	_ =	sdelay $0x1  }
0xa4: {  	s24 =	simm.s32 $0x1B8B  }
0xa5: {  	_ =	swait.ge [sflag:s24], $0x1  }
0xa6: {  	[sflag:s24] =	ssyncset.done $0x0  }
0xa7: {  	s25 =	simm.s32 $0x1B8E;
	[sflag:s24] =	ssyncadd.s32 $0xFFFFFFFF  }
0xa8: {  	s26 =	simm.s32 $execute0_lowered;
	[smem:$0x3FD2] =	sst s25  }
0xa9: {  	s7 =	sshll.u32 s26, $0x1;
	_ =	strace $0x80000046;
	[dreg:$0x1] =	wrdreg $0xFFFFFFFF  }
0xaa: {  	s28 =	simm.s32 $_size_execute0_lowered;
	s6 =	sadd.s32 s6, s7;
	[dreg:$0x0] =	wrdreg $0x0  }
0xab: {  	s7 =	sshll.u32 s28, $0x1;
	[dreg:$0x2] =	wrdreg s6  }
0xac: {  	[dreg:$0x3] =	wrdreg s7  }
0xad: {  	[dreg:$0x4] =	wrdreg $0xC0  }
0xae: {  	_ =	task [dreg:s10], $0x5FFFF  }
0xaf: {  	[dreg:$0x1] =	wrdreg $0xFFFFFFFF  }
0xb0: {  	[dreg:$0x0] =	wrdreg $0x60  }
0xb1: {  	[dreg:$0x2] =	wrdreg s2  }
0xb2: {  	[dreg:$0x3] =	wrdreg s19  }
0xb3: {  	[dreg:$0x4] =	wrdreg s4  }
0xb4: {  	[dreg:$0x5] =	wrdreg s5  }
0xb5: {  	[dreg:$0x6] =	wrdreg $0x9  }
0xb6: {  	_ =	task.clear_ibuf [dreg:s10], $0x7FFFF;
	_ =	strace $0x90000046  }
0xb7: {  	s29 =	simm.s32 $0x9;
	_ =	strace $0x80000048  }
0xb8: {  	_ =	swait.ge [sflag:s29], $0x1  }
0xb9: {  	[sflag:s29] =	ssyncadd.s32 $0xFFFFFFFF  }
0xba: {  	_ =	strace $0x90000048  }
0xbb: {  	_ =	sfence  }
0xbc: {  	s30 =	sld [smem:$0x0];
	_ =	sdelay $0x2  }
0xbd: {  	s31 =	sshll.u32 s1, $0xD;
	s1 =	sshrl.u32 s1, $0x2  }
0xbe: {  	s3 =	sand.u32 $0x4000, s31;
	s1 =	sadd.s32 s1, s30  }
0xbf: {  	s0 =	sor.u32 s3, s0;
	s1 =	sshll.u32 s1, $0x11  }
0xc0: {  	s0 =	sor.u32 s1, s0  }
0xc1: {  	s0 =	sadd.s32 $0x8F2B, s0  }
0xc2: {  	[sflag:s0] =	ssyncadd.remote.s32 $0x1  }
0xc3: {  	_ =	sfence.sel $0xFFFF  }
0xc4: {  	[dreg:$0x0] =	wrdreg $0xFFFFFFFF;
	(pc) =	sbr.abs _section_cstart, $3  }
0xc5: {  	[dreg:$0x1] =	wrdreg $0xFFFFFFFF  }
0xc6: {  	_ =	task.clear_ibuf [dreg:s10], $0x2FFFF;
	_ =	strace $0x9FFFFFFF  }
0xc7: {  	(tm) =	ssettm $0x7FFFFFFF  }
tec
execute0_lowered:
.L_overlay_start_1:
0x0: {  	(tag) =	ssettag $0x1  }
0x1: {  	s0 =	srdreg.scid;
	s1 =	rddreg [dreg:$0x0]  }
0x2: {  	s3 =	rddreg [dreg:$0x1];
	s8 =	stileid.u32  }
0x3: {  	s13 =	rddreg [dreg:$0x3];
	s6 =	simm.s32 $0x1;
	s31 =	simm.s32 $0x600  }
0x4: {  	s30 =	simm.s32 $0xE00;
	s2 =	sand.u32 $0x1, s0;
	s4 =	sand.u32 $0x1, s8  }
0x5: {  	v0 =	vlaneseq.u32;
	v34 =	vimm.f32 $0.0e+00;
	s0 =	sshll.u32 s2, $0x4;
	p1 =	seq.s32 s4, $0x1;
	s4 =	simm.s32 $0x0  }
0x6: {  	vm0 =	vmmov $0xffff;
	v2 =	vor.u32 $0x10, v0;
	v3 =	vor.u32 $0x20, v0;
	s2 =	ssub.s32 $0x2, s2;
	s5 =	sor.u32 s8, s0;
	[smem:$0x7FF] =	sst s4  }
0x7: {  	v4 =	vor.u32 $0x30, v0;
	v5 =	vor.u32 $0x40, v0;
	v6 =	vor.u32 $0x50, v0;
	s7 =	sshrl.u32 s2, $0x1;
	s8 =	sshll.u32 s8, $0xA;
	p0 =	seq.s32 s5, $0x0  }
0x8: {  	v7 =	vor.u32 $0x60, v0;
	v8 =	vor.u32 $0x70, v0;
	v9 =	vor.u32 $0x80, v0;
	s5 =	sshrl.u32 s5, $0x1;
	_ =	strace $0x80000047;
	p0 =	por !p0, !p1  }
0x9: {  	v10 =	vor.u32 $0x90, v0;
	v11 =	vor.u32 $0xA0, v0;
	v12 =	vor.u32 $0xB0, v0;
	s11 =	sand.u32 $0x400, s8;
	s2 =	ssub.s32 s2, s7;
	p0 =	por !p0, !p0  }
0xa: {  	v13 =	vor.u32 $0xC0, v0;
	v14 =	vor.u32 $0xD0, v0;
	v15 =	vor.u32 $0xE0, v0;
	s8 =	simm.s32 $0x6E00;
	s10 =	sshll.u32 s11, $0x8;
	s6 =	simm.s32 @!p0 $0x0  }
0xb: {  	v16 =	vor.u32 $0xF0, v0;
	v17 =	vor.u32 $0x100, v0;
	v18 =	vor.u32 $0x110, v0;
	s29 =	smax.u32 s2, $0x1;
	[dreg:$0x5] =	wrdreg s11;
	s6 =	ssub.s32 s5, s6  }
0xc: {  	v19 =	vor.u32 $0x120, v0;
	v20 =	vor.u32 $0x130, v0;
	v33 =	vmov s11;
	s11 =	simm.s32 $0x7E00;
	s5 =	sshll.u32 s6, $0x9;
	s9 =	sshll.u32 s6, $0x7  }
0xd: {  	v21 =	vor.u32 $0x140, v0;
	v22 =	vor.u32 $0x150, v0;
	v23 =	vor.u32 $0x160, v0;
	s6 =	sshll.u32 s6, $0x13;
	s14 =	sand.u32 $0xFFFFF000, s5;
	s9 =	sand.u32 $0x380, s9  }
0xe: {  	v24 =	vor.u32 $0x170, v0;
	v25 =	vor.u32 $0x180, v0;
	v26 =	vor.u32 $0x190, v0;
	[dreg:$0xb] =	wrdreg s29;
	s6 =	sor.u32 s10, s6;
	s15 =	sor.u32 s9, s14  }
0xf: {  	v27 =	vor.u32 $0x1A0, v0;
	v28 =	vor.u32 $0x1B0, v0;
	v29 =	vor.u32 $0x1C0, v0;
	s16 =	sor.u32 $0x8000, s6;
	s17 =	sshrl.u32 s6, $0x3;
	s19 =	sor.u32 $0x10000, s6  }
0x10: {  	v30 =	vor.u32 $0x1D0, v0;
	v31 =	vor.u32 $0x1E0, v0;
	v32 =	vor.u32 $0x1F0, v0;
	s20 =	sor.u32 $0x18000, s6;
	s21 =	sor.u32 $0x20000, s6;
	s25 =	sor.u32 $0x28000, s6  }
0x11: {  	v35 =	vand.u32 $0x7, v0;
	v36 =	vshrl.u32 v0, $0x3;
	v37 =	vor.u32 $0x8, v0;
	s26 =	sor.u32 $0x30000, s6;
	s6 =	sor.u32 $0x38000, s6;
	s9 =	simm.s32 $0x7600  }
0x12: {  	v36 =	vmul.u32 $0x8, v36;
	v1 =	vor.u32 s5, v0;
	v2 =	vor.u32 s5, v2;
	s7 =	sshrl.u32 s15, $0x3;
	s18 =	sshrl.u32 s16, $0x3;
	s22 =	sshrl.u32 s20, $0x3  }
0x13: {  	v3 =	vor.u32 s5, v3;
	v4 =	vor.u32 s5, v4;
	v5 =	vor.u32 s5, v5;
	s23 =	sshrl.u32 s21, $0x3;
	s28 =	sshrl.u32 s26, $0x3;
	s6 =	sshrl.u32 s6, $0x3  }
0x14: {  	v6 =	vor.u32 s5, v6;
	v7 =	vor.u32 s5, v7;
	v8 =	vor.u32 s5, v8;
	s20 =	simm.s32 $0x4600;
	s21 =	simm.s32 $0x4E00;
	s26 =	simm.s32 $0x6600  }
0x15: {  	v9 =	vor.u32 s5, v9;
	v10 =	vor.u32 s5, v10;
	v11 =	vor.u32 s5, v11;
	s3 =	sadd.s32 s3, s7;
	s10 =	sadd.s32 s13, s18;
	s12 =	sadd.s32 s13, s22  }
0x16: {  	v12 =	vor.u32 s5, v12;
	v13 =	vor.u32 s5, v13;
	v14 =	vor.u32 s5, v14;
	s24 =	sadd.s32 s13, s23;
	s16 =	sadd.s32 s13, s6;
	s22 =	simm.s32 $0x200  }
0x17: {  	v15 =	vor.u32 s5, v15;
	v16 =	vor.u32 s5, v16;
	v17 =	vor.u32 s5, v17;
	s23 =	simm.s32 $0x2;
	[dreg:$0x6] =	wrdreg s3;
	s3 =	sadd.s32 s13, s17  }
.Ltmp0:
0x18: {  	v18 =	vor.u32 s5, v18;
	v19 =	vor.u32 s5, v19;
	v20 =	vor.u32 s5, v20;
	[dreg:$0x7] =	wrdreg s3;
	s3 =	sshrl.u32 s19, $0x3;
	(pc) =	sbr.rel .LBB2_1-.Ltmp0, $4  }
0x19: {  	v21 =	vor.u32 s5, v21;
	v22 =	vor.u32 s5, v22;
	v23 =	vor.u32 s5, v23;
	s7 =	simm.s32 $0x5600;
	[dreg:$0x9] =	wrdreg s24;
	s3 =	sadd.s32 s13, s3  }
0x1a: {  	v24 =	vor.u32 s5, v24;
	v25 =	vor.u32 s5, v25;
	v26 =	vor.u32 s5, v26;
	s24 =	simm.s32 $0x8600;
	[dreg:$0x8] =	wrdreg s3;
	s3 =	sshrl.u32 s25, $0x3  }
0x1b: {  	v27 =	vor.u32 s5, v27;
	v28 =	vor.u32 s5, v28;
	v29 =	vor.u32 s5, v29;
	s19 =	simm.s32 $0x3;
	s14 =	sadd.s32 s13, s3;
	s3 =	sadd.s32 s13, s28  }
0x1c: {  	v30 =	vor.u32 s5, v30;
	v31 =	vor.u32 s5, v31;
	v32 =	vor.u32 s5, v32;
	s25 =	simm.s32 $0x5E00;
	s13 =	simm.s32 $0x0;
	[dreg:$0xa] =	wrdreg s3  }
.LBB2_68:
0x1d: {  	[tilespmem:s17+$0x8A50] =	vst v34  }
0x1e: {  	[tilespmem:s17+$0x8A60] =	vst v34  }
.LBB2_69:
0x1f: {  	[hbm4b:s16+s4] =	stream.linear.scatter [tilespmem:s24], [sflag:$0x3], $0x8000, $0x38;
	[tilespmem:$0x18680] =	vst v63  }
0x20: {  	_ =	swait.ge [sflag:s19], $0x8000  }
0x21: {  	[sflag:s19] =	ssyncset.done $0x0  }
0x22: {  	[sflag:s19] =	ssyncadd.s32 $0xFFFF8000  }
.LBB2_70:
0x23: {  	p0 =	sgt.s32 s15, $0x380  }
0x24: {  	s0 =	simm.s32 @!p0 $0x0;
	s2 =	simm.s32 @!p0 $0x10600  }
0x25: {  	[hbm4b:s16+s0] =	stream.linear.scatter @!p0 [tilespmem:s2], [sflag:$0x3], $0x8000, $0x38;
	[tilespmem:$0x18680] =	vst v63  }
0x26: {  	s0 =	simm.s32 @!p0 $0x3  }
0x27: {  	_ =	swait.ge @!p0 [sflag:s0], $0x8000  }
0x28: {  	s13 =	sadd.s32 $0x1, s13;
	s29 =	rddreg [dreg:$0xb]  }
0x29: {  	p1 =	sne.s32 s13, s29  }
.Ltmp1:
0x2a: {  	_ = 	snop;
	(pc) =	sbr.rel @!p1 .LBB2_71-.Ltmp1, $3  }
0x2b: {  	_ =	sdelay $0x1  }
0x2c: {  	[sflag:s0] =	ssyncset.done @!p0 $0x0  }
0x2d: {  	[sflag:s0] =	ssyncadd.s32 @!p0 $0xFFFF8000  }
.LBB2_1:
0x2e: {  	s0 =	rddreg [dreg:$0x2];
	s2 =	simm.s32 $0x18600  }
0x2f: {  	[tilespmem:s2], [sflag:$0x3] =	stream.linear.gather [hbm4b:s0+s4], $0x1, $0x38;
	[tilespmem:$0x18680] =	vst v63  }
0x30: {  	_ =	swait.ge [sflag:s19], $0x1  }
0x31: {  	s28 =	simm.s32 $0x80;
	[sflag:s19] =	ssyncset.done $0x0  }
0x32: {  	s3 =	simm.s32 $0x400;
	s18 =	rddreg [dreg:$0x6];
	[sflag:s19] =	ssyncadd.s32 $0xFFFFFFFF  }
0x33: {  	v38 =	vld [tilespmem:$0x18600];
	[tilespmem:s4], [sflag:$0x3] =	stream.strided.gather [hbm4b:s18+s28], $0x200, s3, s28, $0x38  }
0x34: {  	_ =	swait.ge [sflag:s19], $0x200  }
0x35: {  	[sflag:s19] =	ssyncset.done $0x0  }
0x36: {  	[sflag:s19] =	ssyncadd.s32 $0xFFFFFE00  }
0x37: {  	[tilespmem:$0x200] =	vst v1  }
0x38: {  	[tilespmem:$0x210] =	vst v2  }
0x39: {  	[tilespmem:$0x220] =	vst v3  }
0x3a: {  	[tilespmem:$0x230] =	vst v4  }
0x3b: {  	[tilespmem:$0x240] =	vst v5  }
0x3c: {  	[tilespmem:$0x250] =	vst v6  }
0x3d: {  	[tilespmem:$0x260] =	vst v7  }
0x3e: {  	[tilespmem:$0x270] =	vst v8  }
0x3f: {  	[tilespmem:$0x280] =	vst v9  }
0x40: {  	[tilespmem:$0x290] =	vst v10  }
0x41: {  	[tilespmem:$0x2A0] =	vst v11  }
0x42: {  	[tilespmem:$0x2B0] =	vst v12  }
0x43: {  	[tilespmem:$0x2C0] =	vst v13  }
0x44: {  	[tilespmem:$0x2D0] =	vst v14  }
0x45: {  	[tilespmem:$0x2E0] =	vst v15  }
0x46: {  	[tilespmem:$0x2F0] =	vst v16  }
0x47: {  	[tilespmem:$0x300] =	vst v17  }
0x48: {  	[tilespmem:$0x310] =	vst v18  }
0x49: {  	[tilespmem:$0x320] =	vst v19  }
0x4a: {  	[tilespmem:$0x330] =	vst v20  }
0x4b: {  	[tilespmem:$0x340] =	vst v21  }
0x4c: {  	[tilespmem:$0x350] =	vst v22  }
0x4d: {  	[tilespmem:$0x360] =	vst v23  }
0x4e: {  	[tilespmem:$0x370] =	vst v24  }
0x4f: {  	[tilespmem:$0x380] =	vst v25  }
0x50: {  	[tilespmem:$0x390] =	vst v26  }
0x51: {  	[tilespmem:$0x3A0] =	vst v27  }
0x52: {  	[tilespmem:$0x3B0] =	vst v28  }
0x53: {  	[tilespmem:$0x3C0] =	vst v29  }
0x54: {  	[tilespmem:$0x3D0] =	vst v30  }
0x55: {  	[tilespmem:$0x3E0] =	vst v31  }
0x56: {  	[tilespmem:$0x3F0] =	vst v32  }
0x57: {  	[tilespmem:$0x400] =	vst v1  }
0x58: {  	[tilespmem:$0x410] =	vst v2  }
0x59: {  	[tilespmem:$0x420] =	vst v3  }
0x5a: {  	[tilespmem:$0x430] =	vst v4  }
0x5b: {  	[tilespmem:$0x440] =	vst v5  }
0x5c: {  	[tilespmem:$0x450] =	vst v6  }
0x5d: {  	[tilespmem:$0x460] =	vst v7  }
0x5e: {  	[tilespmem:$0x470] =	vst v8  }
0x5f: {  	[tilespmem:$0x480] =	vst v9  }
0x60: {  	[tilespmem:$0x490] =	vst v10  }
0x61: {  	[tilespmem:$0x4A0] =	vst v11  }
0x62: {  	[tilespmem:$0x4B0] =	vst v12  }
0x63: {  	[tilespmem:$0x4C0] =	vst v13  }
0x64: {  	[tilespmem:$0x4D0] =	vst v14  }
0x65: {  	[tilespmem:$0x4E0] =	vst v15  }
0x66: {  	[tilespmem:$0x4F0] =	vst v16  }
0x67: {  	[tilespmem:$0x500] =	vst v17  }
0x68: {  	[tilespmem:$0x510] =	vst v18  }
0x69: {  	[tilespmem:$0x520] =	vst v19  }
0x6a: {  	[tilespmem:$0x530] =	vst v20  }
0x6b: {  	[tilespmem:$0x540] =	vst v21  }
0x6c: {  	[tilespmem:$0x550] =	vst v22  }
0x6d: {  	[tilespmem:$0x560] =	vst v23  }
0x6e: {  	[tilespmem:$0x570] =	vst v24  }
0x6f: {  	[tilespmem:$0x580] =	vst v25  }
0x70: {  	[tilespmem:$0x590] =	vst v26  }
0x71: {  	[tilespmem:$0x5A0] =	vst v27  }
0x72: {  	[tilespmem:$0x5B0] =	vst v28  }
0x73: {  	[tilespmem:$0x5C0] =	vst v29  }
0x74: {  	[tilespmem:$0x5D0] =	vst v30  }
0x75: {  	[tilespmem:$0x5E0] =	vst v31  }
0x76: {  	s29 =	simm.s32 $0x0;
	[tilespmem:$0x5F0] =	vst v32  }
0x77: {  	v41 =	vld [tilespmem:s29+$0x0];
	_ =	sdelay $0x4  }
0x78: {  	(xrf0) =	vadd.scan.msk.s32 $0xffff, v41;
	_ =	sdelay $0x4  }
0x79: {  	vm1 =	vgt.s32 v41, $0x7  }
0x7a: {  	vm4 =	vgt.s32 v41, $0x4;
	vm3 =	vgt.s32 v41, $0x5;
	vm2 =	vgt.s32 v41, $0x6;
	v39, _, _ =	vpop (xrf0)  }
0x7b: {  	s6 =	simm.s32 $0x40;
	s15 =	smov.u32 s5;
	vm6 =	vgt.s32 v41, $0x2;
	vm5 =	vgt.s32 v41, $0x3;
	v40 =	vadd.s32 s4, v39;
	v39 =	vmovc v1  }
.LBB2_2:
0x7c: {  	p0 =	sne.s32 s6, $0x7C0  }
0x7d: {  	v42 =	vsub.s32 v40, v41;
	vm7 =	vgt.s32 v41, $0x0;
	vm8 =	vgt.s32 v41, $0x1;
	s15 =	sadd.s32 $0x10, s15;
	s0 =	smov.u32 s6;
	s6 =	sadd.s32 $0x40, s6  }
0x7e: {  	v41 =	vsub.s32 v42, v33;
	v43 =	vadd.s32 $0x2, v42;
	v44 =	vadd.s32 $0x3, v42  }
0x7f: {  	v46 =	vadd.s32 $0x6, v42;
	v45 =	vsub.s32 v43, v33;
	v43 =	vand.u32 $0x3FF, v43  }
0x80: {  	s0 =	sshra.s32 s0, $0x2;
	v47 =	vadd.s32 $0x4, v42;
	vm9 =	vlt.u32 v41, $0x400;
	v41 =	vsub.s32 v44, v33  }
0x81: {  	v48 =	vadd.s32 $0x1, v42;
	vm7 =	vmand vm7, vm9;
	vm9 =	vlt.u32 v45, $0x400  }
0x82: {  	v45 =	vsub.s32 v48, v33;
	vm10 =	vlt.u32 v41, $0x400;
	v41 =	vsub.s32 v46, v33  }
0x83: {  	v49 =	vand.u32 $0x3FF, v42;
	vm11 =	vlt.u32 v45, $0x400;
	v45 =	vsub.s32 v47, v33  }
0x84: {  	vm12 =	vlt.u32 v41, $0x400;
	vm8 =	vmand vm8, vm11;
	vm11 =	vlt.u32 v45, $0x400  }
0x85: {  	v41 =	vand.u32 $0x3FF, v48;
	vm6 =	vmand vm6, vm9;
	v45 =	vadd.s32 $0x5, v42  }
0x86: {  	vm5 =	vmand vm5, vm10;
	v42 =	vadd.s32 $0x7, v42;
	v48 =	vsub.s32 v45, v33  }
0x87: {  	v44 =	vand.u32 $0x3FF, v44;
	vm4 =	vmand vm4, vm11;
	vm9 =	vlt.u32 v48, $0x400  }
0x88: {  	v47 =	vand.u32 $0x3FF, v47;
	v48 =	vsub.s32 v42, v33;
	vm3 =	vmand vm3, vm9  }
0x89: {  	vm2 =	vmand vm2, vm12;
	v45 =	vand.u32 $0x3FF, v45;
	[tilespmem:v49+s22+$0x0] =	vst.idx.msk vm7, v39;
	vm7 =	vlt.u32 v48, $0x400  }
0x8a: {  	[tilespmem:v41+s22+$0x0] =	vst.idx.msk vm8, v39;
	v41 =	vand.u32 $0x3FF, v46;
	vm1 =	vmand vm1, vm7;
	(v2sf) =	vpush v40, $0xF  }
0x8b: {  	v40 =	vand.u32 $0x3FF, v42;
	[tilespmem:v43+s22+$0x0] =	vst.idx.msk vm6, v39  }
0x8c: {  	[tilespmem:v44+s22+$0x0] =	vst.idx.msk vm5, v39  }
0x8d: {  	[tilespmem:v47+s22+$0x0] =	vst.idx.msk vm4, v39  }
0x8e: {  	[tilespmem:v45+s22+$0x0] =	vst.idx.msk vm3, v39  }
0x8f: {  	[tilespmem:v41+s22+$0x0] =	vst.idx.msk vm2, v39  }
0x90: {  	[tilespmem:v40+s22+$0x0] =	vst.idx.msk vm1, v39  }
0x91: {  	v41 =	vld [tilespmem:s0+$0x0];
	_ =	sdelay $0x4  }
0x92: {  	(xrf0) =	vadd.scan.msk.s32 $0xffff, v41;
	_ =	sdelay $0x2  }
.Ltmp2:
0x93: {  	s0 =	spop (v2sf);
	(pc) =	sbr.rel @p0 .LBB2_2-.Ltmp2, $4  }
0x94: {  	_ = 	snop  }
0x95: {  	v39 =	vor.u32 s15, v0;
	vm1 =	vgt.s32 v41, $0x7  }
0x96: {  	vm4 =	vgt.s32 v41, $0x4;
	vm3 =	vgt.s32 v41, $0x5;
	vm2 =	vgt.s32 v41, $0x6;
	v40, _, _ =	vpop (xrf0)  }
0x97: {  	vm6 =	vgt.s32 v41, $0x2;
	vm5 =	vgt.s32 v41, $0x3;
	v40 =	vadd.s32 s0, v40  }
0x98: {  	(v2sf) =	vpush v40, $0xF  }
0x99: {  	(v2sf) =	vpush v38, $0x0;
	_ =	sdelay $0x4  }
0x9a: {  	v53 =	vsub.s32 v40, v41;
	vm7 =	vgt.s32 v41, $0x0;
	vm8 =	vgt.s32 v41, $0x1  }
0x9b: {  	v40 =	vsub.s32 v53, v33;
	v54 =	vadd.s32 $0x2, v53;
	v42 =	vadd.s32 $0x3, v53  }
0x9c: {  	v44 =	vadd.s32 $0x6, v53;
	v45 =	vadd.s32 $0x4, v53;
	v46 =	vadd.s32 $0x1, v53  }
0x9d: {  	v47 =	vand.u32 $0x3FF, v53;
	v60 =	vadd.s32 $0x5, v53;
	v38 =	vadd.s32 $0x7, v53  }
0x9e: {  	v43 =	vsub.s32 v54, v33;
	v41 =	vand.u32 $0x3FF, v54;
	vm9 =	vlt.u32 v40, $0x400  }
0x9f: {  	v55 =	vsub.s32 v42, v33;
	v56 =	vsub.s32 v46, v33;
	v57 =	vsub.s32 v44, v33  }
0xa0: {  	v58 =	vsub.s32 v45, v33;
	vm7 =	vmand vm7, vm9;
	vm11 =	vlt.u32 v56, $0x400  }
0xa1: {  	v59 =	vand.u32 $0x3FF, v46;
	vm9 =	vlt.u32 v43, $0x400;
	vm8 =	vmand vm8, vm11  }
0xa2: {  	v61 =	vsub.s32 v60, v33;
	vm10 =	vlt.u32 v55, $0x400;
	vm6 =	vmand vm6, vm9  }
0xa3: {  	v42 =	vand.u32 $0x3FF, v42;
	vm11 =	vlt.u32 v58, $0x400;
	vm5 =	vmand vm5, vm10;
	s0 =	spop (v2sf)  }
0xa4: {  	v45 =	vand.u32 $0x3FF, v45;
	vm14 =	vlt.u32 v61, $0x400;
	vm4 =	vmand vm4, vm11;
	s2 =	spop (v2sf)  }
0xa5: {  	v62 =	vsub.s32 v38, v33;
	vm12 =	vlt.u32 v57, $0x400;
	vm3 =	vmand vm3, vm14;
	p0 =	slt.s32 s0, s2  }
0xa6: {  	s29 =	rddreg [dreg:$0x5];
	v43 =	vand.u32 $0x3FF, v60;
	vm15 =	vlt.u32 v62, $0x400;
	vm2 =	vmand vm2, vm12;
	[tilespmem:v47+s22+$0x0] =	vst.idx.msk vm7, v39;
	s2 =	smov.u32 @p0 s0  }
0xa7: {  	v63 =	vand.u32 $0x3FF, v44;
	vm1 =	vmand vm1, vm15;
	[tilespmem:v59+s22+$0x0] =	vst.idx.msk vm8, v39;
	s15 =	ssub.s32 s2, s29  }
0xa8: {  	v38 =	vand.u32 $0x3FF, v38;
	[tilespmem:v41+s22+$0x0] =	vst.idx.msk vm6, v39;
	p0 =	sgt.s32 s15, $0x3FF  }
.Ltmp3:
0xa9: {  	[tilespmem:v42+s22+$0x0] =	vst.idx.msk vm5, v39;
	(pc) =	sbr.rel @p0 .LBB2_7-.Ltmp3, $4  }
0xaa: {  	[tilespmem:v45+s22+$0x0] =	vst.idx.msk vm4, v39  }
0xab: {  	[tilespmem:v43+s22+$0x0] =	vst.idx.msk vm3, v39  }
0xac: {  	[tilespmem:v63+s22+$0x0] =	vst.idx.msk vm2, v39  }
0xad: {  	[tilespmem:v38+s22+$0x0] =	vst.idx.msk vm1, v39;
	s0 =	simm.s32 $0x0  }
0xae: {  	s2 =	sand.u32 $0x7800, s0;
	s6 =	sand.u32 $0x380, s0  }
0xaf: {  	s2 =	sor.u32 s6, s2  }
0xb0: {  	s6 =	sadd.s32 $0x10600, s2;
	[tilespmem:s2+$0x10600] =	vst v34  }
0xb1: {  	[tilespmem:s6+$0x10] =	vst v34  }
0xb2: {  	[tilespmem:s6+$0x20] =	vst v34  }
0xb3: {  	[tilespmem:s6+$0x30] =	vst v34  }
0xb4: {  	[tilespmem:s6+$0x40] =	vst v34  }
0xb5: {  	[tilespmem:s6+$0x50] =	vst v34  }
0xb6: {  	[tilespmem:s6+$0x60] =	vst v34  }
0xb7: {  	[tilespmem:s6+$0x70] =	vst v34  }
0xb8: {  	[tilespmem:s6+$0x400] =	vst v34  }
0xb9: {  	[tilespmem:s6+$0x410] =	vst v34  }
0xba: {  	[tilespmem:s6+$0x420] =	vst v34  }
0xbb: {  	[tilespmem:s6+$0x430] =	vst v34  }
0xbc: {  	[tilespmem:s6+$0x440] =	vst v34  }
0xbd: {  	s29 =	sadd.s32 $0x100, s0;
	s17 =	sadd.s32 $0x80, s0;
	[tilespmem:s6+$0x450] =	vst v34  }
0xbe: {  	s28 =	sand.u32 $0x380, s17;
	s0 =	sadd.s32 $0x100, s29;
	s2 =	sand.u32 $0x7800, s29;
	[tilespmem:s6+$0x460] =	vst v34  }
.LBB2_5:
0xbf: {  	p1 =	sne.s32 s0, $0x7F00;
	s2 =	sor.u32 s28, s2;
	[tilespmem:s6+$0x470] =	vst v34  }
0xc0: {  	s6 =	sadd.s32 $0x10600, s2;
	[tilespmem:s2+$0x10600] =	vst v34  }
0xc1: {  	[tilespmem:s6+$0x10] =	vst v34  }
0xc2: {  	[tilespmem:s6+$0x20] =	vst v34  }
0xc3: {  	[tilespmem:s6+$0x30] =	vst v34  }
0xc4: {  	[tilespmem:s6+$0x40] =	vst v34  }
0xc5: {  	[tilespmem:s6+$0x50] =	vst v34  }
0xc6: {  	[tilespmem:s6+$0x60] =	vst v34  }
0xc7: {  	[tilespmem:s6+$0x70] =	vst v34  }
0xc8: {  	[tilespmem:s6+$0x400] =	vst v34  }
0xc9: {  	[tilespmem:s6+$0x410] =	vst v34  }
.Ltmp4:
0xca: {  	[tilespmem:s6+$0x420] =	vst v34;
	(pc) =	sbr.rel @p1 .LBB2_5-.Ltmp4, $4  }
0xcb: {  	[tilespmem:s6+$0x430] =	vst v34  }
0xcc: {  	[tilespmem:s6+$0x440] =	vst v34  }
0xcd: {  	s17 =	sadd.s32 $0x80, s17;
	[tilespmem:s6+$0x450] =	vst v34  }
0xce: {  	s2 =	sand.u32 $0x7800, s0;
	s28 =	sand.u32 $0x380, s17;
	s0 =	sadd.s32 $0x100, s0;
	[tilespmem:s6+$0x460] =	vst v34  }
0xcf: {  	s0 =	sor.u32 s28, s2;
	[tilespmem:s6+$0x470] =	vst v34  }
0xd0: {  	s2 =	sadd.s32 $0x10600, s0;
	[tilespmem:s0+$0x10600] =	vst v34  }
0xd1: {  	[tilespmem:s2+$0x10] =	vst v34  }
0xd2: {  	[tilespmem:s2+$0x20] =	vst v34  }
0xd3: {  	[tilespmem:s2+$0x30] =	vst v34  }
0xd4: {  	[tilespmem:s2+$0x40] =	vst v34  }
0xd5: {  	[tilespmem:s2+$0x50] =	vst v34  }
0xd6: {  	[tilespmem:s2+$0x60] =	vst v34  }
0xd7: {  	[tilespmem:s2+$0x70] =	vst v34  }
0xd8: {  	[tilespmem:s2+$0x400] =	vst v34  }
0xd9: {  	[tilespmem:s2+$0x410] =	vst v34  }
0xda: {  	[tilespmem:s2+$0x420] =	vst v34  }
0xdb: {  	[tilespmem:s2+$0x430] =	vst v34  }
0xdc: {  	[tilespmem:s2+$0x440] =	vst v34  }
0xdd: {  	[tilespmem:s2+$0x450] =	vst v34  }
0xde: {  	[tilespmem:s2+$0x460] =	vst v34  }
0xdf: {  	[tilespmem:s2+$0x470] =	vst v34  }
.LBB2_7:
0xe0: {  	p2 =	slt.s32 s15, $0x1  }
.Ltmp5:
0xe1: {  	_ = 	snop;
	(pc) =	sbr.rel @p2 .LBB2_8-.Ltmp5, $3  }
0xe2: {  	_ =	sdelay $0x1  }
0xe3: {  	p1 =	sgt.s32 s15, $0x0;
	s17 =	smov.u32 s15  }
0xe4: {  	s17 =	simm.s32 @!p1 $0x0  }
0xe5: {  	v38 =	vld [tilespmem:$0x200];
	_ =	sdelay $0x4  }
0xe6: {  	v39 =	vshll.u32 v38, $0x1  }
0xe7: {  	v38 =	vand.u32 $0x7, v38;
	v39 =	vand.u32 $0xFFFFFFF0, v39  }
0xe8: {  	v38 =	vor.u32 v38, v39  }
0xe9: {  	v39 =	vperm.xlane v38, v35;
	_ =	sdelay $0x1  }
0xea: {  	v38 =	vperm.xlane v38, v37;
	v39 =	vadd.s32 v36, v39;
	_ =	sdelay $0x1  }
0xeb: {  	v38 =	vadd.s32 v36, v38;
	_ =	sdelay $0x2  }
0xec: {  	[tilespmem:s31], [sflag:$0x1] =	stream.indirect_vreg.gather [hbm4b:s1+s4], $0x80, v39, vm0, $0xb8;
	[tilespmem:$0x18680] =	vst v63  }
0xed: {  	_ = 	snop  }
0xee: {  	[tilespmem:s30], [sflag:$0x1] =	stream.indirect_vreg.gather [hbm4b:s1+s4], $0x80, v38, vm0, $0xb8;
	[tilespmem:$0x18680] =	vst v63  }
0xef: {  	v38 =	vld [tilespmem:$0x210];
	_ =	sdelay $0x4  }
0xf0: {  	v57 =	vshll.u32 v38, $0x1  }
0xf1: {  	v38 =	vand.u32 $0x7, v38;
	v39 =	vand.u32 $0xFFFFFFF0, v57  }
0xf2: {  	v38 =	vor.u32 v38, v39  }
0xf3: {  	v39 =	vperm.xlane v38, v35;
	_ =	sdelay $0x1  }
0xf4: {  	v38 =	vperm.xlane v38, v37;
	v39 =	vadd.s32 v36, v39;
	_ =	sdelay $0x1  }
0xf5: {  	v38 =	vadd.s32 v36, v38;
	_ =	sdelay $0x1  }
0xf6: {  	s0 =	simm.s32 $0x1600  }
0xf7: {  	[tilespmem:s0], [sflag:$0x1] =	stream.indirect_vreg.gather [hbm4b:s1+s4], $0x80, v39, vm0, $0xb8;
	[tilespmem:$0x18680] =	vst v63  }
0xf8: {  	s3 =	simm.s32 $0x1E00  }
0xf9: {  	[tilespmem:s3], [sflag:$0x1] =	stream.indirect_vreg.gather [hbm4b:s1+s4], $0x80, v38, vm0, $0xb8;
	[tilespmem:$0x18680] =	vst v63  }
0xfa: {  	v38 =	vld [tilespmem:$0x220];
	_ =	sdelay $0x4  }
0xfb: {  	v58 =	vshll.u32 v38, $0x1  }
0xfc: {  	v38 =	vand.u32 $0x7, v38;
	v39 =	vand.u32 $0xFFFFFFF0, v58  }
0xfd: {  	v38 =	vor.u32 v38, v39  }
0xfe: {  	v39 =	vperm.xlane v38, v35;
	_ =	sdelay $0x1  }
0xff: {  	v38 =	vperm.xlane v38, v37;
	v39 =	vadd.s32 v36, v39;
	_ =	sdelay $0x1  }
0x100: {  	v38 =	vadd.s32 v36, v38;
	_ =	sdelay $0x1  }
0x101: {  	s6 =	simm.s32 $0x2600  }
0x102: {  	[tilespmem:s6], [sflag:$0x1] =	stream.indirect_vreg.gather [hbm4b:s1+s4], $0x80, v39, vm0, $0xb8;
	[tilespmem:$0x18680] =	vst v63  }
0x103: {  	s18 =	simm.s32 $0x2E00  }
0x104: {  	[tilespmem:s18], [sflag:$0x1] =	stream.indirect_vreg.gather [hbm4b:s1+s4], $0x80, v38, vm0, $0xb8;
	[tilespmem:$0x18680] =	vst v63  }
0x105: {  	v38 =	vld [tilespmem:$0x230];
	_ =	sdelay $0x4  }
0x106: {  	v59 =	vshll.u32 v38, $0x1  }
0x107: {  	v38 =	vand.u32 $0x7, v38;
	v39 =	vand.u32 $0xFFFFFFF0, v59  }
0x108: {  	v38 =	vor.u32 v38, v39  }
0x109: {  	v39 =	vperm.xlane v38, v35;
	_ =	sdelay $0x1  }
0x10a: {  	v38 =	vperm.xlane v38, v37;
	v39 =	vadd.s32 v36, v39;
	_ =	sdelay $0x1  }
0x10b: {  	v38 =	vadd.s32 v36, v38;
	_ =	sdelay $0x1  }
0x10c: {  	s28 =	simm.s32 $0x3600  }
0x10d: {  	[tilespmem:s28], [sflag:$0x1] =	stream.indirect_vreg.gather [hbm4b:s1+s4], $0x80, v39, vm0, $0xb8;
	[tilespmem:$0x18680] =	vst v63  }
0x10e: {  	s29 =	simm.s32 $0x3E00  }
0x10f: {  	[tilespmem:s29], [sflag:$0x1] =	stream.indirect_vreg.gather [hbm4b:s1+s4], $0x80, v38, vm0, $0xb8;
	[tilespmem:$0x18680] =	vst v63  }
0x110: {  	v38 =	vld [tilespmem:$0x240];
	_ =	sdelay $0x4  }
0x111: {  	v60 =	vshll.u32 v38, $0x1  }
0x112: {  	v38 =	vand.u32 $0x7, v38;
	v39 =	vand.u32 $0xFFFFFFF0, v60  }
0x113: {  	v38 =	vor.u32 v38, v39  }
0x114: {  	v39 =	vperm.xlane v38, v35;
	_ =	sdelay $0x1  }
0x115: {  	v38 =	vperm.xlane v38, v37;
	v39 =	vadd.s32 v36, v39;
	_ =	sdelay $0x1  }
0x116: {  	v38 =	vadd.s32 v36, v38;
	_ =	sdelay $0x2  }
0x117: {  	[tilespmem:s20], [sflag:$0x1] =	stream.indirect_vreg.gather [hbm4b:s1+s4], $0x80, v39, vm0, $0xb8;
	[tilespmem:$0x18680] =	vst v63  }
0x118: {  	_ = 	snop  }
0x119: {  	[tilespmem:s21], [sflag:$0x1] =	stream.indirect_vreg.gather [hbm4b:s1+s4], $0x80, v38, vm0, $0xb8;
	[tilespmem:$0x18680] =	vst v63  }
0x11a: {  	v38 =	vld [tilespmem:$0x250];
	_ =	sdelay $0x4  }
0x11b: {  	v61 =	vshll.u32 v38, $0x1  }
0x11c: {  	v38 =	vand.u32 $0x7, v38;
	v39 =	vand.u32 $0xFFFFFFF0, v61  }
0x11d: {  	v38 =	vor.u32 v38, v39  }
0x11e: {  	v39 =	vperm.xlane v38, v35;
	_ =	sdelay $0x1  }
0x11f: {  	v38 =	vperm.xlane v38, v37;
	v39 =	vadd.s32 v36, v39;
	_ =	sdelay $0x1  }
0x120: {  	v38 =	vadd.s32 v36, v38;
	_ =	sdelay $0x2  }
0x121: {  	[tilespmem:s7], [sflag:$0x1] =	stream.indirect_vreg.gather [hbm4b:s1+s4], $0x80, v39, vm0, $0xb8;
	[tilespmem:$0x18680] =	vst v63  }
0x122: {  	_ = 	snop  }
0x123: {  	[tilespmem:s25], [sflag:$0x1] =	stream.indirect_vreg.gather [hbm4b:s1+s4], $0x80, v38, vm0, $0xb8;
	[tilespmem:$0x18680] =	vst v63  }
0x124: {  	v38 =	vld [tilespmem:$0x260];
	_ =	sdelay $0x4  }
0x125: {  	v62 =	vshll.u32 v38, $0x1  }
0x126: {  	v38 =	vand.u32 $0x7, v38;
	v39 =	vand.u32 $0xFFFFFFF0, v62  }
0x127: {  	v38 =	vor.u32 v38, v39  }
0x128: {  	v39 =	vperm.xlane v38, v35;
	_ =	sdelay $0x1  }
0x129: {  	v38 =	vperm.xlane v38, v37;
	v39 =	vadd.s32 v36, v39;
	_ =	sdelay $0x1  }
0x12a: {  	v38 =	vadd.s32 v36, v38;
	_ =	sdelay $0x2  }
0x12b: {  	[tilespmem:s26], [sflag:$0x1] =	stream.indirect_vreg.gather [hbm4b:s1+s4], $0x80, v39, vm0, $0xb8;
	[tilespmem:$0x18680] =	vst v63  }
0x12c: {  	_ = 	snop  }
0x12d: {  	[tilespmem:s8], [sflag:$0x1] =	stream.indirect_vreg.gather [hbm4b:s1+s4], $0x80, v38, vm0, $0xb8;
	[tilespmem:$0x18680] =	vst v63  }
0x12e: {  	v38 =	vld [tilespmem:$0x270];
	_ =	sdelay $0x4  }
0x12f: {  	v63 =	vshll.u32 v38, $0x1  }
0x130: {  	v38 =	vand.u32 $0x7, v38;
	v39 =	vand.u32 $0xFFFFFFF0, v63  }
0x131: {  	v38 =	vor.u32 v38, v39  }
0x132: {  	v39 =	vperm.xlane v38, v35;
	_ =	sdelay $0x1  }
0x133: {  	v38 =	vperm.xlane v38, v37;
	v39 =	vadd.s32 v36, v39;
	_ =	sdelay $0x1  }
0x134: {  	p1 =	slt.u32 s15, $0x81;
	v38 =	vadd.s32 v36, v38  }
.Ltmp6:
0x135: {  	_ = 	snop;
	(pc) =	sbr.rel @p1 .LBB2_11-.Ltmp6, $4  }
0x136: {  	_ = 	snop  }
0x137: {  	[tilespmem:s9], [sflag:$0x1] =	stream.indirect_vreg.gather [hbm4b:s1+s4], $0x80, v39, vm0, $0xb8;
	[tilespmem:$0x18680] =	vst v63  }
0x138: {  	_ = 	snop  }
0x139: {  	[tilespmem:s11], [sflag:$0x1] =	stream.indirect_vreg.gather [hbm4b:s1+s4], $0x80, v38, vm0, $0xb8;
	[tilespmem:$0x18680] =	vst v63  }
0x13a: {  	v38 =	vld [tilespmem:$0x280];
	_ =	sdelay $0x4  }
0x13b: {  	v39 =	vshll.u32 v38, $0x1  }
0x13c: {  	v38 =	vand.u32 $0x7, v38;
	v39 =	vand.u32 $0xFFFFFFF0, v39  }
0x13d: {  	v38 =	vor.u32 v38, v39  }
0x13e: {  	v39 =	vperm.xlane v38, v35;
	_ =	sdelay $0x1  }
0x13f: {  	v38 =	vperm.xlane v38, v37;
	v39 =	vadd.s32 v36, v39;
	_ =	sdelay $0x1  }
0x140: {  	v38 =	vadd.s32 v36, v38;
	_ =	sdelay $0x2  }
0x141: {  	[tilespmem:s24], [sflag:$0x2] =	stream.indirect_vreg.gather [hbm4b:s1+s4], $0x80, v39, vm0, $0xb8;
	[tilespmem:$0x18680] =	vst v63  }
0x142: {  	s0 =	simm.s32 $0x8E00  }
0x143: {  	[tilespmem:s0], [sflag:$0x2] =	stream.indirect_vreg.gather [hbm4b:s1+s4], $0x80, v38, vm0, $0xb8;
	[tilespmem:$0x18680] =	vst v63  }
0x144: {  	v38 =	vld [tilespmem:$0x290];
	_ =	sdelay $0x4  }
0x145: {  	v57 =	vshll.u32 v38, $0x1  }
0x146: {  	v38 =	vand.u32 $0x7, v38;
	v39 =	vand.u32 $0xFFFFFFF0, v57  }
0x147: {  	v38 =	vor.u32 v38, v39  }
0x148: {  	v39 =	vperm.xlane v38, v35;
	_ =	sdelay $0x1  }
0x149: {  	v38 =	vperm.xlane v38, v37;
	v39 =	vadd.s32 v36, v39;
	_ =	sdelay $0x1  }
0x14a: {  	v38 =	vadd.s32 v36, v38;
	_ =	sdelay $0x1  }
0x14b: {  	s28 =	simm.s32 $0x9600  }
0x14c: {  	[tilespmem:s28], [sflag:$0x2] =	stream.indirect_vreg.gather [hbm4b:s1+s4], $0x80, v39, vm0, $0xb8;
	[tilespmem:$0x18680] =	vst v63  }
0x14d: {  	s29 =	simm.s32 $0x9E00  }
0x14e: {  	[tilespmem:s29], [sflag:$0x2] =	stream.indirect_vreg.gather [hbm4b:s1+s4], $0x80, v38, vm0, $0xb8;
	[tilespmem:$0x18680] =	vst v63  }
0x14f: {  	v38 =	vld [tilespmem:$0x2A0];
	_ =	sdelay $0x4  }
0x150: {  	v58 =	vshll.u32 v38, $0x1  }
0x151: {  	v38 =	vand.u32 $0x7, v38;
	v39 =	vand.u32 $0xFFFFFFF0, v58  }
0x152: {  	v38 =	vor.u32 v38, v39  }
0x153: {  	v39 =	vperm.xlane v38, v35;
	_ =	sdelay $0x1  }
0x154: {  	v38 =	vperm.xlane v38, v37;
	v39 =	vadd.s32 v36, v39;
	_ =	sdelay $0x1  }
0x155: {  	v38 =	vadd.s32 v36, v38;
	_ =	sdelay $0x1  }
0x156: {  	s2 =	simm.s32 $0xA600  }
0x157: {  	[tilespmem:s2], [sflag:$0x2] =	stream.indirect_vreg.gather [hbm4b:s1+s4], $0x80, v39, vm0, $0xb8;
	[tilespmem:$0x18680] =	vst v63  }
0x158: {  	s3 =	simm.s32 $0xAE00  }
0x159: {  	[tilespmem:s3], [sflag:$0x2] =	stream.indirect_vreg.gather [hbm4b:s1+s4], $0x80, v38, vm0, $0xb8;
	[tilespmem:$0x18680] =	vst v63  }
0x15a: {  	v38 =	vld [tilespmem:$0x2B0];
	_ =	sdelay $0x4  }
0x15b: {  	v59 =	vshll.u32 v38, $0x1  }
0x15c: {  	v38 =	vand.u32 $0x7, v38;
	v39 =	vand.u32 $0xFFFFFFF0, v59  }
0x15d: {  	v38 =	vor.u32 v38, v39  }
0x15e: {  	v39 =	vperm.xlane v38, v35;
	_ =	sdelay $0x1  }
0x15f: {  	v38 =	vperm.xlane v38, v37;
	v39 =	vadd.s32 v36, v39;
	_ =	sdelay $0x1  }
0x160: {  	v38 =	vadd.s32 v36, v38;
	_ =	sdelay $0x1  }
0x161: {  	s6 =	simm.s32 $0xB600  }
0x162: {  	[tilespmem:s6], [sflag:$0x2] =	stream.indirect_vreg.gather [hbm4b:s1+s4], $0x80, v39, vm0, $0xb8;
	[tilespmem:$0x18680] =	vst v63  }
0x163: {  	s18 =	simm.s32 $0xBE00  }
0x164: {  	[tilespmem:s18], [sflag:$0x2] =	stream.indirect_vreg.gather [hbm4b:s1+s4], $0x80, v38, vm0, $0xb8;
	[tilespmem:$0x18680] =	vst v63  }
0x165: {  	v38 =	vld [tilespmem:$0x2C0];
	_ =	sdelay $0x4  }
0x166: {  	v60 =	vshll.u32 v38, $0x1  }
0x167: {  	v38 =	vand.u32 $0x7, v38;
	v39 =	vand.u32 $0xFFFFFFF0, v60  }
0x168: {  	v38 =	vor.u32 v38, v39  }
0x169: {  	v39 =	vperm.xlane v38, v35;
	_ =	sdelay $0x1  }
0x16a: {  	v38 =	vperm.xlane v38, v37;
	v39 =	vadd.s32 v36, v39;
	_ =	sdelay $0x1  }
0x16b: {  	v38 =	vadd.s32 v36, v38;
	_ =	sdelay $0x1  }
0x16c: {  	s28 =	simm.s32 $0xC600  }
0x16d: {  	[tilespmem:s28], [sflag:$0x2] =	stream.indirect_vreg.gather [hbm4b:s1+s4], $0x80, v39, vm0, $0xb8;
	[tilespmem:$0x18680] =	vst v63  }
0x16e: {  	s29 =	simm.s32 $0xCE00  }
0x16f: {  	[tilespmem:s29], [sflag:$0x2] =	stream.indirect_vreg.gather [hbm4b:s1+s4], $0x80, v38, vm0, $0xb8;
	[tilespmem:$0x18680] =	vst v63  }
0x170: {  	v38 =	vld [tilespmem:$0x2D0];
	_ =	sdelay $0x4  }
0x171: {  	v61 =	vshll.u32 v38, $0x1  }
0x172: {  	v38 =	vand.u32 $0x7, v38;
	v39 =	vand.u32 $0xFFFFFFF0, v61  }
0x173: {  	v38 =	vor.u32 v38, v39  }
0x174: {  	v39 =	vperm.xlane v38, v35;
	_ =	sdelay $0x1  }
0x175: {  	v38 =	vperm.xlane v38, v37;
	v39 =	vadd.s32 v36, v39;
	_ =	sdelay $0x1  }
0x176: {  	v38 =	vadd.s32 v36, v38;
	_ =	sdelay $0x1  }
0x177: {  	s2 =	simm.s32 $0xD600  }
0x178: {  	[tilespmem:s2], [sflag:$0x2] =	stream.indirect_vreg.gather [hbm4b:s1+s4], $0x80, v39, vm0, $0xb8;
	[tilespmem:$0x18680] =	vst v63  }
0x179: {  	s3 =	simm.s32 $0xDE00  }
0x17a: {  	[tilespmem:s3], [sflag:$0x2] =	stream.indirect_vreg.gather [hbm4b:s1+s4], $0x80, v38, vm0, $0xb8;
	[tilespmem:$0x18680] =	vst v63  }
0x17b: {  	v38 =	vld [tilespmem:$0x2E0];
	_ =	sdelay $0x4  }
0x17c: {  	v62 =	vshll.u32 v38, $0x1  }
0x17d: {  	v38 =	vand.u32 $0x7, v38;
	v39 =	vand.u32 $0xFFFFFFF0, v62  }
0x17e: {  	v38 =	vor.u32 v38, v39  }
0x17f: {  	v39 =	vperm.xlane v38, v35;
	_ =	sdelay $0x1  }
0x180: {  	v38 =	vperm.xlane v38, v37;
	v39 =	vadd.s32 v36, v39;
	_ =	sdelay $0x1  }
0x181: {  	v38 =	vadd.s32 v36, v38;
	_ =	sdelay $0x1  }
0x182: {  	s6 =	simm.s32 $0xE600  }
0x183: {  	[tilespmem:s6], [sflag:$0x2] =	stream.indirect_vreg.gather [hbm4b:s1+s4], $0x80, v39, vm0, $0xb8;
	[tilespmem:$0x18680] =	vst v63  }
0x184: {  	s18 =	simm.s32 $0xEE00  }
0x185: {  	[tilespmem:s18], [sflag:$0x2] =	stream.indirect_vreg.gather [hbm4b:s1+s4], $0x80, v38, vm0, $0xb8;
	[tilespmem:$0x18680] =	vst v63  }
0x186: {  	v38 =	vld [tilespmem:$0x2F0];
	_ =	sdelay $0x4  }
0x187: {  	v63 =	vshll.u32 v38, $0x1  }
0x188: {  	v38 =	vand.u32 $0x7, v38;
	v39 =	vand.u32 $0xFFFFFFF0, v63  }
0x189: {  	v38 =	vor.u32 v38, v39  }
0x18a: {  	v39 =	vperm.xlane v38, v35;
	_ =	sdelay $0x1  }
0x18b: {  	v38 =	vperm.xlane v38, v37;
	v39 =	vadd.s32 v36, v39;
	_ =	sdelay $0x1  }
0x18c: {  	v38 =	vadd.s32 v36, v38;
	_ =	sdelay $0x1  }
0x18d: {  	s28 =	simm.s32 $0xF600  }
0x18e: {  	[tilespmem:s28], [sflag:$0x2] =	stream.indirect_vreg.gather [hbm4b:s1+s4], $0x80, v39, vm0, $0xb8;
	[tilespmem:$0x18680] =	vst v63  }
0x18f: {  	s29 =	simm.s32 $0xFE00  }
0x190: {  	[tilespmem:s29], [sflag:$0x2] =	stream.indirect_vreg.gather [hbm4b:s1+s4], $0x80, v38, vm0, $0xb8;
	[tilespmem:$0x18680] =	vst v63  }
.LBB2_11:
0x191: {  	p1 =	sgt.u32 s15, $0x7F  }
.Ltmp7:
0x192: {  	_ = 	snop;
	(pc) =	sbr.rel @p1 .LBB2_19-.Ltmp7, $4  }
0x193: {  	s0 =	simm.s32 $0x1  }
0x194: {  	_ =	swait.ge [sflag:s0], $0x8000  }
0x195: {  	[sflag:s0] =	ssyncset.done $0x0  }
0x196: {  	p2 =	sgt.u32 s15, $0x80;
	s29 =	simm.s32 $0x600;
	[sflag:s0] =	ssyncadd.s32 $0xFFFF8000  }
0x197: {  	s0 =	smin.u32 s17, $0x80  }
0x198: {  	s6 =	sshll.u32 s0, $0x8  }
0x199: {  	p3 =	sne.s32 s6, $0x7F00  }
.Ltmp8:
0x19a: {  	_ = 	snop;
	(pc) =	sbr.rel @!p3 .LBB2_13-.Ltmp8, $3  }
0x19b: {  	_ =	sdelay $0x1  }
0x19c: {  	p1 =	por $0x0, $0x0;
	s0 =	sshll.u32 s0, $0x7  }
0x19d: {  	s2 =	sand.u32 $0x7800, s6;
	s30 =	sand.u32 $0x380, s0;
	s31 =	sadd.s32 $0x100, s6  }
0x19e: {  	s6 =	sor.u32 s30, s2  }
0x19f: {  	[tilespmem:s6+$0xA70] =	vst v34  }
0x1a0: {  	[tilespmem:s6+$0x600] =	vst v34  }
0x1a1: {  	[tilespmem:s6+$0x610] =	vst v34  }
0x1a2: {  	[tilespmem:s6+$0x620] =	vst v34  }
0x1a3: {  	[tilespmem:s6+$0x630] =	vst v34  }
0x1a4: {  	[tilespmem:s6+$0x640] =	vst v34  }
0x1a5: {  	[tilespmem:s6+$0x650] =	vst v34  }
0x1a6: {  	[tilespmem:s6+$0x660] =	vst v34  }
0x1a7: {  	[tilespmem:s6+$0x670] =	vst v34  }
0x1a8: {  	p3 =	sne.s32 s31, $0x7F00;
	[tilespmem:s6+$0xA00] =	vst v34  }
.Ltmp9:
0x1a9: {  	[tilespmem:s6+$0xA10] =	vst v34;
	(pc) =	sbr.rel @!p3 .LBB2_15-.Ltmp9, $4  }
0x1aa: {  	[tilespmem:s6+$0xA20] =	vst v34  }
0x1ab: {  	[tilespmem:s6+$0xA30] =	vst v34  }
0x1ac: {  	s28 =	sadd.s32 $0x80, s0;
	s2 =	sand.u32 $0x7800, s31;
	[tilespmem:s6+$0xA40] =	vst v34  }
0x1ad: {  	s0 =	sadd.s32 $0x100, s31;
	p1 =	por $0x1, $0x1;
	s30 =	sand.u32 $0x380, s28;
	[tilespmem:s6+$0xA50] =	vst v34  }
.LBB2_16:
0x1ae: {  	p3 =	sne.s32 s0, $0x7F00;
	[tilespmem:s6+$0xA60] =	vst v34;
	s6 =	sor.u32 s30, s2  }
0x1af: {  	[tilespmem:s6+$0xA70] =	vst v34  }
0x1b0: {  	[tilespmem:s6+$0x600] =	vst v34  }
0x1b1: {  	[tilespmem:s6+$0x610] =	vst v34  }
0x1b2: {  	[tilespmem:s6+$0x620] =	vst v34  }
0x1b3: {  	[tilespmem:s6+$0x630] =	vst v34  }
0x1b4: {  	[tilespmem:s6+$0x640] =	vst v34  }
0x1b5: {  	[tilespmem:s6+$0x650] =	vst v34  }
0x1b6: {  	[tilespmem:s6+$0x660] =	vst v34  }
0x1b7: {  	[tilespmem:s6+$0x670] =	vst v34  }
0x1b8: {  	[tilespmem:s6+$0xA00] =	vst v34  }
.Ltmp10:
0x1b9: {  	[tilespmem:s6+$0xA10] =	vst v34;
	(pc) =	sbr.rel @p3 .LBB2_16-.Ltmp10, $4  }
0x1ba: {  	[tilespmem:s6+$0xA20] =	vst v34  }
0x1bb: {  	[tilespmem:s6+$0xA30] =	vst v34  }
0x1bc: {  	s28 =	sadd.s32 $0x80, s28;
	[tilespmem:s6+$0xA40] =	vst v34  }
0x1bd: {  	s2 =	sand.u32 $0x7800, s0;
	s0 =	sadd.s32 $0x100, s0;
	s30 =	sand.u32 $0x380, s28;
	[tilespmem:s6+$0xA50] =	vst v34  }
0x1be: {  	s31 =	simm.s32 $0x600  }
.LBB2_18:
0x1bf: {  	s0 =	sor.u32 s30, s2;
	[tilespmem:s6+$0xA60] =	vst @p1 v34  }
0x1c0: {  	[tilespmem:s0+$0xA70] =	vst v34  }
0x1c1: {  	[tilespmem:s0+$0x600] =	vst v34  }
0x1c2: {  	[tilespmem:s0+$0x610] =	vst v34  }
0x1c3: {  	[tilespmem:s0+$0x620] =	vst v34  }
0x1c4: {  	[tilespmem:s0+$0x630] =	vst v34  }
0x1c5: {  	[tilespmem:s0+$0x640] =	vst v34  }
0x1c6: {  	[tilespmem:s0+$0x650] =	vst v34  }
0x1c7: {  	[tilespmem:s0+$0x660] =	vst v34  }
0x1c8: {  	[tilespmem:s0+$0x670] =	vst v34  }
0x1c9: {  	[tilespmem:s0+$0xA00] =	vst v34  }
0x1ca: {  	[tilespmem:s0+$0xA10] =	vst v34  }
.Ltmp11:
0x1cb: {  	[tilespmem:s0+$0xA20] =	vst v34;
	(pc) =	sbr.rel .LBB2_19-.Ltmp11, $4  }
0x1cc: {  	[tilespmem:s0+$0xA30] =	vst v34  }
0x1cd: {  	[tilespmem:s0+$0xA40] =	vst v34  }
0x1ce: {  	[tilespmem:s0+$0xA50] =	vst v34  }
0x1cf: {  	s30 =	simm.s32 $0xE00;
	[tilespmem:s0+$0xA60] =	vst v34  }
.LBB2_8:
0x1d0: {  	p2 =	por $0x0, $0x0;
	s29 =	simm.s32 $0x10600  }
.LBB2_19:
0x1d1: {  	s6 =	smin.u32 s17, $0x400  }
0x1d2: {  	s18 =	rddreg [dreg:$0x7];
	s0 =	smax.u32 s6, $0x100  }
0x1d3: {  	[hbm4b:s18+s4] =	stream.linear.scatter [tilespmem:s29], [sflag:$0x3], $0x8000, $0x38;
	[tilespmem:$0x18680] =	vst v63  }
0x1d4: {  	s28 =	smin.u32 s0, $0x180  }
0x1d5: {  	s29 =	sadd.s32 $0xFFFFFF00, s28  }
0x1d6: {  	p1 =	seq.s32 s29, $0x0  }
.Ltmp12:
0x1d7: {  	_ = 	snop;
	(pc) =	sbr.rel @p1 .LBB2_21-.Ltmp12, $4  }
0x1d8: {  	_ = 	snop  }
0x1d9: {  	_ =	swait.ge [sflag:s19], $0x8000  }
0x1da: {  	[sflag:s19] =	ssyncset.done $0x0  }
0x1db: {  	[sflag:s19] =	ssyncadd.s32 $0xFFFF8000  }
0x1dc: {  	v38 =	vld [tilespmem:$0x300];
	_ =	sdelay $0x4  }
0x1dd: {  	v39 =	vshll.u32 v38, $0x1  }
0x1de: {  	v38 =	vand.u32 $0x7, v38;
	v39 =	vand.u32 $0xFFFFFFF0, v39  }
0x1df: {  	v38 =	vor.u32 v38, v39  }
0x1e0: {  	v39 =	vperm.xlane v38, v35;
	_ =	sdelay $0x1  }
0x1e1: {  	v38 =	vperm.xlane v38, v37;
	v39 =	vadd.s32 v36, v39;
	_ =	sdelay $0x1  }
0x1e2: {  	v38 =	vadd.s32 v36, v38;
	_ =	sdelay $0x2  }
0x1e3: {  	[tilespmem:s31], [sflag:$0x1] =	stream.indirect_vreg.gather [hbm4b:s1+s4], $0x80, v39, vm0, $0xb8;
	[tilespmem:$0x18680] =	vst v63  }
0x1e4: {  	_ = 	snop  }
0x1e5: {  	[tilespmem:s30], [sflag:$0x1] =	stream.indirect_vreg.gather [hbm4b:s1+s4], $0x80, v38, vm0, $0xb8;
	[tilespmem:$0x18680] =	vst v63  }
0x1e6: {  	v38 =	vld [tilespmem:$0x310];
	_ =	sdelay $0x4  }
0x1e7: {  	v57 =	vshll.u32 v38, $0x1  }
0x1e8: {  	v38 =	vand.u32 $0x7, v38;
	v39 =	vand.u32 $0xFFFFFFF0, v57  }
0x1e9: {  	v38 =	vor.u32 v38, v39  }
0x1ea: {  	v39 =	vperm.xlane v38, v35;
	_ =	sdelay $0x1  }
0x1eb: {  	v38 =	vperm.xlane v38, v37;
	v39 =	vadd.s32 v36, v39;
	_ =	sdelay $0x1  }
0x1ec: {  	v38 =	vadd.s32 v36, v38;
	_ =	sdelay $0x1  }
0x1ed: {  	s0 =	simm.s32 $0x1600  }
0x1ee: {  	[tilespmem:s0], [sflag:$0x1] =	stream.indirect_vreg.gather [hbm4b:s1+s4], $0x80, v39, vm0, $0xb8;
	[tilespmem:$0x18680] =	vst v63  }
0x1ef: {  	s29 =	simm.s32 $0x1E00  }
0x1f0: {  	[tilespmem:s29], [sflag:$0x1] =	stream.indirect_vreg.gather [hbm4b:s1+s4], $0x80, v38, vm0, $0xb8;
	[tilespmem:$0x18680] =	vst v63  }
0x1f1: {  	v38 =	vld [tilespmem:$0x320];
	_ =	sdelay $0x4  }
0x1f2: {  	v58 =	vshll.u32 v38, $0x1  }
0x1f3: {  	v38 =	vand.u32 $0x7, v38;
	v39 =	vand.u32 $0xFFFFFFF0, v58  }
0x1f4: {  	v38 =	vor.u32 v38, v39  }
0x1f5: {  	v39 =	vperm.xlane v38, v35;
	_ =	sdelay $0x1  }
0x1f6: {  	v38 =	vperm.xlane v38, v37;
	v39 =	vadd.s32 v36, v39;
	_ =	sdelay $0x1  }
0x1f7: {  	v38 =	vadd.s32 v36, v38;
	_ =	sdelay $0x1  }
0x1f8: {  	s2 =	simm.s32 $0x2600  }
0x1f9: {  	[tilespmem:s2], [sflag:$0x1] =	stream.indirect_vreg.gather [hbm4b:s1+s4], $0x80, v39, vm0, $0xb8;
	[tilespmem:$0x18680] =	vst v63  }
0x1fa: {  	s3 =	simm.s32 $0x2E00  }
0x1fb: {  	[tilespmem:s3], [sflag:$0x1] =	stream.indirect_vreg.gather [hbm4b:s1+s4], $0x80, v38, vm0, $0xb8;
	[tilespmem:$0x18680] =	vst v63  }
0x1fc: {  	v38 =	vld [tilespmem:$0x330];
	_ =	sdelay $0x4  }
0x1fd: {  	v59 =	vshll.u32 v38, $0x1  }
0x1fe: {  	v38 =	vand.u32 $0x7, v38;
	v39 =	vand.u32 $0xFFFFFFF0, v59  }
0x1ff: {  	v38 =	vor.u32 v38, v39  }
0x200: {  	v39 =	vperm.xlane v38, v35;
	_ =	sdelay $0x1  }
0x201: {  	v38 =	vperm.xlane v38, v37;
	v39 =	vadd.s32 v36, v39;
	_ =	sdelay $0x1  }
0x202: {  	v38 =	vadd.s32 v36, v38;
	_ =	sdelay $0x1  }
0x203: {  	s18 =	simm.s32 $0x3600  }
0x204: {  	[tilespmem:s18], [sflag:$0x1] =	stream.indirect_vreg.gather [hbm4b:s1+s4], $0x80, v39, vm0, $0xb8;
	[tilespmem:$0x18680] =	vst v63  }
0x205: {  	s29 =	simm.s32 $0x3E00  }
0x206: {  	[tilespmem:s29], [sflag:$0x1] =	stream.indirect_vreg.gather [hbm4b:s1+s4], $0x80, v38, vm0, $0xb8;
	[tilespmem:$0x18680] =	vst v63  }
0x207: {  	v38 =	vld [tilespmem:$0x340];
	_ =	sdelay $0x4  }
0x208: {  	v60 =	vshll.u32 v38, $0x1  }
0x209: {  	v38 =	vand.u32 $0x7, v38;
	v39 =	vand.u32 $0xFFFFFFF0, v60  }
0x20a: {  	v38 =	vor.u32 v38, v39  }
0x20b: {  	v39 =	vperm.xlane v38, v35;
	_ =	sdelay $0x1  }
0x20c: {  	v38 =	vperm.xlane v38, v37;
	v39 =	vadd.s32 v36, v39;
	_ =	sdelay $0x1  }
0x20d: {  	v38 =	vadd.s32 v36, v38;
	_ =	sdelay $0x2  }
0x20e: {  	[tilespmem:s20], [sflag:$0x1] =	stream.indirect_vreg.gather [hbm4b:s1+s4], $0x80, v39, vm0, $0xb8;
	[tilespmem:$0x18680] =	vst v63  }
0x20f: {  	_ = 	snop  }
0x210: {  	[tilespmem:s21], [sflag:$0x1] =	stream.indirect_vreg.gather [hbm4b:s1+s4], $0x80, v38, vm0, $0xb8;
	[tilespmem:$0x18680] =	vst v63  }
0x211: {  	v38 =	vld [tilespmem:$0x350];
	_ =	sdelay $0x4  }
0x212: {  	v61 =	vshll.u32 v38, $0x1  }
0x213: {  	v38 =	vand.u32 $0x7, v38;
	v39 =	vand.u32 $0xFFFFFFF0, v61  }
0x214: {  	v38 =	vor.u32 v38, v39  }
0x215: {  	v39 =	vperm.xlane v38, v35;
	_ =	sdelay $0x1  }
0x216: {  	v38 =	vperm.xlane v38, v37;
	v39 =	vadd.s32 v36, v39;
	_ =	sdelay $0x1  }
0x217: {  	v38 =	vadd.s32 v36, v38;
	_ =	sdelay $0x2  }
0x218: {  	[tilespmem:s7], [sflag:$0x1] =	stream.indirect_vreg.gather [hbm4b:s1+s4], $0x80, v39, vm0, $0xb8;
	[tilespmem:$0x18680] =	vst v63  }
0x219: {  	_ = 	snop  }
0x21a: {  	[tilespmem:s25], [sflag:$0x1] =	stream.indirect_vreg.gather [hbm4b:s1+s4], $0x80, v38, vm0, $0xb8;
	[tilespmem:$0x18680] =	vst v63  }
0x21b: {  	v38 =	vld [tilespmem:$0x360];
	_ =	sdelay $0x4  }
0x21c: {  	v62 =	vshll.u32 v38, $0x1  }
0x21d: {  	v38 =	vand.u32 $0x7, v38;
	v39 =	vand.u32 $0xFFFFFFF0, v62  }
0x21e: {  	v38 =	vor.u32 v38, v39  }
0x21f: {  	v39 =	vperm.xlane v38, v35;
	_ =	sdelay $0x1  }
0x220: {  	v38 =	vperm.xlane v38, v37;
	v39 =	vadd.s32 v36, v39;
	_ =	sdelay $0x1  }
0x221: {  	v38 =	vadd.s32 v36, v38;
	_ =	sdelay $0x2  }
0x222: {  	[tilespmem:s26], [sflag:$0x1] =	stream.indirect_vreg.gather [hbm4b:s1+s4], $0x80, v39, vm0, $0xb8;
	[tilespmem:$0x18680] =	vst v63  }
0x223: {  	_ = 	snop  }
0x224: {  	[tilespmem:s8], [sflag:$0x1] =	stream.indirect_vreg.gather [hbm4b:s1+s4], $0x80, v38, vm0, $0xb8;
	[tilespmem:$0x18680] =	vst v63  }
0x225: {  	v38 =	vld [tilespmem:$0x370];
	_ =	sdelay $0x4  }
0x226: {  	v63 =	vshll.u32 v38, $0x1  }
0x227: {  	v38 =	vand.u32 $0x7, v38;
	v39 =	vand.u32 $0xFFFFFFF0, v63  }
0x228: {  	v38 =	vor.u32 v38, v39  }
0x229: {  	v39 =	vperm.xlane v38, v35;
	_ =	sdelay $0x1  }
0x22a: {  	v38 =	vperm.xlane v38, v37;
	v39 =	vadd.s32 v36, v39;
	_ =	sdelay $0x1  }
0x22b: {  	v38 =	vadd.s32 v36, v38;
	_ =	sdelay $0x2  }
0x22c: {  	[tilespmem:s9], [sflag:$0x1] =	stream.indirect_vreg.gather [hbm4b:s1+s4], $0x80, v39, vm0, $0xb8;
	[tilespmem:$0x18680] =	vst v63  }
0x22d: {  	_ = 	snop  }
0x22e: {  	[tilespmem:s11], [sflag:$0x1] =	stream.indirect_vreg.gather [hbm4b:s1+s4], $0x80, v38, vm0, $0xb8;
	[tilespmem:$0x18680] =	vst v63  }
.LBB2_21:
.Ltmp13:
0x22f: {  	(pc) =	sbr.rel @!p2 .LBB2_27-.Ltmp13, $3  }
0x230: {  	_ =	sdelay $0x1  }
0x231: {  	s0 =	smax.u32 s6, $0x80  }
0x232: {  	s29 =	smin.u32 s0, $0x100  }
0x233: {  	p2 =	sgt.s32 s15, $0xFF  }
.Ltmp14:
0x234: {  	_ = 	snop;
	(pc) =	sbr.rel @p2 .LBB2_26-.Ltmp14, $4  }
0x235: {  	_ = 	snop  }
0x236: {  	_ =	swait.ge [sflag:s23], $0x8000  }
0x237: {  	[sflag:s23] =	ssyncset.done $0x0  }
0x238: {  	[sflag:s23] =	ssyncadd.s32 $0xFFFF8000  }
0x239: {  	s0 =	sshll.u32 s29, $0x7;
	s2 =	sshll.u32 s29, $0x8  }
0x23a: {  	s0 =	sadd.s32 $0xFFFFC000, s0;
	s3 =	sadd.s32 $0xFFFF8000, s2  }
0x23b: {  	s2 =	sand.u32 $0x7FFFF800, s3;
	s30 =	sand.u32 $0x380, s0  }
0x23c: {  	s30 =	sor.u32 s30, s2  }
0x23d: {  	[tilespmem:s30+$0x8A70] =	vst v34  }
0x23e: {  	[tilespmem:s30+$0x8600] =	vst v34  }
0x23f: {  	[tilespmem:s30+$0x8610] =	vst v34  }
0x240: {  	[tilespmem:s30+$0x8620] =	vst v34  }
0x241: {  	[tilespmem:s30+$0x8630] =	vst v34  }
0x242: {  	[tilespmem:s30+$0x8640] =	vst v34  }
0x243: {  	s18 =	sadd.s32 $0xFFFFFF7F, s29;
	[tilespmem:s30+$0x8650] =	vst v34  }
0x244: {  	s31 =	sadd.s32 $0x1, s18;
	[tilespmem:s30+$0x8660] =	vst v34  }
0x245: {  	p2 =	slt.u32 s31, $0x7F;
	[tilespmem:s30+$0x8670] =	vst v34  }
.Ltmp15:
0x246: {  	[tilespmem:s30+$0x8A00] =	vst v34;
	(pc) =	sbr.rel @!p2 .LBB2_25-.Ltmp15, $4  }
0x247: {  	[tilespmem:s30+$0x8A10] =	vst v34  }
0x248: {  	[tilespmem:s30+$0x8A20] =	vst v34  }
0x249: {  	[tilespmem:s30+$0x8A30] =	vst v34  }
0x24a: {  	s2 =	sadd.s32 $0x80, s0;
	s0 =	sadd.s32 $0x100, s3;
	[tilespmem:s30+$0x8A40] =	vst v34  }
.LBB2_24:
0x24b: {  	s3 =	sand.u32 $0x7FFFF800, s0;
	s18 =	sand.u32 $0x380, s2;
	s31 =	sadd.s32 $0x1, s31;
	[tilespmem:s30+$0x8A50] =	vst v34  }
0x24c: {  	p2 =	slt.u32 s31, $0x7F;
	[tilespmem:s30+$0x8A60] =	vst v34;
	s30 =	sor.u32 s18, s3  }
0x24d: {  	[tilespmem:s30+$0x8A70] =	vst v34  }
0x24e: {  	[tilespmem:s30+$0x8600] =	vst v34  }
0x24f: {  	[tilespmem:s30+$0x8610] =	vst v34  }
0x250: {  	[tilespmem:s30+$0x8620] =	vst v34  }
0x251: {  	[tilespmem:s30+$0x8630] =	vst v34  }
0x252: {  	[tilespmem:s30+$0x8640] =	vst v34  }
0x253: {  	[tilespmem:s30+$0x8650] =	vst v34  }
0x254: {  	[tilespmem:s30+$0x8660] =	vst v34  }
0x255: {  	[tilespmem:s30+$0x8670] =	vst v34  }
.Ltmp16:
0x256: {  	[tilespmem:s30+$0x8A00] =	vst v34;
	(pc) =	sbr.rel @p2 .LBB2_24-.Ltmp16, $4  }
0x257: {  	[tilespmem:s30+$0x8A10] =	vst v34  }
0x258: {  	[tilespmem:s30+$0x8A20] =	vst v34  }
0x259: {  	[tilespmem:s30+$0x8A30] =	vst v34  }
0x25a: {  	s2 =	sadd.s32 $0x80, s2;
	s0 =	sadd.s32 $0x100, s0;
	[tilespmem:s30+$0x8A40] =	vst v34  }
.LBB2_25:
0x25b: {  	[tilespmem:s30+$0x8A50] =	vst v34  }
0x25c: {  	[tilespmem:s30+$0x8A60] =	vst v34;
	s31 =	simm.s32 $0x600;
	s30 =	simm.s32 $0xE00  }
.LBB2_26:
0x25d: {  	[hbm4b:s10+s4] =	stream.linear.scatter [tilespmem:s24], [sflag:$0x3], $0x8000, $0x38;
	[tilespmem:$0x18680] =	vst v63  }
0x25e: {  	_ =	swait.ge [sflag:s19], $0x8000  }
0x25f: {  	[sflag:s19] =	ssyncset.done $0x0  }
0x260: {  	[sflag:s19] =	ssyncadd.s32 $0xFFFF8000  }
.LBB2_27:
0x261: {  	s0 =	sadd.s32 $0xFFFFFF80, s29  }
0x262: {  	p3 =	sne.s32 s0, $0x0  }
0x263: {  	p2 =	slt.s32 s15, $0x181;
	s0 =	simm.s32 @!p3 $0x0;
	s2 =	simm.s32 @!p3 $0x10600  }
0x264: {  	[hbm4b:s10+s0] =	stream.linear.scatter @!p3 [tilespmem:s2], [sflag:$0x3], $0x8000, $0x38;
	[tilespmem:$0x18680] =	vst v63  }
.Ltmp17:
0x265: {  	_ = 	snop;
	(pc) =	sbr.rel @p2 .LBB2_29-.Ltmp17, $4  }
0x266: {  	s0 =	simm.s32 @!p3 $0x3  }
0x267: {  	_ =	swait.ge @!p3 [sflag:s0], $0x8000  }
0x268: {  	[sflag:s0] =	ssyncset.done @!p3 $0x0  }
0x269: {  	[sflag:s0] =	ssyncadd.s32 @!p3 $0xFFFF8000  }
0x26a: {  	v38 =	vld [tilespmem:$0x380];
	_ =	sdelay $0x4  }
0x26b: {  	v39 =	vshll.u32 v38, $0x1  }
0x26c: {  	v38 =	vand.u32 $0x7, v38;
	v39 =	vand.u32 $0xFFFFFFF0, v39  }
0x26d: {  	v38 =	vor.u32 v38, v39  }
0x26e: {  	v39 =	vperm.xlane v38, v35;
	_ =	sdelay $0x1  }
0x26f: {  	v38 =	vperm.xlane v38, v37;
	v39 =	vadd.s32 v36, v39;
	_ =	sdelay $0x1  }
0x270: {  	v38 =	vadd.s32 v36, v38;
	_ =	sdelay $0x2  }
0x271: {  	[tilespmem:s24], [sflag:$0x2] =	stream.indirect_vreg.gather [hbm4b:s1+s4], $0x80, v39, vm0, $0xb8;
	[tilespmem:$0x18680] =	vst v63  }
0x272: {  	s0 =	simm.s32 $0x8E00  }
0x273: {  	[tilespmem:s0], [sflag:$0x2] =	stream.indirect_vreg.gather [hbm4b:s1+s4], $0x80, v38, vm0, $0xb8;
	[tilespmem:$0x18680] =	vst v63  }
0x274: {  	v38 =	vld [tilespmem:$0x390];
	_ =	sdelay $0x4  }
0x275: {  	v57 =	vshll.u32 v38, $0x1  }
0x276: {  	v38 =	vand.u32 $0x7, v38;
	v39 =	vand.u32 $0xFFFFFFF0, v57  }
0x277: {  	v38 =	vor.u32 v38, v39  }
0x278: {  	v39 =	vperm.xlane v38, v35;
	_ =	sdelay $0x1  }
0x279: {  	v38 =	vperm.xlane v38, v37;
	v39 =	vadd.s32 v36, v39;
	_ =	sdelay $0x1  }
0x27a: {  	v38 =	vadd.s32 v36, v38;
	_ =	sdelay $0x1  }
0x27b: {  	s18 =	simm.s32 $0x9600  }
0x27c: {  	[tilespmem:s18], [sflag:$0x2] =	stream.indirect_vreg.gather [hbm4b:s1+s4], $0x80, v39, vm0, $0xb8;
	[tilespmem:$0x18680] =	vst v63  }
0x27d: {  	s29 =	simm.s32 $0x9E00  }
0x27e: {  	[tilespmem:s29], [sflag:$0x2] =	stream.indirect_vreg.gather [hbm4b:s1+s4], $0x80, v38, vm0, $0xb8;
	[tilespmem:$0x18680] =	vst v63  }
0x27f: {  	v38 =	vld [tilespmem:$0x3A0];
	_ =	sdelay $0x4  }
0x280: {  	v58 =	vshll.u32 v38, $0x1  }
0x281: {  	v38 =	vand.u32 $0x7, v38;
	v39 =	vand.u32 $0xFFFFFFF0, v58  }
0x282: {  	v38 =	vor.u32 v38, v39  }
0x283: {  	v39 =	vperm.xlane v38, v35;
	_ =	sdelay $0x1  }
0x284: {  	v38 =	vperm.xlane v38, v37;
	v39 =	vadd.s32 v36, v39;
	_ =	sdelay $0x1  }
0x285: {  	v38 =	vadd.s32 v36, v38;
	_ =	sdelay $0x1  }
0x286: {  	s2 =	simm.s32 $0xA600  }
0x287: {  	[tilespmem:s2], [sflag:$0x2] =	stream.indirect_vreg.gather [hbm4b:s1+s4], $0x80, v39, vm0, $0xb8;
	[tilespmem:$0x18680] =	vst v63  }
0x288: {  	s3 =	simm.s32 $0xAE00  }
0x289: {  	[tilespmem:s3], [sflag:$0x2] =	stream.indirect_vreg.gather [hbm4b:s1+s4], $0x80, v38, vm0, $0xb8;
	[tilespmem:$0x18680] =	vst v63  }
0x28a: {  	v38 =	vld [tilespmem:$0x3B0];
	_ =	sdelay $0x4  }
0x28b: {  	v59 =	vshll.u32 v38, $0x1  }
0x28c: {  	v38 =	vand.u32 $0x7, v38;
	v39 =	vand.u32 $0xFFFFFFF0, v59  }
0x28d: {  	v38 =	vor.u32 v38, v39  }
0x28e: {  	v39 =	vperm.xlane v38, v35;
	_ =	sdelay $0x1  }
0x28f: {  	v38 =	vperm.xlane v38, v37;
	v39 =	vadd.s32 v36, v39;
	_ =	sdelay $0x1  }
0x290: {  	v38 =	vadd.s32 v36, v38;
	_ =	sdelay $0x1  }
0x291: {  	s18 =	simm.s32 $0xB600  }
0x292: {  	[tilespmem:s18], [sflag:$0x2] =	stream.indirect_vreg.gather [hbm4b:s1+s4], $0x80, v39, vm0, $0xb8;
	[tilespmem:$0x18680] =	vst v63  }
0x293: {  	s29 =	simm.s32 $0xBE00  }
0x294: {  	[tilespmem:s29], [sflag:$0x2] =	stream.indirect_vreg.gather [hbm4b:s1+s4], $0x80, v38, vm0, $0xb8;
	[tilespmem:$0x18680] =	vst v63  }
0x295: {  	v38 =	vld [tilespmem:$0x3C0];
	_ =	sdelay $0x4  }
0x296: {  	v60 =	vshll.u32 v38, $0x1  }
0x297: {  	v38 =	vand.u32 $0x7, v38;
	v39 =	vand.u32 $0xFFFFFFF0, v60  }
0x298: {  	v38 =	vor.u32 v38, v39  }
0x299: {  	v39 =	vperm.xlane v38, v35;
	_ =	sdelay $0x1  }
0x29a: {  	v38 =	vperm.xlane v38, v37;
	v39 =	vadd.s32 v36, v39;
	_ =	sdelay $0x1  }
0x29b: {  	v38 =	vadd.s32 v36, v38;
	_ =	sdelay $0x1  }
0x29c: {  	s2 =	simm.s32 $0xC600  }
0x29d: {  	[tilespmem:s2], [sflag:$0x2] =	stream.indirect_vreg.gather [hbm4b:s1+s4], $0x80, v39, vm0, $0xb8;
	[tilespmem:$0x18680] =	vst v63  }
0x29e: {  	s3 =	simm.s32 $0xCE00  }
0x29f: {  	[tilespmem:s3], [sflag:$0x2] =	stream.indirect_vreg.gather [hbm4b:s1+s4], $0x80, v38, vm0, $0xb8;
	[tilespmem:$0x18680] =	vst v63  }
0x2a0: {  	v38 =	vld [tilespmem:$0x3D0];
	_ =	sdelay $0x4  }
0x2a1: {  	v61 =	vshll.u32 v38, $0x1  }
0x2a2: {  	v38 =	vand.u32 $0x7, v38;
	v39 =	vand.u32 $0xFFFFFFF0, v61  }
0x2a3: {  	v38 =	vor.u32 v38, v39  }
0x2a4: {  	v39 =	vperm.xlane v38, v35;
	_ =	sdelay $0x1  }
0x2a5: {  	v38 =	vperm.xlane v38, v37;
	v39 =	vadd.s32 v36, v39;
	_ =	sdelay $0x1  }
0x2a6: {  	v38 =	vadd.s32 v36, v38;
	_ =	sdelay $0x1  }
0x2a7: {  	s18 =	simm.s32 $0xD600  }
0x2a8: {  	[tilespmem:s18], [sflag:$0x2] =	stream.indirect_vreg.gather [hbm4b:s1+s4], $0x80, v39, vm0, $0xb8;
	[tilespmem:$0x18680] =	vst v63  }
0x2a9: {  	s29 =	simm.s32 $0xDE00  }
0x2aa: {  	[tilespmem:s29], [sflag:$0x2] =	stream.indirect_vreg.gather [hbm4b:s1+s4], $0x80, v38, vm0, $0xb8;
	[tilespmem:$0x18680] =	vst v63  }
0x2ab: {  	v38 =	vld [tilespmem:$0x3E0];
	_ =	sdelay $0x4  }
0x2ac: {  	v62 =	vshll.u32 v38, $0x1  }
0x2ad: {  	v38 =	vand.u32 $0x7, v38;
	v39 =	vand.u32 $0xFFFFFFF0, v62  }
0x2ae: {  	v38 =	vor.u32 v38, v39  }
0x2af: {  	v39 =	vperm.xlane v38, v35;
	_ =	sdelay $0x1  }
0x2b0: {  	v38 =	vperm.xlane v38, v37;
	v39 =	vadd.s32 v36, v39;
	_ =	sdelay $0x1  }
0x2b1: {  	v38 =	vadd.s32 v36, v38;
	_ =	sdelay $0x1  }
0x2b2: {  	s2 =	simm.s32 $0xE600  }
0x2b3: {  	[tilespmem:s2], [sflag:$0x2] =	stream.indirect_vreg.gather [hbm4b:s1+s4], $0x80, v39, vm0, $0xb8;
	[tilespmem:$0x18680] =	vst v63  }
0x2b4: {  	s3 =	simm.s32 $0xEE00  }
0x2b5: {  	[tilespmem:s3], [sflag:$0x2] =	stream.indirect_vreg.gather [hbm4b:s1+s4], $0x80, v38, vm0, $0xb8;
	[tilespmem:$0x18680] =	vst v63  }
0x2b6: {  	v38 =	vld [tilespmem:$0x3F0];
	_ =	sdelay $0x4  }
0x2b7: {  	v63 =	vshll.u32 v38, $0x1  }
0x2b8: {  	v38 =	vand.u32 $0x7, v38;
	v39 =	vand.u32 $0xFFFFFFF0, v63  }
0x2b9: {  	v38 =	vor.u32 v38, v39  }
0x2ba: {  	v39 =	vperm.xlane v38, v35;
	_ =	sdelay $0x1  }
0x2bb: {  	v38 =	vperm.xlane v38, v37;
	v39 =	vadd.s32 v36, v39;
	_ =	sdelay $0x1  }
0x2bc: {  	v38 =	vadd.s32 v36, v38;
	_ =	sdelay $0x1  }
0x2bd: {  	s18 =	simm.s32 $0xF600  }
0x2be: {  	[tilespmem:s18], [sflag:$0x2] =	stream.indirect_vreg.gather [hbm4b:s1+s4], $0x80, v39, vm0, $0xb8;
	[tilespmem:$0x18680] =	vst v63  }
0x2bf: {  	s29 =	simm.s32 $0xFE00  }
0x2c0: {  	[tilespmem:s29], [sflag:$0x2] =	stream.indirect_vreg.gather [hbm4b:s1+s4], $0x80, v38, vm0, $0xb8;
	[tilespmem:$0x18680] =	vst v63  }
.LBB2_29:
0x2c1: {  	p3 =	sgt.s32 @!p1 s15, $0x17F  }
0x2c2: {  	p3 =	por p1, p3  }
.Ltmp18:
0x2c3: {  	_ = 	snop;
	(pc) =	sbr.rel @p3 .LBB2_30-.Ltmp18, $4  }
0x2c4: {  	s0 =	simm.s32 @!p1 $0x1  }
0x2c5: {  	_ =	swait.ge @!p1 [sflag:s0], $0x8000  }
0x2c6: {  	[sflag:s0] =	ssyncset.done @!p1 $0x0  }
0x2c7: {  	[sflag:s0] =	ssyncadd.s32 @!p1 $0xFFFF8000  }
0x2c8: {  	s0 =	sshll.u32 s28, $0x7;
	s2 =	sshll.u32 s28, $0x8  }
0x2c9: {  	s0 =	sadd.s32 $0xFFFF8000, s0;
	s2 =	sadd.s32 $0xFFFF0000, s2  }
0x2ca: {  	s3 =	sand.u32 $0x7800, s2;
	s18 =	sand.u32 $0x380, s0  }
0x2cb: {  	s29 =	sor.u32 s18, s3  }
0x2cc: {  	[tilespmem:s29+$0xA70] =	vst v34  }
0x2cd: {  	[tilespmem:s29+$0x600] =	vst v34  }
0x2ce: {  	[tilespmem:s29+$0x610] =	vst v34  }
0x2cf: {  	[tilespmem:s29+$0x620] =	vst v34  }
0x2d0: {  	[tilespmem:s29+$0x630] =	vst v34  }
0x2d1: {  	[tilespmem:s29+$0x640] =	vst v34  }
0x2d2: {  	s18 =	sadd.s32 $0xFFFFFEFF, s28;
	[tilespmem:s29+$0x650] =	vst v34  }
0x2d3: {  	[tilespmem:s29+$0x660] =	vst v34;
	s28 =	sadd.s32 $0x1, s18  }
0x2d4: {  	[tilespmem:s29+$0x670] =	vst v34;
	p1 =	slt.u32 s28, $0x7F  }
.Ltmp19:
0x2d5: {  	[tilespmem:s29+$0xA00] =	vst v34;
	(pc) =	sbr.rel @!p1 .LBB2_33-.Ltmp19, $4  }
0x2d6: {  	[tilespmem:s29+$0xA10] =	vst v34  }
0x2d7: {  	[tilespmem:s29+$0xA20] =	vst v34  }
0x2d8: {  	[tilespmem:s29+$0xA30] =	vst v34  }
0x2d9: {  	s0 =	sadd.s32 $0x80, s0;
	s2 =	sadd.s32 $0x100, s2;
	[tilespmem:s29+$0xA40] =	vst v34  }
.LBB2_32:
0x2da: {  	s3 =	sand.u32 $0x7800, s2;
	s18 =	sand.u32 $0x380, s0;
	s28 =	sadd.s32 $0x1, s28;
	[tilespmem:s29+$0xA50] =	vst v34  }
0x2db: {  	p1 =	slt.u32 s28, $0x7F;
	[tilespmem:s29+$0xA60] =	vst v34;
	s29 =	sor.u32 s18, s3  }
0x2dc: {  	[tilespmem:s29+$0xA70] =	vst v34  }
0x2dd: {  	[tilespmem:s29+$0x600] =	vst v34  }
0x2de: {  	[tilespmem:s29+$0x610] =	vst v34  }
0x2df: {  	[tilespmem:s29+$0x620] =	vst v34  }
0x2e0: {  	[tilespmem:s29+$0x630] =	vst v34  }
0x2e1: {  	[tilespmem:s29+$0x640] =	vst v34  }
0x2e2: {  	[tilespmem:s29+$0x650] =	vst v34  }
0x2e3: {  	[tilespmem:s29+$0x660] =	vst v34  }
0x2e4: {  	[tilespmem:s29+$0x670] =	vst v34  }
.Ltmp20:
0x2e5: {  	[tilespmem:s29+$0xA00] =	vst v34;
	(pc) =	sbr.rel @p1 .LBB2_32-.Ltmp20, $4  }
0x2e6: {  	[tilespmem:s29+$0xA10] =	vst v34  }
0x2e7: {  	[tilespmem:s29+$0xA20] =	vst v34  }
0x2e8: {  	[tilespmem:s29+$0xA30] =	vst v34  }
0x2e9: {  	s0 =	sadd.s32 $0x80, s0;
	s2 =	sadd.s32 $0x100, s2;
	[tilespmem:s29+$0xA40] =	vst v34  }
.LBB2_33:
.Ltmp21:
0x2ea: {  	(pc) =	sbr.rel .LBB2_34-.Ltmp21, $3  }
0x2eb: {  	_ =	sdelay $0x1  }
0x2ec: {  	[tilespmem:s29+$0xA50] =	vst v34  }
0x2ed: {  	[tilespmem:s29+$0xA60] =	vst v34;
	s0 =	simm.s32 $0x600  }
.LBB2_30:
0x2ee: {  	s0 =	simm.s32 @!p1 $0x600  }
0x2ef: {  	s0 =	simm.s32 @p1 $0x10600  }
.LBB2_34:
0x2f0: {  	s2 =	smax.u32 s6, $0x200  }
0x2f1: {  	s28 =	smin.u32 s2, $0x280  }
0x2f2: {  	s29 =	sadd.s32 $0xFFFFFE00, s28  }
0x2f3: {  	p1 =	seq.s32 s29, $0x0  }
.Ltmp22:
0x2f4: {  	s18 =	rddreg [dreg:$0x8];
	(pc) =	sbr.rel @p1 .LBB2_36-.Ltmp22, $4  }
0x2f5: {  	[hbm4b:s18+s4] =	stream.linear.scatter [tilespmem:s0], [sflag:$0x3], $0x8000, $0x38;
	[tilespmem:$0x18680] =	vst v63  }
0x2f6: {  	_ =	swait.ge [sflag:s19], $0x8000  }
0x2f7: {  	[sflag:s19] =	ssyncset.done $0x0  }
0x2f8: {  	[sflag:s19] =	ssyncadd.s32 $0xFFFF8000  }
0x2f9: {  	v38 =	vld [tilespmem:$0x400];
	_ =	sdelay $0x4  }
0x2fa: {  	v39 =	vshll.u32 v38, $0x1  }
0x2fb: {  	v38 =	vand.u32 $0x7, v38;
	v39 =	vand.u32 $0xFFFFFFF0, v39  }
0x2fc: {  	v38 =	vor.u32 v38, v39  }
0x2fd: {  	v39 =	vperm.xlane v38, v35;
	_ =	sdelay $0x1  }
0x2fe: {  	v38 =	vperm.xlane v38, v37;
	v39 =	vadd.s32 v36, v39;
	_ =	sdelay $0x1  }
0x2ff: {  	v38 =	vadd.s32 v36, v38;
	_ =	sdelay $0x2  }
0x300: {  	[tilespmem:s31], [sflag:$0x1] =	stream.indirect_vreg.gather [hbm4b:s1+s4], $0x80, v39, vm0, $0xb8;
	[tilespmem:$0x18680] =	vst v63  }
0x301: {  	_ = 	snop  }
0x302: {  	[tilespmem:s30], [sflag:$0x1] =	stream.indirect_vreg.gather [hbm4b:s1+s4], $0x80, v38, vm0, $0xb8;
	[tilespmem:$0x18680] =	vst v63  }
0x303: {  	v38 =	vld [tilespmem:$0x410];
	_ =	sdelay $0x4  }
0x304: {  	v57 =	vshll.u32 v38, $0x1  }
0x305: {  	v38 =	vand.u32 $0x7, v38;
	v39 =	vand.u32 $0xFFFFFFF0, v57  }
0x306: {  	v38 =	vor.u32 v38, v39  }
0x307: {  	v39 =	vperm.xlane v38, v35;
	_ =	sdelay $0x1  }
0x308: {  	v38 =	vperm.xlane v38, v37;
	v39 =	vadd.s32 v36, v39;
	_ =	sdelay $0x1  }
0x309: {  	v38 =	vadd.s32 v36, v38;
	_ =	sdelay $0x1  }
0x30a: {  	s0 =	simm.s32 $0x1600  }
0x30b: {  	[tilespmem:s0], [sflag:$0x1] =	stream.indirect_vreg.gather [hbm4b:s1+s4], $0x80, v39, vm0, $0xb8;
	[tilespmem:$0x18680] =	vst v63  }
0x30c: {  	s29 =	simm.s32 $0x1E00  }
0x30d: {  	[tilespmem:s29], [sflag:$0x1] =	stream.indirect_vreg.gather [hbm4b:s1+s4], $0x80, v38, vm0, $0xb8;
	[tilespmem:$0x18680] =	vst v63  }
0x30e: {  	v38 =	vld [tilespmem:$0x420];
	_ =	sdelay $0x4  }
0x30f: {  	v58 =	vshll.u32 v38, $0x1  }
0x310: {  	v38 =	vand.u32 $0x7, v38;
	v39 =	vand.u32 $0xFFFFFFF0, v58  }
0x311: {  	v38 =	vor.u32 v38, v39  }
0x312: {  	v39 =	vperm.xlane v38, v35;
	_ =	sdelay $0x1  }
0x313: {  	v38 =	vperm.xlane v38, v37;
	v39 =	vadd.s32 v36, v39;
	_ =	sdelay $0x1  }
0x314: {  	v38 =	vadd.s32 v36, v38;
	_ =	sdelay $0x1  }
0x315: {  	s2 =	simm.s32 $0x2600  }
0x316: {  	[tilespmem:s2], [sflag:$0x1] =	stream.indirect_vreg.gather [hbm4b:s1+s4], $0x80, v39, vm0, $0xb8;
	[tilespmem:$0x18680] =	vst v63  }
0x317: {  	s3 =	simm.s32 $0x2E00  }
0x318: {  	[tilespmem:s3], [sflag:$0x1] =	stream.indirect_vreg.gather [hbm4b:s1+s4], $0x80, v38, vm0, $0xb8;
	[tilespmem:$0x18680] =	vst v63  }
0x319: {  	v38 =	vld [tilespmem:$0x430];
	_ =	sdelay $0x4  }
0x31a: {  	v59 =	vshll.u32 v38, $0x1  }
0x31b: {  	v38 =	vand.u32 $0x7, v38;
	v39 =	vand.u32 $0xFFFFFFF0, v59  }
0x31c: {  	v38 =	vor.u32 v38, v39  }
0x31d: {  	v39 =	vperm.xlane v38, v35;
	_ =	sdelay $0x1  }
0x31e: {  	v38 =	vperm.xlane v38, v37;
	v39 =	vadd.s32 v36, v39;
	_ =	sdelay $0x1  }
0x31f: {  	v38 =	vadd.s32 v36, v38;
	_ =	sdelay $0x1  }
0x320: {  	s18 =	simm.s32 $0x3600  }
0x321: {  	[tilespmem:s18], [sflag:$0x1] =	stream.indirect_vreg.gather [hbm4b:s1+s4], $0x80, v39, vm0, $0xb8;
	[tilespmem:$0x18680] =	vst v63  }
0x322: {  	s29 =	simm.s32 $0x3E00  }
0x323: {  	[tilespmem:s29], [sflag:$0x1] =	stream.indirect_vreg.gather [hbm4b:s1+s4], $0x80, v38, vm0, $0xb8;
	[tilespmem:$0x18680] =	vst v63  }
0x324: {  	v38 =	vld [tilespmem:$0x440];
	_ =	sdelay $0x4  }
0x325: {  	v60 =	vshll.u32 v38, $0x1  }
0x326: {  	v38 =	vand.u32 $0x7, v38;
	v39 =	vand.u32 $0xFFFFFFF0, v60  }
0x327: {  	v38 =	vor.u32 v38, v39  }
0x328: {  	v39 =	vperm.xlane v38, v35;
	_ =	sdelay $0x1  }
0x329: {  	v38 =	vperm.xlane v38, v37;
	v39 =	vadd.s32 v36, v39;
	_ =	sdelay $0x1  }
0x32a: {  	v38 =	vadd.s32 v36, v38;
	_ =	sdelay $0x2  }
0x32b: {  	[tilespmem:s20], [sflag:$0x1] =	stream.indirect_vreg.gather [hbm4b:s1+s4], $0x80, v39, vm0, $0xb8;
	[tilespmem:$0x18680] =	vst v63  }
0x32c: {  	_ = 	snop  }
0x32d: {  	[tilespmem:s21], [sflag:$0x1] =	stream.indirect_vreg.gather [hbm4b:s1+s4], $0x80, v38, vm0, $0xb8;
	[tilespmem:$0x18680] =	vst v63  }
0x32e: {  	v38 =	vld [tilespmem:$0x450];
	_ =	sdelay $0x4  }
0x32f: {  	v61 =	vshll.u32 v38, $0x1  }
0x330: {  	v38 =	vand.u32 $0x7, v38;
	v39 =	vand.u32 $0xFFFFFFF0, v61  }
0x331: {  	v38 =	vor.u32 v38, v39  }
0x332: {  	v39 =	vperm.xlane v38, v35;
	_ =	sdelay $0x1  }
0x333: {  	v38 =	vperm.xlane v38, v37;
	v39 =	vadd.s32 v36, v39;
	_ =	sdelay $0x1  }
0x334: {  	v38 =	vadd.s32 v36, v38;
	_ =	sdelay $0x2  }
0x335: {  	[tilespmem:s7], [sflag:$0x1] =	stream.indirect_vreg.gather [hbm4b:s1+s4], $0x80, v39, vm0, $0xb8;
	[tilespmem:$0x18680] =	vst v63  }
0x336: {  	_ = 	snop  }
0x337: {  	[tilespmem:s25], [sflag:$0x1] =	stream.indirect_vreg.gather [hbm4b:s1+s4], $0x80, v38, vm0, $0xb8;
	[tilespmem:$0x18680] =	vst v63  }
0x338: {  	v38 =	vld [tilespmem:$0x460];
	_ =	sdelay $0x4  }
0x339: {  	v62 =	vshll.u32 v38, $0x1  }
0x33a: {  	v38 =	vand.u32 $0x7, v38;
	v39 =	vand.u32 $0xFFFFFFF0, v62  }
0x33b: {  	v38 =	vor.u32 v38, v39  }
0x33c: {  	v39 =	vperm.xlane v38, v35;
	_ =	sdelay $0x1  }
0x33d: {  	v38 =	vperm.xlane v38, v37;
	v39 =	vadd.s32 v36, v39;
	_ =	sdelay $0x1  }
0x33e: {  	v38 =	vadd.s32 v36, v38;
	_ =	sdelay $0x2  }
0x33f: {  	[tilespmem:s26], [sflag:$0x1] =	stream.indirect_vreg.gather [hbm4b:s1+s4], $0x80, v39, vm0, $0xb8;
	[tilespmem:$0x18680] =	vst v63  }
0x340: {  	_ = 	snop  }
0x341: {  	[tilespmem:s8], [sflag:$0x1] =	stream.indirect_vreg.gather [hbm4b:s1+s4], $0x80, v38, vm0, $0xb8;
	[tilespmem:$0x18680] =	vst v63  }
0x342: {  	v38 =	vld [tilespmem:$0x470];
	_ =	sdelay $0x4  }
0x343: {  	v63 =	vshll.u32 v38, $0x1  }
0x344: {  	v38 =	vand.u32 $0x7, v38;
	v39 =	vand.u32 $0xFFFFFFF0, v63  }
0x345: {  	v38 =	vor.u32 v38, v39  }
0x346: {  	v39 =	vperm.xlane v38, v35;
	_ =	sdelay $0x1  }
0x347: {  	v38 =	vperm.xlane v38, v37;
	v39 =	vadd.s32 v36, v39;
	_ =	sdelay $0x1  }
0x348: {  	v38 =	vadd.s32 v36, v38;
	_ =	sdelay $0x2  }
0x349: {  	[tilespmem:s9], [sflag:$0x1] =	stream.indirect_vreg.gather [hbm4b:s1+s4], $0x80, v39, vm0, $0xb8;
	[tilespmem:$0x18680] =	vst v63  }
0x34a: {  	_ = 	snop  }
0x34b: {  	[tilespmem:s11], [sflag:$0x1] =	stream.indirect_vreg.gather [hbm4b:s1+s4], $0x80, v38, vm0, $0xb8;
	[tilespmem:$0x18680] =	vst v63  }
.LBB2_36:
.Ltmp23:
0x34c: {  	(pc) =	sbr.rel @p2 .LBB2_42-.Ltmp23, $3  }
0x34d: {  	_ =	sdelay $0x1  }
0x34e: {  	s0 =	smax.u32 s6, $0x180  }
0x34f: {  	s29 =	smin.u32 s0, $0x200  }
0x350: {  	p2 =	sgt.u32 s15, $0x1FF  }
.Ltmp24:
0x351: {  	_ = 	snop;
	(pc) =	sbr.rel @p2 .LBB2_41-.Ltmp24, $4  }
0x352: {  	_ = 	snop  }
0x353: {  	_ =	swait.ge [sflag:s23], $0x8000  }
0x354: {  	[sflag:s23] =	ssyncset.done $0x0  }
0x355: {  	[sflag:s23] =	ssyncadd.s32 $0xFFFF8000  }
0x356: {  	s0 =	sshll.u32 s29, $0x7;
	s2 =	sshll.u32 s29, $0x8  }
0x357: {  	s0 =	sadd.s32 $0xFFFF4000, s0;
	s3 =	sadd.s32 $0xFFFE8000, s2  }
0x358: {  	s2 =	sand.u32 $0x7FFFF800, s3;
	s18 =	sand.u32 $0x380, s0  }
0x359: {  	s30 =	sor.u32 s18, s2  }
0x35a: {  	[tilespmem:s30+$0x8A70] =	vst v34  }
0x35b: {  	[tilespmem:s30+$0x8600] =	vst v34  }
0x35c: {  	[tilespmem:s30+$0x8610] =	vst v34  }
0x35d: {  	[tilespmem:s30+$0x8620] =	vst v34  }
0x35e: {  	[tilespmem:s30+$0x8630] =	vst v34  }
0x35f: {  	[tilespmem:s30+$0x8640] =	vst v34  }
0x360: {  	s18 =	sadd.s32 $0xFFFFFE7F, s29;
	[tilespmem:s30+$0x8650] =	vst v34  }
0x361: {  	[tilespmem:s30+$0x8660] =	vst v34;
	s31 =	sadd.s32 $0x1, s18  }
0x362: {  	[tilespmem:s30+$0x8670] =	vst v34;
	p2 =	slt.u32 s31, $0x7F  }
.Ltmp25:
0x363: {  	[tilespmem:s30+$0x8A00] =	vst v34;
	(pc) =	sbr.rel @!p2 .LBB2_40-.Ltmp25, $4  }
0x364: {  	[tilespmem:s30+$0x8A10] =	vst v34  }
0x365: {  	[tilespmem:s30+$0x8A20] =	vst v34  }
0x366: {  	[tilespmem:s30+$0x8A30] =	vst v34  }
0x367: {  	s2 =	sadd.s32 $0x80, s0;
	s0 =	sadd.s32 $0x100, s3;
	[tilespmem:s30+$0x8A40] =	vst v34  }
.LBB2_39:
0x368: {  	s3 =	sand.u32 $0x7FFFF800, s0;
	s18 =	sand.u32 $0x380, s2;
	s31 =	sadd.s32 $0x1, s31;
	[tilespmem:s30+$0x8A50] =	vst v34  }
0x369: {  	p2 =	slt.u32 s31, $0x7F;
	[tilespmem:s30+$0x8A60] =	vst v34;
	s30 =	sor.u32 s18, s3  }
0x36a: {  	[tilespmem:s30+$0x8A70] =	vst v34  }
0x36b: {  	[tilespmem:s30+$0x8600] =	vst v34  }
0x36c: {  	[tilespmem:s30+$0x8610] =	vst v34  }
0x36d: {  	[tilespmem:s30+$0x8620] =	vst v34  }
0x36e: {  	[tilespmem:s30+$0x8630] =	vst v34  }
0x36f: {  	[tilespmem:s30+$0x8640] =	vst v34  }
0x370: {  	[tilespmem:s30+$0x8650] =	vst v34  }
0x371: {  	[tilespmem:s30+$0x8660] =	vst v34  }
0x372: {  	[tilespmem:s30+$0x8670] =	vst v34  }
.Ltmp26:
0x373: {  	[tilespmem:s30+$0x8A00] =	vst v34;
	(pc) =	sbr.rel @p2 .LBB2_39-.Ltmp26, $4  }
0x374: {  	[tilespmem:s30+$0x8A10] =	vst v34  }
0x375: {  	[tilespmem:s30+$0x8A20] =	vst v34  }
0x376: {  	[tilespmem:s30+$0x8A30] =	vst v34  }
0x377: {  	s2 =	sadd.s32 $0x80, s2;
	s0 =	sadd.s32 $0x100, s0;
	[tilespmem:s30+$0x8A40] =	vst v34  }
.LBB2_40:
0x378: {  	[tilespmem:s30+$0x8A50] =	vst v34  }
0x379: {  	[tilespmem:s30+$0x8A60] =	vst v34;
	s31 =	simm.s32 $0x600;
	s30 =	simm.s32 $0xE00  }
.LBB2_41:
0x37a: {  	[hbm4b:s12+s4] =	stream.linear.scatter [tilespmem:s24], [sflag:$0x3], $0x8000, $0x38;
	[tilespmem:$0x18680] =	vst v63  }
0x37b: {  	_ =	swait.ge [sflag:s19], $0x8000  }
0x37c: {  	[sflag:s19] =	ssyncset.done $0x0  }
0x37d: {  	[sflag:s19] =	ssyncadd.s32 $0xFFFF8000  }
.LBB2_42:
0x37e: {  	s0 =	sadd.s32 $0xFFFFFE80, s29  }
0x37f: {  	p3 =	sne.s32 s0, $0x0  }
0x380: {  	p2 =	slt.s32 s15, $0x281;
	s0 =	simm.s32 @!p3 $0x0;
	s2 =	simm.s32 @!p3 $0x10600  }
0x381: {  	[hbm4b:s12+s0] =	stream.linear.scatter @!p3 [tilespmem:s2], [sflag:$0x3], $0x8000, $0x38;
	[tilespmem:$0x18680] =	vst v63  }
.Ltmp27:
0x382: {  	_ = 	snop;
	(pc) =	sbr.rel @p2 .LBB2_44-.Ltmp27, $4  }
0x383: {  	s0 =	simm.s32 @!p3 $0x3  }
0x384: {  	_ =	swait.ge @!p3 [sflag:s0], $0x8000  }
0x385: {  	[sflag:s0] =	ssyncset.done @!p3 $0x0  }
0x386: {  	[sflag:s0] =	ssyncadd.s32 @!p3 $0xFFFF8000  }
0x387: {  	v38 =	vld [tilespmem:$0x480];
	_ =	sdelay $0x4  }
0x388: {  	v39 =	vshll.u32 v38, $0x1  }
0x389: {  	v38 =	vand.u32 $0x7, v38;
	v39 =	vand.u32 $0xFFFFFFF0, v39  }
0x38a: {  	v38 =	vor.u32 v38, v39  }
0x38b: {  	v39 =	vperm.xlane v38, v35;
	_ =	sdelay $0x1  }
0x38c: {  	v38 =	vperm.xlane v38, v37;
	v39 =	vadd.s32 v36, v39;
	_ =	sdelay $0x1  }
0x38d: {  	v38 =	vadd.s32 v36, v38;
	_ =	sdelay $0x2  }
0x38e: {  	[tilespmem:s24], [sflag:$0x2] =	stream.indirect_vreg.gather [hbm4b:s1+s4], $0x80, v39, vm0, $0xb8;
	[tilespmem:$0x18680] =	vst v63  }
0x38f: {  	s0 =	simm.s32 $0x8E00  }
0x390: {  	[tilespmem:s0], [sflag:$0x2] =	stream.indirect_vreg.gather [hbm4b:s1+s4], $0x80, v38, vm0, $0xb8;
	[tilespmem:$0x18680] =	vst v63  }
0x391: {  	v38 =	vld [tilespmem:$0x490];
	_ =	sdelay $0x4  }
0x392: {  	v57 =	vshll.u32 v38, $0x1  }
0x393: {  	v38 =	vand.u32 $0x7, v38;
	v39 =	vand.u32 $0xFFFFFFF0, v57  }
0x394: {  	v38 =	vor.u32 v38, v39  }
0x395: {  	v39 =	vperm.xlane v38, v35;
	_ =	sdelay $0x1  }
0x396: {  	v38 =	vperm.xlane v38, v37;
	v39 =	vadd.s32 v36, v39;
	_ =	sdelay $0x1  }
0x397: {  	v38 =	vadd.s32 v36, v38;
	_ =	sdelay $0x1  }
0x398: {  	s18 =	simm.s32 $0x9600  }
0x399: {  	[tilespmem:s18], [sflag:$0x2] =	stream.indirect_vreg.gather [hbm4b:s1+s4], $0x80, v39, vm0, $0xb8;
	[tilespmem:$0x18680] =	vst v63  }
0x39a: {  	s29 =	simm.s32 $0x9E00  }
0x39b: {  	[tilespmem:s29], [sflag:$0x2] =	stream.indirect_vreg.gather [hbm4b:s1+s4], $0x80, v38, vm0, $0xb8;
	[tilespmem:$0x18680] =	vst v63  }
0x39c: {  	v38 =	vld [tilespmem:$0x4A0];
	_ =	sdelay $0x4  }
0x39d: {  	v58 =	vshll.u32 v38, $0x1  }
0x39e: {  	v38 =	vand.u32 $0x7, v38;
	v39 =	vand.u32 $0xFFFFFFF0, v58  }
0x39f: {  	v38 =	vor.u32 v38, v39  }
0x3a0: {  	v39 =	vperm.xlane v38, v35;
	_ =	sdelay $0x1  }
0x3a1: {  	v38 =	vperm.xlane v38, v37;
	v39 =	vadd.s32 v36, v39;
	_ =	sdelay $0x1  }
0x3a2: {  	v38 =	vadd.s32 v36, v38;
	_ =	sdelay $0x1  }
0x3a3: {  	s2 =	simm.s32 $0xA600  }
0x3a4: {  	[tilespmem:s2], [sflag:$0x2] =	stream.indirect_vreg.gather [hbm4b:s1+s4], $0x80, v39, vm0, $0xb8;
	[tilespmem:$0x18680] =	vst v63  }
0x3a5: {  	s3 =	simm.s32 $0xAE00  }
0x3a6: {  	[tilespmem:s3], [sflag:$0x2] =	stream.indirect_vreg.gather [hbm4b:s1+s4], $0x80, v38, vm0, $0xb8;
	[tilespmem:$0x18680] =	vst v63  }
0x3a7: {  	v38 =	vld [tilespmem:$0x4B0];
	_ =	sdelay $0x4  }
0x3a8: {  	v59 =	vshll.u32 v38, $0x1  }
0x3a9: {  	v38 =	vand.u32 $0x7, v38;
	v39 =	vand.u32 $0xFFFFFFF0, v59  }
0x3aa: {  	v38 =	vor.u32 v38, v39  }
0x3ab: {  	v39 =	vperm.xlane v38, v35;
	_ =	sdelay $0x1  }
0x3ac: {  	v38 =	vperm.xlane v38, v37;
	v39 =	vadd.s32 v36, v39;
	_ =	sdelay $0x1  }
0x3ad: {  	v38 =	vadd.s32 v36, v38;
	_ =	sdelay $0x1  }
0x3ae: {  	s18 =	simm.s32 $0xB600  }
0x3af: {  	[tilespmem:s18], [sflag:$0x2] =	stream.indirect_vreg.gather [hbm4b:s1+s4], $0x80, v39, vm0, $0xb8;
	[tilespmem:$0x18680] =	vst v63  }
0x3b0: {  	s29 =	simm.s32 $0xBE00  }
0x3b1: {  	[tilespmem:s29], [sflag:$0x2] =	stream.indirect_vreg.gather [hbm4b:s1+s4], $0x80, v38, vm0, $0xb8;
	[tilespmem:$0x18680] =	vst v63  }
0x3b2: {  	v38 =	vld [tilespmem:$0x4C0];
	_ =	sdelay $0x4  }
0x3b3: {  	v60 =	vshll.u32 v38, $0x1  }
0x3b4: {  	v38 =	vand.u32 $0x7, v38;
	v39 =	vand.u32 $0xFFFFFFF0, v60  }
0x3b5: {  	v38 =	vor.u32 v38, v39  }
0x3b6: {  	v39 =	vperm.xlane v38, v35;
	_ =	sdelay $0x1  }
0x3b7: {  	v38 =	vperm.xlane v38, v37;
	v39 =	vadd.s32 v36, v39;
	_ =	sdelay $0x1  }
0x3b8: {  	v38 =	vadd.s32 v36, v38;
	_ =	sdelay $0x1  }
0x3b9: {  	s2 =	simm.s32 $0xC600  }
0x3ba: {  	[tilespmem:s2], [sflag:$0x2] =	stream.indirect_vreg.gather [hbm4b:s1+s4], $0x80, v39, vm0, $0xb8;
	[tilespmem:$0x18680] =	vst v63  }
0x3bb: {  	s3 =	simm.s32 $0xCE00  }
0x3bc: {  	[tilespmem:s3], [sflag:$0x2] =	stream.indirect_vreg.gather [hbm4b:s1+s4], $0x80, v38, vm0, $0xb8;
	[tilespmem:$0x18680] =	vst v63  }
0x3bd: {  	v38 =	vld [tilespmem:$0x4D0];
	_ =	sdelay $0x4  }
0x3be: {  	v61 =	vshll.u32 v38, $0x1  }
0x3bf: {  	v38 =	vand.u32 $0x7, v38;
	v39 =	vand.u32 $0xFFFFFFF0, v61  }
0x3c0: {  	v38 =	vor.u32 v38, v39  }
0x3c1: {  	v39 =	vperm.xlane v38, v35;
	_ =	sdelay $0x1  }
0x3c2: {  	v38 =	vperm.xlane v38, v37;
	v39 =	vadd.s32 v36, v39;
	_ =	sdelay $0x1  }
0x3c3: {  	v38 =	vadd.s32 v36, v38;
	_ =	sdelay $0x1  }
0x3c4: {  	s18 =	simm.s32 $0xD600  }
0x3c5: {  	[tilespmem:s18], [sflag:$0x2] =	stream.indirect_vreg.gather [hbm4b:s1+s4], $0x80, v39, vm0, $0xb8;
	[tilespmem:$0x18680] =	vst v63  }
0x3c6: {  	s29 =	simm.s32 $0xDE00  }
0x3c7: {  	[tilespmem:s29], [sflag:$0x2] =	stream.indirect_vreg.gather [hbm4b:s1+s4], $0x80, v38, vm0, $0xb8;
	[tilespmem:$0x18680] =	vst v63  }
0x3c8: {  	v38 =	vld [tilespmem:$0x4E0];
	_ =	sdelay $0x4  }
0x3c9: {  	v62 =	vshll.u32 v38, $0x1  }
0x3ca: {  	v38 =	vand.u32 $0x7, v38;
	v39 =	vand.u32 $0xFFFFFFF0, v62  }
0x3cb: {  	v38 =	vor.u32 v38, v39  }
0x3cc: {  	v39 =	vperm.xlane v38, v35;
	_ =	sdelay $0x1  }
0x3cd: {  	v38 =	vperm.xlane v38, v37;
	v39 =	vadd.s32 v36, v39;
	_ =	sdelay $0x1  }
0x3ce: {  	v38 =	vadd.s32 v36, v38;
	_ =	sdelay $0x1  }
0x3cf: {  	s2 =	simm.s32 $0xE600  }
0x3d0: {  	[tilespmem:s2], [sflag:$0x2] =	stream.indirect_vreg.gather [hbm4b:s1+s4], $0x80, v39, vm0, $0xb8;
	[tilespmem:$0x18680] =	vst v63  }
0x3d1: {  	s3 =	simm.s32 $0xEE00  }
0x3d2: {  	[tilespmem:s3], [sflag:$0x2] =	stream.indirect_vreg.gather [hbm4b:s1+s4], $0x80, v38, vm0, $0xb8;
	[tilespmem:$0x18680] =	vst v63  }
0x3d3: {  	v38 =	vld [tilespmem:$0x4F0];
	_ =	sdelay $0x4  }
0x3d4: {  	v63 =	vshll.u32 v38, $0x1  }
0x3d5: {  	v38 =	vand.u32 $0x7, v38;
	v39 =	vand.u32 $0xFFFFFFF0, v63  }
0x3d6: {  	v38 =	vor.u32 v38, v39  }
0x3d7: {  	v39 =	vperm.xlane v38, v35;
	_ =	sdelay $0x1  }
0x3d8: {  	v38 =	vperm.xlane v38, v37;
	v39 =	vadd.s32 v36, v39;
	_ =	sdelay $0x1  }
0x3d9: {  	v38 =	vadd.s32 v36, v38;
	_ =	sdelay $0x1  }
0x3da: {  	s18 =	simm.s32 $0xF600  }
0x3db: {  	[tilespmem:s18], [sflag:$0x2] =	stream.indirect_vreg.gather [hbm4b:s1+s4], $0x80, v39, vm0, $0xb8;
	[tilespmem:$0x18680] =	vst v63  }
0x3dc: {  	s29 =	simm.s32 $0xFE00  }
0x3dd: {  	[tilespmem:s29], [sflag:$0x2] =	stream.indirect_vreg.gather [hbm4b:s1+s4], $0x80, v38, vm0, $0xb8;
	[tilespmem:$0x18680] =	vst v63  }
.LBB2_44:
0x3de: {  	p3 =	sgt.s32 @!p1 s15, $0x27F  }
0x3df: {  	p3 =	por p1, p3  }
.Ltmp28:
0x3e0: {  	_ = 	snop;
	(pc) =	sbr.rel @p3 .LBB2_45-.Ltmp28, $4  }
0x3e1: {  	s0 =	simm.s32 @!p1 $0x1  }
0x3e2: {  	_ =	swait.ge @!p1 [sflag:s0], $0x8000  }
0x3e3: {  	[sflag:s0] =	ssyncset.done @!p1 $0x0  }
0x3e4: {  	[sflag:s0] =	ssyncadd.s32 @!p1 $0xFFFF8000  }
0x3e5: {  	s0 =	sshll.u32 s28, $0x7;
	s2 =	sshll.u32 s28, $0x8  }
0x3e6: {  	s0 =	sadd.s32 $0xFFFF0000, s0;
	s2 =	sadd.s32 $0xFFFE0000, s2  }
0x3e7: {  	s3 =	sand.u32 $0x7800, s2;
	s18 =	sand.u32 $0x380, s0  }
0x3e8: {  	s29 =	sor.u32 s18, s3  }
0x3e9: {  	[tilespmem:s29+$0xA70] =	vst v34  }
0x3ea: {  	[tilespmem:s29+$0x600] =	vst v34  }
0x3eb: {  	[tilespmem:s29+$0x610] =	vst v34  }
0x3ec: {  	[tilespmem:s29+$0x620] =	vst v34  }
0x3ed: {  	[tilespmem:s29+$0x630] =	vst v34  }
0x3ee: {  	[tilespmem:s29+$0x640] =	vst v34  }
0x3ef: {  	s18 =	sadd.s32 $0xFFFFFDFF, s28;
	[tilespmem:s29+$0x650] =	vst v34  }
0x3f0: {  	[tilespmem:s29+$0x660] =	vst v34;
	s28 =	sadd.s32 $0x1, s18  }
0x3f1: {  	[tilespmem:s29+$0x670] =	vst v34;
	p1 =	slt.u32 s28, $0x7F  }
.Ltmp29:
0x3f2: {  	[tilespmem:s29+$0xA00] =	vst v34;
	(pc) =	sbr.rel @!p1 .LBB2_48-.Ltmp29, $4  }
0x3f3: {  	[tilespmem:s29+$0xA10] =	vst v34  }
0x3f4: {  	[tilespmem:s29+$0xA20] =	vst v34  }
0x3f5: {  	[tilespmem:s29+$0xA30] =	vst v34  }
0x3f6: {  	s0 =	sadd.s32 $0x80, s0;
	s2 =	sadd.s32 $0x100, s2;
	[tilespmem:s29+$0xA40] =	vst v34  }
.LBB2_47:
0x3f7: {  	s3 =	sand.u32 $0x7800, s2;
	s18 =	sand.u32 $0x380, s0;
	s28 =	sadd.s32 $0x1, s28;
	[tilespmem:s29+$0xA50] =	vst v34  }
0x3f8: {  	p1 =	slt.u32 s28, $0x7F;
	[tilespmem:s29+$0xA60] =	vst v34;
	s29 =	sor.u32 s18, s3  }
0x3f9: {  	[tilespmem:s29+$0xA70] =	vst v34  }
0x3fa: {  	[tilespmem:s29+$0x600] =	vst v34  }
0x3fb: {  	[tilespmem:s29+$0x610] =	vst v34  }
0x3fc: {  	[tilespmem:s29+$0x620] =	vst v34  }
0x3fd: {  	[tilespmem:s29+$0x630] =	vst v34  }
0x3fe: {  	[tilespmem:s29+$0x640] =	vst v34  }
0x3ff: {  	[tilespmem:s29+$0x650] =	vst v34  }
0x400: {  	[tilespmem:s29+$0x660] =	vst v34  }
0x401: {  	[tilespmem:s29+$0x670] =	vst v34  }
.Ltmp30:
0x402: {  	[tilespmem:s29+$0xA00] =	vst v34;
	(pc) =	sbr.rel @p1 .LBB2_47-.Ltmp30, $4  }
0x403: {  	[tilespmem:s29+$0xA10] =	vst v34  }
0x404: {  	[tilespmem:s29+$0xA20] =	vst v34  }
0x405: {  	[tilespmem:s29+$0xA30] =	vst v34  }
0x406: {  	s0 =	sadd.s32 $0x80, s0;
	s2 =	sadd.s32 $0x100, s2;
	[tilespmem:s29+$0xA40] =	vst v34  }
.LBB2_48:
.Ltmp31:
0x407: {  	(pc) =	sbr.rel .LBB2_49-.Ltmp31, $3  }
0x408: {  	_ =	sdelay $0x1  }
0x409: {  	[tilespmem:s29+$0xA50] =	vst v34  }
0x40a: {  	[tilespmem:s29+$0xA60] =	vst v34;
	s0 =	simm.s32 $0x600  }
.LBB2_45:
0x40b: {  	s0 =	simm.s32 @!p1 $0x600  }
0x40c: {  	s0 =	simm.s32 @p1 $0x10600  }
.LBB2_49:
0x40d: {  	s2 =	smax.u32 s6, $0x300  }
0x40e: {  	s28 =	smin.u32 s2, $0x380  }
0x40f: {  	s29 =	sadd.s32 $0xFFFFFD00, s28  }
0x410: {  	p1 =	seq.s32 s29, $0x0  }
.Ltmp32:
0x411: {  	s18 =	rddreg [dreg:$0x9];
	(pc) =	sbr.rel @p1 .LBB2_51-.Ltmp32, $4  }
0x412: {  	[hbm4b:s18+s4] =	stream.linear.scatter [tilespmem:s0], [sflag:$0x3], $0x8000, $0x38;
	[tilespmem:$0x18680] =	vst v63  }
0x413: {  	_ =	swait.ge [sflag:s19], $0x8000  }
0x414: {  	[sflag:s19] =	ssyncset.done $0x0  }
0x415: {  	[sflag:s19] =	ssyncadd.s32 $0xFFFF8000  }
0x416: {  	v38 =	vld [tilespmem:$0x500];
	_ =	sdelay $0x4  }
0x417: {  	v39 =	vshll.u32 v38, $0x1  }
0x418: {  	v38 =	vand.u32 $0x7, v38;
	v39 =	vand.u32 $0xFFFFFFF0, v39  }
0x419: {  	v38 =	vor.u32 v38, v39  }
0x41a: {  	v39 =	vperm.xlane v38, v35;
	_ =	sdelay $0x1  }
0x41b: {  	v38 =	vperm.xlane v38, v37;
	v39 =	vadd.s32 v36, v39;
	_ =	sdelay $0x1  }
0x41c: {  	v38 =	vadd.s32 v36, v38;
	_ =	sdelay $0x2  }
0x41d: {  	[tilespmem:s31], [sflag:$0x1] =	stream.indirect_vreg.gather [hbm4b:s1+s4], $0x80, v39, vm0, $0xb8;
	[tilespmem:$0x18680] =	vst v63  }
0x41e: {  	_ = 	snop  }
0x41f: {  	[tilespmem:s30], [sflag:$0x1] =	stream.indirect_vreg.gather [hbm4b:s1+s4], $0x80, v38, vm0, $0xb8;
	[tilespmem:$0x18680] =	vst v63  }
0x420: {  	v38 =	vld [tilespmem:$0x510];
	_ =	sdelay $0x4  }
0x421: {  	v57 =	vshll.u32 v38, $0x1  }
0x422: {  	v38 =	vand.u32 $0x7, v38;
	v39 =	vand.u32 $0xFFFFFFF0, v57  }
0x423: {  	v38 =	vor.u32 v38, v39  }
0x424: {  	v39 =	vperm.xlane v38, v35;
	_ =	sdelay $0x1  }
0x425: {  	v38 =	vperm.xlane v38, v37;
	v39 =	vadd.s32 v36, v39;
	_ =	sdelay $0x1  }
0x426: {  	v38 =	vadd.s32 v36, v38;
	_ =	sdelay $0x1  }
0x427: {  	s0 =	simm.s32 $0x1600  }
0x428: {  	[tilespmem:s0], [sflag:$0x1] =	stream.indirect_vreg.gather [hbm4b:s1+s4], $0x80, v39, vm0, $0xb8;
	[tilespmem:$0x18680] =	vst v63  }
0x429: {  	s29 =	simm.s32 $0x1E00  }
0x42a: {  	[tilespmem:s29], [sflag:$0x1] =	stream.indirect_vreg.gather [hbm4b:s1+s4], $0x80, v38, vm0, $0xb8;
	[tilespmem:$0x18680] =	vst v63  }
0x42b: {  	v38 =	vld [tilespmem:$0x520];
	_ =	sdelay $0x4  }
0x42c: {  	v58 =	vshll.u32 v38, $0x1  }
0x42d: {  	v38 =	vand.u32 $0x7, v38;
	v39 =	vand.u32 $0xFFFFFFF0, v58  }
0x42e: {  	v38 =	vor.u32 v38, v39  }
0x42f: {  	v39 =	vperm.xlane v38, v35;
	_ =	sdelay $0x1  }
0x430: {  	v38 =	vperm.xlane v38, v37;
	v39 =	vadd.s32 v36, v39;
	_ =	sdelay $0x1  }
0x431: {  	v38 =	vadd.s32 v36, v38;
	_ =	sdelay $0x1  }
0x432: {  	s2 =	simm.s32 $0x2600  }
0x433: {  	[tilespmem:s2], [sflag:$0x1] =	stream.indirect_vreg.gather [hbm4b:s1+s4], $0x80, v39, vm0, $0xb8;
	[tilespmem:$0x18680] =	vst v63  }
0x434: {  	s3 =	simm.s32 $0x2E00  }
0x435: {  	[tilespmem:s3], [sflag:$0x1] =	stream.indirect_vreg.gather [hbm4b:s1+s4], $0x80, v38, vm0, $0xb8;
	[tilespmem:$0x18680] =	vst v63  }
0x436: {  	v38 =	vld [tilespmem:$0x530];
	_ =	sdelay $0x4  }
0x437: {  	v59 =	vshll.u32 v38, $0x1  }
0x438: {  	v38 =	vand.u32 $0x7, v38;
	v39 =	vand.u32 $0xFFFFFFF0, v59  }
0x439: {  	v38 =	vor.u32 v38, v39  }
0x43a: {  	v39 =	vperm.xlane v38, v35;
	_ =	sdelay $0x1  }
0x43b: {  	v38 =	vperm.xlane v38, v37;
	v39 =	vadd.s32 v36, v39;
	_ =	sdelay $0x1  }
0x43c: {  	v38 =	vadd.s32 v36, v38;
	_ =	sdelay $0x1  }
0x43d: {  	s18 =	simm.s32 $0x3600  }
0x43e: {  	[tilespmem:s18], [sflag:$0x1] =	stream.indirect_vreg.gather [hbm4b:s1+s4], $0x80, v39, vm0, $0xb8;
	[tilespmem:$0x18680] =	vst v63  }
0x43f: {  	s29 =	simm.s32 $0x3E00  }
0x440: {  	[tilespmem:s29], [sflag:$0x1] =	stream.indirect_vreg.gather [hbm4b:s1+s4], $0x80, v38, vm0, $0xb8;
	[tilespmem:$0x18680] =	vst v63  }
0x441: {  	v38 =	vld [tilespmem:$0x540];
	_ =	sdelay $0x4  }
0x442: {  	v60 =	vshll.u32 v38, $0x1  }
0x443: {  	v38 =	vand.u32 $0x7, v38;
	v39 =	vand.u32 $0xFFFFFFF0, v60  }
0x444: {  	v38 =	vor.u32 v38, v39  }
0x445: {  	v39 =	vperm.xlane v38, v35;
	_ =	sdelay $0x1  }
0x446: {  	v38 =	vperm.xlane v38, v37;
	v39 =	vadd.s32 v36, v39;
	_ =	sdelay $0x1  }
0x447: {  	v38 =	vadd.s32 v36, v38;
	_ =	sdelay $0x2  }
0x448: {  	[tilespmem:s20], [sflag:$0x1] =	stream.indirect_vreg.gather [hbm4b:s1+s4], $0x80, v39, vm0, $0xb8;
	[tilespmem:$0x18680] =	vst v63  }
0x449: {  	_ = 	snop  }
0x44a: {  	[tilespmem:s21], [sflag:$0x1] =	stream.indirect_vreg.gather [hbm4b:s1+s4], $0x80, v38, vm0, $0xb8;
	[tilespmem:$0x18680] =	vst v63  }
0x44b: {  	v38 =	vld [tilespmem:$0x550];
	_ =	sdelay $0x4  }
0x44c: {  	v61 =	vshll.u32 v38, $0x1  }
0x44d: {  	v38 =	vand.u32 $0x7, v38;
	v39 =	vand.u32 $0xFFFFFFF0, v61  }
0x44e: {  	v38 =	vor.u32 v38, v39  }
0x44f: {  	v39 =	vperm.xlane v38, v35;
	_ =	sdelay $0x1  }
0x450: {  	v38 =	vperm.xlane v38, v37;
	v39 =	vadd.s32 v36, v39;
	_ =	sdelay $0x1  }
0x451: {  	v38 =	vadd.s32 v36, v38;
	_ =	sdelay $0x2  }
0x452: {  	[tilespmem:s7], [sflag:$0x1] =	stream.indirect_vreg.gather [hbm4b:s1+s4], $0x80, v39, vm0, $0xb8;
	[tilespmem:$0x18680] =	vst v63  }
0x453: {  	_ = 	snop  }
0x454: {  	[tilespmem:s25], [sflag:$0x1] =	stream.indirect_vreg.gather [hbm4b:s1+s4], $0x80, v38, vm0, $0xb8;
	[tilespmem:$0x18680] =	vst v63  }
0x455: {  	v38 =	vld [tilespmem:$0x560];
	_ =	sdelay $0x4  }
0x456: {  	v62 =	vshll.u32 v38, $0x1  }
0x457: {  	v38 =	vand.u32 $0x7, v38;
	v39 =	vand.u32 $0xFFFFFFF0, v62  }
0x458: {  	v38 =	vor.u32 v38, v39  }
0x459: {  	v39 =	vperm.xlane v38, v35;
	_ =	sdelay $0x1  }
0x45a: {  	v38 =	vperm.xlane v38, v37;
	v39 =	vadd.s32 v36, v39;
	_ =	sdelay $0x1  }
0x45b: {  	v38 =	vadd.s32 v36, v38;
	_ =	sdelay $0x2  }
0x45c: {  	[tilespmem:s26], [sflag:$0x1] =	stream.indirect_vreg.gather [hbm4b:s1+s4], $0x80, v39, vm0, $0xb8;
	[tilespmem:$0x18680] =	vst v63  }
0x45d: {  	_ = 	snop  }
0x45e: {  	[tilespmem:s8], [sflag:$0x1] =	stream.indirect_vreg.gather [hbm4b:s1+s4], $0x80, v38, vm0, $0xb8;
	[tilespmem:$0x18680] =	vst v63  }
0x45f: {  	v38 =	vld [tilespmem:$0x570];
	_ =	sdelay $0x4  }
0x460: {  	v63 =	vshll.u32 v38, $0x1  }
0x461: {  	v38 =	vand.u32 $0x7, v38;
	v39 =	vand.u32 $0xFFFFFFF0, v63  }
0x462: {  	v38 =	vor.u32 v38, v39  }
0x463: {  	v39 =	vperm.xlane v38, v35;
	_ =	sdelay $0x1  }
0x464: {  	v38 =	vperm.xlane v38, v37;
	v39 =	vadd.s32 v36, v39;
	_ =	sdelay $0x1  }
0x465: {  	v38 =	vadd.s32 v36, v38;
	_ =	sdelay $0x2  }
0x466: {  	[tilespmem:s9], [sflag:$0x1] =	stream.indirect_vreg.gather [hbm4b:s1+s4], $0x80, v39, vm0, $0xb8;
	[tilespmem:$0x18680] =	vst v63  }
0x467: {  	_ = 	snop  }
0x468: {  	[tilespmem:s11], [sflag:$0x1] =	stream.indirect_vreg.gather [hbm4b:s1+s4], $0x80, v38, vm0, $0xb8;
	[tilespmem:$0x18680] =	vst v63  }
.LBB2_51:
.Ltmp33:
0x469: {  	(pc) =	sbr.rel @p2 .LBB2_57-.Ltmp33, $3  }
0x46a: {  	_ =	sdelay $0x1  }
0x46b: {  	s0 =	smax.u32 s6, $0x280  }
0x46c: {  	s29 =	smin.u32 s0, $0x300  }
0x46d: {  	p2 =	sgt.u32 s15, $0x2FF  }
.Ltmp34:
0x46e: {  	_ = 	snop;
	(pc) =	sbr.rel @p2 .LBB2_56-.Ltmp34, $4  }
0x46f: {  	_ = 	snop  }
0x470: {  	_ =	swait.ge [sflag:s23], $0x8000  }
0x471: {  	[sflag:s23] =	ssyncset.done $0x0  }
0x472: {  	[sflag:s23] =	ssyncadd.s32 $0xFFFF8000  }
0x473: {  	s0 =	sshll.u32 s29, $0x7;
	s2 =	sshll.u32 s29, $0x8  }
0x474: {  	s0 =	sadd.s32 $0xFFFEC000, s0;
	s3 =	sadd.s32 $0xFFFD8000, s2  }
0x475: {  	s2 =	sand.u32 $0x7FFFF800, s3;
	s18 =	sand.u32 $0x380, s0  }
0x476: {  	s30 =	sor.u32 s18, s2  }
0x477: {  	[tilespmem:s30+$0x8A70] =	vst v34  }
0x478: {  	[tilespmem:s30+$0x8600] =	vst v34  }
0x479: {  	[tilespmem:s30+$0x8610] =	vst v34  }
0x47a: {  	[tilespmem:s30+$0x8620] =	vst v34  }
0x47b: {  	[tilespmem:s30+$0x8630] =	vst v34  }
0x47c: {  	[tilespmem:s30+$0x8640] =	vst v34  }
0x47d: {  	s18 =	sadd.s32 $0xFFFFFD7F, s29;
	[tilespmem:s30+$0x8650] =	vst v34  }
0x47e: {  	[tilespmem:s30+$0x8660] =	vst v34;
	s31 =	sadd.s32 $0x1, s18  }
0x47f: {  	[tilespmem:s30+$0x8670] =	vst v34;
	p2 =	slt.u32 s31, $0x7F  }
.Ltmp35:
0x480: {  	[tilespmem:s30+$0x8A00] =	vst v34;
	(pc) =	sbr.rel @!p2 .LBB2_55-.Ltmp35, $4  }
0x481: {  	[tilespmem:s30+$0x8A10] =	vst v34  }
0x482: {  	[tilespmem:s30+$0x8A20] =	vst v34  }
0x483: {  	[tilespmem:s30+$0x8A30] =	vst v34  }
0x484: {  	s2 =	sadd.s32 $0x80, s0;
	s0 =	sadd.s32 $0x100, s3;
	[tilespmem:s30+$0x8A40] =	vst v34  }
.LBB2_54:
0x485: {  	s3 =	sand.u32 $0x7FFFF800, s0;
	s18 =	sand.u32 $0x380, s2;
	s31 =	sadd.s32 $0x1, s31;
	[tilespmem:s30+$0x8A50] =	vst v34  }
0x486: {  	p2 =	slt.u32 s31, $0x7F;
	[tilespmem:s30+$0x8A60] =	vst v34;
	s30 =	sor.u32 s18, s3  }
0x487: {  	[tilespmem:s30+$0x8A70] =	vst v34  }
0x488: {  	[tilespmem:s30+$0x8600] =	vst v34  }
0x489: {  	[tilespmem:s30+$0x8610] =	vst v34  }
0x48a: {  	[tilespmem:s30+$0x8620] =	vst v34  }
0x48b: {  	[tilespmem:s30+$0x8630] =	vst v34  }
0x48c: {  	[tilespmem:s30+$0x8640] =	vst v34  }
0x48d: {  	[tilespmem:s30+$0x8650] =	vst v34  }
0x48e: {  	[tilespmem:s30+$0x8660] =	vst v34  }
0x48f: {  	[tilespmem:s30+$0x8670] =	vst v34  }
.Ltmp36:
0x490: {  	[tilespmem:s30+$0x8A00] =	vst v34;
	(pc) =	sbr.rel @p2 .LBB2_54-.Ltmp36, $4  }
0x491: {  	[tilespmem:s30+$0x8A10] =	vst v34  }
0x492: {  	[tilespmem:s30+$0x8A20] =	vst v34  }
0x493: {  	[tilespmem:s30+$0x8A30] =	vst v34  }
0x494: {  	s2 =	sadd.s32 $0x80, s2;
	s0 =	sadd.s32 $0x100, s0;
	[tilespmem:s30+$0x8A40] =	vst v34  }
.LBB2_55:
0x495: {  	[tilespmem:s30+$0x8A50] =	vst v34  }
0x496: {  	[tilespmem:s30+$0x8A60] =	vst v34;
	s31 =	simm.s32 $0x600;
	s30 =	simm.s32 $0xE00  }
.LBB2_56:
0x497: {  	[hbm4b:s14+s4] =	stream.linear.scatter [tilespmem:s24], [sflag:$0x3], $0x8000, $0x38;
	[tilespmem:$0x18680] =	vst v63  }
0x498: {  	_ =	swait.ge [sflag:s19], $0x8000  }
0x499: {  	[sflag:s19] =	ssyncset.done $0x0  }
0x49a: {  	[sflag:s19] =	ssyncadd.s32 $0xFFFF8000  }
.LBB2_57:
0x49b: {  	s0 =	sadd.s32 $0xFFFFFD80, s29  }
0x49c: {  	p3 =	sne.s32 s0, $0x0  }
0x49d: {  	p2 =	slt.s32 s15, $0x381;
	s0 =	simm.s32 @!p3 $0x0;
	s2 =	simm.s32 @!p3 $0x10600  }
0x49e: {  	[hbm4b:s14+s0] =	stream.linear.scatter @!p3 [tilespmem:s2], [sflag:$0x3], $0x8000, $0x38;
	[tilespmem:$0x18680] =	vst v63  }
.Ltmp37:
0x49f: {  	_ = 	snop;
	(pc) =	sbr.rel @p2 .LBB2_59-.Ltmp37, $4  }
0x4a0: {  	s0 =	simm.s32 @!p3 $0x3  }
0x4a1: {  	_ =	swait.ge @!p3 [sflag:s0], $0x8000  }
0x4a2: {  	[sflag:s0] =	ssyncset.done @!p3 $0x0  }
0x4a3: {  	[sflag:s0] =	ssyncadd.s32 @!p3 $0xFFFF8000  }
0x4a4: {  	v38 =	vld [tilespmem:$0x580];
	_ =	sdelay $0x4  }
0x4a5: {  	v39 =	vshll.u32 v38, $0x1  }
0x4a6: {  	v38 =	vand.u32 $0x7, v38;
	v39 =	vand.u32 $0xFFFFFFF0, v39  }
0x4a7: {  	v38 =	vor.u32 v38, v39  }
0x4a8: {  	v39 =	vperm.xlane v38, v35;
	_ =	sdelay $0x1  }
0x4a9: {  	v38 =	vperm.xlane v38, v37;
	v39 =	vadd.s32 v36, v39;
	_ =	sdelay $0x1  }
0x4aa: {  	v38 =	vadd.s32 v36, v38;
	_ =	sdelay $0x2  }
0x4ab: {  	[tilespmem:s24], [sflag:$0x2] =	stream.indirect_vreg.gather [hbm4b:s1+s4], $0x80, v39, vm0, $0xb8;
	[tilespmem:$0x18680] =	vst v63  }
0x4ac: {  	s0 =	simm.s32 $0x8E00  }
0x4ad: {  	[tilespmem:s0], [sflag:$0x2] =	stream.indirect_vreg.gather [hbm4b:s1+s4], $0x80, v38, vm0, $0xb8;
	[tilespmem:$0x18680] =	vst v63  }
0x4ae: {  	v38 =	vld [tilespmem:$0x590];
	_ =	sdelay $0x4  }
0x4af: {  	v57 =	vshll.u32 v38, $0x1  }
0x4b0: {  	v38 =	vand.u32 $0x7, v38;
	v39 =	vand.u32 $0xFFFFFFF0, v57  }
0x4b1: {  	v38 =	vor.u32 v38, v39  }
0x4b2: {  	v39 =	vperm.xlane v38, v35;
	_ =	sdelay $0x1  }
0x4b3: {  	v38 =	vperm.xlane v38, v37;
	v39 =	vadd.s32 v36, v39;
	_ =	sdelay $0x1  }
0x4b4: {  	v38 =	vadd.s32 v36, v38;
	_ =	sdelay $0x1  }
0x4b5: {  	s18 =	simm.s32 $0x9600  }
0x4b6: {  	[tilespmem:s18], [sflag:$0x2] =	stream.indirect_vreg.gather [hbm4b:s1+s4], $0x80, v39, vm0, $0xb8;
	[tilespmem:$0x18680] =	vst v63  }
0x4b7: {  	s29 =	simm.s32 $0x9E00  }
0x4b8: {  	[tilespmem:s29], [sflag:$0x2] =	stream.indirect_vreg.gather [hbm4b:s1+s4], $0x80, v38, vm0, $0xb8;
	[tilespmem:$0x18680] =	vst v63  }
0x4b9: {  	v38 =	vld [tilespmem:$0x5A0];
	_ =	sdelay $0x4  }
0x4ba: {  	v58 =	vshll.u32 v38, $0x1  }
0x4bb: {  	v38 =	vand.u32 $0x7, v38;
	v39 =	vand.u32 $0xFFFFFFF0, v58  }
0x4bc: {  	v38 =	vor.u32 v38, v39  }
0x4bd: {  	v39 =	vperm.xlane v38, v35;
	_ =	sdelay $0x1  }
0x4be: {  	v38 =	vperm.xlane v38, v37;
	v39 =	vadd.s32 v36, v39;
	_ =	sdelay $0x1  }
0x4bf: {  	v38 =	vadd.s32 v36, v38;
	_ =	sdelay $0x1  }
0x4c0: {  	s2 =	simm.s32 $0xA600  }
0x4c1: {  	[tilespmem:s2], [sflag:$0x2] =	stream.indirect_vreg.gather [hbm4b:s1+s4], $0x80, v39, vm0, $0xb8;
	[tilespmem:$0x18680] =	vst v63  }
0x4c2: {  	s3 =	simm.s32 $0xAE00  }
0x4c3: {  	[tilespmem:s3], [sflag:$0x2] =	stream.indirect_vreg.gather [hbm4b:s1+s4], $0x80, v38, vm0, $0xb8;
	[tilespmem:$0x18680] =	vst v63  }
0x4c4: {  	v38 =	vld [tilespmem:$0x5B0];
	_ =	sdelay $0x4  }
0x4c5: {  	v59 =	vshll.u32 v38, $0x1  }
0x4c6: {  	v38 =	vand.u32 $0x7, v38;
	v39 =	vand.u32 $0xFFFFFFF0, v59  }
0x4c7: {  	v38 =	vor.u32 v38, v39  }
0x4c8: {  	v39 =	vperm.xlane v38, v35;
	_ =	sdelay $0x1  }
0x4c9: {  	v38 =	vperm.xlane v38, v37;
	v39 =	vadd.s32 v36, v39;
	_ =	sdelay $0x1  }
0x4ca: {  	v38 =	vadd.s32 v36, v38;
	_ =	sdelay $0x1  }
0x4cb: {  	s18 =	simm.s32 $0xB600  }
0x4cc: {  	[tilespmem:s18], [sflag:$0x2] =	stream.indirect_vreg.gather [hbm4b:s1+s4], $0x80, v39, vm0, $0xb8;
	[tilespmem:$0x18680] =	vst v63  }
0x4cd: {  	s29 =	simm.s32 $0xBE00  }
0x4ce: {  	[tilespmem:s29], [sflag:$0x2] =	stream.indirect_vreg.gather [hbm4b:s1+s4], $0x80, v38, vm0, $0xb8;
	[tilespmem:$0x18680] =	vst v63  }
0x4cf: {  	v38 =	vld [tilespmem:$0x5C0];
	_ =	sdelay $0x4  }
0x4d0: {  	v60 =	vshll.u32 v38, $0x1  }
0x4d1: {  	v38 =	vand.u32 $0x7, v38;
	v39 =	vand.u32 $0xFFFFFFF0, v60  }
0x4d2: {  	v38 =	vor.u32 v38, v39  }
0x4d3: {  	v39 =	vperm.xlane v38, v35;
	_ =	sdelay $0x1  }
0x4d4: {  	v38 =	vperm.xlane v38, v37;
	v39 =	vadd.s32 v36, v39;
	_ =	sdelay $0x1  }
0x4d5: {  	v38 =	vadd.s32 v36, v38;
	_ =	sdelay $0x1  }
0x4d6: {  	s2 =	simm.s32 $0xC600  }
0x4d7: {  	[tilespmem:s2], [sflag:$0x2] =	stream.indirect_vreg.gather [hbm4b:s1+s4], $0x80, v39, vm0, $0xb8;
	[tilespmem:$0x18680] =	vst v63  }
0x4d8: {  	s3 =	simm.s32 $0xCE00  }
0x4d9: {  	[tilespmem:s3], [sflag:$0x2] =	stream.indirect_vreg.gather [hbm4b:s1+s4], $0x80, v38, vm0, $0xb8;
	[tilespmem:$0x18680] =	vst v63  }
0x4da: {  	v38 =	vld [tilespmem:$0x5D0];
	_ =	sdelay $0x4  }
0x4db: {  	v61 =	vshll.u32 v38, $0x1  }
0x4dc: {  	v38 =	vand.u32 $0x7, v38;
	v39 =	vand.u32 $0xFFFFFFF0, v61  }
0x4dd: {  	v38 =	vor.u32 v38, v39  }
0x4de: {  	v39 =	vperm.xlane v38, v35;
	_ =	sdelay $0x1  }
0x4df: {  	v38 =	vperm.xlane v38, v37;
	v39 =	vadd.s32 v36, v39;
	_ =	sdelay $0x1  }
0x4e0: {  	v38 =	vadd.s32 v36, v38;
	_ =	sdelay $0x1  }
0x4e1: {  	s18 =	simm.s32 $0xD600  }
0x4e2: {  	[tilespmem:s18], [sflag:$0x2] =	stream.indirect_vreg.gather [hbm4b:s1+s4], $0x80, v39, vm0, $0xb8;
	[tilespmem:$0x18680] =	vst v63  }
0x4e3: {  	s29 =	simm.s32 $0xDE00  }
0x4e4: {  	[tilespmem:s29], [sflag:$0x2] =	stream.indirect_vreg.gather [hbm4b:s1+s4], $0x80, v38, vm0, $0xb8;
	[tilespmem:$0x18680] =	vst v63  }
0x4e5: {  	v38 =	vld [tilespmem:$0x5E0];
	_ =	sdelay $0x4  }
0x4e6: {  	v62 =	vshll.u32 v38, $0x1  }
0x4e7: {  	v38 =	vand.u32 $0x7, v38;
	v39 =	vand.u32 $0xFFFFFFF0, v62  }
0x4e8: {  	v38 =	vor.u32 v38, v39  }
0x4e9: {  	v39 =	vperm.xlane v38, v35;
	_ =	sdelay $0x1  }
0x4ea: {  	v38 =	vperm.xlane v38, v37;
	v39 =	vadd.s32 v36, v39;
	_ =	sdelay $0x1  }
0x4eb: {  	v38 =	vadd.s32 v36, v38;
	_ =	sdelay $0x1  }
0x4ec: {  	s2 =	simm.s32 $0xE600  }
0x4ed: {  	[tilespmem:s2], [sflag:$0x2] =	stream.indirect_vreg.gather [hbm4b:s1+s4], $0x80, v39, vm0, $0xb8;
	[tilespmem:$0x18680] =	vst v63  }
0x4ee: {  	s3 =	simm.s32 $0xEE00  }
0x4ef: {  	[tilespmem:s3], [sflag:$0x2] =	stream.indirect_vreg.gather [hbm4b:s1+s4], $0x80, v38, vm0, $0xb8;
	[tilespmem:$0x18680] =	vst v63  }
0x4f0: {  	v38 =	vld [tilespmem:$0x5F0];
	_ =	sdelay $0x4  }
0x4f1: {  	v63 =	vshll.u32 v38, $0x1  }
0x4f2: {  	v38 =	vand.u32 $0x7, v38;
	v39 =	vand.u32 $0xFFFFFFF0, v63  }
0x4f3: {  	v38 =	vor.u32 v38, v39  }
0x4f4: {  	v39 =	vperm.xlane v38, v35;
	_ =	sdelay $0x1  }
0x4f5: {  	v38 =	vperm.xlane v38, v37;
	v39 =	vadd.s32 v36, v39;
	_ =	sdelay $0x1  }
0x4f6: {  	v38 =	vadd.s32 v36, v38;
	_ =	sdelay $0x1  }
0x4f7: {  	s18 =	simm.s32 $0xF600  }
0x4f8: {  	[tilespmem:s18], [sflag:$0x2] =	stream.indirect_vreg.gather [hbm4b:s1+s4], $0x80, v39, vm0, $0xb8;
	[tilespmem:$0x18680] =	vst v63  }
0x4f9: {  	s29 =	simm.s32 $0xFE00  }
0x4fa: {  	[tilespmem:s29], [sflag:$0x2] =	stream.indirect_vreg.gather [hbm4b:s1+s4], $0x80, v38, vm0, $0xb8;
	[tilespmem:$0x18680] =	vst v63  }
.LBB2_59:
0x4fb: {  	p3 =	sgt.s32 @!p1 s15, $0x37F  }
0x4fc: {  	p3 =	por p1, p3  }
.Ltmp38:
0x4fd: {  	_ = 	snop;
	(pc) =	sbr.rel @p3 .LBB2_60-.Ltmp38, $4  }
0x4fe: {  	s0 =	simm.s32 @!p1 $0x1  }
0x4ff: {  	_ =	swait.ge @!p1 [sflag:s0], $0x8000  }
0x500: {  	[sflag:s0] =	ssyncset.done @!p1 $0x0  }
0x501: {  	[sflag:s0] =	ssyncadd.s32 @!p1 $0xFFFF8000  }
0x502: {  	s0 =	sshll.u32 s28, $0x7;
	s2 =	sshll.u32 s28, $0x8  }
0x503: {  	s0 =	sadd.s32 $0xFFFE8000, s0;
	s2 =	sadd.s32 $0xFFFD0000, s2  }
0x504: {  	s3 =	sand.u32 $0x7800, s2;
	s18 =	sand.u32 $0x380, s0  }
0x505: {  	s29 =	sor.u32 s18, s3  }
0x506: {  	[tilespmem:s29+$0xA70] =	vst v34  }
0x507: {  	[tilespmem:s29+$0x600] =	vst v34  }
0x508: {  	[tilespmem:s29+$0x610] =	vst v34  }
0x509: {  	[tilespmem:s29+$0x620] =	vst v34  }
0x50a: {  	[tilespmem:s29+$0x630] =	vst v34  }
0x50b: {  	[tilespmem:s29+$0x640] =	vst v34  }
0x50c: {  	s18 =	sadd.s32 $0xFFFFFCFF, s28;
	[tilespmem:s29+$0x650] =	vst v34  }
0x50d: {  	[tilespmem:s29+$0x660] =	vst v34;
	s28 =	sadd.s32 $0x1, s18  }
0x50e: {  	[tilespmem:s29+$0x670] =	vst v34;
	p1 =	slt.u32 s28, $0x7F  }
.Ltmp39:
0x50f: {  	[tilespmem:s29+$0xA00] =	vst v34;
	(pc) =	sbr.rel @!p1 .LBB2_63-.Ltmp39, $4  }
0x510: {  	[tilespmem:s29+$0xA10] =	vst v34  }
0x511: {  	[tilespmem:s29+$0xA20] =	vst v34  }
0x512: {  	[tilespmem:s29+$0xA30] =	vst v34  }
0x513: {  	s0 =	sadd.s32 $0x80, s0;
	s2 =	sadd.s32 $0x100, s2;
	[tilespmem:s29+$0xA40] =	vst v34  }
.LBB2_62:
0x514: {  	s3 =	sand.u32 $0x7800, s2;
	s18 =	sand.u32 $0x380, s0;
	s28 =	sadd.s32 $0x1, s28;
	[tilespmem:s29+$0xA50] =	vst v34  }
0x515: {  	p1 =	slt.u32 s28, $0x7F;
	[tilespmem:s29+$0xA60] =	vst v34;
	s29 =	sor.u32 s18, s3  }
0x516: {  	[tilespmem:s29+$0xA70] =	vst v34  }
0x517: {  	[tilespmem:s29+$0x600] =	vst v34  }
0x518: {  	[tilespmem:s29+$0x610] =	vst v34  }
0x519: {  	[tilespmem:s29+$0x620] =	vst v34  }
0x51a: {  	[tilespmem:s29+$0x630] =	vst v34  }
0x51b: {  	[tilespmem:s29+$0x640] =	vst v34  }
0x51c: {  	[tilespmem:s29+$0x650] =	vst v34  }
0x51d: {  	[tilespmem:s29+$0x660] =	vst v34  }
0x51e: {  	[tilespmem:s29+$0x670] =	vst v34  }
.Ltmp40:
0x51f: {  	[tilespmem:s29+$0xA00] =	vst v34;
	(pc) =	sbr.rel @p1 .LBB2_62-.Ltmp40, $4  }
0x520: {  	[tilespmem:s29+$0xA10] =	vst v34  }
0x521: {  	[tilespmem:s29+$0xA20] =	vst v34  }
0x522: {  	[tilespmem:s29+$0xA30] =	vst v34  }
0x523: {  	s0 =	sadd.s32 $0x80, s0;
	s2 =	sadd.s32 $0x100, s2;
	[tilespmem:s29+$0xA40] =	vst v34  }
.LBB2_63:
.Ltmp41:
0x524: {  	(pc) =	sbr.rel .LBB2_64-.Ltmp41, $3  }
0x525: {  	_ =	sdelay $0x1  }
0x526: {  	[tilespmem:s29+$0xA50] =	vst v34  }
0x527: {  	[tilespmem:s29+$0xA60] =	vst v34;
	s0 =	simm.s32 $0x600  }
.LBB2_60:
0x528: {  	s0 =	simm.s32 @!p1 $0x600  }
0x529: {  	s0 =	simm.s32 @p1 $0x10600  }
.LBB2_64:
.Ltmp42:
0x52a: {  	s2 =	rddreg [dreg:$0xa];
	(pc) =	sbr.rel @p2 .LBB2_70-.Ltmp42, $4  }
0x52b: {  	[hbm4b:s2+s4] =	stream.linear.scatter [tilespmem:s0], [sflag:$0x3], $0x8000, $0x38;
	[tilespmem:$0x18680] =	vst v63  }
0x52c: {  	_ =	swait.ge [sflag:s19], $0x8000  }
0x52d: {  	[sflag:s19] =	ssyncset.done $0x0  }
0x52e: {  	[sflag:s19] =	ssyncadd.s32 $0xFFFF8000  }
.Ltmp43:
0x52f: {  	(pc) =	sbr.rel @p0 .LBB2_69-.Ltmp43, $4  }
0x530: {  	_ = 	snop  }
0x531: {  	_ =	swait.ge [sflag:s23], $0x8000  }
0x532: {  	[sflag:s23] =	ssyncset.done $0x0  }
0x533: {  	[sflag:s23] =	ssyncadd.s32 $0xFFFF8000  }
0x534: {  	s0 =	smin.u32 s17, $0x380;
	s2 =	sshll.u32 s6, $0x7  }
0x535: {  	s29 =	sshll.u32 s6, $0x8;
	s3 =	sshll.u32 s0, $0x7;
	s18 =	sshll.u32 s0, $0x8  }
0x536: {  	s2 =	ssub.s32 s2, s3;
	s28 =	ssub.s32 s29, s18  }
0x537: {  	s17 =	sand.u32 $0x7FFFF800, s28;
	s29 =	sand.u32 $0x380, s2  }
0x538: {  	s17 =	sor.u32 s29, s17  }
0x539: {  	[tilespmem:s17+$0x8A70] =	vst v34  }
0x53a: {  	[tilespmem:s17+$0x8600] =	vst v34  }
0x53b: {  	[tilespmem:s17+$0x8610] =	vst v34  }
0x53c: {  	[tilespmem:s17+$0x8620] =	vst v34  }
0x53d: {  	[tilespmem:s17+$0x8630] =	vst v34  }
0x53e: {  	s0 =	sxor.u32 $0xFFFFFFFF, s0;
	[tilespmem:s17+$0x8640] =	vst v34  }
0x53f: {  	s0 =	sadd.s32 s6, s0;
	[tilespmem:s17+$0x8650] =	vst v34  }
0x540: {  	s6 =	sadd.s32 $0x1, s0;
	[tilespmem:s17+$0x8660] =	vst v34  }
0x541: {  	p0 =	slt.u32 s6, $0x7F;
	[tilespmem:s17+$0x8670] =	vst v34  }
.Ltmp44:
0x542: {  	[tilespmem:s17+$0x8A00] =	vst v34;
	(pc) =	sbr.rel @!p0 .LBB2_68-.Ltmp44, $4  }
0x543: {  	[tilespmem:s17+$0x8A10] =	vst v34  }
0x544: {  	[tilespmem:s17+$0x8A20] =	vst v34  }
0x545: {  	[tilespmem:s17+$0x8A30] =	vst v34  }
0x546: {  	s2 =	sadd.s32 $0x80, s2;
	s0 =	sadd.s32 $0x100, s28;
	[tilespmem:s17+$0x8A40] =	vst v34  }
.LBB2_67:
0x547: {  	s3 =	sand.u32 $0x7FFFF800, s0;
	s18 =	sand.u32 $0x380, s2;
	s6 =	sadd.s32 $0x1, s6;
	[tilespmem:s17+$0x8A50] =	vst v34  }
0x548: {  	p0 =	slt.u32 s6, $0x7F;
	[tilespmem:s17+$0x8A60] =	vst v34;
	s17 =	sor.u32 s18, s3  }
0x549: {  	[tilespmem:s17+$0x8A70] =	vst v34  }
0x54a: {  	[tilespmem:s17+$0x8600] =	vst v34  }
0x54b: {  	[tilespmem:s17+$0x8610] =	vst v34  }
0x54c: {  	[tilespmem:s17+$0x8620] =	vst v34  }
0x54d: {  	[tilespmem:s17+$0x8630] =	vst v34  }
0x54e: {  	[tilespmem:s17+$0x8640] =	vst v34  }
0x54f: {  	[tilespmem:s17+$0x8650] =	vst v34  }
0x550: {  	[tilespmem:s17+$0x8660] =	vst v34  }
0x551: {  	[tilespmem:s17+$0x8670] =	vst v34  }
.Ltmp45:
0x552: {  	[tilespmem:s17+$0x8A00] =	vst v34;
	(pc) =	sbr.rel @p0 .LBB2_67-.Ltmp45, $4  }
0x553: {  	[tilespmem:s17+$0x8A10] =	vst v34  }
0x554: {  	[tilespmem:s17+$0x8A20] =	vst v34  }
0x555: {  	[tilespmem:s17+$0x8A30] =	vst v34  }
0x556: {  	s2 =	sadd.s32 $0x80, s2;
	s0 =	sadd.s32 $0x100, s0;
	[tilespmem:s17+$0x8A40] =	vst v34  }
.Ltmp46:
0x557: {  	_ = 	snop;
	(pc) =	sbr.rel .LBB2_68-.Ltmp46, $1  }
0x558: {  	_ =	sdelay $0x3  }
.LBB2_13:
.Ltmp47:
0x559: {  	(pc) =	sbr.rel .LBB2_18-.Ltmp47, $2  }
0x55a: {  	_ =	sdelay $0x2  }
0x55b: {  	s31 =	simm.s32 $0x600  }
.LBB2_15:
.Ltmp48:
0x55c: {  	(pc) =	sbr.rel .LBB2_18-.Ltmp48, $2  }
0x55d: {  	_ =	sdelay $0x2  }
0x55e: {  	s31 =	simm.s32 $0x600  }
.LBB2_71:
0x55f: {  	_ =	sfence.sel $0x180000  }
0x560: {  	[bflag:$0x0] =	sbarrier.arrive $0xFFFF  }
0x561: {  	_ =	strace $0x90000047  }
0x562: {  	s0 =	stileid.u32;
	[bflag:$0x2] =	sbarrier.arrive $0xFFFF  }
0x563: {  	p0 =	sne.s32 s0, $0x0;
	s0 =	rddreg [dreg:$0x4]  }
0x564: {  	s0 =	sadd.s32 @!p0 $0x100000, s0  }
0x565: {  	[sflag:s0] =	ssyncadd.tile.s32 @!p0 $0x1;
	_ =	shalt  }
.Lfunc_end2:
_tile_overlayer_lowered:
.L_overlay_start_2:
0x566: {  	(tag) =	ssettag $0x2  }
0x567: {  	s0 =	rddreg [dreg:$0x0];
	s2 =	stileid.u32  }
0x568: {  	s1 =	rddreg [dreg:$0x1];
	p0 =	sne.s32 s2, $0x0  }
0x569: {  	s3 =	rddreg [dreg:$0x2];
	[bflag:$0x3] =	sbarrier.arrive $0xFFFF;
	s2 =	simm.s32 @!p0 $0x1C03  }
0x56a: {  	[timem:s3], [sflag:s2] =	dma.local @!p0 [hbm:s0], s1  }
0x56b: {  	s0 =	simm.s32 @!p0 $0x3  }
0x56c: {  	_ =	swait.ge @!p0 [sflag:s0], s1  }
0x56d: {  	s1 =	ssub.s32 @!p0 $0x0, s1;
	[sflag:s0] =	ssyncset.done @!p0 $0x0  }
0x56e: {  	[sflag:s0] =	ssyncadd.s32 @!p0 s1  }
0x56f: {  	[bflag:$0x3] =	sbarrier.arrive $0xFFFF  }
0x570: {  	_ =	shalt  }

</sc_bundles>
